<compile_context>
chip_gen: v7x
topology: tpu7x:2x2x1
jax: 0.10.2.dev20260603
libtpu: 0.0.44.dev20260713+nightly
codegen_flags: <defaults>
</compile_context>

<pallas_src>
import functools

import jax
import jax.numpy as jnp
from jax import lax
from jax.experimental import pallas as pl
from jax.experimental.pallas import tpu as pltpu
from jax.experimental.pallas import tpu_sc as plsc

PRE_SEQ_LEN = 64
EMBED_DIM = 49152
BATCH = 32
NUM_ROWS = BATCH * PRE_SEQ_LEN
TBL_ROWS = PRE_SEQ_LEN

NUM_CORES = 2
NUM_SUBCORES = 16
LANES = 16

NUM_PHASES = 8
PHASE_W = EMBED_DIM // (NUM_CORES * NUM_PHASES)
PW_A = 1920
PW_B = PHASE_W - PW_A
STAGE_ROWS = TBL_ROWS // NUM_SUBCORES

ROWS_PER_WORKER = NUM_ROWS // NUM_SUBCORES
NUM_GROUPS = ROWS_PER_WORKER // LANES


def _sc_body(pref_hbm, tbl_hbm, out_hbm, idx_v, bbufs, spmem, asem, bsem, ssem, stsem):
    core = lax.axis_index("c")
    sub = lax.axis_index("s")
    base = sub * ROWS_PER_WORKER
    pltpu.sync_copy(pref_hbm.at[pl.ds(base, ROWS_PER_WORKER)], idx_v)
    srow = sub * STAGE_ROWS

    def stage(phase, pslot):
        pbase = (core * NUM_PHASES + phase) * PHASE_W
        return pltpu.make_async_copy(
            tbl_hbm.at[pl.ds(srow, STAGE_ROWS), pl.ds(pbase, PHASE_W)],
            spmem.at[pslot, pl.ds(srow, STAGE_ROWS)],
            stsem,
        )

    stage(0, 0).start()
    stage(0, 0).wait()
    plsc.subcore_barrier()

    def phase_body(phase, pcarry):
        pslot = lax.rem(phase, 2)
        pbase = (core * NUM_PHASES + phase) * PHASE_W
        stage(lax.min(phase + 1, NUM_PHASES - 1), 1 - pslot).start()

        def fire_a(g):
            ivec = idx_v[pl.ds(g * LANES, LANES)]
            for lane in range(LANES):
                s = ivec[lane]
                row = base + g * LANES + lane
                pltpu.make_async_copy(
                    spmem.at[pslot, pl.ds(s, 1), pl.ds(0, PW_A)],
                    out_hbm.at[pl.ds(row, 1), pl.ds(pbase, PW_A)],
                    asem,
                ).start()

        def drain_a():
            for _ in range(LANES):
                pltpu.make_async_copy(
                    spmem.at[pslot, pl.ds(0, 1), pl.ds(0, PW_A)],
                    out_hbm.at[pl.ds(base, 1), pl.ds(pbase, PW_A)],
                    asem,
                ).wait()

        def fire_b(g, slot):
            ivec = idx_v[pl.ds(g * LANES, LANES)]
            for lane in range(LANES):
                s = ivec[lane]
                pltpu.make_async_copy(
                    spmem.at[pslot, pl.ds(s, 1), pl.ds(PW_A, PW_B)],
                    bbufs.at[slot, pl.ds(lane, 1)],
                    bsem.at[slot],
                ).start()

        def drain_b(slot):
            for _ in range(LANES):
                pltpu.make_async_copy(
                    spmem.at[pslot, pl.ds(0, 1), pl.ds(PW_A, PW_B)],
                    bbufs.at[0, pl.ds(0, 1)],
                    bsem.at[slot],
                ).wait()

        def b_store(g, slot):
            gc = lax.min(g, NUM_GROUPS - 1)
            return pltpu.make_async_copy(
                bbufs.at[slot],
                out_hbm.at[
                    pl.ds(base + gc * LANES, LANES), pl.ds(pbase + PW_A, PW_B)
                ],
                ssem.at[slot],
            )

        fire_a(0)
        fire_b(0, 0)

        def step(g, carry):
            slot = lax.rem(g, 2)

            @pl.when(g >= 1)
            def _():
                b_store(g - 1, 1 - slot).wait()

            @pl.when(g + 1 < NUM_GROUPS)
            def _():
                fire_b(g + 1, 1 - slot)

            fire_a(lax.min(g + 1, NUM_GROUPS - 1))
            drain_b(slot)
            b_store(g, slot).start()
            drain_a()
            return carry

        lax.fori_loop(0, NUM_GROUPS, step, 0)
        drain_a()
        b_store(NUM_GROUPS - 1, lax.rem(NUM_GROUPS - 1, 2)).wait()
        stage(lax.min(phase + 1, NUM_PHASES - 1), 1 - pslot).wait()
        plsc.subcore_barrier()
        return pcarry

    lax.fori_loop(0, NUM_PHASES, phase_body, 0)


@functools.partial(
    pl.kernel,
    out_type=jax.ShapeDtypeStruct((NUM_ROWS, EMBED_DIM), jnp.float32),
    mesh=plsc.VectorSubcoreMesh(core_axis_name="c", subcore_axis_name="s"),
    scratch_types=[
        pltpu.VMEM((ROWS_PER_WORKER,), jnp.int32),
        pltpu.VMEM((2, LANES, PW_B), jnp.float32),
        pltpu.VMEM_SHARED((2, TBL_ROWS, PHASE_W), jnp.float32),
        pltpu.SemaphoreType.DMA,
        pltpu.SemaphoreType.DMA((2,)),
        pltpu.SemaphoreType.DMA((2,)),
        pltpu.SemaphoreType.DMA,
    ],
)
def _gather_rows(pref_hbm, tbl_hbm, out_hbm, idx_v, bbufs, spmem, asem, bsem, ssem, stsem):
    _sc_body(pref_hbm, tbl_hbm, out_hbm, idx_v, bbufs, spmem, asem, bsem, ssem, stsem)


def kernel(prefix, embedding_table):
    flat_idx = prefix.reshape(NUM_ROWS).astype(jnp.int32)
    out = _gather_rows(flat_idx, embedding_table)
    return out.reshape(BATCH, PRE_SEQ_LEN, EMBED_DIM)

# --- scband reference (transcript-rebuilt; emitter-appended) ---
"""Pipeline reference for scband-prefix-encoder-5214090297991 (READ-ONLY COPY).

The authoritative reference and input builder live on the scoring server;
editing this copy changes nothing except your own understanding.
"""

import jax, jax.numpy as jnp
import numpy as np

PRE_SEQ_LEN = 64
HIDDEN_SIZE = 1024
NUM_LAYERS = 24
EMBED_DIM = NUM_LAYERS * 2 * HIDDEN_SIZE  # 49152
BATCH = 32


def setup_inputs(seed: int = 0) -> dict:
    key = jax.random.key(seed)
    k1, k2 = jax.random.split(key)
    prefix = jax.random.randint(k1, (BATCH, PRE_SEQ_LEN), 0, PRE_SEQ_LEN, dtype=jnp.int64 if jax.config.jax_enable_x64 else jnp.int32)
    embedding_table = jax.random.normal(k2, (PRE_SEQ_LEN, EMBED_DIM), dtype=jnp.float32) * 0.02
    return {"prefix": prefix, "embedding_table": embedding_table}


def reference(prefix, embedding_table):
    # PrefixEncoder with prefix_projection=False: pure embedding lookup
    # Input:  (batch, prefix_len) int indices
    # Output: (batch, prefix_len, 2*layers*hidden)
    past_key_values = jnp.take(embedding_table, prefix, axis=0)
    return past_key_values

if __name__ == "__main__":
    import jax
    _d = setup_inputs()
    print(jax.jit(kernel)(*tuple(_d.values())))

</pallas_src>

<mosaic_0001>
#map = affine_map<(d0, d1) -> (0)>
#map1 = affine_map<(d0, d1) -> (0, 0)>
module attributes {stable_mosaic.version = 14 : i64} {
  func.func @_gather_rows(%arg0: i32, %arg1: i32, %arg2: memref<2048xi32, #tpu.memory_space<hbm>>, %arg3: memref<64x49152xf32, #tpu.memory_space<hbm>>, %arg4: memref<2048x49152xf32, #tpu.memory_space<hbm>>, %arg5: memref<128xi32, #tpu.memory_space<vmem>>, %arg6: memref<2x16x1152xf32, #tpu.memory_space<vmem>>, %arg7: memref<2x64x3072xf32, #tpu.memory_space<vmem_shared>>, %arg8: memref<!tpu.dma_semaphore, #tpu.memory_space<semaphore_mem>>, %arg9: memref<2x!tpu.dma_semaphore, #tpu.memory_space<semaphore_mem>>, %arg10: memref<2x!tpu.dma_semaphore, #tpu.memory_space<semaphore_mem>>, %arg11: memref<!tpu.dma_semaphore, #tpu.memory_space<semaphore_mem>>) attributes {dimension_semantics = [#tpu.dimension_semantics<core_parallel>, #tpu.dimension_semantics<subcore_parallel>], iteration_bounds = array<i64: 2, 16>, scalar_prefetch = 0 : i64, scratch_operands = 7 : i64, tpu.core_type = #tpu.core_type<sc_vector_subcore>, window_params = [{transform_indices = #map}, {transform_indices = #map1}, {transform_indices = #map1}]} {
    %mul3A = arith.constant 128 : i32
    %mul3A_0 = arith.muli %arg1, %mul3A : i32
    "tpu.region"() ({
      %run_scoped3A = tpu.sem_alloc : memref<!tpu.dma_semaphore, #tpu.memory_space<semaphore_mem>>
      %dma_start3A_27 = tpu.memref_slice %arg2[%mul3A_0] : memref<2048xi32, #tpu.memory_space<hbm>> -> memref<128xi32, #tpu.memory_space<hbm>>
      %dma_start3A_28 = tpu.memref_slice %arg2[%mul3A_0] : memref<2048xi32, #tpu.memory_space<hbm>> -> memref<128xi32, #tpu.memory_space<hbm>>
      tpu.enqueue_dma source(%dma_start3A_28 : memref<128xi32, #tpu.memory_space<hbm>>) target(%arg5 : memref<128xi32, #tpu.memory_space<vmem>>) target_semaphore(%run_scoped3A : memref<!tpu.dma_semaphore, #tpu.memory_space<semaphore_mem>>)
      %dma_wait3A_29 = tpu.memref_slice %arg2[%mul3A_0] : memref<2048xi32, #tpu.memory_space<hbm>> -> memref<128xi32, #tpu.memory_space<hbm>>
      %dma_wait3A_30 = tpu.memref_slice %arg2[%mul3A_0] : memref<2048xi32, #tpu.memory_space<hbm>> -> memref<128xi32, #tpu.memory_space<hbm>>
      tpu.wait_dma2 semaphore(%run_scoped3A : memref<!tpu.dma_semaphore, #tpu.memory_space<semaphore_mem>>) src(%dma_wait3A_30 : memref<128xi32, #tpu.memory_space<hbm>>) dst(%arg5 : memref<128xi32, #tpu.memory_space<vmem>>)
      tpu.yield
    }) : () -> ()
    %mul3A_1 = arith.constant 4 : i32
    %mul3A_2 = arith.muli %arg1, %mul3A_1 : i32
    %mul3A_3 = arith.constant 8 : i32
    %mul3A_4 = arith.muli %arg0, %mul3A_3 : i32
    %add3A = arith.constant 0 : i32
    %add3A_5 = arith.addi %mul3A_4, %add3A : i32
    %mul3A_6 = arith.constant 3072 : i32
    %mul3A_7 = arith.muli %add3A_5, %mul3A_6 : i32
    %dma_start3A = arith.constant 0 : i32
    %dma_start3A_8 = arith.constant 0 : i32
    %dma_start3A_9 = tpu.memref_slice %arg7[%dma_start3A, %mul3A_2, %dma_start3A_8] : memref<2x64x3072xf32, #tpu.memory_space<vmem_shared>> -> memref<1x4x3072xf32, #tpu.memory_space<vmem_shared>>
    %dma_start3A_10 = tpu.memref_squeeze %dma_start3A_9 : memref<1x4x3072xf32, #tpu.memory_space<vmem_shared>> -> memref<4x3072xf32, #tpu.memory_space<vmem_shared>>
    %dma_start3A_11 = tpu.memref_slice %arg3[%mul3A_2, %mul3A_7] : memref<64x49152xf32, #tpu.memory_space<hbm>> -> memref<4x3072xf32, #tpu.memory_space<hbm>>
    tpu.enqueue_dma source(%dma_start3A_11 : memref<4x3072xf32, #tpu.memory_space<hbm>>) target(%dma_start3A_10 : memref<4x3072xf32, #tpu.memory_space<vmem_shared>>) target_semaphore(%arg11 : memref<!tpu.dma_semaphore, #tpu.memory_space<semaphore_mem>>)
    %mul3A_12 = arith.constant 8 : i32
    %mul3A_13 = arith.muli %arg0, %mul3A_12 : i32
    %add3A_14 = arith.constant 0 : i32
    %add3A_15 = arith.addi %mul3A_13, %add3A_14 : i32
    %mul3A_16 = arith.constant 3072 : i32
    %mul3A_17 = arith.muli %add3A_15, %mul3A_16 : i32
    %dma_wait3A = arith.constant 0 : i32
    %dma_wait3A_18 = arith.constant 0 : i32
    %dma_wait3A_19 = tpu.memref_slice %arg7[%dma_wait3A, %mul3A_2, %dma_wait3A_18] : memref<2x64x3072xf32, #tpu.memory_space<vmem_shared>> -> memref<1x4x3072xf32, #tpu.memory_space<vmem_shared>>
    %dma_wait3A_20 = tpu.memref_squeeze %dma_wait3A_19 : memref<1x4x3072xf32, #tpu.memory_space<vmem_shared>> -> memref<4x3072xf32, #tpu.memory_space<vmem_shared>>
    %dma_wait3A_21 = tpu.memref_slice %arg3[%mul3A_2, %mul3A_17] : memref<64x49152xf32, #tpu.memory_space<hbm>> -> memref<4x3072xf32, #tpu.memory_space<hbm>>
    tpu.wait_dma2 semaphore(%arg11 : memref<!tpu.dma_semaphore, #tpu.memory_space<semaphore_mem>>) src(%dma_wait3A_21 : memref<4x3072xf32, #tpu.memory_space<hbm>>) dst(%dma_wait3A_20 : memref<4x3072xf32, #tpu.memory_space<vmem_shared>>)
    %barrier3A = arith.constant 0 : index
    tpu.barrier barrier_id(%barrier3A)
    %scan3A = arith.constant 0 : i32
    %scan3A_22 = arith.constant 0 : i32
    %scan3A_23 = arith.constant 8 : i32
    %scan3A_24 = arith.addi %scan3A_22, %scan3A_23 : i32
    %scan3A_25 = arith.constant 1 : i32
    scf.for %scan3A_27 = %scan3A_22 to %scan3A_24 step %scan3A_25  : i32 {
      %rem3A = arith.constant 2 : i32
      %rem3A_28 = arith.remsi %scan3A_27, %rem3A : i32
      %mul3A_29 = arith.constant 8 : i32
      %mul3A_30 = arith.muli %arg0, %mul3A_29 : i32
      %add3A_31 = arith.addi %mul3A_30, %scan3A_27 : i32
      %mul3A_32 = arith.constant 3072 : i32
      %mul3A_33 = arith.muli %add3A_31, %mul3A_32 : i32
      %add3A_34 = arith.constant 1 : i32
      %add3A_35 = arith.addi %scan3A_27, %add3A_34 : i32
      %min3A = arith.constant 7 : i32
      %min3A_36 = arith.minsi %add3A_35, %min3A : i32
      %sub3A = arith.constant 1 : i32
      %sub3A_37 = arith.subi %sub3A, %rem3A_28 : i32
      %mul3A_38 = arith.constant 8 : i32
      %mul3A_39 = arith.muli %arg0, %mul3A_38 : i32
      %add3A_40 = arith.addi %mul3A_39, %min3A_36 : i32
      %mul3A_41 = arith.constant 3072 : i32
      %mul3A_42 = arith.muli %add3A_40, %mul3A_41 : i32
      %dma_start3A_43 = arith.constant 0 : i32
      %dma_start3A_44 = tpu.memref_slice %arg7[%sub3A_37, %mul3A_2, %dma_start3A_43] : memref<2x64x3072xf32, #tpu.memory_space<vmem_shared>> -> memref<1x4x3072xf32, #tpu.memory_space<vmem_shared>>
      %dma_start3A_45 = tpu.memref_squeeze %dma_start3A_44 : memref<1x4x3072xf32, #tpu.memory_space<vmem_shared>> -> memref<4x3072xf32, #tpu.memory_space<vmem_shared>>
      %dma_start3A_46 = tpu.memref_slice %arg3[%mul3A_2, %mul3A_42] : memref<64x49152xf32, #tpu.memory_space<hbm>> -> memref<4x3072xf32, #tpu.memory_space<hbm>>
      tpu.enqueue_dma source(%dma_start3A_46 : memref<4x3072xf32, #tpu.memory_space<hbm>>) target(%dma_start3A_45 : memref<4x3072xf32, #tpu.memory_space<vmem_shared>>) target_semaphore(%arg11 : memref<!tpu.dma_semaphore, #tpu.memory_space<semaphore_mem>>)
      %get3A = arith.constant 0 : index
      %get3A_47 = tpu.vector_load %arg5[%get3A] {strides = array<i32>} : memref<128xi32, #tpu.memory_space<vmem>>, vector<16xi32>,
      %get3A_48 = vector.shape_cast %get3A_47 : vector<16xi32> to vector<16xi32>
      %slice3A = vector.extract_strided_slice %get3A_48 {offsets = [0], sizes = [1], strides = [1]} : vector<16xi32> to vector<1xi32>
      %squeeze3A = vector.extract %slice3A[0] : i32 from vector<1xi32>
      %add3A_49 = arith.constant 0 : i32
      %add3A_50 = arith.addi %mul3A_0, %add3A_49 : i32
      %add3A_51 = arith.constant 0 : i32
      %add3A_52 = arith.addi %add3A_50, %add3A_51 : i32
      %dma_start3A_53 = tpu.memref_slice %arg4[%add3A_52, %mul3A_33] : memref<2048x49152xf32, #tpu.memory_space<hbm>> -> memref<1x1920xf32, #tpu.memory_space<hbm>>
      %dma_start3A_54 = arith.constant 0 : i32
      %dma_start3A_55 = tpu.memref_slice %arg7[%rem3A_28, %squeeze3A, %dma_start3A_54] : memref<2x64x3072xf32, #tpu.memory_space<vmem_shared>> -> memref<1x1x1920xf32, #tpu.memory_space<vmem_shared>>
      %dma_start3A_56 = tpu.memref_squeeze %dma_start3A_55 : memref<1x1x1920xf32, #tpu.memory_space<vmem_shared>> -> memref<1x1920xf32, #tpu.memory_space<vmem_shared>>
      tpu.enqueue_dma source(%dma_start3A_56 : memref<1x1920xf32, #tpu.memory_space<vmem_shared>>) target(%dma_start3A_53 : memref<1x1920xf32, #tpu.memory_space<hbm>>) target_semaphore(%arg8 : memref<!tpu.dma_semaphore, #tpu.memory_space<semaphore_mem>>)
      %slice3A_57 = vector.extract_strided_slice %get3A_48 {offsets = [1], sizes = [1], strides = [1]} : vector<16xi32> to vector<1xi32>
      %squeeze3A_58 = vector.extract %slice3A_57[0] : i32 from vector<1xi32>
      %add3A_59 = arith.constant 0 : i32
      %add3A_60 = arith.addi %mul3A_0, %add3A_59 : i32
      %add3A_61 = arith.constant 1 : i32
      %add3A_62 = arith.addi %add3A_60, %add3A_61 : i32
      %dma_start3A_63 = tpu.memref_slice %arg4[%add3A_62, %mul3A_33] : memref<2048x49152xf32, #tpu.memory_space<hbm>> -> memref<1x1920xf32, #tpu.memory_space<hbm>>
      %dma_start3A_64 = arith.constant 0 : i32
      %dma_start3A_65 = tpu.memref_slice %arg7[%rem3A_28, %squeeze3A_58, %dma_start3A_64] : memref<2x64x3072xf32, #tpu.memory_space<vmem_shared>> -> memref<1x1x1920xf32, #tpu.memory_space<vmem_shared>>
      %dma_start3A_66 = tpu.memref_squeeze %dma_start3A_65 : memref<1x1x1920xf32, #tpu.memory_space<vmem_shared>> -> memref<1x1920xf32, #tpu.memory_space<vmem_shared>>
      tpu.enqueue_dma source(%dma_start3A_66 : memref<1x1920xf32, #tpu.memory_space<vmem_shared>>) target(%dma_start3A_63 : memref<1x1920xf32, #tpu.memory_space<hbm>>) target_semaphore(%arg8 : memref<!tpu.dma_semaphore, #tpu.memory_space<semaphore_mem>>)
      %slice3A_67 = vector.extract_strided_slice %get3A_48 {offsets = [2], sizes = [1], strides = [1]} : vector<16xi32> to vector<1xi32>
      %squeeze3A_68 = vector.extract %slice3A_67[0] : i32 from vector<1xi32>
      %add3A_69 = arith.constant 0 : i32
      %add3A_70 = arith.addi %mul3A_0, %add3A_69 : i32
      %add3A_71 = arith.constant 2 : i32
      %add3A_72 = arith.addi %add3A_70, %add3A_71 : i32
      %dma_start3A_73 = tpu.memref_slice %arg4[%add3A_72, %mul3A_33] : memref<2048x49152xf32, #tpu.memory_space<hbm>> -> memref<1x1920xf32, #tpu.memory_space<hbm>>
      %dma_start3A_74 = arith.constant 0 : i32
      %dma_start3A_75 = tpu.memref_slice %arg7[%rem3A_28, %squeeze3A_68, %dma_start3A_74] : memref<2x64x3072xf32, #tpu.memory_space<vmem_shared>> -> memref<1x1x1920xf32, #tpu.memory_space<vmem_shared>>
      %dma_start3A_76 = tpu.memref_squeeze %dma_start3A_75 : memref<1x1x1920xf32, #tpu.memory_space<vmem_shared>> -> memref<1x1920xf32, #tpu.memory_space<vmem_shared>>
      tpu.enqueue_dma source(%dma_start3A_76 : memref<1x1920xf32, #tpu.memory_space<vmem_shared>>) target(%dma_start3A_73 : memref<1x1920xf32, #tpu.memory_space<hbm>>) target_semaphore(%arg8 : memref<!tpu.dma_semaphore, #tpu.memory_space<semaphore_mem>>)
      %slice3A_77 = vector.extract_strided_slice %get3A_48 {offsets = [3], sizes = [1], strides = [1]} : vector<16xi32> to vector<1xi32>
      %squeeze3A_78 = vector.extract %slice3A_77[0] : i32 from vector<1xi32>
      %add3A_79 = arith.constant 0 : i32
      %add3A_80 = arith.addi %mul3A_0, %add3A_79 : i32
      %add3A_81 = arith.constant 3 : i32
      %add3A_82 = arith.addi %add3A_80, %add3A_81 : i32
      %dma_start3A_83 = tpu.memref_slice %arg4[%add3A_82, %mul3A_33] : memref<2048x49152xf32, #tpu.memory_space<hbm>> -> memref<1x1920xf32, #tpu.memory_space<hbm>>
      %dma_start3A_84 = arith.constant 0 : i32
      %dma_start3A_85 = tpu.memref_slice %arg7[%rem3A_28, %squeeze3A_78, %dma_start3A_84] : memref<2x64x3072xf32, #tpu.memory_space<vmem_shared>> -> memref<1x1x1920xf32, #tpu.memory_space<vmem_shared>>
      %dma_start3A_86 = tpu.memref_squeeze %dma_start3A_85 : memref<1x1x1920xf32, #tpu.memory_space<vmem_shared>> -> memref<1x1920xf32, #tpu.memory_space<vmem_shared>>
      tpu.enqueue_dma source(%dma_start3A_86 : memref<1x1920xf32, #tpu.memory_space<vmem_shared>>) target(%dma_start3A_83 : memref<1x1920xf32, #tpu.memory_space<hbm>>) target_semaphore(%arg8 : memref<!tpu.dma_semaphore, #tpu.memory_space<semaphore_mem>>)
      %slice3A_87 = vector.extract_strided_slice %get3A_48 {offsets = [4], sizes = [1], strides = [1]} : vector<16xi32> to vector<1xi32>
      %squeeze3A_88 = vector.extract %slice3A_87[0] : i32 from vector<1xi32>
      %add3A_89 = arith.constant 0 : i32
      %add3A_90 = arith.addi %mul3A_0, %add3A_89 : i32
      %add3A_91 = arith.constant 4 : i32
      %add3A_92 = arith.addi %add3A_90, %add3A_91 : i32
      %dma_start3A_93 = tpu.memref_slice %arg4[%add3A_92, %mul3A_33] : memref<2048x49152xf32, #tpu.memory_space<hbm>> -> memref<1x1920xf32, #tpu.memory_space<hbm>>
      %dma_start3A_94 = arith.constant 0 : i32
      %dma_start3A_95 = tpu.memref_slice %arg7[%rem3A_28, %squeeze3A_88, %dma_start3A_94] : memref<2x64x3072xf32, #tpu.memory_space<vmem_shared>> -> memref<1x1x1920xf32, #tpu.memory_space<vmem_shared>>
      %dma_start3A_96 = tpu.memref_squeeze %dma_start3A_95 : memref<1x1x1920xf32, #tpu.memory_space<vmem_shared>> -> memref<1x1920xf32, #tpu.memory_space<vmem_shared>>
      tpu.enqueue_dma source(%dma_start3A_96 : memref<1x1920xf32, #tpu.memory_space<vmem_shared>>) target(%dma_start3A_93 : memref<1x1920xf32, #tpu.memory_space<hbm>>) target_semaphore(%arg8 : memref<!tpu.dma_semaphore, #tpu.memory_space<semaphore_mem>>)
      %slice3A_97 = vector.extract_strided_slice %get3A_48 {offsets = [5], sizes = [1], strides = [1]} : vector<16xi32> to vector<1xi32>
      %squeeze3A_98 = vector.extract %slice3A_97[0] : i32 from vector<1xi32>
      %add3A_99 = arith.constant 0 : i32
      %add3A_100 = arith.addi %mul3A_0, %add3A_99 : i32
      %add3A_101 = arith.constant 5 : i32
      %add3A_102 = arith.addi %add3A_100, %add3A_101 : i32
      %dma_start3A_103 = tpu.memref_slice %arg4[%add3A_102, %mul3A_33] : memref<2048x49152xf32, #tpu.memory_space<hbm>> -> memref<1x1920xf32, #tpu.memory_space<hbm>>
      %dma_start3A_104 = arith.constant 0 : i32
      %dma_start3A_105 = tpu.memref_slice %arg7[%rem3A_28, %squeeze3A_98, %dma_start3A_104] : memref<2x64x3072xf32, #tpu.memory_space<vmem_shared>> -> memref<1x1x1920xf32, #tpu.memory_space<vmem_shared>>
      %dma_start3A_106 = tpu.memref_squeeze %dma_start3A_105 : memref<1x1x1920xf32, #tpu.memory_space<vmem_shared>> -> memref<1x1920xf32, #tpu.memory_space<vmem_shared>>
      tpu.enqueue_dma source(%dma_start3A_106 : memref<1x1920xf32, #tpu.memory_space<vmem_shared>>) target(%dma_start3A_103 : memref<1x1920xf32, #tpu.memory_space<hbm>>) target_semaphore(%arg8 : memref<!tpu.dma_semaphore, #tpu.memory_space<semaphore_mem>>)
      %slice3A_107 = vector.extract_strided_slice %get3A_48 {offsets = [6], sizes = [1], strides = [1]} : vector<16xi32> to vector<1xi32>
      %squeeze3A_108 = vector.extract %slice3A_107[0] : i32 from vector<1xi32>
      %add3A_109 = arith.constant 0 : i32
      %add3A_110 = arith.addi %mul3A_0, %add3A_109 : i32
      %add3A_111 = arith.constant 6 : i32
      %add3A_112 = arith.addi %add3A_110, %add3A_111 : i32
      %dma_start3A_113 = tpu.memref_slice %arg4[%add3A_112, %mul3A_33] : memref<2048x49152xf32, #tpu.memory_space<hbm>> -> memref<1x1920xf32, #tpu.memory_space<hbm>>
      %dma_start3A_114 = arith.constant 0 : i32
      %dma_start3A_115 = tpu.memref_slice %arg7[%rem3A_28, %squeeze3A_108, %dma_start3A_114] : memref<2x64x3072xf32, #tpu.memory_space<vmem_shared>> -> memref<1x1x1920xf32, #tpu.memory_space<vmem_shared>>
      %dma_start3A_116 = tpu.memref_squeeze %dma_start3A_115 : memref<1x1x1920xf32, #tpu.memory_space<vmem_shared>> -> memref<1x1920xf32, #tpu.memory_space<vmem_shared>>
      tpu.enqueue_dma source(%dma_start3A_116 : memref<1x1920xf32, #tpu.memory_space<vmem_shared>>) target(%dma_start3A_113 : memref<1x1920xf32, #tpu.memory_space<hbm>>) target_semaphore(%arg8 : memref<!tpu.dma_semaphore, #tpu.memory_space<semaphore_mem>>)
      %slice3A_117 = vector.extract_strided_slice %get3A_48 {offsets = [7], sizes = [1], strides = [1]} : vector<16xi32> to vector<1xi32>
      %squeeze3A_118 = vector.extract %slice3A_117[0] : i32 from vector<1xi32>
      %add3A_119 = arith.constant 0 : i32
      %add3A_120 = arith.addi %mul3A_0, %add3A_119 : i32
      %add3A_121 = arith.constant 7 : i32
      %add3A_122 = arith.addi %add3A_120, %add3A_121 : i32
      %dma_start3A_123 = tpu.memref_slice %arg4[%add3A_122, %mul3A_33] : memref<2048x49152xf32, #tpu.memory_space<hbm>> -> memref<1x1920xf32, #tpu.memory_space<hbm>>
      %dma_start3A_124 = arith.constant 0 : i32
      %dma_start3A_125 = tpu.memref_slice %arg7[%rem3A_28, %squeeze3A_118, %dma_start3A_124] : memref<2x64x3072xf32, #tpu.memory_space<vmem_shared>> -> memref<1x1x1920xf32, #tpu.memory_space<vmem_shared>>
      %dma_start3A_126 = tpu.memref_squeeze %dma_start3A_125 : memref<1x1x1920xf32, #tpu.memory_space<vmem_shared>> -> memref<1x1920xf32, #tpu.memory_space<vmem_shared>>
      tpu.enqueue_dma source(%dma_start3A_126 : memref<1x1920xf32, #tpu.memory_space<vmem_shared>>) target(%dma_start3A_123 : memref<1x1920xf32, #tpu.memory_space<hbm>>) target_semaphore(%arg8 : memref<!tpu.dma_semaphore, #tpu.memory_space<semaphore_mem>>)
      %slice3A_127 = vector.extract_strided_slice %get3A_48 {offsets = [8], sizes = [1], strides = [1]} : vector<16xi32> to vector<1xi32>
      %squeeze3A_128 = vector.extract %slice3A_127[0] : i32 from vector<1xi32>
      %add3A_129 = arith.constant 0 : i32
      %add3A_130 = arith.addi %mul3A_0, %add3A_129 : i32
      %add3A_131 = arith.constant 8 : i32
      %add3A_132 = arith.addi %add3A_130, %add3A_131 : i32
      %dma_start3A_133 = tpu.memref_slice %arg4[%add3A_132, %mul3A_33] : memref<2048x49152xf32, #tpu.memory_space<hbm>> -> memref<1x1920xf32, #tpu.memory_space<hbm>>
      %dma_start3A_134 = arith.constant 0 : i32
      %dma_start3A_135 = tpu.memref_slice %arg7[%rem3A_28, %squeeze3A_128, %dma_start3A_134] : memref<2x64x3072xf32, #tpu.memory_space<vmem_shared>> -> memref<1x1x1920xf32, #tpu.memory_space<vmem_shared>>
      %dma_start3A_136 = tpu.memref_squeeze %dma_start3A_135 : memref<1x1x1920xf32, #tpu.memory_space<vmem_shared>> -> memref<1x1920xf32, #tpu.memory_space<vmem_shared>>
      tpu.enqueue_dma source(%dma_start3A_136 : memref<1x1920xf32, #tpu.memory_space<vmem_shared>>) target(%dma_start3A_133 : memref<1x1920xf32, #tpu.memory_space<hbm>>) target_semaphore(%arg8 : memref<!tpu.dma_semaphore, #tpu.memory_space<semaphore_mem>>)
      %slice3A_137 = vector.extract_strided_slice %get3A_48 {offsets = [9], sizes = [1], strides = [1]} : vector<16xi32> to vector<1xi32>
      %squeeze3A_138 = vector.extract %slice3A_137[0] : i32 from vector<1xi32>
      %add3A_139 = arith.constant 0 : i32
      %add3A_140 = arith.addi %mul3A_0, %add3A_139 : i32
      %add3A_141 = arith.constant 9 : i32
      %add3A_142 = arith.addi %add3A_140, %add3A_141 : i32
      %dma_start3A_143 = tpu.memref_slice %arg4[%add3A_142, %mul3A_33] : memref<2048x49152xf32, #tpu.memory_space<hbm>> -> memref<1x1920xf32, #tpu.memory_space<hbm>>
      %dma_start3A_144 = arith.constant 0 : i32
      %dma_start3A_145 = tpu.memref_slice %arg7[%rem3A_28, %squeeze3A_138, %dma_start3A_144] : memref<2x64x3072xf32, #tpu.memory_space<vmem_shared>> -> memref<1x1x1920xf32, #tpu.memory_space<vmem_shared>>
      %dma_start3A_146 = tpu.memref_squeeze %dma_start3A_145 : memref<1x1x1920xf32, #tpu.memory_space<vmem_shared>> -> memref<1x1920xf32, #tpu.memory_space<vmem_shared>>
      tpu.enqueue_dma source(%dma_start3A_146 : memref<1x1920xf32, #tpu.memory_space<vmem_shared>>) target(%dma_start3A_143 : memref<1x1920xf32, #tpu.memory_space<hbm>>) target_semaphore(%arg8 : memref<!tpu.dma_semaphore, #tpu.memory_space<semaphore_mem>>)
      %slice3A_147 = vector.extract_strided_slice %get3A_48 {offsets = [10], sizes = [1], strides = [1]} : vector<16xi32> to vector<1xi32>
      %squeeze3A_148 = vector.extract %slice3A_147[0] : i32 from vector<1xi32>
      %add3A_149 = arith.constant 0 : i32
      %add3A_150 = arith.addi %mul3A_0, %add3A_149 : i32
      %add3A_151 = arith.constant 10 : i32
      %add3A_152 = arith.addi %add3A_150, %add3A_151 : i32
      %dma_start3A_153 = tpu.memref_slice %arg4[%add3A_152, %mul3A_33] : memref<2048x49152xf32, #tpu.memory_space<hbm>> -> memref<1x1920xf32, #tpu.memory_space<hbm>>
      %dma_start3A_154 = arith.constant 0 : i32
      %dma_start3A_155 = tpu.memref_slice %arg7[%rem3A_28, %squeeze3A_148, %dma_start3A_154] : memref<2x64x3072xf32, #tpu.memory_space<vmem_shared>> -> memref<1x1x1920xf32, #tpu.memory_space<vmem_shared>>
      %dma_start3A_156 = tpu.memref_squeeze %dma_start3A_155 : memref<1x1x1920xf32, #tpu.memory_space<vmem_shared>> -> memref<1x1920xf32, #tpu.memory_space<vmem_shared>>
      tpu.enqueue_dma source(%dma_start3A_156 : memref<1x1920xf32, #tpu.memory_space<vmem_shared>>) target(%dma_start3A_153 : memref<1x1920xf32, #tpu.memory_space<hbm>>) target_semaphore(%arg8 : memref<!tpu.dma_semaphore, #tpu.memory_space<semaphore_mem>>)
      %slice3A_157 = vector.extract_strided_slice %get3A_48 {offsets = [11], sizes = [1], strides = [1]} : vector<16xi32> to vector<1xi32>
      %squeeze3A_158 = vector.extract %slice3A_157[0] : i32 from vector<1xi32>
      %add3A_159 = arith.constant 0 : i32
      %add3A_160 = arith.addi %mul3A_0, %add3A_159 : i32
      %add3A_161 = arith.constant 11 : i32
      %add3A_162 = arith.addi %add3A_160, %add3A_161 : i32
      %dma_start3A_163 = tpu.memref_slice %arg4[%add3A_162, %mul3A_33] : memref<2048x49152xf32, #tpu.memory_space<hbm>> -> memref<1x1920xf32, #tpu.memory_space<hbm>>
      %dma_start3A_164 = arith.constant 0 : i32
      %dma_start3A_165 = tpu.memref_slice %arg7[%rem3A_28, %squeeze3A_158, %dma_start3A_164] : memref<2x64x3072xf32, #tpu.memory_space<vmem_shared>> -> memref<1x1x1920xf32, #tpu.memory_space<vmem_shared>>
      %dma_start3A_166 = tpu.memref_squeeze %dma_start3A_165 : memref<1x1x1920xf32, #tpu.memory_space<vmem_shared>> -> memref<1x1920xf32, #tpu.memory_space<vmem_shared>>
      tpu.enqueue_dma source(%dma_start3A_166 : memref<1x1920xf32, #tpu.memory_space<vmem_shared>>) target(%dma_start3A_163 : memref<1x1920xf32, #tpu.memory_space<hbm>>) target_semaphore(%arg8 : memref<!tpu.dma_semaphore, #tpu.memory_space<semaphore_mem>>)
      %slice3A_167 = vector.extract_strided_slice %get3A_48 {offsets = [12], sizes = [1], strides = [1]} : vector<16xi32> to vector<1xi32>
      %squeeze3A_168 = vector.extract %slice3A_167[0] : i32 from vector<1xi32>
      %add3A_169 = arith.constant 0 : i32
      %add3A_170 = arith.addi %mul3A_0, %add3A_169 : i32
      %add3A_171 = arith.constant 12 : i32
      %add3A_172 = arith.addi %add3A_170, %add3A_171 : i32
      %dma_start3A_173 = tpu.memref_slice %arg4[%add3A_172, %mul3A_33] : memref<2048x49152xf32, #tpu.memory_space<hbm>> -> memref<1x1920xf32, #tpu.memory_space<hbm>>
      %dma_start3A_174 = arith.constant 0 : i32
      %dma_start3A_175 = tpu.memref_slice %arg7[%rem3A_28, %squeeze3A_168, %dma_start3A_174] : memref<2x64x3072xf32, #tpu.memory_space<vmem_shared>> -> memref<1x1x1920xf32, #tpu.memory_space<vmem_shared>>
      %dma_start3A_176 = tpu.memref_squeeze %dma_start3A_175 : memref<1x1x1920xf32, #tpu.memory_space<vmem_shared>> -> memref<1x1920xf32, #tpu.memory_space<vmem_shared>>
      tpu.enqueue_dma source(%dma_start3A_176 : memref<1x1920xf32, #tpu.memory_space<vmem_shared>>) target(%dma_start3A_173 : memref<1x1920xf32, #tpu.memory_space<hbm>>) target_semaphore(%arg8 : memref<!tpu.dma_semaphore, #tpu.memory_space<semaphore_mem>>)
      %slice3A_177 = vector.extract_strided_slice %get3A_48 {offsets = [13], sizes = [1], strides = [1]} : vector<16xi32> to vector<1xi32>
      %squeeze3A_178 = vector.extract %slice3A_177[0] : i32 from vector<1xi32>
      %add3A_179 = arith.constant 0 : i32
      %add3A_180 = arith.addi %mul3A_0, %add3A_179 : i32
      %add3A_181 = arith.constant 13 : i32
      %add3A_182 = arith.addi %add3A_180, %add3A_181 : i32
      %dma_start3A_183 = tpu.memref_slice %arg4[%add3A_182, %mul3A_33] : memref<2048x49152xf32, #tpu.memory_space<hbm>> -> memref<1x1920xf32, #tpu.memory_space<hbm>>
      %dma_start3A_184 = arith.constant 0 : i32
      %dma_start3A_185 = tpu.memref_slice %arg7[%rem3A_28, %squeeze3A_178, %dma_start3A_184] : memref<2x64x3072xf32, #tpu.memory_space<vmem_shared>> -> memref<1x1x1920xf32, #tpu.memory_space<vmem_shared>>
      %dma_start3A_186 = tpu.memref_squeeze %dma_start3A_185 : memref<1x1x1920xf32, #tpu.memory_space<vmem_shared>> -> memref<1x1920xf32, #tpu.memory_space<vmem_shared>>
      tpu.enqueue_dma source(%dma_start3A_186 : memref<1x1920xf32, #tpu.memory_space<vmem_shared>>) target(%dma_start3A_183 : memref<1x1920xf32, #tpu.memory_space<hbm>>) target_semaphore(%arg8 : memref<!tpu.dma_semaphore, #tpu.memory_space<semaphore_mem>>)
      %slice3A_187 = vector.extract_strided_slice %get3A_48 {offsets = [14], sizes = [1], strides = [1]} : vector<16xi32> to vector<1xi32>
      %squeeze3A_188 = vector.extract %slice3A_187[0] : i32 from vector<1xi32>
      %add3A_189 = arith.constant 0 : i32
      %add3A_190 = arith.addi %mul3A_0, %add3A_189 : i32
      %add3A_191 = arith.constant 14 : i32
      %add3A_192 = arith.addi %add3A_190, %add3A_191 : i32
      %dma_start3A_193 = tpu.memref_slice %arg4[%add3A_192, %mul3A_33] : memref<2048x49152xf32, #tpu.memory_space<hbm>> -> memref<1x1920xf32, #tpu.memory_space<hbm>>
      %dma_start3A_194 = arith.constant 0 : i32
      %dma_start3A_195 = tpu.memref_slice %arg7[%rem3A_28, %squeeze3A_188, %dma_start3A_194] : memref<2x64x3072xf32, #tpu.memory_space<vmem_shared>> -> memref<1x1x1920xf32, #tpu.memory_space<vmem_shared>>
      %dma_start3A_196 = tpu.memref_squeeze %dma_start3A_195 : memref<1x1x1920xf32, #tpu.memory_space<vmem_shared>> -> memref<1x1920xf32, #tpu.memory_space<vmem_shared>>
      tpu.enqueue_dma source(%dma_start3A_196 : memref<1x1920xf32, #tpu.memory_space<vmem_shared>>) target(%dma_start3A_193 : memref<1x1920xf32, #tpu.memory_space<hbm>>) target_semaphore(%arg8 : memref<!tpu.dma_semaphore, #tpu.memory_space<semaphore_mem>>)
      %slice3A_197 = vector.extract_strided_slice %get3A_48 {offsets = [15], sizes = [1], strides = [1]} : vector<16xi32> to vector<1xi32>
      %squeeze3A_198 = vector.extract %slice3A_197[0] : i32 from vector<1xi32>
      %add3A_199 = arith.constant 0 : i32
      %add3A_200 = arith.addi %mul3A_0, %add3A_199 : i32
      %add3A_201 = arith.constant 15 : i32
      %add3A_202 = arith.addi %add3A_200, %add3A_201 : i32
      %dma_start3A_203 = tpu.memref_slice %arg4[%add3A_202, %mul3A_33] : memref<2048x49152xf32, #tpu.memory_space<hbm>> -> memref<1x1920xf32, #tpu.memory_space<hbm>>
      %dma_start3A_204 = arith.constant 0 : i32
      %dma_start3A_205 = tpu.memref_slice %arg7[%rem3A_28, %squeeze3A_198, %dma_start3A_204] : memref<2x64x3072xf32, #tpu.memory_space<vmem_shared>> -> memref<1x1x1920xf32, #tpu.memory_space<vmem_shared>>
      %dma_start3A_206 = tpu.memref_squeeze %dma_start3A_205 : memref<1x1x1920xf32, #tpu.memory_space<vmem_shared>> -> memref<1x1920xf32, #tpu.memory_space<vmem_shared>>
      tpu.enqueue_dma source(%dma_start3A_206 : memref<1x1920xf32, #tpu.memory_space<vmem_shared>>) target(%dma_start3A_203 : memref<1x1920xf32, #tpu.memory_space<hbm>>) target_semaphore(%arg8 : memref<!tpu.dma_semaphore, #tpu.memory_space<semaphore_mem>>)
      %get3A_207 = arith.constant 0 : index
      %get3A_208 = tpu.vector_load %arg5[%get3A_207] {strides = array<i32>} : memref<128xi32, #tpu.memory_space<vmem>>, vector<16xi32>,
      %get3A_209 = vector.shape_cast %get3A_208 : vector<16xi32> to vector<16xi32>
      %slice3A_210 = vector.extract_strided_slice %get3A_209 {offsets = [0], sizes = [1], strides = [1]} : vector<16xi32> to vector<1xi32>
      %squeeze3A_211 = vector.extract %slice3A_210[0] : i32 from vector<1xi32>
      %dma_start3A_212 = arith.constant 0 : i32
      %dma_start3A_213 = arith.constant 0 : i32
      %dma_start3A_214 = arith.constant 0 : i32
      %dma_start3A_215 = arith.constant 0 : i32
      %dma_start3A_216 = tpu.memref_slice %arg6[%dma_start3A_212, %dma_start3A_214, %dma_start3A_215] : memref<2x16x1152xf32, #tpu.memory_space<vmem>> -> memref<1x1x1152xf32, #tpu.memory_space<vmem>>
      %dma_start3A_217 = tpu.memref_squeeze %dma_start3A_216 : memref<1x1x1152xf32, #tpu.memory_space<vmem>> -> memref<1x1152xf32, #tpu.memory_space<vmem>>
      %dma_start3A_218 = arith.constant 1920 : i32
      %dma_start3A_219 = tpu.memref_slice %arg7[%rem3A_28, %squeeze3A_211, %dma_start3A_218] : memref<2x64x3072xf32, #tpu.memory_space<vmem_shared>> -> memref<1x1x1152xf32, #tpu.memory_space<vmem_shared>>
      %dma_start3A_220 = tpu.memref_squeeze %dma_start3A_219 : memref<1x1x1152xf32, #tpu.memory_space<vmem_shared>> -> memref<1x1152xf32, #tpu.memory_space<vmem_shared>>
      %dma_start3A_221 = tpu.memref_slice %arg9[%dma_start3A_213] : memref<2x!tpu.dma_semaphore, #tpu.memory_space<semaphore_mem>> -> memref<1x!tpu.dma_semaphore, #tpu.memory_space<semaphore_mem>>
      %dma_start3A_222 = tpu.memref_squeeze %dma_start3A_221 : memref<1x!tpu.dma_semaphore, #tpu.memory_space<semaphore_mem>> -> memref<!tpu.dma_semaphore, #tpu.memory_space<semaphore_mem>>
      %dma_start3A_223 = arith.constant 0 : i32
      %dma_start3A_224 = arith.constant 0 : i32
      %dma_start3A_225 = tpu.memref_slice %arg6[%dma_start3A_212, %dma_start3A_223, %dma_start3A_224] : memref<2x16x1152xf32, #tpu.memory_space<vmem>> -> memref<1x1x1152xf32, #tpu.memory_space<vmem>>
      %dma_start3A_226 = tpu.memref_squeeze %dma_start3A_225 : memref<1x1x1152xf32, #tpu.memory_space<vmem>> -> memref<1x1152xf32, #tpu.memory_space<vmem>>
      %dma_start3A_227 = arith.constant 1920 : i32
      %dma_start3A_228 = tpu.memref_slice %arg7[%rem3A_28, %squeeze3A_211, %dma_start3A_227] : memref<2x64x3072xf32, #tpu.memory_space<vmem_shared>> -> memref<1x1x1152xf32, #tpu.memory_space<vmem_shared>>
      %dma_start3A_229 = tpu.memref_squeeze %dma_start3A_228 : memref<1x1x1152xf32, #tpu.memory_space<vmem_shared>> -> memref<1x1152xf32, #tpu.memory_space<vmem_shared>>
      tpu.enqueue_dma source(%dma_start3A_229 : memref<1x1152xf32, #tpu.memory_space<vmem_shared>>) target(%dma_start3A_226 : memref<1x1152xf32, #tpu.memory_space<vmem>>) target_semaphore(%dma_start3A_222 : memref<!tpu.dma_semaphore, #tpu.memory_space<semaphore_mem>>)
      %slice3A_230 = vector.extract_strided_slice %get3A_209 {offsets = [1], sizes = [1], strides = [1]} : vector<16xi32> to vector<1xi32>
      %squeeze3A_231 = vector.extract %slice3A_230[0] : i32 from vector<1xi32>
      %dma_start3A_232 = arith.constant 0 : i32
      %dma_start3A_233 = arith.constant 0 : i32
      %dma_start3A_234 = arith.constant 1 : i32
      %dma_start3A_235 = arith.constant 0 : i32
      %dma_start3A_236 = tpu.memref_slice %arg6[%dma_start3A_232, %dma_start3A_234, %dma_start3A_235] : memref<2x16x1152xf32, #tpu.memory_space<vmem>> -> memref<1x1x1152xf32, #tpu.memory_space<vmem>>
      %dma_start3A_237 = tpu.memref_squeeze %dma_start3A_236 : memref<1x1x1152xf32, #tpu.memory_space<vmem>> -> memref<1x1152xf32, #tpu.memory_space<vmem>>
      %dma_start3A_238 = arith.constant 1920 : i32
      %dma_start3A_239 = tpu.memref_slice %arg7[%rem3A_28, %squeeze3A_231, %dma_start3A_238] : memref<2x64x3072xf32, #tpu.memory_space<vmem_shared>> -> memref<1x1x1152xf32, #tpu.memory_space<vmem_shared>>
      %dma_start3A_240 = tpu.memref_squeeze %dma_start3A_239 : memref<1x1x1152xf32, #tpu.memory_space<vmem_shared>> -> memref<1x1152xf32, #tpu.memory_space<vmem_shared>>
      %dma_start3A_241 = tpu.memref_slice %arg9[%dma_start3A_233] : memref<2x!tpu.dma_semaphore, #tpu.memory_space<semaphore_mem>> -> memref<1x!tpu.dma_semaphore, #tpu.memory_space<semaphore_mem>>
      %dma_start3A_242 = tpu.memref_squeeze %dma_start3A_241 : memref<1x!tpu.dma_semaphore, #tpu.memory_space<semaphore_mem>> -> memref<!tpu.dma_semaphore, #tpu.memory_space<semaphore_mem>>
      %dma_start3A_243 = arith.constant 1 : i32
      %dma_start3A_244 = arith.constant 0 : i32
      %dma_start3A_245 = tpu.memref_slice %arg6[%dma_start3A_232, %dma_start3A_243, %dma_start3A_244] : memref<2x16x1152xf32, #tpu.memory_space<vmem>> -> memref<1x1x1152xf32, #tpu.memory_space<vmem>>
      %dma_start3A_246 = tpu.memref_squeeze %dma_start3A_245 : memref<1x1x1152xf32, #tpu.memory_space<vmem>> -> memref<1x1152xf32, #tpu.memory_space<vmem>>
      %dma_start3A_247 = arith.constant 1920 : i32
      %dma_start3A_248 = tpu.memref_slice %arg7[%rem3A_28, %squeeze3A_231, %dma_start3A_247] : memref<2x64x3072xf32, #tpu.memory_space<vmem_shared>> -> memref<1x1x1152xf32, #tpu.memory_space<vmem_shared>>
      %dma_start3A_249 = tpu.memref_squeeze %dma_start3A_248 : memref<1x1x1152xf32, #tpu.memory_space<vmem_shared>> -> memref<1x1152xf32, #tpu.memory_space<vmem_shared>>
      tpu.enqueue_dma source(%dma_start3A_249 : memref<1x1152xf32, #tpu.memory_space<vmem_shared>>) target(%dma_start3A_246 : memref<1x1152xf32, #tpu.memory_space<vmem>>) target_semaphore(%dma_start3A_242 : memref<!tpu.dma_semaphore, #tpu.memory_space<semaphore_mem>>)
      %slice3A_250 = vector.extract_strided_slice %get3A_209 {offsets = [2], sizes = [1], strides = [1]} : vector<16xi32> to vector<1xi32>
      %squeeze3A_251 = vector.extract %slice3A_250[0] : i32 from vector<1xi32>
      %dma_start3A_252 = arith.constant 0 : i32
      %dma_start3A_253 = arith.constant 0 : i32
      %dma_start3A_254 = arith.constant 2 : i32
      %dma_start3A_255 = arith.constant 0 : i32
      %dma_start3A_256 = tpu.memref_slice %arg6[%dma_start3A_252, %dma_start3A_254, %dma_start3A_255] : memref<2x16x1152xf32, #tpu.memory_space<vmem>> -> memref<1x1x1152xf32, #tpu.memory_space<vmem>>
      %dma_start3A_257 = tpu.memref_squeeze %dma_start3A_256 : memref<1x1x1152xf32, #tpu.memory_space<vmem>> -> memref<1x1152xf32, #tpu.memory_space<vmem>>
      %dma_start3A_258 = arith.constant 1920 : i32
      %dma_start3A_259 = tpu.memref_slice %arg7[%rem3A_28, %squeeze3A_251, %dma_start3A_258] : memref<2x64x3072xf32, #tpu.memory_space<vmem_shared>> -> memref<1x1x1152xf32, #tpu.memory_space<vmem_shared>>
      %dma_start3A_260 = tpu.memref_squeeze %dma_start3A_259 : memref<1x1x1152xf32, #tpu.memory_space<vmem_shared>> -> memref<1x1152xf32, #tpu.memory_space<vmem_shared>>
      %dma_start3A_261 = tpu.memref_slice %arg9[%dma_start3A_253] : memref<2x!tpu.dma_semaphore, #tpu.memory_space<semaphore_mem>> -> memref<1x!tpu.dma_semaphore, #tpu.memory_space<semaphore_mem>>
      %dma_start3A_262 = tpu.memref_squeeze %dma_start3A_261 : memref<1x!tpu.dma_semaphore, #tpu.memory_space<semaphore_mem>> -> memref<!tpu.dma_semaphore, #tpu.memory_space<semaphore_mem>>
      %dma_start3A_263 = arith.constant 2 : i32
      %dma_start3A_264 = arith.constant 0 : i32
      %dma_start3A_265 = tpu.memref_slice %arg6[%dma_start3A_252, %dma_start3A_263, %dma_start3A_264] : memref<2x16x1152xf32, #tpu.memory_space<vmem>> -> memref<1x1x1152xf32, #tpu.memory_space<vmem>>
      %dma_start3A_266 = tpu.memref_squeeze %dma_start3A_265 : memref<1x1x1152xf32, #tpu.memory_space<vmem>> -> memref<1x1152xf32, #tpu.memory_space<vmem>>
      %dma_start3A_267 = arith.constant 1920 : i32
      %dma_start3A_268 = tpu.memref_slice %arg7[%rem3A_28, %squeeze3A_251, %dma_start3A_267] : memref<2x64x3072xf32, #tpu.memory_space<vmem_shared>> -> memref<1x1x1152xf32, #tpu.memory_space<vmem_shared>>
      %dma_start3A_269 = tpu.memref_squeeze %dma_start3A_268 : memref<1x1x1152xf32, #tpu.memory_space<vmem_shared>> -> memref<1x1152xf32, #tpu.memory_space<vmem_shared>>
      tpu.enqueue_dma source(%dma_start3A_269 : memref<1x1152xf32, #tpu.memory_space<vmem_shared>>) target(%dma_start3A_266 : memref<1x1152xf32, #tpu.memory_space<vmem>>) target_semaphore(%dma_start3A_262 : memref<!tpu.dma_semaphore, #tpu.memory_space<semaphore_mem>>)
      %slice3A_270 = vector.extract_strided_slice %get3A_209 {offsets = [3], sizes = [1], strides = [1]} : vector<16xi32> to vector<1xi32>
      %squeeze3A_271 = vector.extract %slice3A_270[0] : i32 from vector<1xi32>
      %dma_start3A_272 = arith.constant 0 : i32
      %dma_start3A_273 = arith.constant 0 : i32
      %dma_start3A_274 = arith.constant 3 : i32
      %dma_start3A_275 = arith.constant 0 : i32
      %dma_start3A_276 = tpu.memref_slice %arg6[%dma_start3A_272, %dma_start3A_274, %dma_start3A_275] : memref<2x16x1152xf32, #tpu.memory_space<vmem>> -> memref<1x1x1152xf32, #tpu.memory_space<vmem>>
      %dma_start3A_277 = tpu.memref_squeeze %dma_start3A_276 : memref<1x1x1152xf32, #tpu.memory_space<vmem>> -> memref<1x1152xf32, #tpu.memory_space<vmem>>
      %dma_start3A_278 = arith.constant 1920 : i32
      %dma_start3A_279 = tpu.memref_slice %arg7[%rem3A_28, %squeeze3A_271, %dma_start3A_278] : memref<2x64x3072xf32, #tpu.memory_space<vmem_shared>> -> memref<1x1x1152xf32, #tpu.memory_space<vmem_shared>>
      %dma_start3A_280 = tpu.memref_squeeze %dma_start3A_279 : memref<1x1x1152xf32, #tpu.memory_space<vmem_shared>> -> memref<1x1152xf32, #tpu.memory_space<vmem_shared>>
      %dma_start3A_281 = tpu.memref_slice %arg9[%dma_start3A_273] : memref<2x!tpu.dma_semaphore, #tpu.memory_space<semaphore_mem>> -> memref<1x!tpu.dma_semaphore, #tpu.memory_space<semaphore_mem>>
      %dma_start3A_282 = tpu.memref_squeeze %dma_start3A_281 : memref<1x!tpu.dma_semaphore, #tpu.memory_space<semaphore_mem>> -> memref<!tpu.dma_semaphore, #tpu.memory_space<semaphore_mem>>
      %dma_start3A_283 = arith.constant 3 : i32
      %dma_start3A_284 = arith.constant 0 : i32
      %dma_start3A_285 = tpu.memref_slice %arg6[%dma_start3A_272, %dma_start3A_283, %dma_start3A_284] : memref<2x16x1152xf32, #tpu.memory_space<vmem>> -> memref<1x1x1152xf32, #tpu.memory_space<vmem>>
      %dma_start3A_286 = tpu.memref_squeeze %dma_start3A_285 : memref<1x1x1152xf32, #tpu.memory_space<vmem>> -> memref<1x1152xf32, #tpu.memory_space<vmem>>
      %dma_start3A_287 = arith.constant 1920 : i32
      %dma_start3A_288 = tpu.memref_slice %arg7[%rem3A_28, %squeeze3A_271, %dma_start3A_287] : memref<2x64x3072xf32, #tpu.memory_space<vmem_shared>> -> memref<1x1x1152xf32, #tpu.memory_space<vmem_shared>>
      %dma_start3A_289 = tpu.memref_squeeze %dma_start3A_288 : memref<1x1x1152xf32, #tpu.memory_space<vmem_shared>> -> memref<1x1152xf32, #tpu.memory_space<vmem_shared>>
      tpu.enqueue_dma source(%dma_start3A_289 : memref<1x1152xf32, #tpu.memory_space<vmem_shared>>) target(%dma_start3A_286 : memref<1x1152xf32, #tpu.memory_space<vmem>>) target_semaphore(%dma_start3A_282 : memref<!tpu.dma_semaphore, #tpu.memory_space<semaphore_mem>>)
      %slice3A_290 = vector.extract_strided_slice %get3A_209 {offsets = [4], sizes = [1], strides = [1]} : vector<16xi32> to vector<1xi32>
      %squeeze3A_291 = vector.extract %slice3A_290[0] : i32 from vector<1xi32>
      %dma_start3A_292 = arith.constant 0 : i32
      %dma_start3A_293 = arith.constant 0 : i32
      %dma_start3A_294 = arith.constant 4 : i32
      %dma_start3A_295 = arith.constant 0 : i32
      %dma_start3A_296 = tpu.memref_slice %arg6[%dma_start3A_292, %dma_start3A_294, %dma_start3A_295] : memref<2x16x1152xf32, #tpu.memory_space<vmem>> -> memref<1x1x1152xf32, #tpu.memory_space<vmem>>
      %dma_start3A_297 = tpu.memref_squeeze %dma_start3A_296 : memref<1x1x1152xf32, #tpu.memory_space<vmem>> -> memref<1x1152xf32, #tpu.memory_space<vmem>>
      %dma_start3A_298 = arith.constant 1920 : i32
      %dma_start3A_299 = tpu.memref_slice %arg7[%rem3A_28, %squeeze3A_291, %dma_start3A_298] : memref<2x64x3072xf32, #tpu.memory_space<vmem_shared>> -> memref<1x1x1152xf32, #tpu.memory_space<vmem_shared>>
      %dma_start3A_300 = tpu.memref_squeeze %dma_start3A_299 : memref<1x1x1152xf32, #tpu.memory_space<vmem_shared>> -> memref<1x1152xf32, #tpu.memory_space<vmem_shared>>
      %dma_start3A_301 = tpu.memref_slice %arg9[%dma_start3A_293] : memref<2x!tpu.dma_semaphore, #tpu.memory_space<semaphore_mem>> -> memref<1x!tpu.dma_semaphore, #tpu.memory_space<semaphore_mem>>
      %dma_start3A_302 = tpu.memref_squeeze %dma_start3A_301 : memref<1x!tpu.dma_semaphore, #tpu.memory_space<semaphore_mem>> -> memref<!tpu.dma_semaphore, #tpu.memory_space<semaphore_mem>>
      %dma_start3A_303 = arith.constant 4 : i32
      %dma_start3A_304 = arith.constant 0 : i32
      %dma_start3A_305 = tpu.memref_slice %arg6[%dma_start3A_292, %dma_start3A_303, %dma_start3A_304] : memref<2x16x1152xf32, #tpu.memory_space<vmem>> -> memref<1x1x1152xf32, #tpu.memory_space<vmem>>
      %dma_start3A_306 = tpu.memref_squeeze %dma_start3A_305 : memref<1x1x1152xf32, #tpu.memory_space<vmem>> -> memref<1x1152xf32, #tpu.memory_space<vmem>>
      %dma_start3A_307 = arith.constant 1920 : i32
      %dma_start3A_308 = tpu.memref_slice %arg7[%rem3A_28, %squeeze3A_291, %dma_start3A_307] : memref<2x64x3072xf32, #tpu.memory_space<vmem_shared>> -> memref<1x1x1152xf32, #tpu.memory_space<vmem_shared>>
      %dma_start3A_309 = tpu.memref_squeeze %dma_start3A_308 : memref<1x1x1152xf32, #tpu.memory_space<vmem_shared>> -> memref<1x1152xf32, #tpu.memory_space<vmem_shared>>
      tpu.enqueue_dma source(%dma_start3A_309 : memref<1x1152xf32, #tpu.memory_space<vmem_shared>>) target(%dma_start3A_306 : memref<1x1152xf32, #tpu.memory_space<vmem>>) target_semaphore(%dma_start3A_302 : memref<!tpu.dma_semaphore, #tpu.memory_space<semaphore_mem>>)
      %slice3A_310 = vector.extract_strided_slice %get3A_209 {offsets = [5], sizes = [1], strides = [1]} : vector<16xi32> to vector<1xi32>
      %squeeze3A_311 = vector.extract %slice3A_310[0] : i32 from vector<1xi32>
      %dma_start3A_312 = arith.constant 0 : i32
      %dma_start3A_313 = arith.constant 0 : i32
      %dma_start3A_314 = arith.constant 5 : i32
      %dma_start3A_315 = arith.constant 0 : i32
      %dma_start3A_316 = tpu.memref_slice %arg6[%dma_start3A_312, %dma_start3A_314, %dma_start3A_315] : memref<2x16x1152xf32, #tpu.memory_space<vmem>> -> memref<1x1x1152xf32, #tpu.memory_space<vmem>>
      %dma_start3A_317 = tpu.memref_squeeze %dma_start3A_316 : memref<1x1x1152xf32, #tpu.memory_space<vmem>> -> memref<1x1152xf32, #tpu.memory_space<vmem>>
      %dma_start3A_318 = arith.constant 1920 : i32
      %dma_start3A_319 = tpu.memref_slice %arg7[%rem3A_28, %squeeze3A_311, %dma_start3A_318] : memref<2x64x3072xf32, #tpu.memory_space<vmem_shared>> -> memref<1x1x1152xf32, #tpu.memory_space<vmem_shared>>
      %dma_start3A_320 = tpu.memref_squeeze %dma_start3A_319 : memref<1x1x1152xf32, #tpu.memory_space<vmem_shared>> -> memref<1x1152xf32, #tpu.memory_space<vmem_shared>>
      %dma_start3A_321 = tpu.memref_slice %arg9[%dma_start3A_313] : memref<2x!tpu.dma_semaphore, #tpu.memory_space<semaphore_mem>> -> memref<1x!tpu.dma_semaphore, #tpu.memory_space<semaphore_mem>>
      %dma_start3A_322 = tpu.memref_squeeze %dma_start3A_321 : memref<1x!tpu.dma_semaphore, #tpu.memory_space<semaphore_mem>> -> memref<!tpu.dma_semaphore, #tpu.memory_space<semaphore_mem>>
      %dma_start3A_323 = arith.constant 5 : i32
      %dma_start3A_324 = arith.constant 0 : i32
      %dma_start3A_325 = tpu.memref_slice %arg6[%dma_start3A_312, %dma_start3A_323, %dma_start3A_324] : memref<2x16x1152xf32, #tpu.memory_space<vmem>> -> memref<1x1x1152xf32, #tpu.memory_space<vmem>>
      %dma_start3A_326 = tpu.memref_squeeze %dma_start3A_325 : memref<1x1x1152xf32, #tpu.memory_space<vmem>> -> memref<1x1152xf32, #tpu.memory_space<vmem>>
      %dma_start3A_327 = arith.constant 1920 : i32
      %dma_start3A_328 = tpu.memref_slice %arg7[%rem3A_28, %squeeze3A_311, %dma_start3A_327] : memref<2x64x3072xf32, #tpu.memory_space<vmem_shared>> -> memref<1x1x1152xf32, #tpu.memory_space<vmem_shared>>
      %dma_start3A_329 = tpu.memref_squeeze %dma_start3A_328 : memref<1x1x1152xf32, #tpu.memory_space<vmem_shared>> -> memref<1x1152xf32, #tpu.memory_space<vmem_shared>>
      tpu.enqueue_dma source(%dma_start3A_329 : memref<1x1152xf32, #tpu.memory_space<vmem_shared>>) target(%dma_start3A_326 : memref<1x1152xf32, #tpu.memory_space<vmem>>) target_semaphore(%dma_start3A_322 : memref<!tpu.dma_semaphore, #tpu.memory_space<semaphore_mem>>)
      %slice3A_330 = vector.extract_strided_slice %get3A_209 {offsets = [6], sizes = [1], strides = [1]} : vector<16xi32> to vector<1xi32>
      %squeeze3A_331 = vector.extract %slice3A_330[0] : i32 from vector<1xi32>
      %dma_start3A_332 = arith.constant 0 : i32
      %dma_start3A_333 = arith.constant 0 : i32
      %dma_start3A_334 = arith.constant 6 : i32
      %dma_start3A_335 = arith.constant 0 : i32
      %dma_start3A_336 = tpu.memref_slice %arg6[%dma_start3A_332, %dma_start3A_334, %dma_start3A_335] : memref<2x16x1152xf32, #tpu.memory_space<vmem>> -> memref<1x1x1152xf32, #tpu.memory_space<vmem>>
      %dma_start3A_337 = tpu.memref_squeeze %dma_start3A_336 : memref<1x1x1152xf32, #tpu.memory_space<vmem>> -> memref<1x1152xf32, #tpu.memory_space<vmem>>
      %dma_start3A_338 = arith.constant 1920 : i32
      %dma_start3A_339 = tpu.memref_slice %arg7[%rem3A_28, %squeeze3A_331, %dma_start3A_338] : memref<2x64x3072xf32, #tpu.memory_space<vmem_shared>> -> memref<1x1x1152xf32, #tpu.memory_space<vmem_shared>>
      %dma_start3A_340 = tpu.memref_squeeze %dma_start3A_339 : memref<1x1x1152xf32, #tpu.memory_space<vmem_shared>> -> memref<1x1152xf32, #tpu.memory_space<vmem_shared>>
      %dma_start3A_341 = tpu.memref_slice %arg9[%dma_start3A_333] : memref<2x!tpu.dma_semaphore, #tpu.memory_space<semaphore_mem>> -> memref<1x!tpu.dma_semaphore, #tpu.memory_space<semaphore_mem>>
      %dma_start3A_342 = tpu.memref_squeeze %dma_start3A_341 : memref<1x!tpu.dma_semaphore, #tpu.memory_space<semaphore_mem>> -> memref<!tpu.dma_semaphore, #tpu.memory_space<semaphore_mem>>
      %dma_start3A_343 = arith.constant 6 : i32
      %dma_start3A_344 = arith.constant 0 : i32
      %dma_start3A_345 = tpu.memref_slice %arg6[%dma_start3A_332, %dma_start3A_343, %dma_start3A_344] : memref<2x16x1152xf32, #tpu.memory_space<vmem>> -> memref<1x1x1152xf32, #tpu.memory_space<vmem>>
      %dma_start3A_346 = tpu.memref_squeeze %dma_start3A_345 : memref<1x1x1152xf32, #tpu.memory_space<vmem>> -> memref<1x1152xf32, #tpu.memory_space<vmem>>
      %dma_start3A_347 = arith.constant 1920 : i32
      %dma_start3A_348 = tpu.memref_slice %arg7[%rem3A_28, %squeeze3A_331, %dma_start3A_347] : memref<2x64x3072xf32, #tpu.memory_space<vmem_shared>> -> memref<1x1x1152xf32, #tpu.memory_space<vmem_shared>>
      %dma_start3A_349 = tpu.memref_squeeze %dma_start3A_348 : memref<1x1x1152xf32, #tpu.memory_space<vmem_shared>> -> memref<1x1152xf32, #tpu.memory_space<vmem_shared>>
      tpu.enqueue_dma source(%dma_start3A_349 : memref<1x1152xf32, #tpu.memory_space<vmem_shared>>) target(%dma_start3A_346 : memref<1x1152xf32, #tpu.memory_space<vmem>>) target_semaphore(%dma_start3A_342 : memref<!tpu.dma_semaphore, #tpu.memory_space<semaphore_mem>>)
      %slice3A_350 = vector.extract_strided_slice %get3A_209 {offsets = [7], sizes = [1], strides = [1]} : vector<16xi32> to vector<1xi32>
      %squeeze3A_351 = vector.extract %slice3A_350[0] : i32 from vector<1xi32>
      %dma_start3A_352 = arith.constant 0 : i32
      %dma_start3A_353 = arith.constant 0 : i32
      %dma_start3A_354 = arith.constant 7 : i32
      %dma_start3A_355 = arith.constant 0 : i32
      %dma_start3A_356 = tpu.memref_slice %arg6[%dma_start3A_352, %dma_start3A_354, %dma_start3A_355] : memref<2x16x1152xf32, #tpu.memory_space<vmem>> -> memref<1x1x1152xf32, #tpu.memory_space<vmem>>
      %dma_start3A_357 = tpu.memref_squeeze %dma_start3A_356 : memref<1x1x1152xf32, #tpu.memory_space<vmem>> -> memref<1x1152xf32, #tpu.memory_space<vmem>>
      %dma_start3A_358 = arith.constant 1920 : i32
      %dma_start3A_359 = tpu.memref_slice %arg7[%rem3A_28, %squeeze3A_351, %dma_start3A_358] : memref<2x64x3072xf32, #tpu.memory_space<vmem_shared>> -> memref<1x1x1152xf32, #tpu.memory_space<vmem_shared>>
      %dma_start3A_360 = tpu.memref_squeeze %dma_start3A_359 : memref<1x1x1152xf32, #tpu.memory_space<vmem_shared>> -> memref<1x1152xf32, #tpu.memory_space<vmem_shared>>
      %dma_start3A_361 = tpu.memref_slice %arg9[%dma_start3A_353] : memref<2x!tpu.dma_semaphore, #tpu.memory_space<semaphore_mem>> -> memref<1x!tpu.dma_semaphore, #tpu.memory_space<semaphore_mem>>
      %dma_start3A_362 = tpu.memref_squeeze %dma_start3A_361 : memref<1x!tpu.dma_semaphore, #tpu.memory_space<semaphore_mem>> -> memref<!tpu.dma_semaphore, #tpu.memory_space<semaphore_mem>>
      %dma_start3A_363 = arith.constant 7 : i32
      %dma_start3A_364 = arith.constant 0 : i32
      %dma_start3A_365 = tpu.memref_slice %arg6[%dma_start3A_352, %dma_start3A_363, %dma_start3A_364] : memref<2x16x1152xf32, #tpu.memory_space<vmem>> -> memref<1x1x1152xf32, #tpu.memory_space<vmem>>
      %dma_start3A_366 = tpu.memref_squeeze %dma_start3A_365 : memref<1x1x1152xf32, #tpu.memory_space<vmem>> -> memref<1x1152xf32, #tpu.memory_space<vmem>>
      %dma_start3A_367 = arith.constant 1920 : i32
      %dma_start3A_368 = tpu.memref_slice %arg7[%rem3A_28, %squeeze3A_351, %dma_start3A_367] : memref<2x64x3072xf32, #tpu.memory_space<vmem_shared>> -> memref<1x1x1152xf32, #tpu.memory_space<vmem_shared>>
      %dma_start3A_369 = tpu.memref_squeeze %dma_start3A_368 : memref<1x1x1152xf32, #tpu.memory_space<vmem_shared>> -> memref<1x1152xf32, #tpu.memory_space<vmem_shared>>
      tpu.enqueue_dma source(%dma_start3A_369 : memref<1x1152xf32, #tpu.memory_space<vmem_shared>>) target(%dma_start3A_366 : memref<1x1152xf32, #tpu.memory_space<vmem>>) target_semaphore(%dma_start3A_362 : memref<!tpu.dma_semaphore, #tpu.memory_space<semaphore_mem>>)
      %slice3A_370 = vector.extract_strided_slice %get3A_209 {offsets = [8], sizes = [1], strides = [1]} : vector<16xi32> to vector<1xi32>
      %squeeze3A_371 = vector.extract %slice3A_370[0] : i32 from vector<1xi32>
      %dma_start3A_372 = arith.constant 0 : i32
      %dma_start3A_373 = arith.constant 0 : i32
      %dma_start3A_374 = arith.constant 8 : i32
      %dma_start3A_375 = arith.constant 0 : i32
      %dma_start3A_376 = tpu.memref_slice %arg6[%dma_start3A_372, %dma_start3A_374, %dma_start3A_375] : memref<2x16x1152xf32, #tpu.memory_space<vmem>> -> memref<1x1x1152xf32, #tpu.memory_space<vmem>>
      %dma_start3A_377 = tpu.memref_squeeze %dma_start3A_376 : memref<1x1x1152xf32, #tpu.memory_space<vmem>> -> memref<1x1152xf32, #tpu.memory_space<vmem>>
      %dma_start3A_378 = arith.constant 1920 : i32
      %dma_start3A_379 = tpu.memref_slice %arg7[%rem3A_28, %squeeze3A_371, %dma_start3A_378] : memref<2x64x3072xf32, #tpu.memory_space<vmem_shared>> -> memref<1x1x1152xf32, #tpu.memory_space<vmem_shared>>
      %dma_start3A_380 = tpu.memref_squeeze %dma_start3A_379 : memref<1x1x1152xf32, #tpu.memory_space<vmem_shared>> -> memref<1x1152xf32, #tpu.memory_space<vmem_shared>>
      %dma_start3A_381 = tpu.memref_slice %arg9[%dma_start3A_373] : memref<2x!tpu.dma_semaphore, #tpu.memory_space<semaphore_mem>> -> memref<1x!tpu.dma_semaphore, #tpu.memory_space<semaphore_mem>>
      %dma_start3A_382 = tpu.memref_squeeze %dma_start3A_381 : memref<1x!tpu.dma_semaphore, #tpu.memory_space<semaphore_mem>> -> memref<!tpu.dma_semaphore, #tpu.memory_space<semaphore_mem>>
      %dma_start3A_383 = arith.constant 8 : i32
      %dma_start3A_384 = arith.constant 0 : i32
      %dma_start3A_385 = tpu.memref_slice %arg6[%dma_start3A_372, %dma_start3A_383, %dma_start3A_384] : memref<2x16x1152xf32, #tpu.memory_space<vmem>> -> memref<1x1x1152xf32, #tpu.memory_space<vmem>>
      %dma_start3A_386 = tpu.memref_squeeze %dma_start3A_385 : memref<1x1x1152xf32, #tpu.memory_space<vmem>> -> memref<1x1152xf32, #tpu.memory_space<vmem>>
      %dma_start3A_387 = arith.constant 1920 : i32
      %dma_start3A_388 = tpu.memref_slice %arg7[%rem3A_28, %squeeze3A_371, %dma_start3A_387] : memref<2x64x3072xf32, #tpu.memory_space<vmem_shared>> -> memref<1x1x1152xf32, #tpu.memory_space<vmem_shared>>
      %dma_start3A_389 = tpu.memref_squeeze %dma_start3A_388 : memref<1x1x1152xf32, #tpu.memory_space<vmem_shared>> -> memref<1x1152xf32, #tpu.memory_space<vmem_shared>>
      tpu.enqueue_dma source(%dma_start3A_389 : memref<1x1152xf32, #tpu.memory_space<vmem_shared>>) target(%dma_start3A_386 : memref<1x1152xf32, #tpu.memory_space<vmem>>) target_semaphore(%dma_start3A_382 : memref<!tpu.dma_semaphore, #tpu.memory_space<semaphore_mem>>)
      %slice3A_390 = vector.extract_strided_slice %get3A_209 {offsets = [9], sizes = [1], strides = [1]} : vector<16xi32> to vector<1xi32>
      %squeeze3A_391 = vector.extract %slice3A_390[0] : i32 from vector<1xi32>
      %dma_start3A_392 = arith.constant 0 : i32
      %dma_start3A_393 = arith.constant 0 : i32
      %dma_start3A_394 = arith.constant 9 : i32
      %dma_start3A_395 = arith.constant 0 : i32
      %dma_start3A_396 = tpu.memref_slice %arg6[%dma_start3A_392, %dma_start3A_394, %dma_start3A_395] : memref<2x16x1152xf32, #tpu.memory_space<vmem>> -> memref<1x1x1152xf32, #tpu.memory_space<vmem>>
      %dma_start3A_397 = tpu.memref_squeeze %dma_start3A_396 : memref<1x1x1152xf32, #tpu.memory_space<vmem>> -> memref<1x1152xf32, #tpu.memory_space<vmem>>
      %dma_start3A_398 = arith.constant 1920 : i32
      %dma_start3A_399 = tpu.memref_slice %arg7[%rem3A_28, %squeeze3A_391, %dma_start3A_398] : memref<2x64x3072xf32, #tpu.memory_space<vmem_shared>> -> memref<1x1x1152xf32, #tpu.memory_space<vmem_shared>>
      %dma_start3A_400 = tpu.memref_squeeze %dma_start3A_399 : memref<1x1x1152xf32, #tpu.memory_space<vmem_shared>> -> memref<1x1152xf32, #tpu.memory_space<vmem_shared>>
      %dma_start3A_401 = tpu.memref_slice %arg9[%dma_start3A_393] : memref<2x!tpu.dma_semaphore, #tpu.memory_space<semaphore_mem>> -> memref<1x!tpu.dma_semaphore, #tpu.memory_space<semaphore_mem>>
      %dma_start3A_402 = tpu.memref_squeeze %dma_start3A_401 : memref<1x!tpu.dma_semaphore, #tpu.memory_space<semaphore_mem>> -> memref<!tpu.dma_semaphore, #tpu.memory_space<semaphore_mem>>
      %dma_start3A_403 = arith.constant 9 : i32
      %dma_start3A_404 = arith.constant 0 : i32
      %dma_start3A_405 = tpu.memref_slice %arg6[%dma_start3A_392, %dma_start3A_403, %dma_start3A_404] : memref<2x16x1152xf32, #tpu.memory_space<vmem>> -> memref<1x1x1152xf32, #tpu.memory_space<vmem>>
      %dma_start3A_406 = tpu.memref_squeeze %dma_start3A_405 : memref<1x1x1152xf32, #tpu.memory_space<vmem>> -> memref<1x1152xf32, #tpu.memory_space<vmem>>
      %dma_start3A_407 = arith.constant 1920 : i32
      %dma_start3A_408 = tpu.memref_slice %arg7[%rem3A_28, %squeeze3A_391, %dma_start3A_407] : memref<2x64x3072xf32, #tpu.memory_space<vmem_shared>> -> memref<1x1x1152xf32, #tpu.memory_space<vmem_shared>>
      %dma_start3A_409 = tpu.memref_squeeze %dma_start3A_408 : memref<1x1x1152xf32, #tpu.memory_space<vmem_shared>> -> memref<1x1152xf32, #tpu.memory_space<vmem_shared>>
      tpu.enqueue_dma source(%dma_start3A_409 : memref<1x1152xf32, #tpu.memory_space<vmem_shared>>) target(%dma_start3A_406 : memref<1x1152xf32, #tpu.memory_space<vmem>>) target_semaphore(%dma_start3A_402 : memref<!tpu.dma_semaphore, #tpu.memory_space<semaphore_mem>>)
      %slice3A_410 = vector.extract_strided_slice %get3A_209 {offsets = [10], sizes = [1], strides = [1]} : vector<16xi32> to vector<1xi32>
      %squeeze3A_411 = vector.extract %slice3A_410[0] : i32 from vector<1xi32>
      %dma_start3A_412 = arith.constant 0 : i32
      %dma_start3A_413 = arith.constant 0 : i32
      %dma_start3A_414 = arith.constant 10 : i32
      %dma_start3A_415 = arith.constant 0 : i32
      %dma_start3A_416 = tpu.memref_slice %arg6[%dma_start3A_412, %dma_start3A_414, %dma_start3A_415] : memref<2x16x1152xf32, #tpu.memory_space<vmem>> -> memref<1x1x1152xf32, #tpu.memory_space<vmem>>
      %dma_start3A_417 = tpu.memref_squeeze %dma_start3A_416 : memref<1x1x1152xf32, #tpu.memory_space<vmem>> -> memref<1x1152xf32, #tpu.memory_space<vmem>>
      %dma_start3A_418 = arith.constant 1920 : i32
      %dma_start3A_419 = tpu.memref_slice %arg7[%rem3A_28, %squeeze3A_411, %dma_start3A_418] : memref<2x64x3072xf32, #tpu.memory_space<vmem_shared>> -> memref<1x1x1152xf32, #tpu.memory_space<vmem_shared>>
      %dma_start3A_420 = tpu.memref_squeeze %dma_start3A_419 : memref<1x1x1152xf32, #tpu.memory_space<vmem_shared>> -> memref<1x1152xf32, #tpu.memory_space<vmem_shared>>
      %dma_start3A_421 = tpu.memref_slice %arg9[%dma_start3A_413] : memref<2x!tpu.dma_semaphore, #tpu.memory_space<semaphore_mem>> -> memref<1x!tpu.dma_semaphore, #tpu.memory_space<semaphore_mem>>
      %dma_start3A_422 = tpu.memref_squeeze %dma_start3A_421 : memref<1x!tpu.dma_semaphore, #tpu.memory_space<semaphore_mem>> -> memref<!tpu.dma_semaphore, #tpu.memory_space<semaphore_mem>>
      %dma_start3A_423 = arith.constant 10 : i32
      %dma_start3A_424 = arith.constant 0 : i32
      %dma_start3A_425 = tpu.memref_slice %arg6[%dma_start3A_412, %dma_start3A_423, %dma_start3A_424] : memref<2x16x1152xf32, #tpu.memory_space<vmem>> -> memref<1x1x1152xf32, #tpu.memory_space<vmem>>
      %dma_start3A_426 = tpu.memref_squeeze %dma_start3A_425 : memref<1x1x1152xf32, #tpu.memory_space<vmem>> -> memref<1x1152xf32, #tpu.memory_space<vmem>>
      %dma_start3A_427 = arith.constant 1920 : i32
      %dma_start3A_428 = tpu.memref_slice %arg7[%rem3A_28, %squeeze3A_411, %dma_start3A_427] : memref<2x64x3072xf32, #tpu.memory_space<vmem_shared>> -> memref<1x1x1152xf32, #tpu.memory_space<vmem_shared>>
      %dma_start3A_429 = tpu.memref_squeeze %dma_start3A_428 : memref<1x1x1152xf32, #tpu.memory_space<vmem_shared>> -> memref<1x1152xf32, #tpu.memory_space<vmem_shared>>
      tpu.enqueue_dma source(%dma_start3A_429 : memref<1x1152xf32, #tpu.memory_space<vmem_shared>>) target(%dma_start3A_426 : memref<1x1152xf32, #tpu.memory_space<vmem>>) target_semaphore(%dma_start3A_422 : memref<!tpu.dma_semaphore, #tpu.memory_space<semaphore_mem>>)
      %slice3A_430 = vector.extract_strided_slice %get3A_209 {offsets = [11], sizes = [1], strides = [1]} : vector<16xi32> to vector<1xi32>
      %squeeze3A_431 = vector.extract %slice3A_430[0] : i32 from vector<1xi32>
      %dma_start3A_432 = arith.constant 0 : i32
      %dma_start3A_433 = arith.constant 0 : i32
      %dma_start3A_434 = arith.constant 11 : i32
      %dma_start3A_435 = arith.constant 0 : i32
      %dma_start3A_436 = tpu.memref_slice %arg6[%dma_start3A_432, %dma_start3A_434, %dma_start3A_435] : memref<2x16x1152xf32, #tpu.memory_space<vmem>> -> memref<1x1x1152xf32, #tpu.memory_space<vmem>>
      %dma_start3A_437 = tpu.memref_squeeze %dma_start3A_436 : memref<1x1x1152xf32, #tpu.memory_space<vmem>> -> memref<1x1152xf32, #tpu.memory_space<vmem>>
      %dma_start3A_438 = arith.constant 1920 : i32
      %dma_start3A_439 = tpu.memref_slice %arg7[%rem3A_28, %squeeze3A_431, %dma_start3A_438] : memref<2x64x3072xf32, #tpu.memory_space<vmem_shared>> -> memref<1x1x1152xf32, #tpu.memory_space<vmem_shared>>
      %dma_start3A_440 = tpu.memref_squeeze %dma_start3A_439 : memref<1x1x1152xf32, #tpu.memory_space<vmem_shared>> -> memref<1x1152xf32, #tpu.memory_space<vmem_shared>>
      %dma_start3A_441 = tpu.memref_slice %arg9[%dma_start3A_433] : memref<2x!tpu.dma_semaphore, #tpu.memory_space<semaphore_mem>> -> memref<1x!tpu.dma_semaphore, #tpu.memory_space<semaphore_mem>>
      %dma_start3A_442 = tpu.memref_squeeze %dma_start3A_441 : memref<1x!tpu.dma_semaphore, #tpu.memory_space<semaphore_mem>> -> memref<!tpu.dma_semaphore, #tpu.memory_space<semaphore_mem>>
      %dma_start3A_443 = arith.constant 11 : i32
      %dma_start3A_444 = arith.constant 0 : i32
      %dma_start3A_445 = tpu.memref_slice %arg6[%dma_start3A_432, %dma_start3A_443, %dma_start3A_444] : memref<2x16x1152xf32, #tpu.memory_space<vmem>> -> memref<1x1x1152xf32, #tpu.memory_space<vmem>>
      %dma_start3A_446 = tpu.memref_squeeze %dma_start3A_445 : memref<1x1x1152xf32, #tpu.memory_space<vmem>> -> memref<1x1152xf32, #tpu.memory_space<vmem>>
      %dma_start3A_447 = arith.constant 1920 : i32
      %dma_start3A_448 = tpu.memref_slice %arg7[%rem3A_28, %squeeze3A_431, %dma_start3A_447] : memref<2x64x3072xf32, #tpu.memory_space<vmem_shared>> -> memref<1x1x1152xf32, #tpu.memory_space<vmem_shared>>
      %dma_start3A_449 = tpu.memref_squeeze %dma_start3A_448 : memref<1x1x1152xf32, #tpu.memory_space<vmem_shared>> -> memref<1x1152xf32, #tpu.memory_space<vmem_shared>>
      tpu.enqueue_dma source(%dma_start3A_449 : memref<1x1152xf32, #tpu.memory_space<vmem_shared>>) target(%dma_start3A_446 : memref<1x1152xf32, #tpu.memory_space<vmem>>) target_semaphore(%dma_start3A_442 : memref<!tpu.dma_semaphore, #tpu.memory_space<semaphore_mem>>)
      %slice3A_450 = vector.extract_strided_slice %get3A_209 {offsets = [12], sizes = [1], strides = [1]} : vector<16xi32> to vector<1xi32>
      %squeeze3A_451 = vector.extract %slice3A_450[0] : i32 from vector<1xi32>
      %dma_start3A_452 = arith.constant 0 : i32
      %dma_start3A_453 = arith.constant 0 : i32
      %dma_start3A_454 = arith.constant 12 : i32
      %dma_start3A_455 = arith.constant 0 : i32
      %dma_start3A_456 = tpu.memref_slice %arg6[%dma_start3A_452, %dma_start3A_454, %dma_start3A_455] : memref<2x16x1152xf32, #tpu.memory_space<vmem>> -> memref<1x1x1152xf32, #tpu.memory_space<vmem>>
      %dma_start3A_457 = tpu.memref_squeeze %dma_start3A_456 : memref<1x1x1152xf32, #tpu.memory_space<vmem>> -> memref<1x1152xf32, #tpu.memory_space<vmem>>
      %dma_start3A_458 = arith.constant 1920 : i32
      %dma_start3A_459 = tpu.memref_slice %arg7[%rem3A_28, %squeeze3A_451, %dma_start3A_458] : memref<2x64x3072xf32, #tpu.memory_space<vmem_shared>> -> memref<1x1x1152xf32, #tpu.memory_space<vmem_shared>>
      %dma_start3A_460 = tpu.memref_squeeze %dma_start3A_459 : memref<1x1x1152xf32, #tpu.memory_space<vmem_shared>> -> memref<1x1152xf32, #tpu.memory_space<vmem_shared>>
      %dma_start3A_461 = tpu.memref_slice %arg9[%dma_start3A_453] : memref<2x!tpu.dma_semaphore, #tpu.memory_space<semaphore_mem>> -> memref<1x!tpu.dma_semaphore, #tpu.memory_space<semaphore_mem>>
      %dma_start3A_462 = tpu.memref_squeeze %dma_start3A_461 : memref<1x!tpu.dma_semaphore, #tpu.memory_space<semaphore_mem>> -> memref<!tpu.dma_semaphore, #tpu.memory_space<semaphore_mem>>
      %dma_start3A_463 = arith.constant 12 : i32
      %dma_start3A_464 = arith.constant 0 : i32
      %dma_start3A_465 = tpu.memref_slice %arg6[%dma_start3A_452, %dma_start3A_463, %dma_start3A_464] : memref<2x16x1152xf32, #tpu.memory_space<vmem>> -> memref<1x1x1152xf32, #tpu.memory_space<vmem>>
      %dma_start3A_466 = tpu.memref_squeeze %dma_start3A_465 : memref<1x1x1152xf32, #tpu.memory_space<vmem>> -> memref<1x1152xf32, #tpu.memory_space<vmem>>
      %dma_start3A_467 = arith.constant 1920 : i32
      %dma_start3A_468 = tpu.memref_slice %arg7[%rem3A_28, %squeeze3A_451, %dma_start3A_467] : memref<2x64x3072xf32, #tpu.memory_space<vmem_shared>> -> memref<1x1x1152xf32, #tpu.memory_space<vmem_shared>>
      %dma_start3A_469 = tpu.memref_squeeze %dma_start3A_468 : memref<1x1x1152xf32, #tpu.memory_space<vmem_shared>> -> memref<1x1152xf32, #tpu.memory_space<vmem_shared>>
      tpu.enqueue_dma source(%dma_start3A_469 : memref<1x1152xf32, #tpu.memory_space<vmem_shared>>) target(%dma_start3A_466 : memref<1x1152xf32, #tpu.memory_space<vmem>>) target_semaphore(%dma_start3A_462 : memref<!tpu.dma_semaphore, #tpu.memory_space<semaphore_mem>>)
      %slice3A_470 = vector.extract_strided_slice %get3A_209 {offsets = [13], sizes = [1], strides = [1]} : vector<16xi32> to vector<1xi32>
      %squeeze3A_471 = vector.extract %slice3A_470[0] : i32 from vector<1xi32>
      %dma_start3A_472 = arith.constant 0 : i32
      %dma_start3A_473 = arith.constant 0 : i32
      %dma_start3A_474 = arith.constant 13 : i32
      %dma_start3A_475 = arith.constant 0 : i32
      %dma_start3A_476 = tpu.memref_slice %arg6[%dma_start3A_472, %dma_start3A_474, %dma_start3A_475] : memref<2x16x1152xf32, #tpu.memory_space<vmem>> -> memref<1x1x1152xf32, #tpu.memory_space<vmem>>
      %dma_start3A_477 = tpu.memref_squeeze %dma_start3A_476 : memref<1x1x1152xf32, #tpu.memory_space<vmem>> -> memref<1x1152xf32, #tpu.memory_space<vmem>>
      %dma_start3A_478 = arith.constant 1920 : i32
      %dma_start3A_479 = tpu.memref_slice %arg7[%rem3A_28, %squeeze3A_471, %dma_start3A_478] : memref<2x64x3072xf32, #tpu.memory_space<vmem_shared>> -> memref<1x1x1152xf32, #tpu.memory_space<vmem_shared>>
      %dma_start3A_480 = tpu.memref_squeeze %dma_start3A_479 : memref<1x1x1152xf32, #tpu.memory_space<vmem_shared>> -> memref<1x1152xf32, #tpu.memory_space<vmem_shared>>
      %dma_start3A_481 = tpu.memref_slice %arg9[%dma_start3A_473] : memref<2x!tpu.dma_semaphore, #tpu.memory_space<semaphore_mem>> -> memref<1x!tpu.dma_semaphore, #tpu.memory_space<semaphore_mem>>
      %dma_start3A_482 = tpu.memref_squeeze %dma_start3A_481 : memref<1x!tpu.dma_semaphore, #tpu.memory_space<semaphore_mem>> -> memref<!tpu.dma_semaphore, #tpu.memory_space<semaphore_mem>>
      %dma_start3A_483 = arith.constant 13 : i32
      %dma_start3A_484 = arith.constant 0 : i32
      %dma_start3A_485 = tpu.memref_slice %arg6[%dma_start3A_472, %dma_start3A_483, %dma_start3A_484] : memref<2x16x1152xf32, #tpu.memory_space<vmem>> -> memref<1x1x1152xf32, #tpu.memory_space<vmem>>
      %dma_start3A_486 = tpu.memref_squeeze %dma_start3A_485 : memref<1x1x1152xf32, #tpu.memory_space<vmem>> -> memref<1x1152xf32, #tpu.memory_space<vmem>>
      %dma_start3A_487 = arith.constant 1920 : i32
      %dma_start3A_488 = tpu.memref_slice %arg7[%rem3A_28, %squeeze3A_471, %dma_start3A_487] : memref<2x64x3072xf32, #tpu.memory_space<vmem_shared>> -> memref<1x1x1152xf32, #tpu.memory_space<vmem_shared>>
      %dma_start3A_489 = tpu.memref_squeeze %dma_start3A_488 : memref<1x1x1152xf32, #tpu.memory_space<vmem_shared>> -> memref<1x1152xf32, #tpu.memory_space<vmem_shared>>
      tpu.enqueue_dma source(%dma_start3A_489 : memref<1x1152xf32, #tpu.memory_space<vmem_shared>>) target(%dma_start3A_486 : memref<1x1152xf32, #tpu.memory_space<vmem>>) target_semaphore(%dma_start3A_482 : memref<!tpu.dma_semaphore, #tpu.memory_space<semaphore_mem>>)
      %slice3A_490 = vector.extract_strided_slice %get3A_209 {offsets = [14], sizes = [1], strides = [1]} : vector<16xi32> to vector<1xi32>
      %squeeze3A_491 = vector.extract %slice3A_490[0] : i32 from vector<1xi32>
      %dma_start3A_492 = arith.constant 0 : i32
      %dma_start3A_493 = arith.constant 0 : i32
      %dma_start3A_494 = arith.constant 14 : i32
      %dma_start3A_495 = arith.constant 0 : i32
      %dma_start3A_496 = tpu.memref_slice %arg6[%dma_start3A_492, %dma_start3A_494, %dma_start3A_495] : memref<2x16x1152xf32, #tpu.memory_space<vmem>> -> memref<1x1x1152xf32, #tpu.memory_space<vmem>>
      %dma_start3A_497 = tpu.memref_squeeze %dma_start3A_496 : memref<1x1x1152xf32, #tpu.memory_space<vmem>> -> memref<1x1152xf32, #tpu.memory_space<vmem>>
      %dma_start3A_498 = arith.constant 1920 : i32
      %dma_start3A_499 = tpu.memref_slice %arg7[%rem3A_28, %squeeze3A_491, %dma_start3A_498] : memref<2x64x3072xf32, #tpu.memory_space<vmem_shared>> -> memref<1x1x1152xf32, #tpu.memory_space<vmem_shared>>
      %dma_start3A_500 = tpu.memref_squeeze %dma_start3A_499 : memref<1x1x1152xf32, #tpu.memory_space<vmem_shared>> -> memref<1x1152xf32, #tpu.memory_space<vmem_shared>>
      %dma_start3A_501 = tpu.memref_slice %arg9[%dma_start3A_493] : memref<2x!tpu.dma_semaphore, #tpu.memory_space<semaphore_mem>> -> memref<1x!tpu.dma_semaphore, #tpu.memory_space<semaphore_mem>>
      %dma_start3A_502 = tpu.memref_squeeze %dma_start3A_501 : memref<1x!tpu.dma_semaphore, #tpu.memory_space<semaphore_mem>> -> memref<!tpu.dma_semaphore, #tpu.memory_space<semaphore_mem>>
      %dma_start3A_503 = arith.constant 14 : i32
      %dma_start3A_504 = arith.constant 0 : i32
      %dma_start3A_505 = tpu.memref_slice %arg6[%dma_start3A_492, %dma_start3A_503, %dma_start3A_504] : memref<2x16x1152xf32, #tpu.memory_space<vmem>> -> memref<1x1x1152xf32, #tpu.memory_space<vmem>>
      %dma_start3A_506 = tpu.memref_squeeze %dma_start3A_505 : memref<1x1x1152xf32, #tpu.memory_space<vmem>> -> memref<1x1152xf32, #tpu.memory_space<vmem>>
      %dma_start3A_507 = arith.constant 1920 : i32
      %dma_start3A_508 = tpu.memref_slice %arg7[%rem3A_28, %squeeze3A_491, %dma_start3A_507] : memref<2x64x3072xf32, #tpu.memory_space<vmem_shared>> -> memref<1x1x1152xf32, #tpu.memory_space<vmem_shared>>
      %dma_start3A_509 = tpu.memref_squeeze %dma_start3A_508 : memref<1x1x1152xf32, #tpu.memory_space<vmem_shared>> -> memref<1x1152xf32, #tpu.memory_space<vmem_shared>>
      tpu.enqueue_dma source(%dma_start3A_509 : memref<1x1152xf32, #tpu.memory_space<vmem_shared>>) target(%dma_start3A_506 : memref<1x1152xf32, #tpu.memory_space<vmem>>) target_semaphore(%dma_start3A_502 : memref<!tpu.dma_semaphore, #tpu.memory_space<semaphore_mem>>)
      %slice3A_510 = vector.extract_strided_slice %get3A_209 {offsets = [15], sizes = [1], strides = [1]} : vector<16xi32> to vector<1xi32>
      %squeeze3A_511 = vector.extract %slice3A_510[0] : i32 from vector<1xi32>
      %dma_start3A_512 = arith.constant 0 : i32
      %dma_start3A_513 = arith.constant 0 : i32
      %dma_start3A_514 = arith.constant 15 : i32
      %dma_start3A_515 = arith.constant 0 : i32
      %dma_start3A_516 = tpu.memref_slice %arg6[%dma_start3A_512, %dma_start3A_514, %dma_start3A_515] : memref<2x16x1152xf32, #tpu.memory_space<vmem>> -> memref<1x1x1152xf32, #tpu.memory_space<vmem>>
      %dma_start3A_517 = tpu.memref_squeeze %dma_start3A_516 : memref<1x1x1152xf32, #tpu.memory_space<vmem>> -> memref<1x1152xf32, #tpu.memory_space<vmem>>
      %dma_start3A_518 = arith.constant 1920 : i32
      %dma_start3A_519 = tpu.memref_slice %arg7[%rem3A_28, %squeeze3A_511, %dma_start3A_518] : memref<2x64x3072xf32, #tpu.memory_space<vmem_shared>> -> memref<1x1x1152xf32, #tpu.memory_space<vmem_shared>>
      %dma_start3A_520 = tpu.memref_squeeze %dma_start3A_519 : memref<1x1x1152xf32, #tpu.memory_space<vmem_shared>> -> memref<1x1152xf32, #tpu.memory_space<vmem_shared>>
      %dma_start3A_521 = tpu.memref_slice %arg9[%dma_start3A_513] : memref<2x!tpu.dma_semaphore, #tpu.memory_space<semaphore_mem>> -> memref<1x!tpu.dma_semaphore, #tpu.memory_space<semaphore_mem>>
      %dma_start3A_522 = tpu.memref_squeeze %dma_start3A_521 : memref<1x!tpu.dma_semaphore, #tpu.memory_space<semaphore_mem>> -> memref<!tpu.dma_semaphore, #tpu.memory_space<semaphore_mem>>
      %dma_start3A_523 = arith.constant 15 : i32
      %dma_start3A_524 = arith.constant 0 : i32
      %dma_start3A_525 = tpu.memref_slice %arg6[%dma_start3A_512, %dma_start3A_523, %dma_start3A_524] : memref<2x16x1152xf32, #tpu.memory_space<vmem>> -> memref<1x1x1152xf32, #tpu.memory_space<vmem>>
      %dma_start3A_526 = tpu.memref_squeeze %dma_start3A_525 : memref<1x1x1152xf32, #tpu.memory_space<vmem>> -> memref<1x1152xf32, #tpu.memory_space<vmem>>
      %dma_start3A_527 = arith.constant 1920 : i32
      %dma_start3A_528 = tpu.memref_slice %arg7[%rem3A_28, %squeeze3A_511, %dma_start3A_527] : memref<2x64x3072xf32, #tpu.memory_space<vmem_shared>> -> memref<1x1x1152xf32, #tpu.memory_space<vmem_shared>>
      %dma_start3A_529 = tpu.memref_squeeze %dma_start3A_528 : memref<1x1x1152xf32, #tpu.memory_space<vmem_shared>> -> memref<1x1152xf32, #tpu.memory_space<vmem_shared>>
      tpu.enqueue_dma source(%dma_start3A_529 : memref<1x1152xf32, #tpu.memory_space<vmem_shared>>) target(%dma_start3A_526 : memref<1x1152xf32, #tpu.memory_space<vmem>>) target_semaphore(%dma_start3A_522 : memref<!tpu.dma_semaphore, #tpu.memory_space<semaphore_mem>>)
      %scan3A_530 = arith.constant 0 : i32
      %scan3A_531 = arith.constant 0 : i32
      %scan3A_532 = arith.constant 8 : i32
      %scan3A_533 = arith.addi %scan3A_531, %scan3A_532 : i32
      %scan3A_534 = arith.constant 1 : i32
      scf.for %scan3A_655 = %scan3A_531 to %scan3A_533 step %scan3A_534  : i32 {
        %rem3A_656 = arith.constant 2 : i32
        %rem3A_657 = arith.remsi %scan3A_655, %rem3A_656 : i32
        %ge3A = arith.constant 1 : i32
        %ge3A_658 = arith.cmpi sge, %scan3A_655, %ge3A : i32
        %convert_element_type3A = arith.extui %ge3A_658 : i1 to i32
        %cond3A = arith.constant 0 : i32
        %cond3A_659 = arith.cmpi ne, %convert_element_type3A, %cond3A : i32
        scf.if %cond3A_659 {
          %sub3A_1254 = arith.constant 1 : i32
          %sub3A_1255 = arith.subi %scan3A_655, %sub3A_1254 : i32
          %sub3A_1256 = arith.constant 1 : i32
          %sub3A_1257 = arith.subi %sub3A_1256, %rem3A_657 : i32
          %min3A_1258 = arith.constant 7 : i32
          %min3A_1259 = arith.minsi %sub3A_1255, %min3A_1258 : i32
          %mul3A_1260 = arith.constant 16 : i32
          %mul3A_1261 = arith.muli %min3A_1259, %mul3A_1260 : i32
          %add3A_1262 = arith.addi %mul3A_0, %mul3A_1261 : i32
          %add3A_1263 = arith.constant 1920 : i32
          %add3A_1264 = arith.addi %mul3A_33, %add3A_1263 : i32
          %dma_wait3A_1265 = arith.constant 0 : i32
          %dma_wait3A_1266 = arith.constant 0 : i32
          %dma_wait3A_1267 = tpu.memref_slice %arg6[%sub3A_1257, %dma_wait3A_1265, %dma_wait3A_1266] : memref<2x16x1152xf32, #tpu.memory_space<vmem>> -> memref<1x16x1152xf32, #tpu.memory_space<vmem>>
          %dma_wait3A_1268 = tpu.memref_squeeze %dma_wait3A_1267 : memref<1x16x1152xf32, #tpu.memory_space<vmem>> -> memref<16x1152xf32, #tpu.memory_space<vmem>>
          %dma_wait3A_1269 = tpu.memref_slice %arg4[%add3A_1262, %add3A_1264] : memref<2048x49152xf32, #tpu.memory_space<hbm>> -> memref<16x1152xf32, #tpu.memory_space<hbm>>
          %dma_wait3A_1270 = tpu.memref_slice %arg10[%sub3A_1257] : memref<2x!tpu.dma_semaphore, #tpu.memory_space<semaphore_mem>> -> memref<1x!tpu.dma_semaphore, #tpu.memory_space<semaphore_mem>>
          %dma_wait3A_1271 = tpu.memref_squeeze %dma_wait3A_1270 : memref<1x!tpu.dma_semaphore, #tpu.memory_space<semaphore_mem>> -> memref<!tpu.dma_semaphore, #tpu.memory_space<semaphore_mem>>
          %dma_wait3A_1272 = tpu.memref_slice %arg4[%add3A_1262, %add3A_1264] : memref<2048x49152xf32, #tpu.memory_space<hbm>> -> memref<16x1152xf32, #tpu.memory_space<hbm>>
          %dma_wait3A_1273 = arith.constant 0 : i32
          %dma_wait3A_1274 = arith.constant 0 : i32
          %dma_wait3A_1275 = tpu.memref_slice %arg6[%sub3A_1257, %dma_wait3A_1273, %dma_wait3A_1274] : memref<2x16x1152xf32, #tpu.memory_space<vmem>> -> memref<1x16x1152xf32, #tpu.memory_space<vmem>>
          %dma_wait3A_1276 = tpu.memref_squeeze %dma_wait3A_1275 : memref<1x16x1152xf32, #tpu.memory_space<vmem>> -> memref<16x1152xf32, #tpu.memory_space<vmem>>
          tpu.wait_dma2 semaphore(%dma_wait3A_1271 : memref<!tpu.dma_semaphore, #tpu.memory_space<semaphore_mem>>) src(%dma_wait3A_1276 : memref<16x1152xf32, #tpu.memory_space<vmem>>) dst(%dma_wait3A_1272 : memref<16x1152xf32, #tpu.memory_space<hbm>>)
        } else {
        }
        %add3A_660 = arith.constant 1 : i32
        %add3A_661 = arith.addi %scan3A_655, %add3A_660 : i32
        %lt3A = arith.constant 8 : i32
        %lt3A_662 = arith.cmpi slt, %add3A_661, %lt3A : i32
        %convert_element_type3A_663 = arith.extui %lt3A_662 : i1 to i32
        %cond3A_664 = arith.constant 0 : i32
        %cond3A_665 = arith.cmpi ne, %convert_element_type3A_663, %cond3A_664 : i32
        scf.if %cond3A_665 {
          %add3A_1254 = arith.constant 1 : i32
          %add3A_1255 = arith.addi %scan3A_655, %add3A_1254 : i32
          %sub3A_1256 = arith.constant 1 : i32
          %sub3A_1257 = arith.subi %sub3A_1256, %rem3A_657 : i32
          %mul3A_1258 = arith.constant 16 : i32
          %mul3A_1259 = arith.muli %add3A_1255, %mul3A_1258 : i32
          %get3A_1260 = arith.index_cast %mul3A_1259 : i32 to index
          %get3A_1261 = tpu.vector_load %arg5[%get3A_1260] {strides = array<i32>} : memref<128xi32, #tpu.memory_space<vmem>>, vector<16xi32>,
          %get3A_1262 = vector.shape_cast %get3A_1261 : vector<16xi32> to vector<16xi32>
          %slice3A_1263 = vector.extract_strided_slice %get3A_1262 {offsets = [0], sizes = [1], strides = [1]} : vector<16xi32> to vector<1xi32>
          %squeeze3A_1264 = vector.extract %slice3A_1263[0] : i32 from vector<1xi32>
          %dma_start3A_1265 = arith.constant 0 : i32
          %dma_start3A_1266 = arith.constant 0 : i32
          %dma_start3A_1267 = tpu.memref_slice %arg6[%sub3A_1257, %dma_start3A_1265, %dma_start3A_1266] : memref<2x16x1152xf32, #tpu.memory_space<vmem>> -> memref<1x1x1152xf32, #tpu.memory_space<vmem>>
          %dma_start3A_1268 = tpu.memref_squeeze %dma_start3A_1267 : memref<1x1x1152xf32, #tpu.memory_space<vmem>> -> memref<1x1152xf32, #tpu.memory_space<vmem>>
          %dma_start3A_1269 = arith.constant 1920 : i32
          %dma_start3A_1270 = tpu.memref_slice %arg7[%rem3A_28, %squeeze3A_1264, %dma_start3A_1269] : memref<2x64x3072xf32, #tpu.memory_space<vmem_shared>> -> memref<1x1x1152xf32, #tpu.memory_space<vmem_shared>>
          %dma_start3A_1271 = tpu.memref_squeeze %dma_start3A_1270 : memref<1x1x1152xf32, #tpu.memory_space<vmem_shared>> -> memref<1x1152xf32, #tpu.memory_space<vmem_shared>>
          %dma_start3A_1272 = tpu.memref_slice %arg9[%sub3A_1257] : memref<2x!tpu.dma_semaphore, #tpu.memory_space<semaphore_mem>> -> memref<1x!tpu.dma_semaphore, #tpu.memory_space<semaphore_mem>>
          %dma_start3A_1273 = tpu.memref_squeeze %dma_start3A_1272 : memref<1x!tpu.dma_semaphore, #tpu.memory_space<semaphore_mem>> -> memref<!tpu.dma_semaphore, #tpu.memory_space<semaphore_mem>>
          %dma_start3A_1274 = arith.constant 0 : i32
          %dma_start3A_1275 = arith.constant 0 : i32
          %dma_start3A_1276 = tpu.memref_slice %arg6[%sub3A_1257, %dma_start3A_1274, %dma_start3A_1275] : memref<2x16x1152xf32, #tpu.memory_space<vmem>> -> memref<1x1x1152xf32, #tpu.memory_space<vmem>>
          %dma_start3A_1277 = tpu.memref_squeeze %dma_start3A_1276 : memref<1x1x1152xf32, #tpu.memory_space<vmem>> -> memref<1x1152xf32, #tpu.memory_space<vmem>>
          %dma_start3A_1278 = arith.constant 1920 : i32
          %dma_start3A_1279 = tpu.memref_slice %arg7[%rem3A_28, %squeeze3A_1264, %dma_start3A_1278] : memref<2x64x3072xf32, #tpu.memory_space<vmem_shared>> -> memref<1x1x1152xf32, #tpu.memory_space<vmem_shared>>
          %dma_start3A_1280 = tpu.memref_squeeze %dma_start3A_1279 : memref<1x1x1152xf32, #tpu.memory_space<vmem_shared>> -> memref<1x1152xf32, #tpu.memory_space<vmem_shared>>
          tpu.enqueue_dma source(%dma_start3A_1280 : memref<1x1152xf32, #tpu.memory_space<vmem_shared>>) target(%dma_start3A_1277 : memref<1x1152xf32, #tpu.memory_space<vmem>>) target_semaphore(%dma_start3A_1273 : memref<!tpu.dma_semaphore, #tpu.memory_space<semaphore_mem>>)
          %slice3A_1281 = vector.extract_strided_slice %get3A_1262 {offsets = [1], sizes = [1], strides = [1]} : vector<16xi32> to vector<1xi32>
          %squeeze3A_1282 = vector.extract %slice3A_1281[0] : i32 from vector<1xi32>
          %dma_start3A_1283 = arith.constant 1 : i32
          %dma_start3A_1284 = arith.constant 0 : i32
          %dma_start3A_1285 = tpu.memref_slice %arg6[%sub3A_1257, %dma_start3A_1283, %dma_start3A_1284] : memref<2x16x1152xf32, #tpu.memory_space<vmem>> -> memref<1x1x1152xf32, #tpu.memory_space<vmem>>
          %dma_start3A_1286 = tpu.memref_squeeze %dma_start3A_1285 : memref<1x1x1152xf32, #tpu.memory_space<vmem>> -> memref<1x1152xf32, #tpu.memory_space<vmem>>
          %dma_start3A_1287 = arith.constant 1920 : i32
          %dma_start3A_1288 = tpu.memref_slice %arg7[%rem3A_28, %squeeze3A_1282, %dma_start3A_1287] : memref<2x64x3072xf32, #tpu.memory_space<vmem_shared>> -> memref<1x1x1152xf32, #tpu.memory_space<vmem_shared>>
          %dma_start3A_1289 = tpu.memref_squeeze %dma_start3A_1288 : memref<1x1x1152xf32, #tpu.memory_space<vmem_shared>> -> memref<1x1152xf32, #tpu.memory_space<vmem_shared>>
          %dma_start3A_1290 = tpu.memref_slice %arg9[%sub3A_1257] : memref<2x!tpu.dma_semaphore, #tpu.memory_space<semaphore_mem>> -> memref<1x!tpu.dma_semaphore, #tpu.memory_space<semaphore_mem>>
          %dma_start3A_1291 = tpu.memref_squeeze %dma_start3A_1290 : memref<1x!tpu.dma_semaphore, #tpu.memory_space<semaphore_mem>> -> memref<!tpu.dma_semaphore, #tpu.memory_space<semaphore_mem>>
          %dma_start3A_1292 = arith.constant 1 : i32
          %dma_start3A_1293 = arith.constant 0 : i32
          %dma_start3A_1294 = tpu.memref_slice %arg6[%sub3A_1257, %dma_start3A_1292, %dma_start3A_1293] : memref<2x16x1152xf32, #tpu.memory_space<vmem>> -> memref<1x1x1152xf32, #tpu.memory_space<vmem>>
          %dma_start3A_1295 = tpu.memref_squeeze %dma_start3A_1294 : memref<1x1x1152xf32, #tpu.memory_space<vmem>> -> memref<1x1152xf32, #tpu.memory_space<vmem>>
          %dma_start3A_1296 = arith.constant 1920 : i32
          %dma_start3A_1297 = tpu.memref_slice %arg7[%rem3A_28, %squeeze3A_1282, %dma_start3A_1296] : memref<2x64x3072xf32, #tpu.memory_space<vmem_shared>> -> memref<1x1x1152xf32, #tpu.memory_space<vmem_shared>>
          %dma_start3A_1298 = tpu.memref_squeeze %dma_start3A_1297 : memref<1x1x1152xf32, #tpu.memory_space<vmem_shared>> -> memref<1x1152xf32, #tpu.memory_space<vmem_shared>>
          tpu.enqueue_dma source(%dma_start3A_1298 : memref<1x1152xf32, #tpu.memory_space<vmem_shared>>) target(%dma_start3A_1295 : memref<1x1152xf32, #tpu.memory_space<vmem>>) target_semaphore(%dma_start3A_1291 : memref<!tpu.dma_semaphore, #tpu.memory_space<semaphore_mem>>)
          %slice3A_1299 = vector.extract_strided_slice %get3A_1262 {offsets = [2], sizes = [1], strides = [1]} : vector<16xi32> to vector<1xi32>
          %squeeze3A_1300 = vector.extract %slice3A_1299[0] : i32 from vector<1xi32>
          %dma_start3A_1301 = arith.constant 2 : i32
          %dma_start3A_1302 = arith.constant 0 : i32
          %dma_start3A_1303 = tpu.memref_slice %arg6[%sub3A_1257, %dma_start3A_1301, %dma_start3A_1302] : memref<2x16x1152xf32, #tpu.memory_space<vmem>> -> memref<1x1x1152xf32, #tpu.memory_space<vmem>>
          %dma_start3A_1304 = tpu.memref_squeeze %dma_start3A_1303 : memref<1x1x1152xf32, #tpu.memory_space<vmem>> -> memref<1x1152xf32, #tpu.memory_space<vmem>>
          %dma_start3A_1305 = arith.constant 1920 : i32
          %dma_start3A_1306 = tpu.memref_slice %arg7[%rem3A_28, %squeeze3A_1300, %dma_start3A_1305] : memref<2x64x3072xf32, #tpu.memory_space<vmem_shared>> -> memref<1x1x1152xf32, #tpu.memory_space<vmem_shared>>
          %dma_start3A_1307 = tpu.memref_squeeze %dma_start3A_1306 : memref<1x1x1152xf32, #tpu.memory_space<vmem_shared>> -> memref<1x1152xf32, #tpu.memory_space<vmem_shared>>
          %dma_start3A_1308 = tpu.memref_slice %arg9[%sub3A_1257] : memref<2x!tpu.dma_semaphore, #tpu.memory_space<semaphore_mem>> -> memref<1x!tpu.dma_semaphore, #tpu.memory_space<semaphore_mem>>
          %dma_start3A_1309 = tpu.memref_squeeze %dma_start3A_1308 : memref<1x!tpu.dma_semaphore, #tpu.memory_space<semaphore_mem>> -> memref<!tpu.dma_semaphore, #tpu.memory_space<semaphore_mem>>
          %dma_start3A_1310 = arith.constant 2 : i32
          %dma_start3A_1311 = arith.constant 0 : i32
          %dma_start3A_1312 = tpu.memref_slice %arg6[%sub3A_1257, %dma_start3A_1310, %dma_start3A_1311] : memref<2x16x1152xf32, #tpu.memory_space<vmem>> -> memref<1x1x1152xf32, #tpu.memory_space<vmem>>
          %dma_start3A_1313 = tpu.memref_squeeze %dma_start3A_1312 : memref<1x1x1152xf32, #tpu.memory_space<vmem>> -> memref<1x1152xf32, #tpu.memory_space<vmem>>
          %dma_start3A_1314 = arith.constant 1920 : i32
          %dma_start3A_1315 = tpu.memref_slice %arg7[%rem3A_28, %squeeze3A_1300, %dma_start3A_1314] : memref<2x64x3072xf32, #tpu.memory_space<vmem_shared>> -> memref<1x1x1152xf32, #tpu.memory_space<vmem_shared>>
          %dma_start3A_1316 = tpu.memref_squeeze %dma_start3A_1315 : memref<1x1x1152xf32, #tpu.memory_space<vmem_shared>> -> memref<1x1152xf32, #tpu.memory_space<vmem_shared>>
          tpu.enqueue_dma source(%dma_start3A_1316 : memref<1x1152xf32, #tpu.memory_space<vmem_shared>>) target(%dma_start3A_1313 : memref<1x1152xf32, #tpu.memory_space<vmem>>) target_semaphore(%dma_start3A_1309 : memref<!tpu.dma_semaphore, #tpu.memory_space<semaphore_mem>>)
          %slice3A_1317 = vector.extract_strided_slice %get3A_1262 {offsets = [3], sizes = [1], strides = [1]} : vector<16xi32> to vector<1xi32>
          %squeeze3A_1318 = vector.extract %slice3A_1317[0] : i32 from vector<1xi32>
          %dma_start3A_1319 = arith.constant 3 : i32
          %dma_start3A_1320 = arith.constant 0 : i32
          %dma_start3A_1321 = tpu.memref_slice %arg6[%sub3A_1257, %dma_start3A_1319, %dma_start3A_1320] : memref<2x16x1152xf32, #tpu.memory_space<vmem>> -> memref<1x1x1152xf32, #tpu.memory_space<vmem>>
          %dma_start3A_1322 = tpu.memref_squeeze %dma_start3A_1321 : memref<1x1x1152xf32, #tpu.memory_space<vmem>> -> memref<1x1152xf32, #tpu.memory_space<vmem>>
          %dma_start3A_1323 = arith.constant 1920 : i32
          %dma_start3A_1324 = tpu.memref_slice %arg7[%rem3A_28, %squeeze3A_1318, %dma_start3A_1323] : memref<2x64x3072xf32, #tpu.memory_space<vmem_shared>> -> memref<1x1x1152xf32, #tpu.memory_space<vmem_shared>>
          %dma_start3A_1325 = tpu.memref_squeeze %dma_start3A_1324 : memref<1x1x1152xf32, #tpu.memory_space<vmem_shared>> -> memref<1x1152xf32, #tpu.memory_space<vmem_shared>>
          %dma_start3A_1326 = tpu.memref_slice %arg9[%sub3A_1257] : memref<2x!tpu.dma_semaphore, #tpu.memory_space<semaphore_mem>> -> memref<1x!tpu.dma_semaphore, #tpu.memory_space<semaphore_mem>>
          %dma_start3A_1327 = tpu.memref_squeeze %dma_start3A_1326 : memref<1x!tpu.dma_semaphore, #tpu.memory_space<semaphore_mem>> -> memref<!tpu.dma_semaphore, #tpu.memory_space<semaphore_mem>>
          %dma_start3A_1328 = arith.constant 3 : i32
          %dma_start3A_1329 = arith.constant 0 : i32
          %dma_start3A_1330 = tpu.memref_slice %arg6[%sub3A_1257, %dma_start3A_1328, %dma_start3A_1329] : memref<2x16x1152xf32, #tpu.memory_space<vmem>> -> memref<1x1x1152xf32, #tpu.memory_space<vmem>>
          %dma_start3A_1331 = tpu.memref_squeeze %dma_start3A_1330 : memref<1x1x1152xf32, #tpu.memory_space<vmem>> -> memref<1x1152xf32, #tpu.memory_space<vmem>>
          %dma_start3A_1332 = arith.constant 1920 : i32
          %dma_start3A_1333 = tpu.memref_slice %arg7[%rem3A_28, %squeeze3A_1318, %dma_start3A_1332] : memref<2x64x3072xf32, #tpu.memory_space<vmem_shared>> -> memref<1x1x1152xf32, #tpu.memory_space<vmem_shared>>
          %dma_start3A_1334 = tpu.memref_squeeze %dma_start3A_1333 : memref<1x1x1152xf32, #tpu.memory_space<vmem_shared>> -> memref<1x1152xf32, #tpu.memory_space<vmem_shared>>
          tpu.enqueue_dma source(%dma_start3A_1334 : memref<1x1152xf32, #tpu.memory_space<vmem_shared>>) target(%dma_start3A_1331 : memref<1x1152xf32, #tpu.memory_space<vmem>>) target_semaphore(%dma_start3A_1327 : memref<!tpu.dma_semaphore, #tpu.memory_space<semaphore_mem>>)
          %slice3A_1335 = vector.extract_strided_slice %get3A_1262 {offsets = [4], sizes = [1], strides = [1]} : vector<16xi32> to vector<1xi32>
          %squeeze3A_1336 = vector.extract %slice3A_1335[0] : i32 from vector<1xi32>
          %dma_start3A_1337 = arith.constant 4 : i32
          %dma_start3A_1338 = arith.constant 0 : i32
          %dma_start3A_1339 = tpu.memref_slice %arg6[%sub3A_1257, %dma_start3A_1337, %dma_start3A_1338] : memref<2x16x1152xf32, #tpu.memory_space<vmem>> -> memref<1x1x1152xf32, #tpu.memory_space<vmem>>
          %dma_start3A_1340 = tpu.memref_squeeze %dma_start3A_1339 : memref<1x1x1152xf32, #tpu.memory_space<vmem>> -> memref<1x1152xf32, #tpu.memory_space<vmem>>
          %dma_start3A_1341 = arith.constant 1920 : i32
          %dma_start3A_1342 = tpu.memref_slice %arg7[%rem3A_28, %squeeze3A_1336, %dma_start3A_1341] : memref<2x64x3072xf32, #tpu.memory_space<vmem_shared>> -> memref<1x1x1152xf32, #tpu.memory_space<vmem_shared>>
          %dma_start3A_1343 = tpu.memref_squeeze %dma_start3A_1342 : memref<1x1x1152xf32, #tpu.memory_space<vmem_shared>> -> memref<1x1152xf32, #tpu.memory_space<vmem_shared>>
          %dma_start3A_1344 = tpu.memref_slice %arg9[%sub3A_1257] : memref<2x!tpu.dma_semaphore, #tpu.memory_space<semaphore_mem>> -> memref<1x!tpu.dma_semaphore, #tpu.memory_space<semaphore_mem>>
          %dma_start3A_1345 = tpu.memref_squeeze %dma_start3A_1344 : memref<1x!tpu.dma_semaphore, #tpu.memory_space<semaphore_mem>> -> memref<!tpu.dma_semaphore, #tpu.memory_space<semaphore_mem>>
          %dma_start3A_1346 = arith.constant 4 : i32
          %dma_start3A_1347 = arith.constant 0 : i32
          %dma_start3A_1348 = tpu.memref_slice %arg6[%sub3A_1257, %dma_start3A_1346, %dma_start3A_1347] : memref<2x16x1152xf32, #tpu.memory_space<vmem>> -> memref<1x1x1152xf32, #tpu.memory_space<vmem>>
          %dma_start3A_1349 = tpu.memref_squeeze %dma_start3A_1348 : memref<1x1x1152xf32, #tpu.memory_space<vmem>> -> memref<1x1152xf32, #tpu.memory_space<vmem>>
          %dma_start3A_1350 = arith.constant 1920 : i32
          %dma_start3A_1351 = tpu.memref_slice %arg7[%rem3A_28, %squeeze3A_1336, %dma_start3A_1350] : memref<2x64x3072xf32, #tpu.memory_space<vmem_shared>> -> memref<1x1x1152xf32, #tpu.memory_space<vmem_shared>>
          %dma_start3A_1352 = tpu.memref_squeeze %dma_start3A_1351 : memref<1x1x1152xf32, #tpu.memory_space<vmem_shared>> -> memref<1x1152xf32, #tpu.memory_space<vmem_shared>>
          tpu.enqueue_dma source(%dma_start3A_1352 : memref<1x1152xf32, #tpu.memory_space<vmem_shared>>) target(%dma_start3A_1349 : memref<1x1152xf32, #tpu.memory_space<vmem>>) target_semaphore(%dma_start3A_1345 : memref<!tpu.dma_semaphore, #tpu.memory_space<semaphore_mem>>)
          %slice3A_1353 = vector.extract_strided_slice %get3A_1262 {offsets = [5], sizes = [1], strides = [1]} : vector<16xi32> to vector<1xi32>
          %squeeze3A_1354 = vector.extract %slice3A_1353[0] : i32 from vector<1xi32>
          %dma_start3A_1355 = arith.constant 5 : i32
          %dma_start3A_1356 = arith.constant 0 : i32
          %dma_start3A_1357 = tpu.memref_slice %arg6[%sub3A_1257, %dma_start3A_1355, %dma_start3A_1356] : memref<2x16x1152xf32, #tpu.memory_space<vmem>> -> memref<1x1x1152xf32, #tpu.memory_space<vmem>>
          %dma_start3A_1358 = tpu.memref_squeeze %dma_start3A_1357 : memref<1x1x1152xf32, #tpu.memory_space<vmem>> -> memref<1x1152xf32, #tpu.memory_space<vmem>>
          %dma_start3A_1359 = arith.constant 1920 : i32
          %dma_start3A_1360 = tpu.memref_slice %arg7[%rem3A_28, %squeeze3A_1354, %dma_start3A_1359] : memref<2x64x3072xf32, #tpu.memory_space<vmem_shared>> -> memref<1x1x1152xf32, #tpu.memory_space<vmem_shared>>
          %dma_start3A_1361 = tpu.memref_squeeze %dma_start3A_1360 : memref<1x1x1152xf32, #tpu.memory_space<vmem_shared>> -> memref<1x1152xf32, #tpu.memory_space<vmem_shared>>
          %dma_start3A_1362 = tpu.memref_slice %arg9[%sub3A_1257] : memref<2x!tpu.dma_semaphore, #tpu.memory_space<semaphore_mem>> -> memref<1x!tpu.dma_semaphore, #tpu.memory_space<semaphore_mem>>
          %dma_start3A_1363 = tpu.memref_squeeze %dma_start3A_1362 : memref<1x!tpu.dma_semaphore, #tpu.memory_space<semaphore_mem>> -> memref<!tpu.dma_semaphore, #tpu.memory_space<semaphore_mem>>
          %dma_start3A_1364 = arith.constant 5 : i32
          %dma_start3A_1365 = arith.constant 0 : i32
          %dma_start3A_1366 = tpu.memref_slice %arg6[%sub3A_1257, %dma_start3A_1364, %dma_start3A_1365] : memref<2x16x1152xf32, #tpu.memory_space<vmem>> -> memref<1x1x1152xf32, #tpu.memory_space<vmem>>
          %dma_start3A_1367 = tpu.memref_squeeze %dma_start3A_1366 : memref<1x1x1152xf32, #tpu.memory_space<vmem>> -> memref<1x1152xf32, #tpu.memory_space<vmem>>
          %dma_start3A_1368 = arith.constant 1920 : i32
          %dma_start3A_1369 = tpu.memref_slice %arg7[%rem3A_28, %squeeze3A_1354, %dma_start3A_1368] : memref<2x64x3072xf32, #tpu.memory_space<vmem_shared>> -> memref<1x1x1152xf32, #tpu.memory_space<vmem_shared>>
          %dma_start3A_1370 = tpu.memref_squeeze %dma_start3A_1369 : memref<1x1x1152xf32, #tpu.memory_space<vmem_shared>> -> memref<1x1152xf32, #tpu.memory_space<vmem_shared>>
          tpu.enqueue_dma source(%dma_start3A_1370 : memref<1x1152xf32, #tpu.memory_space<vmem_shared>>) target(%dma_start3A_1367 : memref<1x1152xf32, #tpu.memory_space<vmem>>) target_semaphore(%dma_start3A_1363 : memref<!tpu.dma_semaphore, #tpu.memory_space<semaphore_mem>>)
          %slice3A_1371 = vector.extract_strided_slice %get3A_1262 {offsets = [6], sizes = [1], strides = [1]} : vector<16xi32> to vector<1xi32>
          %squeeze3A_1372 = vector.extract %slice3A_1371[0] : i32 from vector<1xi32>
          %dma_start3A_1373 = arith.constant 6 : i32
          %dma_start3A_1374 = arith.constant 0 : i32
          %dma_start3A_1375 = tpu.memref_slice %arg6[%sub3A_1257, %dma_start3A_1373, %dma_start3A_1374] : memref<2x16x1152xf32, #tpu.memory_space<vmem>> -> memref<1x1x1152xf32, #tpu.memory_space<vmem>>
          %dma_start3A_1376 = tpu.memref_squeeze %dma_start3A_1375 : memref<1x1x1152xf32, #tpu.memory_space<vmem>> -> memref<1x1152xf32, #tpu.memory_space<vmem>>
          %dma_start3A_1377 = arith.constant 1920 : i32
          %dma_start3A_1378 = tpu.memref_slice %arg7[%rem3A_28, %squeeze3A_1372, %dma_start3A_1377] : memref<2x64x3072xf32, #tpu.memory_space<vmem_shared>> -> memref<1x1x1152xf32, #tpu.memory_space<vmem_shared>>
          %dma_start3A_1379 = tpu.memref_squeeze %dma_start3A_1378 : memref<1x1x1152xf32, #tpu.memory_space<vmem_shared>> -> memref<1x1152xf32, #tpu.memory_space<vmem_shared>>
          %dma_start3A_1380 = tpu.memref_slice %arg9[%sub3A_1257] : memref<2x!tpu.dma_semaphore, #tpu.memory_space<semaphore_mem>> -> memref<1x!tpu.dma_semaphore, #tpu.memory_space<semaphore_mem>>
          %dma_start3A_1381 = tpu.memref_squeeze %dma_start3A_1380 : memref<1x!tpu.dma_semaphore, #tpu.memory_space<semaphore_mem>> -> memref<!tpu.dma_semaphore, #tpu.memory_space<semaphore_mem>>
          %dma_start3A_1382 = arith.constant 6 : i32
          %dma_start3A_1383 = arith.constant 0 : i32
          %dma_start3A_1384 = tpu.memref_slice %arg6[%sub3A_1257, %dma_start3A_1382, %dma_start3A_1383] : memref<2x16x1152xf32, #tpu.memory_space<vmem>> -> memref<1x1x1152xf32, #tpu.memory_space<vmem>>
          %dma_start3A_1385 = tpu.memref_squeeze %dma_start3A_1384 : memref<1x1x1152xf32, #tpu.memory_space<vmem>> -> memref<1x1152xf32, #tpu.memory_space<vmem>>
          %dma_start3A_1386 = arith.constant 1920 : i32
          %dma_start3A_1387 = tpu.memref_slice %arg7[%rem3A_28, %squeeze3A_1372, %dma_start3A_1386] : memref<2x64x3072xf32, #tpu.memory_space<vmem_shared>> -> memref<1x1x1152xf32, #tpu.memory_space<vmem_shared>>
          %dma_start3A_1388 = tpu.memref_squeeze %dma_start3A_1387 : memref<1x1x1152xf32, #tpu.memory_space<vmem_shared>> -> memref<1x1152xf32, #tpu.memory_space<vmem_shared>>
          tpu.enqueue_dma source(%dma_start3A_1388 : memref<1x1152xf32, #tpu.memory_space<vmem_shared>>) target(%dma_start3A_1385 : memref<1x1152xf32, #tpu.memory_space<vmem>>) target_semaphore(%dma_start3A_1381 : memref<!tpu.dma_semaphore, #tpu.memory_space<semaphore_mem>>)
          %slice3A_1389 = vector.extract_strided_slice %get3A_1262 {offsets = [7], sizes = [1], strides = [1]} : vector<16xi32> to vector<1xi32>
          %squeeze3A_1390 = vector.extract %slice3A_1389[0] : i32 from vector<1xi32>
          %dma_start3A_1391 = arith.constant 7 : i32
          %dma_start3A_1392 = arith.constant 0 : i32
          %dma_start3A_1393 = tpu.memref_slice %arg6[%sub3A_1257, %dma_start3A_1391, %dma_start3A_1392] : memref<2x16x1152xf32, #tpu.memory_space<vmem>> -> memref<1x1x1152xf32, #tpu.memory_space<vmem>>
          %dma_start3A_1394 = tpu.memref_squeeze %dma_start3A_1393 : memref<1x1x1152xf32, #tpu.memory_space<vmem>> -> memref<1x1152xf32, #tpu.memory_space<vmem>>
          %dma_start3A_1395 = arith.constant 1920 : i32
          %dma_start3A_1396 = tpu.memref_slice %arg7[%rem3A_28, %squeeze3A_1390, %dma_start3A_1395] : memref<2x64x3072xf32, #tpu.memory_space<vmem_shared>> -> memref<1x1x1152xf32, #tpu.memory_space<vmem_shared>>
          %dma_start3A_1397 = tpu.memref_squeeze %dma_start3A_1396 : memref<1x1x1152xf32, #tpu.memory_space<vmem_shared>> -> memref<1x1152xf32, #tpu.memory_space<vmem_shared>>
          %dma_start3A_1398 = tpu.memref_slice %arg9[%sub3A_1257] : memref<2x!tpu.dma_semaphore, #tpu.memory_space<semaphore_mem>> -> memref<1x!tpu.dma_semaphore, #tpu.memory_space<semaphore_mem>>
          %dma_start3A_1399 = tpu.memref_squeeze %dma_start3A_1398 : memref<1x!tpu.dma_semaphore, #tpu.memory_space<semaphore_mem>> -> memref<!tpu.dma_semaphore, #tpu.memory_space<semaphore_mem>>
          %dma_start3A_1400 = arith.constant 7 : i32
          %dma_start3A_1401 = arith.constant 0 : i32
          %dma_start3A_1402 = tpu.memref_slice %arg6[%sub3A_1257, %dma_start3A_1400, %dma_start3A_1401] : memref<2x16x1152xf32, #tpu.memory_space<vmem>> -> memref<1x1x1152xf32, #tpu.memory_space<vmem>>
          %dma_start3A_1403 = tpu.memref_squeeze %dma_start3A_1402 : memref<1x1x1152xf32, #tpu.memory_space<vmem>> -> memref<1x1152xf32, #tpu.memory_space<vmem>>
          %dma_start3A_1404 = arith.constant 1920 : i32
          %dma_start3A_1405 = tpu.memref_slice %arg7[%rem3A_28, %squeeze3A_1390, %dma_start3A_1404] : memref<2x64x3072xf32, #tpu.memory_space<vmem_shared>> -> memref<1x1x1152xf32, #tpu.memory_space<vmem_shared>>
          %dma_start3A_1406 = tpu.memref_squeeze %dma_start3A_1405 : memref<1x1x1152xf32, #tpu.memory_space<vmem_shared>> -> memref<1x1152xf32, #tpu.memory_space<vmem_shared>>
          tpu.enqueue_dma source(%dma_start3A_1406 : memref<1x1152xf32, #tpu.memory_space<vmem_shared>>) target(%dma_start3A_1403 : memref<1x1152xf32, #tpu.memory_space<vmem>>) target_semaphore(%dma_start3A_1399 : memref<!tpu.dma_semaphore, #tpu.memory_space<semaphore_mem>>)
          %slice3A_1407 = vector.extract_strided_slice %get3A_1262 {offsets = [8], sizes = [1], strides = [1]} : vector<16xi32> to vector<1xi32>
          %squeeze3A_1408 = vector.extract %slice3A_1407[0] : i32 from vector<1xi32>
          %dma_start3A_1409 = arith.constant 8 : i32
          %dma_start3A_1410 = arith.constant 0 : i32
          %dma_start3A_1411 = tpu.memref_slice %arg6[%sub3A_1257, %dma_start3A_1409, %dma_start3A_1410] : memref<2x16x1152xf32, #tpu.memory_space<vmem>> -> memref<1x1x1152xf32, #tpu.memory_space<vmem>>
          %dma_start3A_1412 = tpu.memref_squeeze %dma_start3A_1411 : memref<1x1x1152xf32, #tpu.memory_space<vmem>> -> memref<1x1152xf32, #tpu.memory_space<vmem>>
          %dma_start3A_1413 = arith.constant 1920 : i32
          %dma_start3A_1414 = tpu.memref_slice %arg7[%rem3A_28, %squeeze3A_1408, %dma_start3A_1413] : memref<2x64x3072xf32, #tpu.memory_space<vmem_shared>> -> memref<1x1x1152xf32, #tpu.memory_space<vmem_shared>>
          %dma_start3A_1415 = tpu.memref_squeeze %dma_start3A_1414 : memref<1x1x1152xf32, #tpu.memory_space<vmem_shared>> -> memref<1x1152xf32, #tpu.memory_space<vmem_shared>>
          %dma_start3A_1416 = tpu.memref_slice %arg9[%sub3A_1257] : memref<2x!tpu.dma_semaphore, #tpu.memory_space<semaphore_mem>> -> memref<1x!tpu.dma_semaphore, #tpu.memory_space<semaphore_mem>>
          %dma_start3A_1417 = tpu.memref_squeeze %dma_start3A_1416 : memref<1x!tpu.dma_semaphore, #tpu.memory_space<semaphore_mem>> -> memref<!tpu.dma_semaphore, #tpu.memory_space<semaphore_mem>>
          %dma_start3A_1418 = arith.constant 8 : i32
          %dma_start3A_1419 = arith.constant 0 : i32
          %dma_start3A_1420 = tpu.memref_slice %arg6[%sub3A_1257, %dma_start3A_1418, %dma_start3A_1419] : memref<2x16x1152xf32, #tpu.memory_space<vmem>> -> memref<1x1x1152xf32, #tpu.memory_space<vmem>>
          %dma_start3A_1421 = tpu.memref_squeeze %dma_start3A_1420 : memref<1x1x1152xf32, #tpu.memory_space<vmem>> -> memref<1x1152xf32, #tpu.memory_space<vmem>>
          %dma_start3A_1422 = arith.constant 1920 : i32
          %dma_start3A_1423 = tpu.memref_slice %arg7[%rem3A_28, %squeeze3A_1408, %dma_start3A_1422] : memref<2x64x3072xf32, #tpu.memory_space<vmem_shared>> -> memref<1x1x1152xf32, #tpu.memory_space<vmem_shared>>
          %dma_start3A_1424 = tpu.memref_squeeze %dma_start3A_1423 : memref<1x1x1152xf32, #tpu.memory_space<vmem_shared>> -> memref<1x1152xf32, #tpu.memory_space<vmem_shared>>
          tpu.enqueue_dma source(%dma_start3A_1424 : memref<1x1152xf32, #tpu.memory_space<vmem_shared>>) target(%dma_start3A_1421 : memref<1x1152xf32, #tpu.memory_space<vmem>>) target_semaphore(%dma_start3A_1417 : memref<!tpu.dma_semaphore, #tpu.memory_space<semaphore_mem>>)
          %slice3A_1425 = vector.extract_strided_slice %get3A_1262 {offsets = [9], sizes = [1], strides = [1]} : vector<16xi32> to vector<1xi32>
          %squeeze3A_1426 = vector.extract %slice3A_1425[0] : i32 from vector<1xi32>
          %dma_start3A_1427 = arith.constant 9 : i32
          %dma_start3A_1428 = arith.constant 0 : i32
          %dma_start3A_1429 = tpu.memref_slice %arg6[%sub3A_1257, %dma_start3A_1427, %dma_start3A_1428] : memref<2x16x1152xf32, #tpu.memory_space<vmem>> -> memref<1x1x1152xf32, #tpu.memory_space<vmem>>
          %dma_start3A_1430 = tpu.memref_squeeze %dma_start3A_1429 : memref<1x1x1152xf32, #tpu.memory_space<vmem>> -> memref<1x1152xf32, #tpu.memory_space<vmem>>
          %dma_start3A_1431 = arith.constant 1920 : i32
          %dma_start3A_1432 = tpu.memref_slice %arg7[%rem3A_28, %squeeze3A_1426, %dma_start3A_1431] : memref<2x64x3072xf32, #tpu.memory_space<vmem_shared>> -> memref<1x1x1152xf32, #tpu.memory_space<vmem_shared>>
          %dma_start3A_1433 = tpu.memref_squeeze %dma_start3A_1432 : memref<1x1x1152xf32, #tpu.memory_space<vmem_shared>> -> memref<1x1152xf32, #tpu.memory_space<vmem_shared>>
          %dma_start3A_1434 = tpu.memref_slice %arg9[%sub3A_1257] : memref<2x!tpu.dma_semaphore, #tpu.memory_space<semaphore_mem>> -> memref<1x!tpu.dma_semaphore, #tpu.memory_space<semaphore_mem>>
          %dma_start3A_1435 = tpu.memref_squeeze %dma_start3A_1434 : memref<1x!tpu.dma_semaphore, #tpu.memory_space<semaphore_mem>> -> memref<!tpu.dma_semaphore, #tpu.memory_space<semaphore_mem>>
          %dma_start3A_1436 = arith.constant 9 : i32
          %dma_start3A_1437 = arith.constant 0 : i32
          %dma_start3A_1438 = tpu.memref_slice %arg6[%sub3A_1257, %dma_start3A_1436, %dma_start3A_1437] : memref<2x16x1152xf32, #tpu.memory_space<vmem>> -> memref<1x1x1152xf32, #tpu.memory_space<vmem>>
          %dma_start3A_1439 = tpu.memref_squeeze %dma_start3A_1438 : memref<1x1x1152xf32, #tpu.memory_space<vmem>> -> memref<1x1152xf32, #tpu.memory_space<vmem>>
          %dma_start3A_1440 = arith.constant 1920 : i32
          %dma_start3A_1441 = tpu.memref_slice %arg7[%rem3A_28, %squeeze3A_1426, %dma_start3A_1440] : memref<2x64x3072xf32, #tpu.memory_space<vmem_shared>> -> memref<1x1x1152xf32, #tpu.memory_space<vmem_shared>>
          %dma_start3A_1442 = tpu.memref_squeeze %dma_start3A_1441 : memref<1x1x1152xf32, #tpu.memory_space<vmem_shared>> -> memref<1x1152xf32, #tpu.memory_space<vmem_shared>>
          tpu.enqueue_dma source(%dma_start3A_1442 : memref<1x1152xf32, #tpu.memory_space<vmem_shared>>) target(%dma_start3A_1439 : memref<1x1152xf32, #tpu.memory_space<vmem>>) target_semaphore(%dma_start3A_1435 : memref<!tpu.dma_semaphore, #tpu.memory_space<semaphore_mem>>)
          %slice3A_1443 = vector.extract_strided_slice %get3A_1262 {offsets = [10], sizes = [1], strides = [1]} : vector<16xi32> to vector<1xi32>
          %squeeze3A_1444 = vector.extract %slice3A_1443[0] : i32 from vector<1xi32>
          %dma_start3A_1445 = arith.constant 10 : i32
          %dma_start3A_1446 = arith.constant 0 : i32
          %dma_start3A_1447 = tpu.memref_slice %arg6[%sub3A_1257, %dma_start3A_1445, %dma_start3A_1446] : memref<2x16x1152xf32, #tpu.memory_space<vmem>> -> memref<1x1x1152xf32, #tpu.memory_space<vmem>>
          %dma_start3A_1448 = tpu.memref_squeeze %dma_start3A_1447 : memref<1x1x1152xf32, #tpu.memory_space<vmem>> -> memref<1x1152xf32, #tpu.memory_space<vmem>>
          %dma_start3A_1449 = arith.constant 1920 : i32
          %dma_start3A_1450 = tpu.memref_slice %arg7[%rem3A_28, %squeeze3A_1444, %dma_start3A_1449] : memref<2x64x3072xf32, #tpu.memory_space<vmem_shared>> -> memref<1x1x1152xf32, #tpu.memory_space<vmem_shared>>
          %dma_start3A_1451 = tpu.memref_squeeze %dma_start3A_1450 : memref<1x1x1152xf32, #tpu.memory_space<vmem_shared>> -> memref<1x1152xf32, #tpu.memory_space<vmem_shared>>
          %dma_start3A_1452 = tpu.memref_slice %arg9[%sub3A_1257] : memref<2x!tpu.dma_semaphore, #tpu.memory_space<semaphore_mem>> -> memref<1x!tpu.dma_semaphore, #tpu.memory_space<semaphore_mem>>
          %dma_start3A_1453 = tpu.memref_squeeze %dma_start3A_1452 : memref<1x!tpu.dma_semaphore, #tpu.memory_space<semaphore_mem>> -> memref<!tpu.dma_semaphore, #tpu.memory_space<semaphore_mem>>
          %dma_start3A_1454 = arith.constant 10 : i32
          %dma_start3A_1455 = arith.constant 0 : i32
          %dma_start3A_1456 = tpu.memref_slice %arg6[%sub3A_1257, %dma_start3A_1454, %dma_start3A_1455] : memref<2x16x1152xf32, #tpu.memory_space<vmem>> -> memref<1x1x1152xf32, #tpu.memory_space<vmem>>
          %dma_start3A_1457 = tpu.memref_squeeze %dma_start3A_1456 : memref<1x1x1152xf32, #tpu.memory_space<vmem>> -> memref<1x1152xf32, #tpu.memory_space<vmem>>
          %dma_start3A_1458 = arith.constant 1920 : i32
          %dma_start3A_1459 = tpu.memref_slice %arg7[%rem3A_28, %squeeze3A_1444, %dma_start3A_1458] : memref<2x64x3072xf32, #tpu.memory_space<vmem_shared>> -> memref<1x1x1152xf32, #tpu.memory_space<vmem_shared>>
          %dma_start3A_1460 = tpu.memref_squeeze %dma_start3A_1459 : memref<1x1x1152xf32, #tpu.memory_space<vmem_shared>> -> memref<1x1152xf32, #tpu.memory_space<vmem_shared>>
          tpu.enqueue_dma source(%dma_start3A_1460 : memref<1x1152xf32, #tpu.memory_space<vmem_shared>>) target(%dma_start3A_1457 : memref<1x1152xf32, #tpu.memory_space<vmem>>) target_semaphore(%dma_start3A_1453 : memref<!tpu.dma_semaphore, #tpu.memory_space<semaphore_mem>>)
          %slice3A_1461 = vector.extract_strided_slice %get3A_1262 {offsets = [11], sizes = [1], strides = [1]} : vector<16xi32> to vector<1xi32>
          %squeeze3A_1462 = vector.extract %slice3A_1461[0] : i32 from vector<1xi32>
          %dma_start3A_1463 = arith.constant 11 : i32
          %dma_start3A_1464 = arith.constant 0 : i32
          %dma_start3A_1465 = tpu.memref_slice %arg6[%sub3A_1257, %dma_start3A_1463, %dma_start3A_1464] : memref<2x16x1152xf32, #tpu.memory_space<vmem>> -> memref<1x1x1152xf32, #tpu.memory_space<vmem>>
          %dma_start3A_1466 = tpu.memref_squeeze %dma_start3A_1465 : memref<1x1x1152xf32, #tpu.memory_space<vmem>> -> memref<1x1152xf32, #tpu.memory_space<vmem>>
          %dma_start3A_1467 = arith.constant 1920 : i32
          %dma_start3A_1468 = tpu.memref_slice %arg7[%rem3A_28, %squeeze3A_1462, %dma_start3A_1467] : memref<2x64x3072xf32, #tpu.memory_space<vmem_shared>> -> memref<1x1x1152xf32, #tpu.memory_space<vmem_shared>>
          %dma_start3A_1469 = tpu.memref_squeeze %dma_start3A_1468 : memref<1x1x1152xf32, #tpu.memory_space<vmem_shared>> -> memref<1x1152xf32, #tpu.memory_space<vmem_shared>>
          %dma_start3A_1470 = tpu.memref_slice %arg9[%sub3A_1257] : memref<2x!tpu.dma_semaphore, #tpu.memory_space<semaphore_mem>> -> memref<1x!tpu.dma_semaphore, #tpu.memory_space<semaphore_mem>>
          %dma_start3A_1471 = tpu.memref_squeeze %dma_start3A_1470 : memref<1x!tpu.dma_semaphore, #tpu.memory_space<semaphore_mem>> -> memref<!tpu.dma_semaphore, #tpu.memory_space<semaphore_mem>>
          %dma_start3A_1472 = arith.constant 11 : i32
          %dma_start3A_1473 = arith.constant 0 : i32
          %dma_start3A_1474 = tpu.memref_slice %arg6[%sub3A_1257, %dma_start3A_1472, %dma_start3A_1473] : memref<2x16x1152xf32, #tpu.memory_space<vmem>> -> memref<1x1x1152xf32, #tpu.memory_space<vmem>>
          %dma_start3A_1475 = tpu.memref_squeeze %dma_start3A_1474 : memref<1x1x1152xf32, #tpu.memory_space<vmem>> -> memref<1x1152xf32, #tpu.memory_space<vmem>>
          %dma_start3A_1476 = arith.constant 1920 : i32
          %dma_start3A_1477 = tpu.memref_slice %arg7[%rem3A_28, %squeeze3A_1462, %dma_start3A_1476] : memref<2x64x3072xf32, #tpu.memory_space<vmem_shared>> -> memref<1x1x1152xf32, #tpu.memory_space<vmem_shared>>
          %dma_start3A_1478 = tpu.memref_squeeze %dma_start3A_1477 : memref<1x1x1152xf32, #tpu.memory_space<vmem_shared>> -> memref<1x1152xf32, #tpu.memory_space<vmem_shared>>
          tpu.enqueue_dma source(%dma_start3A_1478 : memref<1x1152xf32, #tpu.memory_space<vmem_shared>>) target(%dma_start3A_1475 : memref<1x1152xf32, #tpu.memory_space<vmem>>) target_semaphore(%dma_start3A_1471 : memref<!tpu.dma_semaphore, #tpu.memory_space<semaphore_mem>>)
          %slice3A_1479 = vector.extract_strided_slice %get3A_1262 {offsets = [12], sizes = [1], strides = [1]} : vector<16xi32> to vector<1xi32>
          %squeeze3A_1480 = vector.extract %slice3A_1479[0] : i32 from vector<1xi32>
          %dma_start3A_1481 = arith.constant 12 : i32
          %dma_start3A_1482 = arith.constant 0 : i32
          %dma_start3A_1483 = tpu.memref_slice %arg6[%sub3A_1257, %dma_start3A_1481, %dma_start3A_1482] : memref<2x16x1152xf32, #tpu.memory_space<vmem>> -> memref<1x1x1152xf32, #tpu.memory_space<vmem>>
          %dma_start3A_1484 = tpu.memref_squeeze %dma_start3A_1483 : memref<1x1x1152xf32, #tpu.memory_space<vmem>> -> memref<1x1152xf32, #tpu.memory_space<vmem>>
          %dma_start3A_1485 = arith.constant 1920 : i32
          %dma_start3A_1486 = tpu.memref_slice %arg7[%rem3A_28, %squeeze3A_1480, %dma_start3A_1485] : memref<2x64x3072xf32, #tpu.memory_space<vmem_shared>> -> memref<1x1x1152xf32, #tpu.memory_space<vmem_shared>>
          %dma_start3A_1487 = tpu.memref_squeeze %dma_start3A_1486 : memref<1x1x1152xf32, #tpu.memory_space<vmem_shared>> -> memref<1x1152xf32, #tpu.memory_space<vmem_shared>>
          %dma_start3A_1488 = tpu.memref_slice %arg9[%sub3A_1257] : memref<2x!tpu.dma_semaphore, #tpu.memory_space<semaphore_mem>> -> memref<1x!tpu.dma_semaphore, #tpu.memory_space<semaphore_mem>>
          %dma_start3A_1489 = tpu.memref_squeeze %dma_start3A_1488 : memref<1x!tpu.dma_semaphore, #tpu.memory_space<semaphore_mem>> -> memref<!tpu.dma_semaphore, #tpu.memory_space<semaphore_mem>>
          %dma_start3A_1490 = arith.constant 12 : i32
          %dma_start3A_1491 = arith.constant 0 : i32
          %dma_start3A_1492 = tpu.memref_slice %arg6[%sub3A_1257, %dma_start3A_1490, %dma_start3A_1491] : memref<2x16x1152xf32, #tpu.memory_space<vmem>> -> memref<1x1x1152xf32, #tpu.memory_space<vmem>>
          %dma_start3A_1493 = tpu.memref_squeeze %dma_start3A_1492 : memref<1x1x1152xf32, #tpu.memory_space<vmem>> -> memref<1x1152xf32, #tpu.memory_space<vmem>>
          %dma_start3A_1494 = arith.constant 1920 : i32
          %dma_start3A_1495 = tpu.memref_slice %arg7[%rem3A_28, %squeeze3A_1480, %dma_start3A_1494] : memref<2x64x3072xf32, #tpu.memory_space<vmem_shared>> -> memref<1x1x1152xf32, #tpu.memory_space<vmem_shared>>
          %dma_start3A_1496 = tpu.memref_squeeze %dma_start3A_1495 : memref<1x1x1152xf32, #tpu.memory_space<vmem_shared>> -> memref<1x1152xf32, #tpu.memory_space<vmem_shared>>
          tpu.enqueue_dma source(%dma_start3A_1496 : memref<1x1152xf32, #tpu.memory_space<vmem_shared>>) target(%dma_start3A_1493 : memref<1x1152xf32, #tpu.memory_space<vmem>>) target_semaphore(%dma_start3A_1489 : memref<!tpu.dma_semaphore, #tpu.memory_space<semaphore_mem>>)
          %slice3A_1497 = vector.extract_strided_slice %get3A_1262 {offsets = [13], sizes = [1], strides = [1]} : vector<16xi32> to vector<1xi32>
          %squeeze3A_1498 = vector.extract %slice3A_1497[0] : i32 from vector<1xi32>
          %dma_start3A_1499 = arith.constant 13 : i32
          %dma_start3A_1500 = arith.constant 0 : i32
          %dma_start3A_1501 = tpu.memref_slice %arg6[%sub3A_1257, %dma_start3A_1499, %dma_start3A_1500] : memref<2x16x1152xf32, #tpu.memory_space<vmem>> -> memref<1x1x1152xf32, #tpu.memory_space<vmem>>
          %dma_start3A_1502 = tpu.memref_squeeze %dma_start3A_1501 : memref<1x1x1152xf32, #tpu.memory_space<vmem>> -> memref<1x1152xf32, #tpu.memory_space<vmem>>
          %dma_start3A_1503 = arith.constant 1920 : i32
          %dma_start3A_1504 = tpu.memref_slice %arg7[%rem3A_28, %squeeze3A_1498, %dma_start3A_1503] : memref<2x64x3072xf32, #tpu.memory_space<vmem_shared>> -> memref<1x1x1152xf32, #tpu.memory_space<vmem_shared>>
          %dma_start3A_1505 = tpu.memref_squeeze %dma_start3A_1504 : memref<1x1x1152xf32, #tpu.memory_space<vmem_shared>> -> memref<1x1152xf32, #tpu.memory_space<vmem_shared>>
          %dma_start3A_1506 = tpu.memref_slice %arg9[%sub3A_1257] : memref<2x!tpu.dma_semaphore, #tpu.memory_space<semaphore_mem>> -> memref<1x!tpu.dma_semaphore, #tpu.memory_space<semaphore_mem>>
          %dma_start3A_1507 = tpu.memref_squeeze %dma_start3A_1506 : memref<1x!tpu.dma_semaphore, #tpu.memory_space<semaphore_mem>> -> memref<!tpu.dma_semaphore, #tpu.memory_space<semaphore_mem>>
          %dma_start3A_1508 = arith.constant 13 : i32
          %dma_start3A_1509 = arith.constant 0 : i32
          %dma_start3A_1510 = tpu.memref_slice %arg6[%sub3A_1257, %dma_start3A_1508, %dma_start3A_1509] : memref<2x16x1152xf32, #tpu.memory_space<vmem>> -> memref<1x1x1152xf32, #tpu.memory_space<vmem>>
          %dma_start3A_1511 = tpu.memref_squeeze %dma_start3A_1510 : memref<1x1x1152xf32, #tpu.memory_space<vmem>> -> memref<1x1152xf32, #tpu.memory_space<vmem>>
          %dma_start3A_1512 = arith.constant 1920 : i32
          %dma_start3A_1513 = tpu.memref_slice %arg7[%rem3A_28, %squeeze3A_1498, %dma_start3A_1512] : memref<2x64x3072xf32, #tpu.memory_space<vmem_shared>> -> memref<1x1x1152xf32, #tpu.memory_space<vmem_shared>>
          %dma_start3A_1514 = tpu.memref_squeeze %dma_start3A_1513 : memref<1x1x1152xf32, #tpu.memory_space<vmem_shared>> -> memref<1x1152xf32, #tpu.memory_space<vmem_shared>>
          tpu.enqueue_dma source(%dma_start3A_1514 : memref<1x1152xf32, #tpu.memory_space<vmem_shared>>) target(%dma_start3A_1511 : memref<1x1152xf32, #tpu.memory_space<vmem>>) target_semaphore(%dma_start3A_1507 : memref<!tpu.dma_semaphore, #tpu.memory_space<semaphore_mem>>)
          %slice3A_1515 = vector.extract_strided_slice %get3A_1262 {offsets = [14], sizes = [1], strides = [1]} : vector<16xi32> to vector<1xi32>
          %squeeze3A_1516 = vector.extract %slice3A_1515[0] : i32 from vector<1xi32>
          %dma_start3A_1517 = arith.constant 14 : i32
          %dma_start3A_1518 = arith.constant 0 : i32
          %dma_start3A_1519 = tpu.memref_slice %arg6[%sub3A_1257, %dma_start3A_1517, %dma_start3A_1518] : memref<2x16x1152xf32, #tpu.memory_space<vmem>> -> memref<1x1x1152xf32, #tpu.memory_space<vmem>>
          %dma_start3A_1520 = tpu.memref_squeeze %dma_start3A_1519 : memref<1x1x1152xf32, #tpu.memory_space<vmem>> -> memref<1x1152xf32, #tpu.memory_space<vmem>>
          %dma_start3A_1521 = arith.constant 1920 : i32
          %dma_start3A_1522 = tpu.memref_slice %arg7[%rem3A_28, %squeeze3A_1516, %dma_start3A_1521] : memref<2x64x3072xf32, #tpu.memory_space<vmem_shared>> -> memref<1x1x1152xf32, #tpu.memory_space<vmem_shared>>
          %dma_start3A_1523 = tpu.memref_squeeze %dma_start3A_1522 : memref<1x1x1152xf32, #tpu.memory_space<vmem_shared>> -> memref<1x1152xf32, #tpu.memory_space<vmem_shared>>
          %dma_start3A_1524 = tpu.memref_slice %arg9[%sub3A_1257] : memref<2x!tpu.dma_semaphore, #tpu.memory_space<semaphore_mem>> -> memref<1x!tpu.dma_semaphore, #tpu.memory_space<semaphore_mem>>
          %dma_start3A_1525 = tpu.memref_squeeze %dma_start3A_1524 : memref<1x!tpu.dma_semaphore, #tpu.memory_space<semaphore_mem>> -> memref<!tpu.dma_semaphore, #tpu.memory_space<semaphore_mem>>
          %dma_start3A_1526 = arith.constant 14 : i32
          %dma_start3A_1527 = arith.constant 0 : i32
          %dma_start3A_1528 = tpu.memref_slice %arg6[%sub3A_1257, %dma_start3A_1526, %dma_start3A_1527] : memref<2x16x1152xf32, #tpu.memory_space<vmem>> -> memref<1x1x1152xf32, #tpu.memory_space<vmem>>
          %dma_start3A_1529 = tpu.memref_squeeze %dma_start3A_1528 : memref<1x1x1152xf32, #tpu.memory_space<vmem>> -> memref<1x1152xf32, #tpu.memory_space<vmem>>
          %dma_start3A_1530 = arith.constant 1920 : i32
          %dma_start3A_1531 = tpu.memref_slice %arg7[%rem3A_28, %squeeze3A_1516, %dma_start3A_1530] : memref<2x64x3072xf32, #tpu.memory_space<vmem_shared>> -> memref<1x1x1152xf32, #tpu.memory_space<vmem_shared>>
          %dma_start3A_1532 = tpu.memref_squeeze %dma_start3A_1531 : memref<1x1x1152xf32, #tpu.memory_space<vmem_shared>> -> memref<1x1152xf32, #tpu.memory_space<vmem_shared>>
          tpu.enqueue_dma source(%dma_start3A_1532 : memref<1x1152xf32, #tpu.memory_space<vmem_shared>>) target(%dma_start3A_1529 : memref<1x1152xf32, #tpu.memory_space<vmem>>) target_semaphore(%dma_start3A_1525 : memref<!tpu.dma_semaphore, #tpu.memory_space<semaphore_mem>>)
          %slice3A_1533 = vector.extract_strided_slice %get3A_1262 {offsets = [15], sizes = [1], strides = [1]} : vector<16xi32> to vector<1xi32>
          %squeeze3A_1534 = vector.extract %slice3A_1533[0] : i32 from vector<1xi32>
          %dma_start3A_1535 = arith.constant 15 : i32
          %dma_start3A_1536 = arith.constant 0 : i32
          %dma_start3A_1537 = tpu.memref_slice %arg6[%sub3A_1257, %dma_start3A_1535, %dma_start3A_1536] : memref<2x16x1152xf32, #tpu.memory_space<vmem>> -> memref<1x1x1152xf32, #tpu.memory_space<vmem>>
          %dma_start3A_1538 = tpu.memref_squeeze %dma_start3A_1537 : memref<1x1x1152xf32, #tpu.memory_space<vmem>> -> memref<1x1152xf32, #tpu.memory_space<vmem>>
          %dma_start3A_1539 = arith.constant 1920 : i32
          %dma_start3A_1540 = tpu.memref_slice %arg7[%rem3A_28, %squeeze3A_1534, %dma_start3A_1539] : memref<2x64x3072xf32, #tpu.memory_space<vmem_shared>> -> memref<1x1x1152xf32, #tpu.memory_space<vmem_shared>>
          %dma_start3A_1541 = tpu.memref_squeeze %dma_start3A_1540 : memref<1x1x1152xf32, #tpu.memory_space<vmem_shared>> -> memref<1x1152xf32, #tpu.memory_space<vmem_shared>>
          %dma_start3A_1542 = tpu.memref_slice %arg9[%sub3A_1257] : memref<2x!tpu.dma_semaphore, #tpu.memory_space<semaphore_mem>> -> memref<1x!tpu.dma_semaphore, #tpu.memory_space<semaphore_mem>>
          %dma_start3A_1543 = tpu.memref_squeeze %dma_start3A_1542 : memref<1x!tpu.dma_semaphore, #tpu.memory_space<semaphore_mem>> -> memref<!tpu.dma_semaphore, #tpu.memory_space<semaphore_mem>>
          %dma_start3A_1544 = arith.constant 15 : i32
          %dma_start3A_1545 = arith.constant 0 : i32
          %dma_start3A_1546 = tpu.memref_slice %arg6[%sub3A_1257, %dma_start3A_1544, %dma_start3A_1545] : memref<2x16x1152xf32, #tpu.memory_space<vmem>> -> memref<1x1x1152xf32, #tpu.memory_space<vmem>>
          %dma_start3A_1547 = tpu.memref_squeeze %dma_start3A_1546 : memref<1x1x1152xf32, #tpu.memory_space<vmem>> -> memref<1x1152xf32, #tpu.memory_space<vmem>>
          %dma_start3A_1548 = arith.constant 1920 : i32
          %dma_start3A_1549 = tpu.memref_slice %arg7[%rem3A_28, %squeeze3A_1534, %dma_start3A_1548] : memref<2x64x3072xf32, #tpu.memory_space<vmem_shared>> -> memref<1x1x1152xf32, #tpu.memory_space<vmem_shared>>
          %dma_start3A_1550 = tpu.memref_squeeze %dma_start3A_1549 : memref<1x1x1152xf32, #tpu.memory_space<vmem_shared>> -> memref<1x1152xf32, #tpu.memory_space<vmem_shared>>
          tpu.enqueue_dma source(%dma_start3A_1550 : memref<1x1152xf32, #tpu.memory_space<vmem_shared>>) target(%dma_start3A_1547 : memref<1x1152xf32, #tpu.memory_space<vmem>>) target_semaphore(%dma_start3A_1543 : memref<!tpu.dma_semaphore, #tpu.memory_space<semaphore_mem>>)
        } else {
        }
        %add3A_666 = arith.constant 1 : i32
        %add3A_667 = arith.addi %scan3A_655, %add3A_666 : i32
        %min3A_668 = arith.constant 7 : i32
        %min3A_669 = arith.minsi %add3A_667, %min3A_668 : i32
        %mul3A_670 = arith.constant 16 : i32
        %mul3A_671 = arith.muli %min3A_669, %mul3A_670 : i32
        %get3A_672 = arith.index_cast %mul3A_671 : i32 to index
        %get3A_673 = tpu.vector_load %arg5[%get3A_672] {strides = array<i32>} : memref<128xi32, #tpu.memory_space<vmem>>, vector<16xi32>,
        %get3A_674 = vector.shape_cast %get3A_673 : vector<16xi32> to vector<16xi32>
        %slice3A_675 = vector.extract_strided_slice %get3A_674 {offsets = [0], sizes = [1], strides = [1]} : vector<16xi32> to vector<1xi32>
        %squeeze3A_676 = vector.extract %slice3A_675[0] : i32 from vector<1xi32>
        %mul3A_677 = arith.constant 16 : i32
        %mul3A_678 = arith.muli %min3A_669, %mul3A_677 : i32
        %add3A_679 = arith.addi %mul3A_0, %mul3A_678 : i32
        %add3A_680 = arith.constant 0 : i32
        %add3A_681 = arith.addi %add3A_679, %add3A_680 : i32
        %dma_start3A_682 = tpu.memref_slice %arg4[%add3A_681, %mul3A_33] : memref<2048x49152xf32, #tpu.memory_space<hbm>> -> memref<1x1920xf32, #tpu.memory_space<hbm>>
        %dma_start3A_683 = arith.constant 0 : i32
        %dma_start3A_684 = tpu.memref_slice %arg7[%rem3A_28, %squeeze3A_676, %dma_start3A_683] : memref<2x64x3072xf32, #tpu.memory_space<vmem_shared>> -> memref<1x1x1920xf32, #tpu.memory_space<vmem_shared>>
        %dma_start3A_685 = tpu.memref_squeeze %dma_start3A_684 : memref<1x1x1920xf32, #tpu.memory_space<vmem_shared>> -> memref<1x1920xf32, #tpu.memory_space<vmem_shared>>
        tpu.enqueue_dma source(%dma_start3A_685 : memref<1x1920xf32, #tpu.memory_space<vmem_shared>>) target(%dma_start3A_682 : memref<1x1920xf32, #tpu.memory_space<hbm>>) target_semaphore(%arg8 : memref<!tpu.dma_semaphore, #tpu.memory_space<semaphore_mem>>)
        %slice3A_686 = vector.extract_strided_slice %get3A_674 {offsets = [1], sizes = [1], strides = [1]} : vector<16xi32> to vector<1xi32>
        %squeeze3A_687 = vector.extract %slice3A_686[0] : i32 from vector<1xi32>
        %mul3A_688 = arith.constant 16 : i32
        %mul3A_689 = arith.muli %min3A_669, %mul3A_688 : i32
        %add3A_690 = arith.addi %mul3A_0, %mul3A_689 : i32
        %add3A_691 = arith.constant 1 : i32
        %add3A_692 = arith.addi %add3A_690, %add3A_691 : i32
        %dma_start3A_693 = tpu.memref_slice %arg4[%add3A_692, %mul3A_33] : memref<2048x49152xf32, #tpu.memory_space<hbm>> -> memref<1x1920xf32, #tpu.memory_space<hbm>>
        %dma_start3A_694 = arith.constant 0 : i32
        %dma_start3A_695 = tpu.memref_slice %arg7[%rem3A_28, %squeeze3A_687, %dma_start3A_694] : memref<2x64x3072xf32, #tpu.memory_space<vmem_shared>> -> memref<1x1x1920xf32, #tpu.memory_space<vmem_shared>>
        %dma_start3A_696 = tpu.memref_squeeze %dma_start3A_695 : memref<1x1x1920xf32, #tpu.memory_space<vmem_shared>> -> memref<1x1920xf32, #tpu.memory_space<vmem_shared>>
        tpu.enqueue_dma source(%dma_start3A_696 : memref<1x1920xf32, #tpu.memory_space<vmem_shared>>) target(%dma_start3A_693 : memref<1x1920xf32, #tpu.memory_space<hbm>>) target_semaphore(%arg8 : memref<!tpu.dma_semaphore, #tpu.memory_space<semaphore_mem>>)
        %slice3A_697 = vector.extract_strided_slice %get3A_674 {offsets = [2], sizes = [1], strides = [1]} : vector<16xi32> to vector<1xi32>
        %squeeze3A_698 = vector.extract %slice3A_697[0] : i32 from vector<1xi32>
        %mul3A_699 = arith.constant 16 : i32
        %mul3A_700 = arith.muli %min3A_669, %mul3A_699 : i32
        %add3A_701 = arith.addi %mul3A_0, %mul3A_700 : i32
        %add3A_702 = arith.constant 2 : i32
        %add3A_703 = arith.addi %add3A_701, %add3A_702 : i32
        %dma_start3A_704 = tpu.memref_slice %arg4[%add3A_703, %mul3A_33] : memref<2048x49152xf32, #tpu.memory_space<hbm>> -> memref<1x1920xf32, #tpu.memory_space<hbm>>
        %dma_start3A_705 = arith.constant 0 : i32
        %dma_start3A_706 = tpu.memref_slice %arg7[%rem3A_28, %squeeze3A_698, %dma_start3A_705] : memref<2x64x3072xf32, #tpu.memory_space<vmem_shared>> -> memref<1x1x1920xf32, #tpu.memory_space<vmem_shared>>
        %dma_start3A_707 = tpu.memref_squeeze %dma_start3A_706 : memref<1x1x1920xf32, #tpu.memory_space<vmem_shared>> -> memref<1x1920xf32, #tpu.memory_space<vmem_shared>>
        tpu.enqueue_dma source(%dma_start3A_707 : memref<1x1920xf32, #tpu.memory_space<vmem_shared>>) target(%dma_start3A_704 : memref<1x1920xf32, #tpu.memory_space<hbm>>) target_semaphore(%arg8 : memref<!tpu.dma_semaphore, #tpu.memory_space<semaphore_mem>>)
        %slice3A_708 = vector.extract_strided_slice %get3A_674 {offsets = [3], sizes = [1], strides = [1]} : vector<16xi32> to vector<1xi32>
        %squeeze3A_709 = vector.extract %slice3A_708[0] : i32 from vector<1xi32>
        %mul3A_710 = arith.constant 16 : i32
        %mul3A_711 = arith.muli %min3A_669, %mul3A_710 : i32
        %add3A_712 = arith.addi %mul3A_0, %mul3A_711 : i32
        %add3A_713 = arith.constant 3 : i32
        %add3A_714 = arith.addi %add3A_712, %add3A_713 : i32
        %dma_start3A_715 = tpu.memref_slice %arg4[%add3A_714, %mul3A_33] : memref<2048x49152xf32, #tpu.memory_space<hbm>> -> memref<1x1920xf32, #tpu.memory_space<hbm>>
        %dma_start3A_716 = arith.constant 0 : i32
        %dma_start3A_717 = tpu.memref_slice %arg7[%rem3A_28, %squeeze3A_709, %dma_start3A_716] : memref<2x64x3072xf32, #tpu.memory_space<vmem_shared>> -> memref<1x1x1920xf32, #tpu.memory_space<vmem_shared>>
        %dma_start3A_718 = tpu.memref_squeeze %dma_start3A_717 : memref<1x1x1920xf32, #tpu.memory_space<vmem_shared>> -> memref<1x1920xf32, #tpu.memory_space<vmem_shared>>
        tpu.enqueue_dma source(%dma_start3A_718 : memref<1x1920xf32, #tpu.memory_space<vmem_shared>>) target(%dma_start3A_715 : memref<1x1920xf32, #tpu.memory_space<hbm>>) target_semaphore(%arg8 : memref<!tpu.dma_semaphore, #tpu.memory_space<semaphore_mem>>)
        %slice3A_719 = vector.extract_strided_slice %get3A_674 {offsets = [4], sizes = [1], strides = [1]} : vector<16xi32> to vector<1xi32>
        %squeeze3A_720 = vector.extract %slice3A_719[0] : i32 from vector<1xi32>
        %mul3A_721 = arith.constant 16 : i32
        %mul3A_722 = arith.muli %min3A_669, %mul3A_721 : i32
        %add3A_723 = arith.addi %mul3A_0, %mul3A_722 : i32
        %add3A_724 = arith.constant 4 : i32
        %add3A_725 = arith.addi %add3A_723, %add3A_724 : i32
        %dma_start3A_726 = tpu.memref_slice %arg4[%add3A_725, %mul3A_33] : memref<2048x49152xf32, #tpu.memory_space<hbm>> -> memref<1x1920xf32, #tpu.memory_space<hbm>>
        %dma_start3A_727 = arith.constant 0 : i32
        %dma_start3A_728 = tpu.memref_slice %arg7[%rem3A_28, %squeeze3A_720, %dma_start3A_727] : memref<2x64x3072xf32, #tpu.memory_space<vmem_shared>> -> memref<1x1x1920xf32, #tpu.memory_space<vmem_shared>>
        %dma_start3A_729 = tpu.memref_squeeze %dma_start3A_728 : memref<1x1x1920xf32, #tpu.memory_space<vmem_shared>> -> memref<1x1920xf32, #tpu.memory_space<vmem_shared>>
        tpu.enqueue_dma source(%dma_start3A_729 : memref<1x1920xf32, #tpu.memory_space<vmem_shared>>) target(%dma_start3A_726 : memref<1x1920xf32, #tpu.memory_space<hbm>>) target_semaphore(%arg8 : memref<!tpu.dma_semaphore, #tpu.memory_space<semaphore_mem>>)
        %slice3A_730 = vector.extract_strided_slice %get3A_674 {offsets = [5], sizes = [1], strides = [1]} : vector<16xi32> to vector<1xi32>
        %squeeze3A_731 = vector.extract %slice3A_730[0] : i32 from vector<1xi32>
        %mul3A_732 = arith.constant 16 : i32
        %mul3A_733 = arith.muli %min3A_669, %mul3A_732 : i32
        %add3A_734 = arith.addi %mul3A_0, %mul3A_733 : i32
        %add3A_735 = arith.constant 5 : i32
        %add3A_736 = arith.addi %add3A_734, %add3A_735 : i32
        %dma_start3A_737 = tpu.memref_slice %arg4[%add3A_736, %mul3A_33] : memref<2048x49152xf32, #tpu.memory_space<hbm>> -> memref<1x1920xf32, #tpu.memory_space<hbm>>
        %dma_start3A_738 = arith.constant 0 : i32
        %dma_start3A_739 = tpu.memref_slice %arg7[%rem3A_28, %squeeze3A_731, %dma_start3A_738] : memref<2x64x3072xf32, #tpu.memory_space<vmem_shared>> -> memref<1x1x1920xf32, #tpu.memory_space<vmem_shared>>
        %dma_start3A_740 = tpu.memref_squeeze %dma_start3A_739 : memref<1x1x1920xf32, #tpu.memory_space<vmem_shared>> -> memref<1x1920xf32, #tpu.memory_space<vmem_shared>>
        tpu.enqueue_dma source(%dma_start3A_740 : memref<1x1920xf32, #tpu.memory_space<vmem_shared>>) target(%dma_start3A_737 : memref<1x1920xf32, #tpu.memory_space<hbm>>) target_semaphore(%arg8 : memref<!tpu.dma_semaphore, #tpu.memory_space<semaphore_mem>>)
        %slice3A_741 = vector.extract_strided_slice %get3A_674 {offsets = [6], sizes = [1], strides = [1]} : vector<16xi32> to vector<1xi32>
        %squeeze3A_742 = vector.extract %slice3A_741[0] : i32 from vector<1xi32>
        %mul3A_743 = arith.constant 16 : i32
        %mul3A_744 = arith.muli %min3A_669, %mul3A_743 : i32
        %add3A_745 = arith.addi %mul3A_0, %mul3A_744 : i32
        %add3A_746 = arith.constant 6 : i32
        %add3A_747 = arith.addi %add3A_745, %add3A_746 : i32
        %dma_start3A_748 = tpu.memref_slice %arg4[%add3A_747, %mul3A_33] : memref<2048x49152xf32, #tpu.memory_space<hbm>> -> memref<1x1920xf32, #tpu.memory_space<hbm>>
        %dma_start3A_749 = arith.constant 0 : i32
        %dma_start3A_750 = tpu.memref_slice %arg7[%rem3A_28, %squeeze3A_742, %dma_start3A_749] : memref<2x64x3072xf32, #tpu.memory_space<vmem_shared>> -> memref<1x1x1920xf32, #tpu.memory_space<vmem_shared>>
        %dma_start3A_751 = tpu.memref_squeeze %dma_start3A_750 : memref<1x1x1920xf32, #tpu.memory_space<vmem_shared>> -> memref<1x1920xf32, #tpu.memory_space<vmem_shared>>
        tpu.enqueue_dma source(%dma_start3A_751 : memref<1x1920xf32, #tpu.memory_space<vmem_shared>>) target(%dma_start3A_748 : memref<1x1920xf32, #tpu.memory_space<hbm>>) target_semaphore(%arg8 : memref<!tpu.dma_semaphore, #tpu.memory_space<semaphore_mem>>)
        %slice3A_752 = vector.extract_strided_slice %get3A_674 {offsets = [7], sizes = [1], strides = [1]} : vector<16xi32> to vector<1xi32>
        %squeeze3A_753 = vector.extract %slice3A_752[0] : i32 from vector<1xi32>
        %mul3A_754 = arith.constant 16 : i32
        %mul3A_755 = arith.muli %min3A_669, %mul3A_754 : i32
        %add3A_756 = arith.addi %mul3A_0, %mul3A_755 : i32
        %add3A_757 = arith.constant 7 : i32
        %add3A_758 = arith.addi %add3A_756, %add3A_757 : i32
        %dma_start3A_759 = tpu.memref_slice %arg4[%add3A_758, %mul3A_33] : memref<2048x49152xf32, #tpu.memory_space<hbm>> -> memref<1x1920xf32, #tpu.memory_space<hbm>>
        %dma_start3A_760 = arith.constant 0 : i32
        %dma_start3A_761 = tpu.memref_slice %arg7[%rem3A_28, %squeeze3A_753, %dma_start3A_760] : memref<2x64x3072xf32, #tpu.memory_space<vmem_shared>> -> memref<1x1x1920xf32, #tpu.memory_space<vmem_shared>>
        %dma_start3A_762 = tpu.memref_squeeze %dma_start3A_761 : memref<1x1x1920xf32, #tpu.memory_space<vmem_shared>> -> memref<1x1920xf32, #tpu.memory_space<vmem_shared>>
        tpu.enqueue_dma source(%dma_start3A_762 : memref<1x1920xf32, #tpu.memory_space<vmem_shared>>) target(%dma_start3A_759 : memref<1x1920xf32, #tpu.memory_space<hbm>>) target_semaphore(%arg8 : memref<!tpu.dma_semaphore, #tpu.memory_space<semaphore_mem>>)
        %slice3A_763 = vector.extract_strided_slice %get3A_674 {offsets = [8], sizes = [1], strides = [1]} : vector<16xi32> to vector<1xi32>
        %squeeze3A_764 = vector.extract %slice3A_763[0] : i32 from vector<1xi32>
        %mul3A_765 = arith.constant 16 : i32
        %mul3A_766 = arith.muli %min3A_669, %mul3A_765 : i32
        %add3A_767 = arith.addi %mul3A_0, %mul3A_766 : i32
        %add3A_768 = arith.constant 8 : i32
        %add3A_769 = arith.addi %add3A_767, %add3A_768 : i32
        %dma_start3A_770 = tpu.memref_slice %arg4[%add3A_769, %mul3A_33] : memref<2048x49152xf32, #tpu.memory_space<hbm>> -> memref<1x1920xf32, #tpu.memory_space<hbm>>
        %dma_start3A_771 = arith.constant 0 : i32
        %dma_start3A_772 = tpu.memref_slice %arg7[%rem3A_28, %squeeze3A_764, %dma_start3A_771] : memref<2x64x3072xf32, #tpu.memory_space<vmem_shared>> -> memref<1x1x1920xf32, #tpu.memory_space<vmem_shared>>
        %dma_start3A_773 = tpu.memref_squeeze %dma_start3A_772 : memref<1x1x1920xf32, #tpu.memory_space<vmem_shared>> -> memref<1x1920xf32, #tpu.memory_space<vmem_shared>>
        tpu.enqueue_dma source(%dma_start3A_773 : memref<1x1920xf32, #tpu.memory_space<vmem_shared>>) target(%dma_start3A_770 : memref<1x1920xf32, #tpu.memory_space<hbm>>) target_semaphore(%arg8 : memref<!tpu.dma_semaphore, #tpu.memory_space<semaphore_mem>>)
        %slice3A_774 = vector.extract_strided_slice %get3A_674 {offsets = [9], sizes = [1], strides = [1]} : vector<16xi32> to vector<1xi32>
        %squeeze3A_775 = vector.extract %slice3A_774[0] : i32 from vector<1xi32>
        %mul3A_776 = arith.constant 16 : i32
        %mul3A_777 = arith.muli %min3A_669, %mul3A_776 : i32
        %add3A_778 = arith.addi %mul3A_0, %mul3A_777 : i32
        %add3A_779 = arith.constant 9 : i32
        %add3A_780 = arith.addi %add3A_778, %add3A_779 : i32
        %dma_start3A_781 = tpu.memref_slice %arg4[%add3A_780, %mul3A_33] : memref<2048x49152xf32, #tpu.memory_space<hbm>> -> memref<1x1920xf32, #tpu.memory_space<hbm>>
        %dma_start3A_782 = arith.constant 0 : i32
        %dma_start3A_783 = tpu.memref_slice %arg7[%rem3A_28, %squeeze3A_775, %dma_start3A_782] : memref<2x64x3072xf32, #tpu.memory_space<vmem_shared>> -> memref<1x1x1920xf32, #tpu.memory_space<vmem_shared>>
        %dma_start3A_784 = tpu.memref_squeeze %dma_start3A_783 : memref<1x1x1920xf32, #tpu.memory_space<vmem_shared>> -> memref<1x1920xf32, #tpu.memory_space<vmem_shared>>
        tpu.enqueue_dma source(%dma_start3A_784 : memref<1x1920xf32, #tpu.memory_space<vmem_shared>>) target(%dma_start3A_781 : memref<1x1920xf32, #tpu.memory_space<hbm>>) target_semaphore(%arg8 : memref<!tpu.dma_semaphore, #tpu.memory_space<semaphore_mem>>)
        %slice3A_785 = vector.extract_strided_slice %get3A_674 {offsets = [10], sizes = [1], strides = [1]} : vector<16xi32> to vector<1xi32>
        %squeeze3A_786 = vector.extract %slice3A_785[0] : i32 from vector<1xi32>
        %mul3A_787 = arith.constant 16 : i32
        %mul3A_788 = arith.muli %min3A_669, %mul3A_787 : i32
        %add3A_789 = arith.addi %mul3A_0, %mul3A_788 : i32
        %add3A_790 = arith.constant 10 : i32
        %add3A_791 = arith.addi %add3A_789, %add3A_790 : i32
        %dma_start3A_792 = tpu.memref_slice %arg4[%add3A_791, %mul3A_33] : memref<2048x49152xf32, #tpu.memory_space<hbm>> -> memref<1x1920xf32, #tpu.memory_space<hbm>>
        %dma_start3A_793 = arith.constant 0 : i32
        %dma_start3A_794 = tpu.memref_slice %arg7[%rem3A_28, %squeeze3A_786, %dma_start3A_793] : memref<2x64x3072xf32, #tpu.memory_space<vmem_shared>> -> memref<1x1x1920xf32, #tpu.memory_space<vmem_shared>>
        %dma_start3A_795 = tpu.memref_squeeze %dma_start3A_794 : memref<1x1x1920xf32, #tpu.memory_space<vmem_shared>> -> memref<1x1920xf32, #tpu.memory_space<vmem_shared>>
        tpu.enqueue_dma source(%dma_start3A_795 : memref<1x1920xf32, #tpu.memory_space<vmem_shared>>) target(%dma_start3A_792 : memref<1x1920xf32, #tpu.memory_space<hbm>>) target_semaphore(%arg8 : memref<!tpu.dma_semaphore, #tpu.memory_space<semaphore_mem>>)
        %slice3A_796 = vector.extract_strided_slice %get3A_674 {offsets = [11], sizes = [1], strides = [1]} : vector<16xi32> to vector<1xi32>
        %squeeze3A_797 = vector.extract %slice3A_796[0] : i32 from vector<1xi32>
        %mul3A_798 = arith.constant 16 : i32
        %mul3A_799 = arith.muli %min3A_669, %mul3A_798 : i32
        %add3A_800 = arith.addi %mul3A_0, %mul3A_799 : i32
        %add3A_801 = arith.constant 11 : i32
        %add3A_802 = arith.addi %add3A_800, %add3A_801 : i32
        %dma_start3A_803 = tpu.memref_slice %arg4[%add3A_802, %mul3A_33] : memref<2048x49152xf32, #tpu.memory_space<hbm>> -> memref<1x1920xf32, #tpu.memory_space<hbm>>
        %dma_start3A_804 = arith.constant 0 : i32
        %dma_start3A_805 = tpu.memref_slice %arg7[%rem3A_28, %squeeze3A_797, %dma_start3A_804] : memref<2x64x3072xf32, #tpu.memory_space<vmem_shared>> -> memref<1x1x1920xf32, #tpu.memory_space<vmem_shared>>
        %dma_start3A_806 = tpu.memref_squeeze %dma_start3A_805 : memref<1x1x1920xf32, #tpu.memory_space<vmem_shared>> -> memref<1x1920xf32, #tpu.memory_space<vmem_shared>>
        tpu.enqueue_dma source(%dma_start3A_806 : memref<1x1920xf32, #tpu.memory_space<vmem_shared>>) target(%dma_start3A_803 : memref<1x1920xf32, #tpu.memory_space<hbm>>) target_semaphore(%arg8 : memref<!tpu.dma_semaphore, #tpu.memory_space<semaphore_mem>>)
        %slice3A_807 = vector.extract_strided_slice %get3A_674 {offsets = [12], sizes = [1], strides = [1]} : vector<16xi32> to vector<1xi32>
        %squeeze3A_808 = vector.extract %slice3A_807[0] : i32 from vector<1xi32>
        %mul3A_809 = arith.constant 16 : i32
        %mul3A_810 = arith.muli %min3A_669, %mul3A_809 : i32
        %add3A_811 = arith.addi %mul3A_0, %mul3A_810 : i32
        %add3A_812 = arith.constant 12 : i32
        %add3A_813 = arith.addi %add3A_811, %add3A_812 : i32
        %dma_start3A_814 = tpu.memref_slice %arg4[%add3A_813, %mul3A_33] : memref<2048x49152xf32, #tpu.memory_space<hbm>> -> memref<1x1920xf32, #tpu.memory_space<hbm>>
        %dma_start3A_815 = arith.constant 0 : i32
        %dma_start3A_816 = tpu.memref_slice %arg7[%rem3A_28, %squeeze3A_808, %dma_start3A_815] : memref<2x64x3072xf32, #tpu.memory_space<vmem_shared>> -> memref<1x1x1920xf32, #tpu.memory_space<vmem_shared>>
        %dma_start3A_817 = tpu.memref_squeeze %dma_start3A_816 : memref<1x1x1920xf32, #tpu.memory_space<vmem_shared>> -> memref<1x1920xf32, #tpu.memory_space<vmem_shared>>
        tpu.enqueue_dma source(%dma_start3A_817 : memref<1x1920xf32, #tpu.memory_space<vmem_shared>>) target(%dma_start3A_814 : memref<1x1920xf32, #tpu.memory_space<hbm>>) target_semaphore(%arg8 : memref<!tpu.dma_semaphore, #tpu.memory_space<semaphore_mem>>)
        %slice3A_818 = vector.extract_strided_slice %get3A_674 {offsets = [13], sizes = [1], strides = [1]} : vector<16xi32> to vector<1xi32>
        %squeeze3A_819 = vector.extract %slice3A_818[0] : i32 from vector<1xi32>
        %mul3A_820 = arith.constant 16 : i32
        %mul3A_821 = arith.muli %min3A_669, %mul3A_820 : i32
        %add3A_822 = arith.addi %mul3A_0, %mul3A_821 : i32
        %add3A_823 = arith.constant 13 : i32
        %add3A_824 = arith.addi %add3A_822, %add3A_823 : i32
        %dma_start3A_825 = tpu.memref_slice %arg4[%add3A_824, %mul3A_33] : memref<2048x49152xf32, #tpu.memory_space<hbm>> -> memref<1x1920xf32, #tpu.memory_space<hbm>>
        %dma_start3A_826 = arith.constant 0 : i32
        %dma_start3A_827 = tpu.memref_slice %arg7[%rem3A_28, %squeeze3A_819, %dma_start3A_826] : memref<2x64x3072xf32, #tpu.memory_space<vmem_shared>> -> memref<1x1x1920xf32, #tpu.memory_space<vmem_shared>>
        %dma_start3A_828 = tpu.memref_squeeze %dma_start3A_827 : memref<1x1x1920xf32, #tpu.memory_space<vmem_shared>> -> memref<1x1920xf32, #tpu.memory_space<vmem_shared>>
        tpu.enqueue_dma source(%dma_start3A_828 : memref<1x1920xf32, #tpu.memory_space<vmem_shared>>) target(%dma_start3A_825 : memref<1x1920xf32, #tpu.memory_space<hbm>>) target_semaphore(%arg8 : memref<!tpu.dma_semaphore, #tpu.memory_space<semaphore_mem>>)
        %slice3A_829 = vector.extract_strided_slice %get3A_674 {offsets = [14], sizes = [1], strides = [1]} : vector<16xi32> to vector<1xi32>
        %squeeze3A_830 = vector.extract %slice3A_829[0] : i32 from vector<1xi32>
        %mul3A_831 = arith.constant 16 : i32
        %mul3A_832 = arith.muli %min3A_669, %mul3A_831 : i32
        %add3A_833 = arith.addi %mul3A_0, %mul3A_832 : i32
        %add3A_834 = arith.constant 14 : i32
        %add3A_835 = arith.addi %add3A_833, %add3A_834 : i32
        %dma_start3A_836 = tpu.memref_slice %arg4[%add3A_835, %mul3A_33] : memref<2048x49152xf32, #tpu.memory_space<hbm>> -> memref<1x1920xf32, #tpu.memory_space<hbm>>
        %dma_start3A_837 = arith.constant 0 : i32
        %dma_start3A_838 = tpu.memref_slice %arg7[%rem3A_28, %squeeze3A_830, %dma_start3A_837] : memref<2x64x3072xf32, #tpu.memory_space<vmem_shared>> -> memref<1x1x1920xf32, #tpu.memory_space<vmem_shared>>
        %dma_start3A_839 = tpu.memref_squeeze %dma_start3A_838 : memref<1x1x1920xf32, #tpu.memory_space<vmem_shared>> -> memref<1x1920xf32, #tpu.memory_space<vmem_shared>>
        tpu.enqueue_dma source(%dma_start3A_839 : memref<1x1920xf32, #tpu.memory_space<vmem_shared>>) target(%dma_start3A_836 : memref<1x1920xf32, #tpu.memory_space<hbm>>) target_semaphore(%arg8 : memref<!tpu.dma_semaphore, #tpu.memory_space<semaphore_mem>>)
        %slice3A_840 = vector.extract_strided_slice %get3A_674 {offsets = [15], sizes = [1], strides = [1]} : vector<16xi32> to vector<1xi32>
        %squeeze3A_841 = vector.extract %slice3A_840[0] : i32 from vector<1xi32>
        %mul3A_842 = arith.constant 16 : i32
        %mul3A_843 = arith.muli %min3A_669, %mul3A_842 : i32
        %add3A_844 = arith.addi %mul3A_0, %mul3A_843 : i32
        %add3A_845 = arith.constant 15 : i32
        %add3A_846 = arith.addi %add3A_844, %add3A_845 : i32
        %dma_start3A_847 = tpu.memref_slice %arg4[%add3A_846, %mul3A_33] : memref<2048x49152xf32, #tpu.memory_space<hbm>> -> memref<1x1920xf32, #tpu.memory_space<hbm>>
        %dma_start3A_848 = arith.constant 0 : i32
        %dma_start3A_849 = tpu.memref_slice %arg7[%rem3A_28, %squeeze3A_841, %dma_start3A_848] : memref<2x64x3072xf32, #tpu.memory_space<vmem_shared>> -> memref<1x1x1920xf32, #tpu.memory_space<vmem_shared>>
        %dma_start3A_850 = tpu.memref_squeeze %dma_start3A_849 : memref<1x1x1920xf32, #tpu.memory_space<vmem_shared>> -> memref<1x1920xf32, #tpu.memory_space<vmem_shared>>
        tpu.enqueue_dma source(%dma_start3A_850 : memref<1x1920xf32, #tpu.memory_space<vmem_shared>>) target(%dma_start3A_847 : memref<1x1920xf32, #tpu.memory_space<hbm>>) target_semaphore(%arg8 : memref<!tpu.dma_semaphore, #tpu.memory_space<semaphore_mem>>)
        %dma_wait3A_851 = arith.constant 0 : i32
        %dma_wait3A_852 = arith.constant 0 : i32
        %dma_wait3A_853 = arith.constant 0 : i32
        %dma_wait3A_854 = tpu.memref_slice %arg6[%dma_wait3A_851, %dma_wait3A_852, %dma_wait3A_853] : memref<2x16x1152xf32, #tpu.memory_space<vmem>> -> memref<1x1x1152xf32, #tpu.memory_space<vmem>>
        %dma_wait3A_855 = tpu.memref_squeeze %dma_wait3A_854 : memref<1x1x1152xf32, #tpu.memory_space<vmem>> -> memref<1x1152xf32, #tpu.memory_space<vmem>>
        %dma_wait3A_856 = arith.constant 0 : i32
        %dma_wait3A_857 = arith.constant 1920 : i32
        %dma_wait3A_858 = tpu.memref_slice %arg7[%rem3A_28, %dma_wait3A_856, %dma_wait3A_857] : memref<2x64x3072xf32, #tpu.memory_space<vmem_shared>> -> memref<1x1x1152xf32, #tpu.memory_space<vmem_shared>>
        %dma_wait3A_859 = tpu.memref_squeeze %dma_wait3A_858 : memref<1x1x1152xf32, #tpu.memory_space<vmem_shared>> -> memref<1x1152xf32, #tpu.memory_space<vmem_shared>>
        %dma_wait3A_860 = tpu.memref_slice %arg9[%rem3A_657] : memref<2x!tpu.dma_semaphore, #tpu.memory_space<semaphore_mem>> -> memref<1x!tpu.dma_semaphore, #tpu.memory_space<semaphore_mem>>
        %dma_wait3A_861 = tpu.memref_squeeze %dma_wait3A_860 : memref<1x!tpu.dma_semaphore, #tpu.memory_space<semaphore_mem>> -> memref<!tpu.dma_semaphore, #tpu.memory_space<semaphore_mem>>
        %dma_wait3A_862 = arith.constant 0 : i32
        %dma_wait3A_863 = arith.constant 0 : i32
        %dma_wait3A_864 = tpu.memref_slice %arg6[%dma_wait3A_851, %dma_wait3A_862, %dma_wait3A_863] : memref<2x16x1152xf32, #tpu.memory_space<vmem>> -> memref<1x1x1152xf32, #tpu.memory_space<vmem>>
        %dma_wait3A_865 = tpu.memref_squeeze %dma_wait3A_864 : memref<1x1x1152xf32, #tpu.memory_space<vmem>> -> memref<1x1152xf32, #tpu.memory_space<vmem>>
        %dma_wait3A_866 = arith.constant 0 : i32
        %dma_wait3A_867 = arith.constant 1920 : i32
        %dma_wait3A_868 = tpu.memref_slice %arg7[%rem3A_28, %dma_wait3A_866, %dma_wait3A_867] : memref<2x64x3072xf32, #tpu.memory_space<vmem_shared>> -> memref<1x1x1152xf32, #tpu.memory_space<vmem_shared>>
        %dma_wait3A_869 = tpu.memref_squeeze %dma_wait3A_868 : memref<1x1x1152xf32, #tpu.memory_space<vmem_shared>> -> memref<1x1152xf32, #tpu.memory_space<vmem_shared>>
        tpu.wait_dma2 semaphore(%dma_wait3A_861 : memref<!tpu.dma_semaphore, #tpu.memory_space<semaphore_mem>>) src(%dma_wait3A_869 : memref<1x1152xf32, #tpu.memory_space<vmem_shared>>) dst(%dma_wait3A_865 : memref<1x1152xf32, #tpu.memory_space<vmem>>)
        %dma_wait3A_870 = arith.constant 0 : i32
        %dma_wait3A_871 = arith.constant 0 : i32
        %dma_wait3A_872 = arith.constant 0 : i32
        %dma_wait3A_873 = tpu.memref_slice %arg6[%dma_wait3A_870, %dma_wait3A_871, %dma_wait3A_872] : memref<2x16x1152xf32, #tpu.memory_space<vmem>> -> memref<1x1x1152xf32, #tpu.memory_space<vmem>>
        %dma_wait3A_874 = tpu.memref_squeeze %dma_wait3A_873 : memref<1x1x1152xf32, #tpu.memory_space<vmem>> -> memref<1x1152xf32, #tpu.memory_space<vmem>>
        %dma_wait3A_875 = arith.constant 0 : i32
        %dma_wait3A_876 = arith.constant 1920 : i32
        %dma_wait3A_877 = tpu.memref_slice %arg7[%rem3A_28, %dma_wait3A_875, %dma_wait3A_876] : memref<2x64x3072xf32, #tpu.memory_space<vmem_shared>> -> memref<1x1x1152xf32, #tpu.memory_space<vmem_shared>>
        %dma_wait3A_878 = tpu.memref_squeeze %dma_wait3A_877 : memref<1x1x1152xf32, #tpu.memory_space<vmem_shared>> -> memref<1x1152xf32, #tpu.memory_space<vmem_shared>>
        %dma_wait3A_879 = tpu.memref_slice %arg9[%rem3A_657] : memref<2x!tpu.dma_semaphore, #tpu.memory_space<semaphore_mem>> -> memref<1x!tpu.dma_semaphore, #tpu.memory_space<semaphore_mem>>
        %dma_wait3A_880 = tpu.memref_squeeze %dma_wait3A_879 : memref<1x!tpu.dma_semaphore, #tpu.memory_space<semaphore_mem>> -> memref<!tpu.dma_semaphore, #tpu.memory_space<semaphore_mem>>
        %dma_wait3A_881 = arith.constant 0 : i32
        %dma_wait3A_882 = arith.constant 0 : i32
        %dma_wait3A_883 = tpu.memref_slice %arg6[%dma_wait3A_870, %dma_wait3A_881, %dma_wait3A_882] : memref<2x16x1152xf32, #tpu.memory_space<vmem>> -> memref<1x1x1152xf32, #tpu.memory_space<vmem>>
        %dma_wait3A_884 = tpu.memref_squeeze %dma_wait3A_883 : memref<1x1x1152xf32, #tpu.memory_space<vmem>> -> memref<1x1152xf32, #tpu.memory_space<vmem>>
        %dma_wait3A_885 = arith.constant 0 : i32
        %dma_wait3A_886 = arith.constant 1920 : i32
        %dma_wait3A_887 = tpu.memref_slice %arg7[%rem3A_28, %dma_wait3A_885, %dma_wait3A_886] : memref<2x64x3072xf32, #tpu.memory_space<vmem_shared>> -> memref<1x1x1152xf32, #tpu.memory_space<vmem_shared>>
        %dma_wait3A_888 = tpu.memref_squeeze %dma_wait3A_887 : memref<1x1x1152xf32, #tpu.memory_space<vmem_shared>> -> memref<1x1152xf32, #tpu.memory_space<vmem_shared>>
        tpu.wait_dma2 semaphore(%dma_wait3A_880 : memref<!tpu.dma_semaphore, #tpu.memory_space<semaphore_mem>>) src(%dma_wait3A_888 : memref<1x1152xf32, #tpu.memory_space<vmem_shared>>) dst(%dma_wait3A_884 : memref<1x1152xf32, #tpu.memory_space<vmem>>)
        %dma_wait3A_889 = arith.constant 0 : i32
        %dma_wait3A_890 = arith.constant 0 : i32
        %dma_wait3A_891 = arith.constant 0 : i32
        %dma_wait3A_892 = tpu.memref_slice %arg6[%dma_wait3A_889, %dma_wait3A_890, %dma_wait3A_891] : memref<2x16x1152xf32, #tpu.memory_space<vmem>> -> memref<1x1x1152xf32, #tpu.memory_space<vmem>>
        %dma_wait3A_893 = tpu.memref_squeeze %dma_wait3A_892 : memref<1x1x1152xf32, #tpu.memory_space<vmem>> -> memref<1x1152xf32, #tpu.memory_space<vmem>>
        %dma_wait3A_894 = arith.constant 0 : i32
        %dma_wait3A_895 = arith.constant 1920 : i32
        %dma_wait3A_896 = tpu.memref_slice %arg7[%rem3A_28, %dma_wait3A_894, %dma_wait3A_895] : memref<2x64x3072xf32, #tpu.memory_space<vmem_shared>> -> memref<1x1x1152xf32, #tpu.memory_space<vmem_shared>>
        %dma_wait3A_897 = tpu.memref_squeeze %dma_wait3A_896 : memref<1x1x1152xf32, #tpu.memory_space<vmem_shared>> -> memref<1x1152xf32, #tpu.memory_space<vmem_shared>>
        %dma_wait3A_898 = tpu.memref_slice %arg9[%rem3A_657] : memref<2x!tpu.dma_semaphore, #tpu.memory_space<semaphore_mem>> -> memref<1x!tpu.dma_semaphore, #tpu.memory_space<semaphore_mem>>
        %dma_wait3A_899 = tpu.memref_squeeze %dma_wait3A_898 : memref<1x!tpu.dma_semaphore, #tpu.memory_space<semaphore_mem>> -> memref<!tpu.dma_semaphore, #tpu.memory_space<semaphore_mem>>
        %dma_wait3A_900 = arith.constant 0 : i32
        %dma_wait3A_901 = arith.constant 0 : i32
        %dma_wait3A_902 = tpu.memref_slice %arg6[%dma_wait3A_889, %dma_wait3A_900, %dma_wait3A_901] : memref<2x16x1152xf32, #tpu.memory_space<vmem>> -> memref<1x1x1152xf32, #tpu.memory_space<vmem>>
        %dma_wait3A_903 = tpu.memref_squeeze %dma_wait3A_902 : memref<1x1x1152xf32, #tpu.memory_space<vmem>> -> memref<1x1152xf32, #tpu.memory_space<vmem>>
        %dma_wait3A_904 = arith.constant 0 : i32
        %dma_wait3A_905 = arith.constant 1920 : i32
        %dma_wait3A_906 = tpu.memref_slice %arg7[%rem3A_28, %dma_wait3A_904, %dma_wait3A_905] : memref<2x64x3072xf32, #tpu.memory_space<vmem_shared>> -> memref<1x1x1152xf32, #tpu.memory_space<vmem_shared>>
        %dma_wait3A_907 = tpu.memref_squeeze %dma_wait3A_906 : memref<1x1x1152xf32, #tpu.memory_space<vmem_shared>> -> memref<1x1152xf32, #tpu.memory_space<vmem_shared>>
        tpu.wait_dma2 semaphore(%dma_wait3A_899 : memref<!tpu.dma_semaphore, #tpu.memory_space<semaphore_mem>>) src(%dma_wait3A_907 : memref<1x1152xf32, #tpu.memory_space<vmem_shared>>) dst(%dma_wait3A_903 : memref<1x1152xf32, #tpu.memory_space<vmem>>)
        %dma_wait3A_908 = arith.constant 0 : i32
        %dma_wait3A_909 = arith.constant 0 : i32
        %dma_wait3A_910 = arith.constant 0 : i32
        %dma_wait3A_911 = tpu.memref_slice %arg6[%dma_wait3A_908, %dma_wait3A_909, %dma_wait3A_910] : memref<2x16x1152xf32, #tpu.memory_space<vmem>> -> memref<1x1x1152xf32, #tpu.memory_space<vmem>>
        %dma_wait3A_912 = tpu.memref_squeeze %dma_wait3A_911 : memref<1x1x1152xf32, #tpu.memory_space<vmem>> -> memref<1x1152xf32, #tpu.memory_space<vmem>>
        %dma_wait3A_913 = arith.constant 0 : i32
        %dma_wait3A_914 = arith.constant 1920 : i32
        %dma_wait3A_915 = tpu.memref_slice %arg7[%rem3A_28, %dma_wait3A_913, %dma_wait3A_914] : memref<2x64x3072xf32, #tpu.memory_space<vmem_shared>> -> memref<1x1x1152xf32, #tpu.memory_space<vmem_shared>>
        %dma_wait3A_916 = tpu.memref_squeeze %dma_wait3A_915 : memref<1x1x1152xf32, #tpu.memory_space<vmem_shared>> -> memref<1x1152xf32, #tpu.memory_space<vmem_shared>>
        %dma_wait3A_917 = tpu.memref_slice %arg9[%rem3A_657] : memref<2x!tpu.dma_semaphore, #tpu.memory_space<semaphore_mem>> -> memref<1x!tpu.dma_semaphore, #tpu.memory_space<semaphore_mem>>
        %dma_wait3A_918 = tpu.memref_squeeze %dma_wait3A_917 : memref<1x!tpu.dma_semaphore, #tpu.memory_space<semaphore_mem>> -> memref<!tpu.dma_semaphore, #tpu.memory_space<semaphore_mem>>
        %dma_wait3A_919 = arith.constant 0 : i32
        %dma_wait3A_920 = arith.constant 0 : i32
        %dma_wait3A_921 = tpu.memref_slice %arg6[%dma_wait3A_908, %dma_wait3A_919, %dma_wait3A_920] : memref<2x16x1152xf32, #tpu.memory_space<vmem>> -> memref<1x1x1152xf32, #tpu.memory_space<vmem>>
        %dma_wait3A_922 = tpu.memref_squeeze %dma_wait3A_921 : memref<1x1x1152xf32, #tpu.memory_space<vmem>> -> memref<1x1152xf32, #tpu.memory_space<vmem>>
        %dma_wait3A_923 = arith.constant 0 : i32
        %dma_wait3A_924 = arith.constant 1920 : i32
        %dma_wait3A_925 = tpu.memref_slice %arg7[%rem3A_28, %dma_wait3A_923, %dma_wait3A_924] : memref<2x64x3072xf32, #tpu.memory_space<vmem_shared>> -> memref<1x1x1152xf32, #tpu.memory_space<vmem_shared>>
        %dma_wait3A_926 = tpu.memref_squeeze %dma_wait3A_925 : memref<1x1x1152xf32, #tpu.memory_space<vmem_shared>> -> memref<1x1152xf32, #tpu.memory_space<vmem_shared>>
        tpu.wait_dma2 semaphore(%dma_wait3A_918 : memref<!tpu.dma_semaphore, #tpu.memory_space<semaphore_mem>>) src(%dma_wait3A_926 : memref<1x1152xf32, #tpu.memory_space<vmem_shared>>) dst(%dma_wait3A_922 : memref<1x1152xf32, #tpu.memory_space<vmem>>)
        %dma_wait3A_927 = arith.constant 0 : i32
        %dma_wait3A_928 = arith.constant 0 : i32
        %dma_wait3A_929 = arith.constant 0 : i32
        %dma_wait3A_930 = tpu.memref_slice %arg6[%dma_wait3A_927, %dma_wait3A_928, %dma_wait3A_929] : memref<2x16x1152xf32, #tpu.memory_space<vmem>> -> memref<1x1x1152xf32, #tpu.memory_space<vmem>>
        %dma_wait3A_931 = tpu.memref_squeeze %dma_wait3A_930 : memref<1x1x1152xf32, #tpu.memory_space<vmem>> -> memref<1x1152xf32, #tpu.memory_space<vmem>>
        %dma_wait3A_932 = arith.constant 0 : i32
        %dma_wait3A_933 = arith.constant 1920 : i32
        %dma_wait3A_934 = tpu.memref_slice %arg7[%rem3A_28, %dma_wait3A_932, %dma_wait3A_933] : memref<2x64x3072xf32, #tpu.memory_space<vmem_shared>> -> memref<1x1x1152xf32, #tpu.memory_space<vmem_shared>>
        %dma_wait3A_935 = tpu.memref_squeeze %dma_wait3A_934 : memref<1x1x1152xf32, #tpu.memory_space<vmem_shared>> -> memref<1x1152xf32, #tpu.memory_space<vmem_shared>>
        %dma_wait3A_936 = tpu.memref_slice %arg9[%rem3A_657] : memref<2x!tpu.dma_semaphore, #tpu.memory_space<semaphore_mem>> -> memref<1x!tpu.dma_semaphore, #tpu.memory_space<semaphore_mem>>
        %dma_wait3A_937 = tpu.memref_squeeze %dma_wait3A_936 : memref<1x!tpu.dma_semaphore, #tpu.memory_space<semaphore_mem>> -> memref<!tpu.dma_semaphore, #tpu.memory_space<semaphore_mem>>
        %dma_wait3A_938 = arith.constant 0 : i32
        %dma_wait3A_939 = arith.constant 0 : i32
        %dma_wait3A_940 = tpu.memref_slice %arg6[%dma_wait3A_927, %dma_wait3A_938, %dma_wait3A_939] : memref<2x16x1152xf32, #tpu.memory_space<vmem>> -> memref<1x1x1152xf32, #tpu.memory_space<vmem>>
        %dma_wait3A_941 = tpu.memref_squeeze %dma_wait3A_940 : memref<1x1x1152xf32, #tpu.memory_space<vmem>> -> memref<1x1152xf32, #tpu.memory_space<vmem>>
        %dma_wait3A_942 = arith.constant 0 : i32
        %dma_wait3A_943 = arith.constant 1920 : i32
        %dma_wait3A_944 = tpu.memref_slice %arg7[%rem3A_28, %dma_wait3A_942, %dma_wait3A_943] : memref<2x64x3072xf32, #tpu.memory_space<vmem_shared>> -> memref<1x1x1152xf32, #tpu.memory_space<vmem_shared>>
        %dma_wait3A_945 = tpu.memref_squeeze %dma_wait3A_944 : memref<1x1x1152xf32, #tpu.memory_space<vmem_shared>> -> memref<1x1152xf32, #tpu.memory_space<vmem_shared>>
        tpu.wait_dma2 semaphore(%dma_wait3A_937 : memref<!tpu.dma_semaphore, #tpu.memory_space<semaphore_mem>>) src(%dma_wait3A_945 : memref<1x1152xf32, #tpu.memory_space<vmem_shared>>) dst(%dma_wait3A_941 : memref<1x1152xf32, #tpu.memory_space<vmem>>)
        %dma_wait3A_946 = arith.constant 0 : i32
        %dma_wait3A_947 = arith.constant 0 : i32
        %dma_wait3A_948 = arith.constant 0 : i32
        %dma_wait3A_949 = tpu.memref_slice %arg6[%dma_wait3A_946, %dma_wait3A_947, %dma_wait3A_948] : memref<2x16x1152xf32, #tpu.memory_space<vmem>> -> memref<1x1x1152xf32, #tpu.memory_space<vmem>>
        %dma_wait3A_950 = tpu.memref_squeeze %dma_wait3A_949 : memref<1x1x1152xf32, #tpu.memory_space<vmem>> -> memref<1x1152xf32, #tpu.memory_space<vmem>>
        %dma_wait3A_951 = arith.constant 0 : i32
        %dma_wait3A_952 = arith.constant 1920 : i32
        %dma_wait3A_953 = tpu.memref_slice %arg7[%rem3A_28, %dma_wait3A_951, %dma_wait3A_952] : memref<2x64x3072xf32, #tpu.memory_space<vmem_shared>> -> memref<1x1x1152xf32, #tpu.memory_space<vmem_shared>>
        %dma_wait3A_954 = tpu.memref_squeeze %dma_wait3A_953 : memref<1x1x1152xf32, #tpu.memory_space<vmem_shared>> -> memref<1x1152xf32, #tpu.memory_space<vmem_shared>>
        %dma_wait3A_955 = tpu.memref_slice %arg9[%rem3A_657] : memref<2x!tpu.dma_semaphore, #tpu.memory_space<semaphore_mem>> -> memref<1x!tpu.dma_semaphore, #tpu.memory_space<semaphore_mem>>
        %dma_wait3A_956 = tpu.memref_squeeze %dma_wait3A_955 : memref<1x!tpu.dma_semaphore, #tpu.memory_space<semaphore_mem>> -> memref<!tpu.dma_semaphore, #tpu.memory_space<semaphore_mem>>
        %dma_wait3A_957 = arith.constant 0 : i32
        %dma_wait3A_958 = arith.constant 0 : i32
        %dma_wait3A_959 = tpu.memref_slice %arg6[%dma_wait3A_946, %dma_wait3A_957, %dma_wait3A_958] : memref<2x16x1152xf32, #tpu.memory_space<vmem>> -> memref<1x1x1152xf32, #tpu.memory_space<vmem>>
        %dma_wait3A_960 = tpu.memref_squeeze %dma_wait3A_959 : memref<1x1x1152xf32, #tpu.memory_space<vmem>> -> memref<1x1152xf32, #tpu.memory_space<vmem>>
        %dma_wait3A_961 = arith.constant 0 : i32
        %dma_wait3A_962 = arith.constant 1920 : i32
        %dma_wait3A_963 = tpu.memref_slice %arg7[%rem3A_28, %dma_wait3A_961, %dma_wait3A_962] : memref<2x64x3072xf32, #tpu.memory_space<vmem_shared>> -> memref<1x1x1152xf32, #tpu.memory_space<vmem_shared>>
        %dma_wait3A_964 = tpu.memref_squeeze %dma_wait3A_963 : memref<1x1x1152xf32, #tpu.memory_space<vmem_shared>> -> memref<1x1152xf32, #tpu.memory_space<vmem_shared>>
        tpu.wait_dma2 semaphore(%dma_wait3A_956 : memref<!tpu.dma_semaphore, #tpu.memory_space<semaphore_mem>>) src(%dma_wait3A_964 : memref<1x1152xf32, #tpu.memory_space<vmem_shared>>) dst(%dma_wait3A_960 : memref<1x1152xf32, #tpu.memory_space<vmem>>)
        %dma_wait3A_965 = arith.constant 0 : i32
        %dma_wait3A_966 = arith.constant 0 : i32
        %dma_wait3A_967 = arith.constant 0 : i32
        %dma_wait3A_968 = tpu.memref_slice %arg6[%dma_wait3A_965, %dma_wait3A_966, %dma_wait3A_967] : memref<2x16x1152xf32, #tpu.memory_space<vmem>> -> memref<1x1x1152xf32, #tpu.memory_space<vmem>>
        %dma_wait3A_969 = tpu.memref_squeeze %dma_wait3A_968 : memref<1x1x1152xf32, #tpu.memory_space<vmem>> -> memref<1x1152xf32, #tpu.memory_space<vmem>>
        %dma_wait3A_970 = arith.constant 0 : i32
        %dma_wait3A_971 = arith.constant 1920 : i32
        %dma_wait3A_972 = tpu.memref_slice %arg7[%rem3A_28, %dma_wait3A_970, %dma_wait3A_971] : memref<2x64x3072xf32, #tpu.memory_space<vmem_shared>> -> memref<1x1x1152xf32, #tpu.memory_space<vmem_shared>>
        %dma_wait3A_973 = tpu.memref_squeeze %dma_wait3A_972 : memref<1x1x1152xf32, #tpu.memory_space<vmem_shared>> -> memref<1x1152xf32, #tpu.memory_space<vmem_shared>>
        %dma_wait3A_974 = tpu.memref_slice %arg9[%rem3A_657] : memref<2x!tpu.dma_semaphore, #tpu.memory_space<semaphore_mem>> -> memref<1x!tpu.dma_semaphore, #tpu.memory_space<semaphore_mem>>
        %dma_wait3A_975 = tpu.memref_squeeze %dma_wait3A_974 : memref<1x!tpu.dma_semaphore, #tpu.memory_space<semaphore_mem>> -> memref<!tpu.dma_semaphore, #tpu.memory_space<semaphore_mem>>
        %dma_wait3A_976 = arith.constant 0 : i32
        %dma_wait3A_977 = arith.constant 0 : i32
        %dma_wait3A_978 = tpu.memref_slice %arg6[%dma_wait3A_965, %dma_wait3A_976, %dma_wait3A_977] : memref<2x16x1152xf32, #tpu.memory_space<vmem>> -> memref<1x1x1152xf32, #tpu.memory_space<vmem>>
        %dma_wait3A_979 = tpu.memref_squeeze %dma_wait3A_978 : memref<1x1x1152xf32, #tpu.memory_space<vmem>> -> memref<1x1152xf32, #tpu.memory_space<vmem>>
        %dma_wait3A_980 = arith.constant 0 : i32
        %dma_wait3A_981 = arith.constant 1920 : i32
        %dma_wait3A_982 = tpu.memref_slice %arg7[%rem3A_28, %dma_wait3A_980, %dma_wait3A_981] : memref<2x64x3072xf32, #tpu.memory_space<vmem_shared>> -> memref<1x1x1152xf32, #tpu.memory_space<vmem_shared>>
        %dma_wait3A_983 = tpu.memref_squeeze %dma_wait3A_982 : memref<1x1x1152xf32, #tpu.memory_space<vmem_shared>> -> memref<1x1152xf32, #tpu.memory_space<vmem_shared>>
        tpu.wait_dma2 semaphore(%dma_wait3A_975 : memref<!tpu.dma_semaphore, #tpu.memory_space<semaphore_mem>>) src(%dma_wait3A_983 : memref<1x1152xf32, #tpu.memory_space<vmem_shared>>) dst(%dma_wait3A_979 : memref<1x1152xf32, #tpu.memory_space<vmem>>)
        %dma_wait3A_984 = arith.constant 0 : i32
        %dma_wait3A_985 = arith.constant 0 : i32
        %dma_wait3A_986 = arith.constant 0 : i32
        %dma_wait3A_987 = tpu.memref_slice %arg6[%dma_wait3A_984, %dma_wait3A_985, %dma_wait3A_986] : memref<2x16x1152xf32, #tpu.memory_space<vmem>> -> memref<1x1x1152xf32, #tpu.memory_space<vmem>>
        %dma_wait3A_988 = tpu.memref_squeeze %dma_wait3A_987 : memref<1x1x1152xf32, #tpu.memory_space<vmem>> -> memref<1x1152xf32, #tpu.memory_space<vmem>>
        %dma_wait3A_989 = arith.constant 0 : i32
        %dma_wait3A_990 = arith.constant 1920 : i32
        %dma_wait3A_991 = tpu.memref_slice %arg7[%rem3A_28, %dma_wait3A_989, %dma_wait3A_990] : memref<2x64x3072xf32, #tpu.memory_space<vmem_shared>> -> memref<1x1x1152xf32, #tpu.memory_space<vmem_shared>>
        %dma_wait3A_992 = tpu.memref_squeeze %dma_wait3A_991 : memref<1x1x1152xf32, #tpu.memory_space<vmem_shared>> -> memref<1x1152xf32, #tpu.memory_space<vmem_shared>>
        %dma_wait3A_993 = tpu.memref_slice %arg9[%rem3A_657] : memref<2x!tpu.dma_semaphore, #tpu.memory_space<semaphore_mem>> -> memref<1x!tpu.dma_semaphore, #tpu.memory_space<semaphore_mem>>
        %dma_wait3A_994 = tpu.memref_squeeze %dma_wait3A_993 : memref<1x!tpu.dma_semaphore, #tpu.memory_space<semaphore_mem>> -> memref<!tpu.dma_semaphore, #tpu.memory_space<semaphore_mem>>
        %dma_wait3A_995 = arith.constant 0 : i32
        %dma_wait3A_996 = arith.constant 0 : i32
        %dma_wait3A_997 = tpu.memref_slice %arg6[%dma_wait3A_984, %dma_wait3A_995, %dma_wait3A_996] : memref<2x16x1152xf32, #tpu.memory_space<vmem>> -> memref<1x1x1152xf32, #tpu.memory_space<vmem>>
        %dma_wait3A_998 = tpu.memref_squeeze %dma_wait3A_997 : memref<1x1x1152xf32, #tpu.memory_space<vmem>> -> memref<1x1152xf32, #tpu.memory_space<vmem>>
        %dma_wait3A_999 = arith.constant 0 : i32
        %dma_wait3A_1000 = arith.constant 1920 : i32
        %dma_wait3A_1001 = tpu.memref_slice %arg7[%rem3A_28, %dma_wait3A_999, %dma_wait3A_1000] : memref<2x64x3072xf32, #tpu.memory_space<vmem_shared>> -> memref<1x1x1152xf32, #tpu.memory_space<vmem_shared>>
        %dma_wait3A_1002 = tpu.memref_squeeze %dma_wait3A_1001 : memref<1x1x1152xf32, #tpu.memory_space<vmem_shared>> -> memref<1x1152xf32, #tpu.memory_space<vmem_shared>>
        tpu.wait_dma2 semaphore(%dma_wait3A_994 : memref<!tpu.dma_semaphore, #tpu.memory_space<semaphore_mem>>) src(%dma_wait3A_1002 : memref<1x1152xf32, #tpu.memory_space<vmem_shared>>) dst(%dma_wait3A_998 : memref<1x1152xf32, #tpu.memory_space<vmem>>)
        %dma_wait3A_1003 = arith.constant 0 : i32
        %dma_wait3A_1004 = arith.constant 0 : i32
        %dma_wait3A_1005 = arith.constant 0 : i32
        %dma_wait3A_1006 = tpu.memref_slice %arg6[%dma_wait3A_1003, %dma_wait3A_1004, %dma_wait3A_1005] : memref<2x16x1152xf32, #tpu.memory_space<vmem>> -> memref<1x1x1152xf32, #tpu.memory_space<vmem>>
        %dma_wait3A_1007 = tpu.memref_squeeze %dma_wait3A_1006 : memref<1x1x1152xf32, #tpu.memory_space<vmem>> -> memref<1x1152xf32, #tpu.memory_space<vmem>>
        %dma_wait3A_1008 = arith.constant 0 : i32
        %dma_wait3A_1009 = arith.constant 1920 : i32
        %dma_wait3A_1010 = tpu.memref_slice %arg7[%rem3A_28, %dma_wait3A_1008, %dma_wait3A_1009] : memref<2x64x3072xf32, #tpu.memory_space<vmem_shared>> -> memref<1x1x1152xf32, #tpu.memory_space<vmem_shared>>
        %dma_wait3A_1011 = tpu.memref_squeeze %dma_wait3A_1010 : memref<1x1x1152xf32, #tpu.memory_space<vmem_shared>> -> memref<1x1152xf32, #tpu.memory_space<vmem_shared>>
        %dma_wait3A_1012 = tpu.memref_slice %arg9[%rem3A_657] : memref<2x!tpu.dma_semaphore, #tpu.memory_space<semaphore_mem>> -> memref<1x!tpu.dma_semaphore, #tpu.memory_space<semaphore_mem>>
        %dma_wait3A_1013 = tpu.memref_squeeze %dma_wait3A_1012 : memref<1x!tpu.dma_semaphore, #tpu.memory_space<semaphore_mem>> -> memref<!tpu.dma_semaphore, #tpu.memory_space<semaphore_mem>>
        %dma_wait3A_1014 = arith.constant 0 : i32
        %dma_wait3A_1015 = arith.constant 0 : i32
        %dma_wait3A_1016 = tpu.memref_slice %arg6[%dma_wait3A_1003, %dma_wait3A_1014, %dma_wait3A_1015] : memref<2x16x1152xf32, #tpu.memory_space<vmem>> -> memref<1x1x1152xf32, #tpu.memory_space<vmem>>
        %dma_wait3A_1017 = tpu.memref_squeeze %dma_wait3A_1016 : memref<1x1x1152xf32, #tpu.memory_space<vmem>> -> memref<1x1152xf32, #tpu.memory_space<vmem>>
        %dma_wait3A_1018 = arith.constant 0 : i32
        %dma_wait3A_1019 = arith.constant 1920 : i32
        %dma_wait3A_1020 = tpu.memref_slice %arg7[%rem3A_28, %dma_wait3A_1018, %dma_wait3A_1019] : memref<2x64x3072xf32, #tpu.memory_space<vmem_shared>> -> memref<1x1x1152xf32, #tpu.memory_space<vmem_shared>>
        %dma_wait3A_1021 = tpu.memref_squeeze %dma_wait3A_1020 : memref<1x1x1152xf32, #tpu.memory_space<vmem_shared>> -> memref<1x1152xf32, #tpu.memory_space<vmem_shared>>
        tpu.wait_dma2 semaphore(%dma_wait3A_1013 : memref<!tpu.dma_semaphore, #tpu.memory_space<semaphore_mem>>) src(%dma_wait3A_1021 : memref<1x1152xf32, #tpu.memory_space<vmem_shared>>) dst(%dma_wait3A_1017 : memref<1x1152xf32, #tpu.memory_space<vmem>>)
        %dma_wait3A_1022 = arith.constant 0 : i32
        %dma_wait3A_1023 = arith.constant 0 : i32
        %dma_wait3A_1024 = arith.constant 0 : i32
        %dma_wait3A_1025 = tpu.memref_slice %arg6[%dma_wait3A_1022, %dma_wait3A_1023, %dma_wait3A_1024] : memref<2x16x1152xf32, #tpu.memory_space<vmem>> -> memref<1x1x1152xf32, #tpu.memory_space<vmem>>
        %dma_wait3A_1026 = tpu.memref_squeeze %dma_wait3A_1025 : memref<1x1x1152xf32, #tpu.memory_space<vmem>> -> memref<1x1152xf32, #tpu.memory_space<vmem>>
        %dma_wait3A_1027 = arith.constant 0 : i32
        %dma_wait3A_1028 = arith.constant 1920 : i32
        %dma_wait3A_1029 = tpu.memref_slice %arg7[%rem3A_28, %dma_wait3A_1027, %dma_wait3A_1028] : memref<2x64x3072xf32, #tpu.memory_space<vmem_shared>> -> memref<1x1x1152xf32, #tpu.memory_space<vmem_shared>>
        %dma_wait3A_1030 = tpu.memref_squeeze %dma_wait3A_1029 : memref<1x1x1152xf32, #tpu.memory_space<vmem_shared>> -> memref<1x1152xf32, #tpu.memory_space<vmem_shared>>
        %dma_wait3A_1031 = tpu.memref_slice %arg9[%rem3A_657] : memref<2x!tpu.dma_semaphore, #tpu.memory_space<semaphore_mem>> -> memref<1x!tpu.dma_semaphore, #tpu.memory_space<semaphore_mem>>
        %dma_wait3A_1032 = tpu.memref_squeeze %dma_wait3A_1031 : memref<1x!tpu.dma_semaphore, #tpu.memory_space<semaphore_mem>> -> memref<!tpu.dma_semaphore, #tpu.memory_space<semaphore_mem>>
        %dma_wait3A_1033 = arith.constant 0 : i32
        %dma_wait3A_1034 = arith.constant 0 : i32
        %dma_wait3A_1035 = tpu.memref_slice %arg6[%dma_wait3A_1022, %dma_wait3A_1033, %dma_wait3A_1034] : memref<2x16x1152xf32, #tpu.memory_space<vmem>> -> memref<1x1x1152xf32, #tpu.memory_space<vmem>>
        %dma_wait3A_1036 = tpu.memref_squeeze %dma_wait3A_1035 : memref<1x1x1152xf32, #tpu.memory_space<vmem>> -> memref<1x1152xf32, #tpu.memory_space<vmem>>
        %dma_wait3A_1037 = arith.constant 0 : i32
        %dma_wait3A_1038 = arith.constant 1920 : i32
        %dma_wait3A_1039 = tpu.memref_slice %arg7[%rem3A_28, %dma_wait3A_1037, %dma_wait3A_1038] : memref<2x64x3072xf32, #tpu.memory_space<vmem_shared>> -> memref<1x1x1152xf32, #tpu.memory_space<vmem_shared>>
        %dma_wait3A_1040 = tpu.memref_squeeze %dma_wait3A_1039 : memref<1x1x1152xf32, #tpu.memory_space<vmem_shared>> -> memref<1x1152xf32, #tpu.memory_space<vmem_shared>>
        tpu.wait_dma2 semaphore(%dma_wait3A_1032 : memref<!tpu.dma_semaphore, #tpu.memory_space<semaphore_mem>>) src(%dma_wait3A_1040 : memref<1x1152xf32, #tpu.memory_space<vmem_shared>>) dst(%dma_wait3A_1036 : memref<1x1152xf32, #tpu.memory_space<vmem>>)
        %dma_wait3A_1041 = arith.constant 0 : i32
        %dma_wait3A_1042 = arith.constant 0 : i32
        %dma_wait3A_1043 = arith.constant 0 : i32
        %dma_wait3A_1044 = tpu.memref_slice %arg6[%dma_wait3A_1041, %dma_wait3A_1042, %dma_wait3A_1043] : memref<2x16x1152xf32, #tpu.memory_space<vmem>> -> memref<1x1x1152xf32, #tpu.memory_space<vmem>>
        %dma_wait3A_1045 = tpu.memref_squeeze %dma_wait3A_1044 : memref<1x1x1152xf32, #tpu.memory_space<vmem>> -> memref<1x1152xf32, #tpu.memory_space<vmem>>
        %dma_wait3A_1046 = arith.constant 0 : i32
        %dma_wait3A_1047 = arith.constant 1920 : i32
        %dma_wait3A_1048 = tpu.memref_slice %arg7[%rem3A_28, %dma_wait3A_1046, %dma_wait3A_1047] : memref<2x64x3072xf32, #tpu.memory_space<vmem_shared>> -> memref<1x1x1152xf32, #tpu.memory_space<vmem_shared>>
        %dma_wait3A_1049 = tpu.memref_squeeze %dma_wait3A_1048 : memref<1x1x1152xf32, #tpu.memory_space<vmem_shared>> -> memref<1x1152xf32, #tpu.memory_space<vmem_shared>>
        %dma_wait3A_1050 = tpu.memref_slice %arg9[%rem3A_657] : memref<2x!tpu.dma_semaphore, #tpu.memory_space<semaphore_mem>> -> memref<1x!tpu.dma_semaphore, #tpu.memory_space<semaphore_mem>>
        %dma_wait3A_1051 = tpu.memref_squeeze %dma_wait3A_1050 : memref<1x!tpu.dma_semaphore, #tpu.memory_space<semaphore_mem>> -> memref<!tpu.dma_semaphore, #tpu.memory_space<semaphore_mem>>
        %dma_wait3A_1052 = arith.constant 0 : i32
        %dma_wait3A_1053 = arith.constant 0 : i32
        %dma_wait3A_1054 = tpu.memref_slice %arg6[%dma_wait3A_1041, %dma_wait3A_1052, %dma_wait3A_1053] : memref<2x16x1152xf32, #tpu.memory_space<vmem>> -> memref<1x1x1152xf32, #tpu.memory_space<vmem>>
        %dma_wait3A_1055 = tpu.memref_squeeze %dma_wait3A_1054 : memref<1x1x1152xf32, #tpu.memory_space<vmem>> -> memref<1x1152xf32, #tpu.memory_space<vmem>>
        %dma_wait3A_1056 = arith.constant 0 : i32
        %dma_wait3A_1057 = arith.constant 1920 : i32
        %dma_wait3A_1058 = tpu.memref_slice %arg7[%rem3A_28, %dma_wait3A_1056, %dma_wait3A_1057] : memref<2x64x3072xf32, #tpu.memory_space<vmem_shared>> -> memref<1x1x1152xf32, #tpu.memory_space<vmem_shared>>
        %dma_wait3A_1059 = tpu.memref_squeeze %dma_wait3A_1058 : memref<1x1x1152xf32, #tpu.memory_space<vmem_shared>> -> memref<1x1152xf32, #tpu.memory_space<vmem_shared>>
        tpu.wait_dma2 semaphore(%dma_wait3A_1051 : memref<!tpu.dma_semaphore, #tpu.memory_space<semaphore_mem>>) src(%dma_wait3A_1059 : memref<1x1152xf32, #tpu.memory_space<vmem_shared>>) dst(%dma_wait3A_1055 : memref<1x1152xf32, #tpu.memory_space<vmem>>)
        %dma_wait3A_1060 = arith.constant 0 : i32
        %dma_wait3A_1061 = arith.constant 0 : i32
        %dma_wait3A_1062 = arith.constant 0 : i32
        %dma_wait3A_1063 = tpu.memref_slice %arg6[%dma_wait3A_1060, %dma_wait3A_1061, %dma_wait3A_1062] : memref<2x16x1152xf32, #tpu.memory_space<vmem>> -> memref<1x1x1152xf32, #tpu.memory_space<vmem>>
        %dma_wait3A_1064 = tpu.memref_squeeze %dma_wait3A_1063 : memref<1x1x1152xf32, #tpu.memory_space<vmem>> -> memref<1x1152xf32, #tpu.memory_space<vmem>>
        %dma_wait3A_1065 = arith.constant 0 : i32
        %dma_wait3A_1066 = arith.constant 1920 : i32
        %dma_wait3A_1067 = tpu.memref_slice %arg7[%rem3A_28, %dma_wait3A_1065, %dma_wait3A_1066] : memref<2x64x3072xf32, #tpu.memory_space<vmem_shared>> -> memref<1x1x1152xf32, #tpu.memory_space<vmem_shared>>
        %dma_wait3A_1068 = tpu.memref_squeeze %dma_wait3A_1067 : memref<1x1x1152xf32, #tpu.memory_space<vmem_shared>> -> memref<1x1152xf32, #tpu.memory_space<vmem_shared>>
        %dma_wait3A_1069 = tpu.memref_slice %arg9[%rem3A_657] : memref<2x!tpu.dma_semaphore, #tpu.memory_space<semaphore_mem>> -> memref<1x!tpu.dma_semaphore, #tpu.memory_space<semaphore_mem>>
        %dma_wait3A_1070 = tpu.memref_squeeze %dma_wait3A_1069 : memref<1x!tpu.dma_semaphore, #tpu.memory_space<semaphore_mem>> -> memref<!tpu.dma_semaphore, #tpu.memory_space<semaphore_mem>>
        %dma_wait3A_1071 = arith.constant 0 : i32
        %dma_wait3A_1072 = arith.constant 0 : i32
        %dma_wait3A_1073 = tpu.memref_slice %arg6[%dma_wait3A_1060, %dma_wait3A_1071, %dma_wait3A_1072] : memref<2x16x1152xf32, #tpu.memory_space<vmem>> -> memref<1x1x1152xf32, #tpu.memory_space<vmem>>
        %dma_wait3A_1074 = tpu.memref_squeeze %dma_wait3A_1073 : memref<1x1x1152xf32, #tpu.memory_space<vmem>> -> memref<1x1152xf32, #tpu.memory_space<vmem>>
        %dma_wait3A_1075 = arith.constant 0 : i32
        %dma_wait3A_1076 = arith.constant 1920 : i32
        %dma_wait3A_1077 = tpu.memref_slice %arg7[%rem3A_28, %dma_wait3A_1075, %dma_wait3A_1076] : memref<2x64x3072xf32, #tpu.memory_space<vmem_shared>> -> memref<1x1x1152xf32, #tpu.memory_space<vmem_shared>>
        %dma_wait3A_1078 = tpu.memref_squeeze %dma_wait3A_1077 : memref<1x1x1152xf32, #tpu.memory_space<vmem_shared>> -> memref<1x1152xf32, #tpu.memory_space<vmem_shared>>
        tpu.wait_dma2 semaphore(%dma_wait3A_1070 : memref<!tpu.dma_semaphore, #tpu.memory_space<semaphore_mem>>) src(%dma_wait3A_1078 : memref<1x1152xf32, #tpu.memory_space<vmem_shared>>) dst(%dma_wait3A_1074 : memref<1x1152xf32, #tpu.memory_space<vmem>>)
        %dma_wait3A_1079 = arith.constant 0 : i32
        %dma_wait3A_1080 = arith.constant 0 : i32
        %dma_wait3A_1081 = arith.constant 0 : i32
        %dma_wait3A_1082 = tpu.memref_slice %arg6[%dma_wait3A_1079, %dma_wait3A_1080, %dma_wait3A_1081] : memref<2x16x1152xf32, #tpu.memory_space<vmem>> -> memref<1x1x1152xf32, #tpu.memory_space<vmem>>
        %dma_wait3A_1083 = tpu.memref_squeeze %dma_wait3A_1082 : memref<1x1x1152xf32, #tpu.memory_space<vmem>> -> memref<1x1152xf32, #tpu.memory_space<vmem>>
        %dma_wait3A_1084 = arith.constant 0 : i32
        %dma_wait3A_1085 = arith.constant 1920 : i32
        %dma_wait3A_1086 = tpu.memref_slice %arg7[%rem3A_28, %dma_wait3A_1084, %dma_wait3A_1085] : memref<2x64x3072xf32, #tpu.memory_space<vmem_shared>> -> memref<1x1x1152xf32, #tpu.memory_space<vmem_shared>>
        %dma_wait3A_1087 = tpu.memref_squeeze %dma_wait3A_1086 : memref<1x1x1152xf32, #tpu.memory_space<vmem_shared>> -> memref<1x1152xf32, #tpu.memory_space<vmem_shared>>
        %dma_wait3A_1088 = tpu.memref_slice %arg9[%rem3A_657] : memref<2x!tpu.dma_semaphore, #tpu.memory_space<semaphore_mem>> -> memref<1x!tpu.dma_semaphore, #tpu.memory_space<semaphore_mem>>
        %dma_wait3A_1089 = tpu.memref_squeeze %dma_wait3A_1088 : memref<1x!tpu.dma_semaphore, #tpu.memory_space<semaphore_mem>> -> memref<!tpu.dma_semaphore, #tpu.memory_space<semaphore_mem>>
        %dma_wait3A_1090 = arith.constant 0 : i32
        %dma_wait3A_1091 = arith.constant 0 : i32
        %dma_wait3A_1092 = tpu.memref_slice %arg6[%dma_wait3A_1079, %dma_wait3A_1090, %dma_wait3A_1091] : memref<2x16x1152xf32, #tpu.memory_space<vmem>> -> memref<1x1x1152xf32, #tpu.memory_space<vmem>>
        %dma_wait3A_1093 = tpu.memref_squeeze %dma_wait3A_1092 : memref<1x1x1152xf32, #tpu.memory_space<vmem>> -> memref<1x1152xf32, #tpu.memory_space<vmem>>
        %dma_wait3A_1094 = arith.constant 0 : i32
        %dma_wait3A_1095 = arith.constant 1920 : i32
        %dma_wait3A_1096 = tpu.memref_slice %arg7[%rem3A_28, %dma_wait3A_1094, %dma_wait3A_1095] : memref<2x64x3072xf32, #tpu.memory_space<vmem_shared>> -> memref<1x1x1152xf32, #tpu.memory_space<vmem_shared>>
        %dma_wait3A_1097 = tpu.memref_squeeze %dma_wait3A_1096 : memref<1x1x1152xf32, #tpu.memory_space<vmem_shared>> -> memref<1x1152xf32, #tpu.memory_space<vmem_shared>>
        tpu.wait_dma2 semaphore(%dma_wait3A_1089 : memref<!tpu.dma_semaphore, #tpu.memory_space<semaphore_mem>>) src(%dma_wait3A_1097 : memref<1x1152xf32, #tpu.memory_space<vmem_shared>>) dst(%dma_wait3A_1093 : memref<1x1152xf32, #tpu.memory_space<vmem>>)
        %dma_wait3A_1098 = arith.constant 0 : i32
        %dma_wait3A_1099 = arith.constant 0 : i32
        %dma_wait3A_1100 = arith.constant 0 : i32
        %dma_wait3A_1101 = tpu.memref_slice %arg6[%dma_wait3A_1098, %dma_wait3A_1099, %dma_wait3A_1100] : memref<2x16x1152xf32, #tpu.memory_space<vmem>> -> memref<1x1x1152xf32, #tpu.memory_space<vmem>>
        %dma_wait3A_1102 = tpu.memref_squeeze %dma_wait3A_1101 : memref<1x1x1152xf32, #tpu.memory_space<vmem>> -> memref<1x1152xf32, #tpu.memory_space<vmem>>
        %dma_wait3A_1103 = arith.constant 0 : i32
        %dma_wait3A_1104 = arith.constant 1920 : i32
        %dma_wait3A_1105 = tpu.memref_slice %arg7[%rem3A_28, %dma_wait3A_1103, %dma_wait3A_1104] : memref<2x64x3072xf32, #tpu.memory_space<vmem_shared>> -> memref<1x1x1152xf32, #tpu.memory_space<vmem_shared>>
        %dma_wait3A_1106 = tpu.memref_squeeze %dma_wait3A_1105 : memref<1x1x1152xf32, #tpu.memory_space<vmem_shared>> -> memref<1x1152xf32, #tpu.memory_space<vmem_shared>>
        %dma_wait3A_1107 = tpu.memref_slice %arg9[%rem3A_657] : memref<2x!tpu.dma_semaphore, #tpu.memory_space<semaphore_mem>> -> memref<1x!tpu.dma_semaphore, #tpu.memory_space<semaphore_mem>>
        %dma_wait3A_1108 = tpu.memref_squeeze %dma_wait3A_1107 : memref<1x!tpu.dma_semaphore, #tpu.memory_space<semaphore_mem>> -> memref<!tpu.dma_semaphore, #tpu.memory_space<semaphore_mem>>
        %dma_wait3A_1109 = arith.constant 0 : i32
        %dma_wait3A_1110 = arith.constant 0 : i32
        %dma_wait3A_1111 = tpu.memref_slice %arg6[%dma_wait3A_1098, %dma_wait3A_1109, %dma_wait3A_1110] : memref<2x16x1152xf32, #tpu.memory_space<vmem>> -> memref<1x1x1152xf32, #tpu.memory_space<vmem>>
        %dma_wait3A_1112 = tpu.memref_squeeze %dma_wait3A_1111 : memref<1x1x1152xf32, #tpu.memory_space<vmem>> -> memref<1x1152xf32, #tpu.memory_space<vmem>>
        %dma_wait3A_1113 = arith.constant 0 : i32
        %dma_wait3A_1114 = arith.constant 1920 : i32
        %dma_wait3A_1115 = tpu.memref_slice %arg7[%rem3A_28, %dma_wait3A_1113, %dma_wait3A_1114] : memref<2x64x3072xf32, #tpu.memory_space<vmem_shared>> -> memref<1x1x1152xf32, #tpu.memory_space<vmem_shared>>
        %dma_wait3A_1116 = tpu.memref_squeeze %dma_wait3A_1115 : memref<1x1x1152xf32, #tpu.memory_space<vmem_shared>> -> memref<1x1152xf32, #tpu.memory_space<vmem_shared>>
        tpu.wait_dma2 semaphore(%dma_wait3A_1108 : memref<!tpu.dma_semaphore, #tpu.memory_space<semaphore_mem>>) src(%dma_wait3A_1116 : memref<1x1152xf32, #tpu.memory_space<vmem_shared>>) dst(%dma_wait3A_1112 : memref<1x1152xf32, #tpu.memory_space<vmem>>)
        %dma_wait3A_1117 = arith.constant 0 : i32
        %dma_wait3A_1118 = arith.constant 0 : i32
        %dma_wait3A_1119 = arith.constant 0 : i32
        %dma_wait3A_1120 = tpu.memref_slice %arg6[%dma_wait3A_1117, %dma_wait3A_1118, %dma_wait3A_1119] : memref<2x16x1152xf32, #tpu.memory_space<vmem>> -> memref<1x1x1152xf32, #tpu.memory_space<vmem>>
        %dma_wait3A_1121 = tpu.memref_squeeze %dma_wait3A_1120 : memref<1x1x1152xf32, #tpu.memory_space<vmem>> -> memref<1x1152xf32, #tpu.memory_space<vmem>>
        %dma_wait3A_1122 = arith.constant 0 : i32
        %dma_wait3A_1123 = arith.constant 1920 : i32
        %dma_wait3A_1124 = tpu.memref_slice %arg7[%rem3A_28, %dma_wait3A_1122, %dma_wait3A_1123] : memref<2x64x3072xf32, #tpu.memory_space<vmem_shared>> -> memref<1x1x1152xf32, #tpu.memory_space<vmem_shared>>
        %dma_wait3A_1125 = tpu.memref_squeeze %dma_wait3A_1124 : memref<1x1x1152xf32, #tpu.memory_space<vmem_shared>> -> memref<1x1152xf32, #tpu.memory_space<vmem_shared>>
        %dma_wait3A_1126 = tpu.memref_slice %arg9[%rem3A_657] : memref<2x!tpu.dma_semaphore, #tpu.memory_space<semaphore_mem>> -> memref<1x!tpu.dma_semaphore, #tpu.memory_space<semaphore_mem>>
        %dma_wait3A_1127 = tpu.memref_squeeze %dma_wait3A_1126 : memref<1x!tpu.dma_semaphore, #tpu.memory_space<semaphore_mem>> -> memref<!tpu.dma_semaphore, #tpu.memory_space<semaphore_mem>>
        %dma_wait3A_1128 = arith.constant 0 : i32
        %dma_wait3A_1129 = arith.constant 0 : i32
        %dma_wait3A_1130 = tpu.memref_slice %arg6[%dma_wait3A_1117, %dma_wait3A_1128, %dma_wait3A_1129] : memref<2x16x1152xf32, #tpu.memory_space<vmem>> -> memref<1x1x1152xf32, #tpu.memory_space<vmem>>
        %dma_wait3A_1131 = tpu.memref_squeeze %dma_wait3A_1130 : memref<1x1x1152xf32, #tpu.memory_space<vmem>> -> memref<1x1152xf32, #tpu.memory_space<vmem>>
        %dma_wait3A_1132 = arith.constant 0 : i32
        %dma_wait3A_1133 = arith.constant 1920 : i32
        %dma_wait3A_1134 = tpu.memref_slice %arg7[%rem3A_28, %dma_wait3A_1132, %dma_wait3A_1133] : memref<2x64x3072xf32, #tpu.memory_space<vmem_shared>> -> memref<1x1x1152xf32, #tpu.memory_space<vmem_shared>>
        %dma_wait3A_1135 = tpu.memref_squeeze %dma_wait3A_1134 : memref<1x1x1152xf32, #tpu.memory_space<vmem_shared>> -> memref<1x1152xf32, #tpu.memory_space<vmem_shared>>
        tpu.wait_dma2 semaphore(%dma_wait3A_1127 : memref<!tpu.dma_semaphore, #tpu.memory_space<semaphore_mem>>) src(%dma_wait3A_1135 : memref<1x1152xf32, #tpu.memory_space<vmem_shared>>) dst(%dma_wait3A_1131 : memref<1x1152xf32, #tpu.memory_space<vmem>>)
        %dma_wait3A_1136 = arith.constant 0 : i32
        %dma_wait3A_1137 = arith.constant 0 : i32
        %dma_wait3A_1138 = arith.constant 0 : i32
        %dma_wait3A_1139 = tpu.memref_slice %arg6[%dma_wait3A_1136, %dma_wait3A_1137, %dma_wait3A_1138] : memref<2x16x1152xf32, #tpu.memory_space<vmem>> -> memref<1x1x1152xf32, #tpu.memory_space<vmem>>
        %dma_wait3A_1140 = tpu.memref_squeeze %dma_wait3A_1139 : memref<1x1x1152xf32, #tpu.memory_space<vmem>> -> memref<1x1152xf32, #tpu.memory_space<vmem>>
        %dma_wait3A_1141 = arith.constant 0 : i32
        %dma_wait3A_1142 = arith.constant 1920 : i32
        %dma_wait3A_1143 = tpu.memref_slice %arg7[%rem3A_28, %dma_wait3A_1141, %dma_wait3A_1142] : memref<2x64x3072xf32, #tpu.memory_space<vmem_shared>> -> memref<1x1x1152xf32, #tpu.memory_space<vmem_shared>>
        %dma_wait3A_1144 = tpu.memref_squeeze %dma_wait3A_1143 : memref<1x1x1152xf32, #tpu.memory_space<vmem_shared>> -> memref<1x1152xf32, #tpu.memory_space<vmem_shared>>
        %dma_wait3A_1145 = tpu.memref_slice %arg9[%rem3A_657] : memref<2x!tpu.dma_semaphore, #tpu.memory_space<semaphore_mem>> -> memref<1x!tpu.dma_semaphore, #tpu.memory_space<semaphore_mem>>
        %dma_wait3A_1146 = tpu.memref_squeeze %dma_wait3A_1145 : memref<1x!tpu.dma_semaphore, #tpu.memory_space<semaphore_mem>> -> memref<!tpu.dma_semaphore, #tpu.memory_space<semaphore_mem>>
        %dma_wait3A_1147 = arith.constant 0 : i32
        %dma_wait3A_1148 = arith.constant 0 : i32
        %dma_wait3A_1149 = tpu.memref_slice %arg6[%dma_wait3A_1136, %dma_wait3A_1147, %dma_wait3A_1148] : memref<2x16x1152xf32, #tpu.memory_space<vmem>> -> memref<1x1x1152xf32, #tpu.memory_space<vmem>>
        %dma_wait3A_1150 = tpu.memref_squeeze %dma_wait3A_1149 : memref<1x1x1152xf32, #tpu.memory_space<vmem>> -> memref<1x1152xf32, #tpu.memory_space<vmem>>
        %dma_wait3A_1151 = arith.constant 0 : i32
        %dma_wait3A_1152 = arith.constant 1920 : i32
        %dma_wait3A_1153 = tpu.memref_slice %arg7[%rem3A_28, %dma_wait3A_1151, %dma_wait3A_1152] : memref<2x64x3072xf32, #tpu.memory_space<vmem_shared>> -> memref<1x1x1152xf32, #tpu.memory_space<vmem_shared>>
        %dma_wait3A_1154 = tpu.memref_squeeze %dma_wait3A_1153 : memref<1x1x1152xf32, #tpu.memory_space<vmem_shared>> -> memref<1x1152xf32, #tpu.memory_space<vmem_shared>>
        tpu.wait_dma2 semaphore(%dma_wait3A_1146 : memref<!tpu.dma_semaphore, #tpu.memory_space<semaphore_mem>>) src(%dma_wait3A_1154 : memref<1x1152xf32, #tpu.memory_space<vmem_shared>>) dst(%dma_wait3A_1150 : memref<1x1152xf32, #tpu.memory_space<vmem>>)
        %min3A_1155 = arith.constant 7 : i32
        %min3A_1156 = arith.minsi %scan3A_655, %min3A_1155 : i32
        %mul3A_1157 = arith.constant 16 : i32
        %mul3A_1158 = arith.muli %min3A_1156, %mul3A_1157 : i32
        %add3A_1159 = arith.addi %mul3A_0, %mul3A_1158 : i32
        %add3A_1160 = arith.constant 1920 : i32
        %add3A_1161 = arith.addi %mul3A_33, %add3A_1160 : i32
        %dma_start3A_1162 = arith.constant 0 : i32
        %dma_start3A_1163 = arith.constant 0 : i32
        %dma_start3A_1164 = tpu.memref_slice %arg6[%rem3A_657, %dma_start3A_1162, %dma_start3A_1163] : memref<2x16x1152xf32, #tpu.memory_space<vmem>> -> memref<1x16x1152xf32, #tpu.memory_space<vmem>>
        %dma_start3A_1165 = tpu.memref_squeeze %dma_start3A_1164 : memref<1x16x1152xf32, #tpu.memory_space<vmem>> -> memref<16x1152xf32, #tpu.memory_space<vmem>>
        %dma_start3A_1166 = tpu.memref_slice %arg4[%add3A_1159, %add3A_1161] : memref<2048x49152xf32, #tpu.memory_space<hbm>> -> memref<16x1152xf32, #tpu.memory_space<hbm>>
        %dma_start3A_1167 = tpu.memref_slice %arg10[%rem3A_657] : memref<2x!tpu.dma_semaphore, #tpu.memory_space<semaphore_mem>> -> memref<1x!tpu.dma_semaphore, #tpu.memory_space<semaphore_mem>>
        %dma_start3A_1168 = tpu.memref_squeeze %dma_start3A_1167 : memref<1x!tpu.dma_semaphore, #tpu.memory_space<semaphore_mem>> -> memref<!tpu.dma_semaphore, #tpu.memory_space<semaphore_mem>>
        %dma_start3A_1169 = tpu.memref_slice %arg4[%add3A_1159, %add3A_1161] : memref<2048x49152xf32, #tpu.memory_space<hbm>> -> memref<16x1152xf32, #tpu.memory_space<hbm>>
        %dma_start3A_1170 = arith.constant 0 : i32
        %dma_start3A_1171 = arith.constant 0 : i32
        %dma_start3A_1172 = tpu.memref_slice %arg6[%rem3A_657, %dma_start3A_1170, %dma_start3A_1171] : memref<2x16x1152xf32, #tpu.memory_space<vmem>> -> memref<1x16x1152xf32, #tpu.memory_space<vmem>>
        %dma_start3A_1173 = tpu.memref_squeeze %dma_start3A_1172 : memref<1x16x1152xf32, #tpu.memory_space<vmem>> -> memref<16x1152xf32, #tpu.memory_space<vmem>>
        tpu.enqueue_dma source(%dma_start3A_1173 : memref<16x1152xf32, #tpu.memory_space<vmem>>) target(%dma_start3A_1169 : memref<16x1152xf32, #tpu.memory_space<hbm>>) target_semaphore(%dma_start3A_1168 : memref<!tpu.dma_semaphore, #tpu.memory_space<semaphore_mem>>)
        %dma_wait3A_1174 = tpu.memref_slice %arg4[%mul3A_0, %mul3A_33] : memref<2048x49152xf32, #tpu.memory_space<hbm>> -> memref<1x1920xf32, #tpu.memory_space<hbm>>
        %dma_wait3A_1175 = arith.constant 0 : i32
        %dma_wait3A_1176 = arith.constant 0 : i32
        %dma_wait3A_1177 = tpu.memref_slice %arg7[%rem3A_28, %dma_wait3A_1175, %dma_wait3A_1176] : memref<2x64x3072xf32, #tpu.memory_space<vmem_shared>> -> memref<1x1x1920xf32, #tpu.memory_space<vmem_shared>>
        %dma_wait3A_1178 = tpu.memref_squeeze %dma_wait3A_1177 : memref<1x1x1920xf32, #tpu.memory_space<vmem_shared>> -> memref<1x1920xf32, #tpu.memory_space<vmem_shared>>
        tpu.wait_dma2 semaphore(%arg8 : memref<!tpu.dma_semaphore, #tpu.memory_space<semaphore_mem>>) src(%dma_wait3A_1178 : memref<1x1920xf32, #tpu.memory_space<vmem_shared>>) dst(%dma_wait3A_1174 : memref<1x1920xf32, #tpu.memory_space<hbm>>)
        %dma_wait3A_1179 = tpu.memref_slice %arg4[%mul3A_0, %mul3A_33] : memref<2048x49152xf32, #tpu.memory_space<hbm>> -> memref<1x1920xf32, #tpu.memory_space<hbm>>
        %dma_wait3A_1180 = arith.constant 0 : i32
        %dma_wait3A_1181 = arith.constant 0 : i32
        %dma_wait3A_1182 = tpu.memref_slice %arg7[%rem3A_28, %dma_wait3A_1180, %dma_wait3A_1181] : memref<2x64x3072xf32, #tpu.memory_space<vmem_shared>> -> memref<1x1x1920xf32, #tpu.memory_space<vmem_shared>>
        %dma_wait3A_1183 = tpu.memref_squeeze %dma_wait3A_1182 : memref<1x1x1920xf32, #tpu.memory_space<vmem_shared>> -> memref<1x1920xf32, #tpu.memory_space<vmem_shared>>
        tpu.wait_dma2 semaphore(%arg8 : memref<!tpu.dma_semaphore, #tpu.memory_space<semaphore_mem>>) src(%dma_wait3A_1183 : memref<1x1920xf32, #tpu.memory_space<vmem_shared>>) dst(%dma_wait3A_1179 : memref<1x1920xf32, #tpu.memory_space<hbm>>)
        %dma_wait3A_1184 = tpu.memref_slice %arg4[%mul3A_0, %mul3A_33] : memref<2048x49152xf32, #tpu.memory_space<hbm>> -> memref<1x1920xf32, #tpu.memory_space<hbm>>
        %dma_wait3A_1185 = arith.constant 0 : i32
        %dma_wait3A_1186 = arith.constant 0 : i32
        %dma_wait3A_1187 = tpu.memref_slice %arg7[%rem3A_28, %dma_wait3A_1185, %dma_wait3A_1186] : memref<2x64x3072xf32, #tpu.memory_space<vmem_shared>> -> memref<1x1x1920xf32, #tpu.memory_space<vmem_shared>>
        %dma_wait3A_1188 = tpu.memref_squeeze %dma_wait3A_1187 : memref<1x1x1920xf32, #tpu.memory_space<vmem_shared>> -> memref<1x1920xf32, #tpu.memory_space<vmem_shared>>
        tpu.wait_dma2 semaphore(%arg8 : memref<!tpu.dma_semaphore, #tpu.memory_space<semaphore_mem>>) src(%dma_wait3A_1188 : memref<1x1920xf32, #tpu.memory_space<vmem_shared>>) dst(%dma_wait3A_1184 : memref<1x1920xf32, #tpu.memory_space<hbm>>)
        %dma_wait3A_1189 = tpu.memref_slice %arg4[%mul3A_0, %mul3A_33] : memref<2048x49152xf32, #tpu.memory_space<hbm>> -> memref<1x1920xf32, #tpu.memory_space<hbm>>
        %dma_wait3A_1190 = arith.constant 0 : i32
        %dma_wait3A_1191 = arith.constant 0 : i32
        %dma_wait3A_1192 = tpu.memref_slice %arg7[%rem3A_28, %dma_wait3A_1190, %dma_wait3A_1191] : memref<2x64x3072xf32, #tpu.memory_space<vmem_shared>> -> memref<1x1x1920xf32, #tpu.memory_space<vmem_shared>>
        %dma_wait3A_1193 = tpu.memref_squeeze %dma_wait3A_1192 : memref<1x1x1920xf32, #tpu.memory_space<vmem_shared>> -> memref<1x1920xf32, #tpu.memory_space<vmem_shared>>
        tpu.wait_dma2 semaphore(%arg8 : memref<!tpu.dma_semaphore, #tpu.memory_space<semaphore_mem>>) src(%dma_wait3A_1193 : memref<1x1920xf32, #tpu.memory_space<vmem_shared>>) dst(%dma_wait3A_1189 : memref<1x1920xf32, #tpu.memory_space<hbm>>)
        %dma_wait3A_1194 = tpu.memref_slice %arg4[%mul3A_0, %mul3A_33] : memref<2048x49152xf32, #tpu.memory_space<hbm>> -> memref<1x1920xf32, #tpu.memory_space<hbm>>
        %dma_wait3A_1195 = arith.constant 0 : i32
        %dma_wait3A_1196 = arith.constant 0 : i32
        %dma_wait3A_1197 = tpu.memref_slice %arg7[%rem3A_28, %dma_wait3A_1195, %dma_wait3A_1196] : memref<2x64x3072xf32, #tpu.memory_space<vmem_shared>> -> memref<1x1x1920xf32, #tpu.memory_space<vmem_shared>>
        %dma_wait3A_1198 = tpu.memref_squeeze %dma_wait3A_1197 : memref<1x1x1920xf32, #tpu.memory_space<vmem_shared>> -> memref<1x1920xf32, #tpu.memory_space<vmem_shared>>
        tpu.wait_dma2 semaphore(%arg8 : memref<!tpu.dma_semaphore, #tpu.memory_space<semaphore_mem>>) src(%dma_wait3A_1198 : memref<1x1920xf32, #tpu.memory_space<vmem_shared>>) dst(%dma_wait3A_1194 : memref<1x1920xf32, #tpu.memory_space<hbm>>)
        %dma_wait3A_1199 = tpu.memref_slice %arg4[%mul3A_0, %mul3A_33] : memref<2048x49152xf32, #tpu.memory_space<hbm>> -> memref<1x1920xf32, #tpu.memory_space<hbm>>
        %dma_wait3A_1200 = arith.constant 0 : i32
        %dma_wait3A_1201 = arith.constant 0 : i32
        %dma_wait3A_1202 = tpu.memref_slice %arg7[%rem3A_28, %dma_wait3A_1200, %dma_wait3A_1201] : memref<2x64x3072xf32, #tpu.memory_space<vmem_shared>> -> memref<1x1x1920xf32, #tpu.memory_space<vmem_shared>>
        %dma_wait3A_1203 = tpu.memref_squeeze %dma_wait3A_1202 : memref<1x1x1920xf32, #tpu.memory_space<vmem_shared>> -> memref<1x1920xf32, #tpu.memory_space<vmem_shared>>
        tpu.wait_dma2 semaphore(%arg8 : memref<!tpu.dma_semaphore, #tpu.memory_space<semaphore_mem>>) src(%dma_wait3A_1203 : memref<1x1920xf32, #tpu.memory_space<vmem_shared>>) dst(%dma_wait3A_1199 : memref<1x1920xf32, #tpu.memory_space<hbm>>)
        %dma_wait3A_1204 = tpu.memref_slice %arg4[%mul3A_0, %mul3A_33] : memref<2048x49152xf32, #tpu.memory_space<hbm>> -> memref<1x1920xf32, #tpu.memory_space<hbm>>
        %dma_wait3A_1205 = arith.constant 0 : i32
        %dma_wait3A_1206 = arith.constant 0 : i32
        %dma_wait3A_1207 = tpu.memref_slice %arg7[%rem3A_28, %dma_wait3A_1205, %dma_wait3A_1206] : memref<2x64x3072xf32, #tpu.memory_space<vmem_shared>> -> memref<1x1x1920xf32, #tpu.memory_space<vmem_shared>>
        %dma_wait3A_1208 = tpu.memref_squeeze %dma_wait3A_1207 : memref<1x1x1920xf32, #tpu.memory_space<vmem_shared>> -> memref<1x1920xf32, #tpu.memory_space<vmem_shared>>
        tpu.wait_dma2 semaphore(%arg8 : memref<!tpu.dma_semaphore, #tpu.memory_space<semaphore_mem>>) src(%dma_wait3A_1208 : memref<1x1920xf32, #tpu.memory_space<vmem_shared>>) dst(%dma_wait3A_1204 : memref<1x1920xf32, #tpu.memory_space<hbm>>)
        %dma_wait3A_1209 = tpu.memref_slice %arg4[%mul3A_0, %mul3A_33] : memref<2048x49152xf32, #tpu.memory_space<hbm>> -> memref<1x1920xf32, #tpu.memory_space<hbm>>
        %dma_wait3A_1210 = arith.constant 0 : i32
        %dma_wait3A_1211 = arith.constant 0 : i32
        %dma_wait3A_1212 = tpu.memref_slice %arg7[%rem3A_28, %dma_wait3A_1210, %dma_wait3A_1211] : memref<2x64x3072xf32, #tpu.memory_space<vmem_shared>> -> memref<1x1x1920xf32, #tpu.memory_space<vmem_shared>>
        %dma_wait3A_1213 = tpu.memref_squeeze %dma_wait3A_1212 : memref<1x1x1920xf32, #tpu.memory_space<vmem_shared>> -> memref<1x1920xf32, #tpu.memory_space<vmem_shared>>
        tpu.wait_dma2 semaphore(%arg8 : memref<!tpu.dma_semaphore, #tpu.memory_space<semaphore_mem>>) src(%dma_wait3A_1213 : memref<1x1920xf32, #tpu.memory_space<vmem_shared>>) dst(%dma_wait3A_1209 : memref<1x1920xf32, #tpu.memory_space<hbm>>)
        %dma_wait3A_1214 = tpu.memref_slice %arg4[%mul3A_0, %mul3A_33] : memref<2048x49152xf32, #tpu.memory_space<hbm>> -> memref<1x1920xf32, #tpu.memory_space<hbm>>
        %dma_wait3A_1215 = arith.constant 0 : i32
        %dma_wait3A_1216 = arith.constant 0 : i32
        %dma_wait3A_1217 = tpu.memref_slice %arg7[%rem3A_28, %dma_wait3A_1215, %dma_wait3A_1216] : memref<2x64x3072xf32, #tpu.memory_space<vmem_shared>> -> memref<1x1x1920xf32, #tpu.memory_space<vmem_shared>>
        %dma_wait3A_1218 = tpu.memref_squeeze %dma_wait3A_1217 : memref<1x1x1920xf32, #tpu.memory_space<vmem_shared>> -> memref<1x1920xf32, #tpu.memory_space<vmem_shared>>
        tpu.wait_dma2 semaphore(%arg8 : memref<!tpu.dma_semaphore, #tpu.memory_space<semaphore_mem>>) src(%dma_wait3A_1218 : memref<1x1920xf32, #tpu.memory_space<vmem_shared>>) dst(%dma_wait3A_1214 : memref<1x1920xf32, #tpu.memory_space<hbm>>)
        %dma_wait3A_1219 = tpu.memref_slice %arg4[%mul3A_0, %mul3A_33] : memref<2048x49152xf32, #tpu.memory_space<hbm>> -> memref<1x1920xf32, #tpu.memory_space<hbm>>
        %dma_wait3A_1220 = arith.constant 0 : i32
        %dma_wait3A_1221 = arith.constant 0 : i32
        %dma_wait3A_1222 = tpu.memref_slice %arg7[%rem3A_28, %dma_wait3A_1220, %dma_wait3A_1221] : memref<2x64x3072xf32, #tpu.memory_space<vmem_shared>> -> memref<1x1x1920xf32, #tpu.memory_space<vmem_shared>>
        %dma_wait3A_1223 = tpu.memref_squeeze %dma_wait3A_1222 : memref<1x1x1920xf32, #tpu.memory_space<vmem_shared>> -> memref<1x1920xf32, #tpu.memory_space<vmem_shared>>
        tpu.wait_dma2 semaphore(%arg8 : memref<!tpu.dma_semaphore, #tpu.memory_space<semaphore_mem>>) src(%dma_wait3A_1223 : memref<1x1920xf32, #tpu.memory_space<vmem_shared>>) dst(%dma_wait3A_1219 : memref<1x1920xf32, #tpu.memory_space<hbm>>)
        %dma_wait3A_1224 = tpu.memref_slice %arg4[%mul3A_0, %mul3A_33] : memref<2048x49152xf32, #tpu.memory_space<hbm>> -> memref<1x1920xf32, #tpu.memory_space<hbm>>
        %dma_wait3A_1225 = arith.constant 0 : i32
        %dma_wait3A_1226 = arith.constant 0 : i32
        %dma_wait3A_1227 = tpu.memref_slice %arg7[%rem3A_28, %dma_wait3A_1225, %dma_wait3A_1226] : memref<2x64x3072xf32, #tpu.memory_space<vmem_shared>> -> memref<1x1x1920xf32, #tpu.memory_space<vmem_shared>>
        %dma_wait3A_1228 = tpu.memref_squeeze %dma_wait3A_1227 : memref<1x1x1920xf32, #tpu.memory_space<vmem_shared>> -> memref<1x1920xf32, #tpu.memory_space<vmem_shared>>
        tpu.wait_dma2 semaphore(%arg8 : memref<!tpu.dma_semaphore, #tpu.memory_space<semaphore_mem>>) src(%dma_wait3A_1228 : memref<1x1920xf32, #tpu.memory_space<vmem_shared>>) dst(%dma_wait3A_1224 : memref<1x1920xf32, #tpu.memory_space<hbm>>)
        %dma_wait3A_1229 = tpu.memref_slice %arg4[%mul3A_0, %mul3A_33] : memref<2048x49152xf32, #tpu.memory_space<hbm>> -> memref<1x1920xf32, #tpu.memory_space<hbm>>
        %dma_wait3A_1230 = arith.constant 0 : i32
        %dma_wait3A_1231 = arith.constant 0 : i32
        %dma_wait3A_1232 = tpu.memref_slice %arg7[%rem3A_28, %dma_wait3A_1230, %dma_wait3A_1231] : memref<2x64x3072xf32, #tpu.memory_space<vmem_shared>> -> memref<1x1x1920xf32, #tpu.memory_space<vmem_shared>>
        %dma_wait3A_1233 = tpu.memref_squeeze %dma_wait3A_1232 : memref<1x1x1920xf32, #tpu.memory_space<vmem_shared>> -> memref<1x1920xf32, #tpu.memory_space<vmem_shared>>
        tpu.wait_dma2 semaphore(%arg8 : memref<!tpu.dma_semaphore, #tpu.memory_space<semaphore_mem>>) src(%dma_wait3A_1233 : memref<1x1920xf32, #tpu.memory_space<vmem_shared>>) dst(%dma_wait3A_1229 : memref<1x1920xf32, #tpu.memory_space<hbm>>)
        %dma_wait3A_1234 = tpu.memref_slice %arg4[%mul3A_0, %mul3A_33] : memref<2048x49152xf32, #tpu.memory_space<hbm>> -> memref<1x1920xf32, #tpu.memory_space<hbm>>
        %dma_wait3A_1235 = arith.constant 0 : i32
        %dma_wait3A_1236 = arith.constant 0 : i32
        %dma_wait3A_1237 = tpu.memref_slice %arg7[%rem3A_28, %dma_wait3A_1235, %dma_wait3A_1236] : memref<2x64x3072xf32, #tpu.memory_space<vmem_shared>> -> memref<1x1x1920xf32, #tpu.memory_space<vmem_shared>>
        %dma_wait3A_1238 = tpu.memref_squeeze %dma_wait3A_1237 : memref<1x1x1920xf32, #tpu.memory_space<vmem_shared>> -> memref<1x1920xf32, #tpu.memory_space<vmem_shared>>
        tpu.wait_dma2 semaphore(%arg8 : memref<!tpu.dma_semaphore, #tpu.memory_space<semaphore_mem>>) src(%dma_wait3A_1238 : memref<1x1920xf32, #tpu.memory_space<vmem_shared>>) dst(%dma_wait3A_1234 : memref<1x1920xf32, #tpu.memory_space<hbm>>)
        %dma_wait3A_1239 = tpu.memref_slice %arg4[%mul3A_0, %mul3A_33] : memref<2048x49152xf32, #tpu.memory_space<hbm>> -> memref<1x1920xf32, #tpu.memory_space<hbm>>
        %dma_wait3A_1240 = arith.constant 0 : i32
        %dma_wait3A_1241 = arith.constant 0 : i32
        %dma_wait3A_1242 = tpu.memref_slice %arg7[%rem3A_28, %dma_wait3A_1240, %dma_wait3A_1241] : memref<2x64x3072xf32, #tpu.memory_space<vmem_shared>> -> memref<1x1x1920xf32, #tpu.memory_space<vmem_shared>>
        %dma_wait3A_1243 = tpu.memref_squeeze %dma_wait3A_1242 : memref<1x1x1920xf32, #tpu.memory_space<vmem_shared>> -> memref<1x1920xf32, #tpu.memory_space<vmem_shared>>
        tpu.wait_dma2 semaphore(%arg8 : memref<!tpu.dma_semaphore, #tpu.memory_space<semaphore_mem>>) src(%dma_wait3A_1243 : memref<1x1920xf32, #tpu.memory_space<vmem_shared>>) dst(%dma_wait3A_1239 : memref<1x1920xf32, #tpu.memory_space<hbm>>)
        %dma_wait3A_1244 = tpu.memref_slice %arg4[%mul3A_0, %mul3A_33] : memref<2048x49152xf32, #tpu.memory_space<hbm>> -> memref<1x1920xf32, #tpu.memory_space<hbm>>
        %dma_wait3A_1245 = arith.constant 0 : i32
        %dma_wait3A_1246 = arith.constant 0 : i32
        %dma_wait3A_1247 = tpu.memref_slice %arg7[%rem3A_28, %dma_wait3A_1245, %dma_wait3A_1246] : memref<2x64x3072xf32, #tpu.memory_space<vmem_shared>> -> memref<1x1x1920xf32, #tpu.memory_space<vmem_shared>>
        %dma_wait3A_1248 = tpu.memref_squeeze %dma_wait3A_1247 : memref<1x1x1920xf32, #tpu.memory_space<vmem_shared>> -> memref<1x1920xf32, #tpu.memory_space<vmem_shared>>
        tpu.wait_dma2 semaphore(%arg8 : memref<!tpu.dma_semaphore, #tpu.memory_space<semaphore_mem>>) src(%dma_wait3A_1248 : memref<1x1920xf32, #tpu.memory_space<vmem_shared>>) dst(%dma_wait3A_1244 : memref<1x1920xf32, #tpu.memory_space<hbm>>)
        %dma_wait3A_1249 = tpu.memref_slice %arg4[%mul3A_0, %mul3A_33] : memref<2048x49152xf32, #tpu.memory_space<hbm>> -> memref<1x1920xf32, #tpu.memory_space<hbm>>
        %dma_wait3A_1250 = arith.constant 0 : i32
        %dma_wait3A_1251 = arith.constant 0 : i32
        %dma_wait3A_1252 = tpu.memref_slice %arg7[%rem3A_28, %dma_wait3A_1250, %dma_wait3A_1251] : memref<2x64x3072xf32, #tpu.memory_space<vmem_shared>> -> memref<1x1x1920xf32, #tpu.memory_space<vmem_shared>>
        %dma_wait3A_1253 = tpu.memref_squeeze %dma_wait3A_1252 : memref<1x1x1920xf32, #tpu.memory_space<vmem_shared>> -> memref<1x1920xf32, #tpu.memory_space<vmem_shared>>
        tpu.wait_dma2 semaphore(%arg8 : memref<!tpu.dma_semaphore, #tpu.memory_space<semaphore_mem>>) src(%dma_wait3A_1253 : memref<1x1920xf32, #tpu.memory_space<vmem_shared>>) dst(%dma_wait3A_1249 : memref<1x1920xf32, #tpu.memory_space<hbm>>)
      }
      %scan3A_535 = arith.constant 8 : i32
      %dma_wait3A_536 = tpu.memref_slice %arg4[%mul3A_0, %mul3A_33] : memref<2048x49152xf32, #tpu.memory_space<hbm>> -> memref<1x1920xf32, #tpu.memory_space<hbm>>
      %dma_wait3A_537 = arith.constant 0 : i32
      %dma_wait3A_538 = arith.constant 0 : i32
      %dma_wait3A_539 = tpu.memref_slice %arg7[%rem3A_28, %dma_wait3A_537, %dma_wait3A_538] : memref<2x64x3072xf32, #tpu.memory_space<vmem_shared>> -> memref<1x1x1920xf32, #tpu.memory_space<vmem_shared>>
      %dma_wait3A_540 = tpu.memref_squeeze %dma_wait3A_539 : memref<1x1x1920xf32, #tpu.memory_space<vmem_shared>> -> memref<1x1920xf32, #tpu.memory_space<vmem_shared>>
      tpu.wait_dma2 semaphore(%arg8 : memref<!tpu.dma_semaphore, #tpu.memory_space<semaphore_mem>>) src(%dma_wait3A_540 : memref<1x1920xf32, #tpu.memory_space<vmem_shared>>) dst(%dma_wait3A_536 : memref<1x1920xf32, #tpu.memory_space<hbm>>)
      %dma_wait3A_541 = tpu.memref_slice %arg4[%mul3A_0, %mul3A_33] : memref<2048x49152xf32, #tpu.memory_space<hbm>> -> memref<1x1920xf32, #tpu.memory_space<hbm>>
      %dma_wait3A_542 = arith.constant 0 : i32
      %dma_wait3A_543 = arith.constant 0 : i32
      %dma_wait3A_544 = tpu.memref_slice %arg7[%rem3A_28, %dma_wait3A_542, %dma_wait3A_543] : memref<2x64x3072xf32, #tpu.memory_space<vmem_shared>> -> memref<1x1x1920xf32, #tpu.memory_space<vmem_shared>>
      %dma_wait3A_545 = tpu.memref_squeeze %dma_wait3A_544 : memref<1x1x1920xf32, #tpu.memory_space<vmem_shared>> -> memref<1x1920xf32, #tpu.memory_space<vmem_shared>>
      tpu.wait_dma2 semaphore(%arg8 : memref<!tpu.dma_semaphore, #tpu.memory_space<semaphore_mem>>) src(%dma_wait3A_545 : memref<1x1920xf32, #tpu.memory_space<vmem_shared>>) dst(%dma_wait3A_541 : memref<1x1920xf32, #tpu.memory_space<hbm>>)
      %dma_wait3A_546 = tpu.memref_slice %arg4[%mul3A_0, %mul3A_33] : memref<2048x49152xf32, #tpu.memory_space<hbm>> -> memref<1x1920xf32, #tpu.memory_space<hbm>>
      %dma_wait3A_547 = arith.constant 0 : i32
      %dma_wait3A_548 = arith.constant 0 : i32
      %dma_wait3A_549 = tpu.memref_slice %arg7[%rem3A_28, %dma_wait3A_547, %dma_wait3A_548] : memref<2x64x3072xf32, #tpu.memory_space<vmem_shared>> -> memref<1x1x1920xf32, #tpu.memory_space<vmem_shared>>
      %dma_wait3A_550 = tpu.memref_squeeze %dma_wait3A_549 : memref<1x1x1920xf32, #tpu.memory_space<vmem_shared>> -> memref<1x1920xf32, #tpu.memory_space<vmem_shared>>
      tpu.wait_dma2 semaphore(%arg8 : memref<!tpu.dma_semaphore, #tpu.memory_space<semaphore_mem>>) src(%dma_wait3A_550 : memref<1x1920xf32, #tpu.memory_space<vmem_shared>>) dst(%dma_wait3A_546 : memref<1x1920xf32, #tpu.memory_space<hbm>>)
      %dma_wait3A_551 = tpu.memref_slice %arg4[%mul3A_0, %mul3A_33] : memref<2048x49152xf32, #tpu.memory_space<hbm>> -> memref<1x1920xf32, #tpu.memory_space<hbm>>
      %dma_wait3A_552 = arith.constant 0 : i32
      %dma_wait3A_553 = arith.constant 0 : i32
      %dma_wait3A_554 = tpu.memref_slice %arg7[%rem3A_28, %dma_wait3A_552, %dma_wait3A_553] : memref<2x64x3072xf32, #tpu.memory_space<vmem_shared>> -> memref<1x1x1920xf32, #tpu.memory_space<vmem_shared>>
      %dma_wait3A_555 = tpu.memref_squeeze %dma_wait3A_554 : memref<1x1x1920xf32, #tpu.memory_space<vmem_shared>> -> memref<1x1920xf32, #tpu.memory_space<vmem_shared>>
      tpu.wait_dma2 semaphore(%arg8 : memref<!tpu.dma_semaphore, #tpu.memory_space<semaphore_mem>>) src(%dma_wait3A_555 : memref<1x1920xf32, #tpu.memory_space<vmem_shared>>) dst(%dma_wait3A_551 : memref<1x1920xf32, #tpu.memory_space<hbm>>)
      %dma_wait3A_556 = tpu.memref_slice %arg4[%mul3A_0, %mul3A_33] : memref<2048x49152xf32, #tpu.memory_space<hbm>> -> memref<1x1920xf32, #tpu.memory_space<hbm>>
      %dma_wait3A_557 = arith.constant 0 : i32
      %dma_wait3A_558 = arith.constant 0 : i32
      %dma_wait3A_559 = tpu.memref_slice %arg7[%rem3A_28, %dma_wait3A_557, %dma_wait3A_558] : memref<2x64x3072xf32, #tpu.memory_space<vmem_shared>> -> memref<1x1x1920xf32, #tpu.memory_space<vmem_shared>>
      %dma_wait3A_560 = tpu.memref_squeeze %dma_wait3A_559 : memref<1x1x1920xf32, #tpu.memory_space<vmem_shared>> -> memref<1x1920xf32, #tpu.memory_space<vmem_shared>>
      tpu.wait_dma2 semaphore(%arg8 : memref<!tpu.dma_semaphore, #tpu.memory_space<semaphore_mem>>) src(%dma_wait3A_560 : memref<1x1920xf32, #tpu.memory_space<vmem_shared>>) dst(%dma_wait3A_556 : memref<1x1920xf32, #tpu.memory_space<hbm>>)
      %dma_wait3A_561 = tpu.memref_slice %arg4[%mul3A_0, %mul3A_33] : memref<2048x49152xf32, #tpu.memory_space<hbm>> -> memref<1x1920xf32, #tpu.memory_space<hbm>>
      %dma_wait3A_562 = arith.constant 0 : i32
      %dma_wait3A_563 = arith.constant 0 : i32
      %dma_wait3A_564 = tpu.memref_slice %arg7[%rem3A_28, %dma_wait3A_562, %dma_wait3A_563] : memref<2x64x3072xf32, #tpu.memory_space<vmem_shared>> -> memref<1x1x1920xf32, #tpu.memory_space<vmem_shared>>
      %dma_wait3A_565 = tpu.memref_squeeze %dma_wait3A_564 : memref<1x1x1920xf32, #tpu.memory_space<vmem_shared>> -> memref<1x1920xf32, #tpu.memory_space<vmem_shared>>
      tpu.wait_dma2 semaphore(%arg8 : memref<!tpu.dma_semaphore, #tpu.memory_space<semaphore_mem>>) src(%dma_wait3A_565 : memref<1x1920xf32, #tpu.memory_space<vmem_shared>>) dst(%dma_wait3A_561 : memref<1x1920xf32, #tpu.memory_space<hbm>>)
      %dma_wait3A_566 = tpu.memref_slice %arg4[%mul3A_0, %mul3A_33] : memref<2048x49152xf32, #tpu.memory_space<hbm>> -> memref<1x1920xf32, #tpu.memory_space<hbm>>
      %dma_wait3A_567 = arith.constant 0 : i32
      %dma_wait3A_568 = arith.constant 0 : i32
      %dma_wait3A_569 = tpu.memref_slice %arg7[%rem3A_28, %dma_wait3A_567, %dma_wait3A_568] : memref<2x64x3072xf32, #tpu.memory_space<vmem_shared>> -> memref<1x1x1920xf32, #tpu.memory_space<vmem_shared>>
      %dma_wait3A_570 = tpu.memref_squeeze %dma_wait3A_569 : memref<1x1x1920xf32, #tpu.memory_space<vmem_shared>> -> memref<1x1920xf32, #tpu.memory_space<vmem_shared>>
      tpu.wait_dma2 semaphore(%arg8 : memref<!tpu.dma_semaphore, #tpu.memory_space<semaphore_mem>>) src(%dma_wait3A_570 : memref<1x1920xf32, #tpu.memory_space<vmem_shared>>) dst(%dma_wait3A_566 : memref<1x1920xf32, #tpu.memory_space<hbm>>)
      %dma_wait3A_571 = tpu.memref_slice %arg4[%mul3A_0, %mul3A_33] : memref<2048x49152xf32, #tpu.memory_space<hbm>> -> memref<1x1920xf32, #tpu.memory_space<hbm>>
      %dma_wait3A_572 = arith.constant 0 : i32
      %dma_wait3A_573 = arith.constant 0 : i32
      %dma_wait3A_574 = tpu.memref_slice %arg7[%rem3A_28, %dma_wait3A_572, %dma_wait3A_573] : memref<2x64x3072xf32, #tpu.memory_space<vmem_shared>> -> memref<1x1x1920xf32, #tpu.memory_space<vmem_shared>>
      %dma_wait3A_575 = tpu.memref_squeeze %dma_wait3A_574 : memref<1x1x1920xf32, #tpu.memory_space<vmem_shared>> -> memref<1x1920xf32, #tpu.memory_space<vmem_shared>>
      tpu.wait_dma2 semaphore(%arg8 : memref<!tpu.dma_semaphore, #tpu.memory_space<semaphore_mem>>) src(%dma_wait3A_575 : memref<1x1920xf32, #tpu.memory_space<vmem_shared>>) dst(%dma_wait3A_571 : memref<1x1920xf32, #tpu.memory_space<hbm>>)
      %dma_wait3A_576 = tpu.memref_slice %arg4[%mul3A_0, %mul3A_33] : memref<2048x49152xf32, #tpu.memory_space<hbm>> -> memref<1x1920xf32, #tpu.memory_space<hbm>>
      %dma_wait3A_577 = arith.constant 0 : i32
      %dma_wait3A_578 = arith.constant 0 : i32
      %dma_wait3A_579 = tpu.memref_slice %arg7[%rem3A_28, %dma_wait3A_577, %dma_wait3A_578] : memref<2x64x3072xf32, #tpu.memory_space<vmem_shared>> -> memref<1x1x1920xf32, #tpu.memory_space<vmem_shared>>
      %dma_wait3A_580 = tpu.memref_squeeze %dma_wait3A_579 : memref<1x1x1920xf32, #tpu.memory_space<vmem_shared>> -> memref<1x1920xf32, #tpu.memory_space<vmem_shared>>
      tpu.wait_dma2 semaphore(%arg8 : memref<!tpu.dma_semaphore, #tpu.memory_space<semaphore_mem>>) src(%dma_wait3A_580 : memref<1x1920xf32, #tpu.memory_space<vmem_shared>>) dst(%dma_wait3A_576 : memref<1x1920xf32, #tpu.memory_space<hbm>>)
      %dma_wait3A_581 = tpu.memref_slice %arg4[%mul3A_0, %mul3A_33] : memref<2048x49152xf32, #tpu.memory_space<hbm>> -> memref<1x1920xf32, #tpu.memory_space<hbm>>
      %dma_wait3A_582 = arith.constant 0 : i32
      %dma_wait3A_583 = arith.constant 0 : i32
      %dma_wait3A_584 = tpu.memref_slice %arg7[%rem3A_28, %dma_wait3A_582, %dma_wait3A_583] : memref<2x64x3072xf32, #tpu.memory_space<vmem_shared>> -> memref<1x1x1920xf32, #tpu.memory_space<vmem_shared>>
      %dma_wait3A_585 = tpu.memref_squeeze %dma_wait3A_584 : memref<1x1x1920xf32, #tpu.memory_space<vmem_shared>> -> memref<1x1920xf32, #tpu.memory_space<vmem_shared>>
      tpu.wait_dma2 semaphore(%arg8 : memref<!tpu.dma_semaphore, #tpu.memory_space<semaphore_mem>>) src(%dma_wait3A_585 : memref<1x1920xf32, #tpu.memory_space<vmem_shared>>) dst(%dma_wait3A_581 : memref<1x1920xf32, #tpu.memory_space<hbm>>)
      %dma_wait3A_586 = tpu.memref_slice %arg4[%mul3A_0, %mul3A_33] : memref<2048x49152xf32, #tpu.memory_space<hbm>> -> memref<1x1920xf32, #tpu.memory_space<hbm>>
      %dma_wait3A_587 = arith.constant 0 : i32
      %dma_wait3A_588 = arith.constant 0 : i32
      %dma_wait3A_589 = tpu.memref_slice %arg7[%rem3A_28, %dma_wait3A_587, %dma_wait3A_588] : memref<2x64x3072xf32, #tpu.memory_space<vmem_shared>> -> memref<1x1x1920xf32, #tpu.memory_space<vmem_shared>>
      %dma_wait3A_590 = tpu.memref_squeeze %dma_wait3A_589 : memref<1x1x1920xf32, #tpu.memory_space<vmem_shared>> -> memref<1x1920xf32, #tpu.memory_space<vmem_shared>>
      tpu.wait_dma2 semaphore(%arg8 : memref<!tpu.dma_semaphore, #tpu.memory_space<semaphore_mem>>) src(%dma_wait3A_590 : memref<1x1920xf32, #tpu.memory_space<vmem_shared>>) dst(%dma_wait3A_586 : memref<1x1920xf32, #tpu.memory_space<hbm>>)
      %dma_wait3A_591 = tpu.memref_slice %arg4[%mul3A_0, %mul3A_33] : memref<2048x49152xf32, #tpu.memory_space<hbm>> -> memref<1x1920xf32, #tpu.memory_space<hbm>>
      %dma_wait3A_592 = arith.constant 0 : i32
      %dma_wait3A_593 = arith.constant 0 : i32
      %dma_wait3A_594 = tpu.memref_slice %arg7[%rem3A_28, %dma_wait3A_592, %dma_wait3A_593] : memref<2x64x3072xf32, #tpu.memory_space<vmem_shared>> -> memref<1x1x1920xf32, #tpu.memory_space<vmem_shared>>
      %dma_wait3A_595 = tpu.memref_squeeze %dma_wait3A_594 : memref<1x1x1920xf32, #tpu.memory_space<vmem_shared>> -> memref<1x1920xf32, #tpu.memory_space<vmem_shared>>
      tpu.wait_dma2 semaphore(%arg8 : memref<!tpu.dma_semaphore, #tpu.memory_space<semaphore_mem>>) src(%dma_wait3A_595 : memref<1x1920xf32, #tpu.memory_space<vmem_shared>>) dst(%dma_wait3A_591 : memref<1x1920xf32, #tpu.memory_space<hbm>>)
      %dma_wait3A_596 = tpu.memref_slice %arg4[%mul3A_0, %mul3A_33] : memref<2048x49152xf32, #tpu.memory_space<hbm>> -> memref<1x1920xf32, #tpu.memory_space<hbm>>
      %dma_wait3A_597 = arith.constant 0 : i32
      %dma_wait3A_598 = arith.constant 0 : i32
      %dma_wait3A_599 = tpu.memref_slice %arg7[%rem3A_28, %dma_wait3A_597, %dma_wait3A_598] : memref<2x64x3072xf32, #tpu.memory_space<vmem_shared>> -> memref<1x1x1920xf32, #tpu.memory_space<vmem_shared>>
      %dma_wait3A_600 = tpu.memref_squeeze %dma_wait3A_599 : memref<1x1x1920xf32, #tpu.memory_space<vmem_shared>> -> memref<1x1920xf32, #tpu.memory_space<vmem_shared>>
      tpu.wait_dma2 semaphore(%arg8 : memref<!tpu.dma_semaphore, #tpu.memory_space<semaphore_mem>>) src(%dma_wait3A_600 : memref<1x1920xf32, #tpu.memory_space<vmem_shared>>) dst(%dma_wait3A_596 : memref<1x1920xf32, #tpu.memory_space<hbm>>)
      %dma_wait3A_601 = tpu.memref_slice %arg4[%mul3A_0, %mul3A_33] : memref<2048x49152xf32, #tpu.memory_space<hbm>> -> memref<1x1920xf32, #tpu.memory_space<hbm>>
      %dma_wait3A_602 = arith.constant 0 : i32
      %dma_wait3A_603 = arith.constant 0 : i32
      %dma_wait3A_604 = tpu.memref_slice %arg7[%rem3A_28, %dma_wait3A_602, %dma_wait3A_603] : memref<2x64x3072xf32, #tpu.memory_space<vmem_shared>> -> memref<1x1x1920xf32, #tpu.memory_space<vmem_shared>>
      %dma_wait3A_605 = tpu.memref_squeeze %dma_wait3A_604 : memref<1x1x1920xf32, #tpu.memory_space<vmem_shared>> -> memref<1x1920xf32, #tpu.memory_space<vmem_shared>>
      tpu.wait_dma2 semaphore(%arg8 : memref<!tpu.dma_semaphore, #tpu.memory_space<semaphore_mem>>) src(%dma_wait3A_605 : memref<1x1920xf32, #tpu.memory_space<vmem_shared>>) dst(%dma_wait3A_601 : memref<1x1920xf32, #tpu.memory_space<hbm>>)
      %dma_wait3A_606 = tpu.memref_slice %arg4[%mul3A_0, %mul3A_33] : memref<2048x49152xf32, #tpu.memory_space<hbm>> -> memref<1x1920xf32, #tpu.memory_space<hbm>>
      %dma_wait3A_607 = arith.constant 0 : i32
      %dma_wait3A_608 = arith.constant 0 : i32
      %dma_wait3A_609 = tpu.memref_slice %arg7[%rem3A_28, %dma_wait3A_607, %dma_wait3A_608] : memref<2x64x3072xf32, #tpu.memory_space<vmem_shared>> -> memref<1x1x1920xf32, #tpu.memory_space<vmem_shared>>
      %dma_wait3A_610 = tpu.memref_squeeze %dma_wait3A_609 : memref<1x1x1920xf32, #tpu.memory_space<vmem_shared>> -> memref<1x1920xf32, #tpu.memory_space<vmem_shared>>
      tpu.wait_dma2 semaphore(%arg8 : memref<!tpu.dma_semaphore, #tpu.memory_space<semaphore_mem>>) src(%dma_wait3A_610 : memref<1x1920xf32, #tpu.memory_space<vmem_shared>>) dst(%dma_wait3A_606 : memref<1x1920xf32, #tpu.memory_space<hbm>>)
      %dma_wait3A_611 = tpu.memref_slice %arg4[%mul3A_0, %mul3A_33] : memref<2048x49152xf32, #tpu.memory_space<hbm>> -> memref<1x1920xf32, #tpu.memory_space<hbm>>
      %dma_wait3A_612 = arith.constant 0 : i32
      %dma_wait3A_613 = arith.constant 0 : i32
      %dma_wait3A_614 = tpu.memref_slice %arg7[%rem3A_28, %dma_wait3A_612, %dma_wait3A_613] : memref<2x64x3072xf32, #tpu.memory_space<vmem_shared>> -> memref<1x1x1920xf32, #tpu.memory_space<vmem_shared>>
      %dma_wait3A_615 = tpu.memref_squeeze %dma_wait3A_614 : memref<1x1x1920xf32, #tpu.memory_space<vmem_shared>> -> memref<1x1920xf32, #tpu.memory_space<vmem_shared>>
      tpu.wait_dma2 semaphore(%arg8 : memref<!tpu.dma_semaphore, #tpu.memory_space<semaphore_mem>>) src(%dma_wait3A_615 : memref<1x1920xf32, #tpu.memory_space<vmem_shared>>) dst(%dma_wait3A_611 : memref<1x1920xf32, #tpu.memory_space<hbm>>)
      %rem3A_616 = arith.constant 7 : i32
      %rem3A_617 = arith.constant 2 : i32
      %rem3A_618 = arith.remsi %rem3A_616, %rem3A_617 : i32
      %min3A_619 = arith.constant 7 : i32
      %min3A_620 = arith.constant 7 : i32
      %min3A_621 = arith.minsi %min3A_619, %min3A_620 : i32
      %mul3A_622 = arith.constant 16 : i32
      %mul3A_623 = arith.muli %min3A_621, %mul3A_622 : i32
      %add3A_624 = arith.addi %mul3A_0, %mul3A_623 : i32
      %add3A_625 = arith.constant 1920 : i32
      %add3A_626 = arith.addi %mul3A_33, %add3A_625 : i32
      %dma_wait3A_627 = arith.constant 0 : i32
      %dma_wait3A_628 = arith.constant 0 : i32
      %dma_wait3A_629 = tpu.memref_slice %arg6[%rem3A_618, %dma_wait3A_627, %dma_wait3A_628] : memref<2x16x1152xf32, #tpu.memory_space<vmem>> -> memref<1x16x1152xf32, #tpu.memory_space<vmem>>
      %dma_wait3A_630 = tpu.memref_squeeze %dma_wait3A_629 : memref<1x16x1152xf32, #tpu.memory_space<vmem>> -> memref<16x1152xf32, #tpu.memory_space<vmem>>
      %dma_wait3A_631 = tpu.memref_slice %arg4[%add3A_624, %add3A_626] : memref<2048x49152xf32, #tpu.memory_space<hbm>> -> memref<16x1152xf32, #tpu.memory_space<hbm>>
      %dma_wait3A_632 = tpu.memref_slice %arg10[%rem3A_618] : memref<2x!tpu.dma_semaphore, #tpu.memory_space<semaphore_mem>> -> memref<1x!tpu.dma_semaphore, #tpu.memory_space<semaphore_mem>>
      %dma_wait3A_633 = tpu.memref_squeeze %dma_wait3A_632 : memref<1x!tpu.dma_semaphore, #tpu.memory_space<semaphore_mem>> -> memref<!tpu.dma_semaphore, #tpu.memory_space<semaphore_mem>>
      %dma_wait3A_634 = tpu.memref_slice %arg4[%add3A_624, %add3A_626] : memref<2048x49152xf32, #tpu.memory_space<hbm>> -> memref<16x1152xf32, #tpu.memory_space<hbm>>
      %dma_wait3A_635 = arith.constant 0 : i32
      %dma_wait3A_636 = arith.constant 0 : i32
      %dma_wait3A_637 = tpu.memref_slice %arg6[%rem3A_618, %dma_wait3A_635, %dma_wait3A_636] : memref<2x16x1152xf32, #tpu.memory_space<vmem>> -> memref<1x16x1152xf32, #tpu.memory_space<vmem>>
      %dma_wait3A_638 = tpu.memref_squeeze %dma_wait3A_637 : memref<1x16x1152xf32, #tpu.memory_space<vmem>> -> memref<16x1152xf32, #tpu.memory_space<vmem>>
      tpu.wait_dma2 semaphore(%dma_wait3A_633 : memref<!tpu.dma_semaphore, #tpu.memory_space<semaphore_mem>>) src(%dma_wait3A_638 : memref<16x1152xf32, #tpu.memory_space<vmem>>) dst(%dma_wait3A_634 : memref<16x1152xf32, #tpu.memory_space<hbm>>)
      %add3A_639 = arith.constant 1 : i32
      %add3A_640 = arith.addi %scan3A_27, %add3A_639 : i32
      %min3A_641 = arith.constant 7 : i32
      %min3A_642 = arith.minsi %add3A_640, %min3A_641 : i32
      %sub3A_643 = arith.constant 1 : i32
      %sub3A_644 = arith.subi %sub3A_643, %rem3A_28 : i32
      %mul3A_645 = arith.constant 8 : i32
      %mul3A_646 = arith.muli %arg0, %mul3A_645 : i32
      %add3A_647 = arith.addi %mul3A_646, %min3A_642 : i32
      %mul3A_648 = arith.constant 3072 : i32
      %mul3A_649 = arith.muli %add3A_647, %mul3A_648 : i32
      %dma_wait3A_650 = arith.constant 0 : i32
      %dma_wait3A_651 = tpu.memref_slice %arg7[%sub3A_644, %mul3A_2, %dma_wait3A_650] : memref<2x64x3072xf32, #tpu.memory_space<vmem_shared>> -> memref<1x4x3072xf32, #tpu.memory_space<vmem_shared>>
      %dma_wait3A_652 = tpu.memref_squeeze %dma_wait3A_651 : memref<1x4x3072xf32, #tpu.memory_space<vmem_shared>> -> memref<4x3072xf32, #tpu.memory_space<vmem_shared>>
      %dma_wait3A_653 = tpu.memref_slice %arg3[%mul3A_2, %mul3A_649] : memref<64x49152xf32, #tpu.memory_space<hbm>> -> memref<4x3072xf32, #tpu.memory_space<hbm>>
      tpu.wait_dma2 semaphore(%arg11 : memref<!tpu.dma_semaphore, #tpu.memory_space<semaphore_mem>>) src(%dma_wait3A_653 : memref<4x3072xf32, #tpu.memory_space<hbm>>) dst(%dma_wait3A_652 : memref<4x3072xf32, #tpu.memory_space<vmem_shared>>)
      %barrier3A_654 = arith.constant 0 : index
      tpu.barrier barrier_id(%barrier3A_654)
    }
    %scan3A_26 = arith.constant 8 : i32
    return
  }
}

</mosaic_0001>

<sc_bundles>
// kernel: kernel.3.cloned.1.call-start
scs
__scs_entry_jumppad:
0x0: {  	(pc) =	sbr.rel $0x88, $3  }
0x1: {  	(tag) =	ssettag $0x0;
	lr =	simm.s32 $0x1  }
0x2: {  	[smem:$0x3F9F] =	sst lr;
	_ =	strace $0xD0000000  }
0x3: {  	_ = 	snop  }
0x4: {  	_ = 	snop  }
0x5: {  	_ = 	snop  }
0x6: {  	_ = 	snop  }
0x7: {  	_ = 	snop  }
__scs_overlays_trampoline_lowered:
0x8: {  	[smem:$0x3FAE] =	sst s0  }
0x9: {  	[smem:$0x3FAF] =	sst s1  }
0xa: {  	[smem:$0x3FB0] =	sst s2  }
0xb: {  	[smem:$0x3FB1] =	sst s3  }
0xc: {  	[smem:$0x3FB2] =	sst s4  }
0xd: {  	[smem:$0x3FB3] =	sst s5  }
0xe: {  	[smem:$0x3FB4] =	sst s6  }
0xf: {  	[smem:$0x3FB5] =	sst s7  }
0x10: {  	[smem:$0x3FB6] =	sst s8  }
0x11: {  	[smem:$0x3FB7] =	sst s9;
	s0 =	simm.s32 @!p0 $0x0  }
0x12: {  	s1 =	sld [smem:$0x3F9D];
	s0 =	simm.s32 @p0 $0x1  }
0x13: {  	[smem:$0x3FB8] =	sst s0;
	s0 =	simm.s32 @!p1 $0x0  }
0x14: {  	s2 =	sld [smem:$0x3F9C];
	s0 =	simm.s32 @p1 $0x1  }
0x15: {  	[smem:$0x3FB9] =	sst s0;
	s0 =	simm.s32 @!p2 $0x0  }
0x16: {  	s3 =	sld [smem:$0x3FDB];
	s0 =	simm.s32 @p2 $0x1  }
0x17: {  	s4 =	simm.s32 $0x1BF5;
	[smem:$0x3FBB] =	sst s0  }
0x18: {  	s0 =	sld [smem:$0x3F9E];
	_ =	swait.ge [sflag:s4], $0x0  }
0x19: {  	s7 =	sld [smem:$0x3F9F]  }
0x1a: {  	s8 =	sadd.s32 $0xFFFFE003, lr  }
0x1b: {  	s9 =	sadd.s32 $0xFFFFFEF7, lr;
	s5 =	simm.s32 $0xFFFFFFFF;
	p2 =	slt.u32 s8, $0xFFFFF086  }
0x1c: {  	p1 =	slt.u32 s9, $0xF7A;
	s5 =	simm.s32 @!p2 $0x0  }
0x1d: {  	s5 =	simm.s32 @p1 $0x1;
	p0 =	seq.s32 s7, s2  }
0x1e: {  	s7 =	smul.u32 @!p0 $0xF7A, s2;
	p2 =	seq.s32 @!p0 s5, $0x0  }
0x1f: {  	s9 =	smul.u32 $0xF7A, s1;
	s8 =	simm.s32 @!p0 $0x1BF5;
	p2 =	por !p2, p0  }
0x20: {  	[sflag:s8] =	ssyncset.s32 @!p0 $0xFFFFF086;
	s6 =	sadd.s32 @!p0 s3, s7;
	s7 =	simm.s32 @!p0 $0x108  }
0x21: {  	s3 =	sadd.s32 s3, s9;
	s6 =	sadd.s32 @!p0 $0x88, s6;
	s7 =	simm.s32 @p2 $0x1082  }
0x22: {  	[simem:s7], [sflag:s8] =	dma.local @!p0 [hbm:s6], $0xF7A  }
0x23: {  	s9 =	sor.u32 $0xD0000000, s2;
	s6 =	simm.s32 $0x108;
	_ =	swait.ge @!p0 [sflag:s8], $0x0  }
0x24: {  	s3 =	sadd.s32 $0x88, s3;
	s6 =	simm.s32 @!p1 $0x1082;
	[sflag:s4] =	ssyncset.s32 $0xFFFFF086  }
0x25: {  	[simem:s6], [sflag:s4] =	dma.local [hbm:s3], $0xF7A  }
0x26: {  	[smem:$0x3F9F] =	sst s1;
	(tag) =	ssettag s2;
	_ =	strace s9  }
0x27: {  	s1 =	sld [smem:$0x3FAF]  }
0x28: {  	s2 =	sld [smem:$0x3FB0]  }
0x29: {  	s4 =	sld [smem:$0x3FB2]  }
0x2a: {  	p0 =	seq.s32 s5, $0x0;
	s5 =	sld [smem:$0x3FB3]  }
0x2b: {  	s6 =	sld [smem:$0x3FB4]  }
0x2c: {  	s7 =	sld [smem:$0x3FB5]  }
0x2d: {  	s3 =	simm.s32 $0x108;
	s8 =	sld [smem:$0x3FB6]  }
0x2e: {  	s3 =	simm.s32 @!p0 $0x1082;
	s9 =	sld [smem:$0x3FB7]  }
0x2f: {  	lr =	sadd.s32 s0, s3;
	s0 =	sld [smem:$0x3FAE]  }
0x30: {  	s3 =	sld [smem:$0x3FB1]  }
0x31: {  	[smem:$0x3FBA] =	sst s10  }
0x32: {  	s10 =	sld [smem:$0x3FB8];
	_ =	sdelay $0x3  }
0x33: {  	p0 =	seq.s32 s10, $0x1;
	s10 =	sld [smem:$0x3FBA];
	_ =	sdelay $0x3  }
0x34: {  	[smem:$0x3FBA] =	sst s10  }
0x35: {  	s10 =	sld [smem:$0x3FB9];
	_ =	sdelay $0x3  }
0x36: {  	p1 =	seq.s32 s10, $0x1;
	s10 =	sld [smem:$0x3FBA];
	_ =	sdelay $0x3  }
0x37: {  	[smem:$0x3FBA] =	sst s10  }
0x38: {  	s10 =	sld [smem:$0x3FBB]  }
0x39: {  	_ = 	snop;
	(pc) =	sbr.ind lr, $3  }
0x3a: {  	_ = 	snop  }
0x3b: {  	_ = 	snop  }
0x3c: {  	p2 =	seq.s32 s10, $0x1;
	s10 =	sld [smem:$0x3FBA]  }
0x3d: {  	_ =	shalt  }
0x3e: {  	_ =	shalt  }
0x3f: {  	_ =	shalt  }
0x40: {  	_ =	shalt  }
0x41: {  	_ =	shalt  }
0x42: {  	_ =	shalt  }
0x43: {  	_ =	shalt  }
0x44: {  	_ =	shalt  }
0x45: {  	_ =	shalt  }
0x46: {  	_ =	shalt  }
0x47: {  	_ =	shalt  }
0x48: {  	_ =	shalt  }
0x49: {  	_ =	shalt  }
0x4a: {  	_ =	shalt  }
0x4b: {  	_ =	shalt  }
0x4c: {  	_ =	shalt  }
0x4d: {  	_ =	shalt  }
0x4e: {  	_ =	shalt  }
0x4f: {  	_ =	shalt  }
0x50: {  	_ =	shalt  }
0x51: {  	_ =	shalt  }
0x52: {  	_ =	shalt  }
0x53: {  	_ =	shalt  }
0x54: {  	_ =	shalt  }
0x55: {  	_ =	shalt  }
0x56: {  	_ =	shalt  }
0x57: {  	_ =	shalt  }
0x58: {  	_ =	shalt  }
0x59: {  	_ =	shalt  }
0x5a: {  	_ =	shalt  }
0x5b: {  	_ =	shalt  }
0x5c: {  	_ =	shalt  }
0x5d: {  	_ =	shalt  }
0x5e: {  	_ =	shalt  }
0x5f: {  	_ =	shalt  }
0x60: {  	_ =	shalt  }
0x61: {  	_ =	shalt  }
0x62: {  	_ =	shalt  }
0x63: {  	_ =	shalt  }
0x64: {  	_ =	shalt  }
0x65: {  	_ =	shalt  }
0x66: {  	_ =	shalt  }
0x67: {  	_ =	shalt  }
0x68: {  	_ =	shalt  }
0x69: {  	_ =	shalt  }
0x6a: {  	_ =	shalt  }
0x6b: {  	_ =	shalt  }
0x6c: {  	_ =	shalt  }
0x6d: {  	_ =	shalt  }
0x6e: {  	_ =	shalt  }
0x6f: {  	_ =	shalt  }
0x70: {  	_ =	shalt  }
0x71: {  	_ =	shalt  }
0x72: {  	_ =	shalt  }
0x73: {  	_ =	shalt  }
0x74: {  	_ =	shalt  }
0x75: {  	_ =	shalt  }
0x76: {  	_ =	shalt  }
0x77: {  	_ =	shalt  }
0x78: {  	_ =	shalt  }
0x79: {  	_ =	shalt  }
0x7a: {  	_ =	shalt  }
0x7b: {  	_ =	shalt  }
0x7c: {  	_ =	shalt  }
0x7d: {  	_ =	shalt  }
0x7e: {  	_ =	shalt  }
0x7f: {  	_ =	shalt  }
0x80: {  	_ =	shalt  }
0x81: {  	_ =	shalt  }
0x82: {  	_ =	shalt  }
0x83: {  	_ =	shalt  }
0x84: {  	_ =	shalt  }
0x85: {  	_ =	shalt  }
0x86: {  	_ =	shalt  }
0x87: {  	_ =	shalt  }
.Lfunc_end0:
.L_simem_size_0:
called_computation_lowered:
.L_overlay_start_0:
0x88: {  	s2 =	sld [smem:$0x3FD9]  }
0x89: {  	s3 =	sld [smem:$0x3FFE];
	_ =	sdelay $0x1  }
0x8a: {  	s1 =	srdreg.scid  }
0x8b: {  	s0 =	sand.u32 $0x1, s1  }
0x8c: {  	s17 =	sshll.u32 s0, $0xA;
	s2 =	sadd.s32 s3, s2  }
0x8d: {  	s2 =	sadd.s32 s2, s17  }
0x8e: {  	[smem:$0x3FC6] =	sst s2  }
0x8f: {  	_ = 	snop  }
0x90: {  	s2 =	sld [smem:$0x3FC8]  }
0x91: {  	s18 =	sld [smem:$0x3FD0];
	(tm) =	ssettm $0x1  }
0x92: {  	s4 =	sld [smem:$0x3FFB];
	_ =	sdelay $0x3  }
0x93: {  	_ =	strace s4  }
0x94: {  	s4 =	sld [smem:$0x3FFC];
	_ =	sdelay $0x3  }
0x95: {  	_ =	strace s4  }
0x96: {  	s4 =	sld [smem:$0x3FFD];
	_ =	sdelay $0x3  }
0x97: {  	_ =	strace s4  }
0x98: {  	_ =	strace $0x8FFFFFFF  }
0x99: {  	s19 =	sld [smem:$0x3FDB];
	_ =	sdelay $0x1  }
0x9a: {  	s5 =	simm.s32 $_scs_section_size  }
0x9b: {  	s6 =	simm.s32 $_size__tile_overlayer_lowered;
	s7 =	simm.s32 $_tile_overlayer_lowered  }
0x9c: {  	s22 =	simm.s32 $0x1BFF;
	s21 =	sshll.u32 s7, $0x1;
	s4 =	sadd.s32 s5, s19  }
0x9d: {  	s8 =	simm.s32 $0x0;
	s20 =	sshll.u32 s6, $0x1;
	s6 =	sadd.s32 s21, s4  }
0x9e: {  	[timem:s8], [sflag:s22] =	dma.local [hbm:s6], s20  }
0x9f: {  	_ =	swait.ge [sflag:s22], s20  }
0xa0: {  	s5 =	ssub.s32 $0x0, s20;
	[sflag:s22] =	ssyncset.done $0x0  }
0xa1: {  	[sflag:s22] =	ssyncadd.s32 s5;
	_ =	sdelay $0x1  }
0xa2: {  	s23 =	simm.s32 $0x1B8B  }
0xa3: {  	_ =	swait.ge [sflag:s23], $0x1  }
0xa4: {  	[sflag:s23] =	ssyncset.done $0x0  }
0xa5: {  	s25 =	simm.s32 $0x1B8E;
	s24 =	sld [smem:$0x3FFE];
	[sflag:s23] =	ssyncadd.s32 $0xFFFFFFFF  }
0xa6: {  	s26 =	simm.s32 $execute0_lowered;
	[smem:$0x3FD2] =	sst s25  }
0xa7: {  	s6 =	sshll.u32 s26, $0x1;
	_ =	strace $0x80000046;
	[dreg:$0x1] =	wrdreg $0xFFFFFFFF  }
0xa8: {  	s28 =	simm.s32 $_size_execute0_lowered;
	s4 =	sadd.s32 s4, s6;
	[dreg:$0x0] =	wrdreg $0x0  }
0xa9: {  	s6 =	sshll.u32 s28, $0x1;
	[dreg:$0x2] =	wrdreg s4  }
0xaa: {  	[dreg:$0x3] =	wrdreg s6  }
0xab: {  	[dreg:$0x4] =	wrdreg $0xC0  }
0xac: {  	_ =	task [dreg:s8], $0x5FFFF  }
0xad: {  	[dreg:$0x1] =	wrdreg $0xFFFFFFFF  }
0xae: {  	[dreg:$0x0] =	wrdreg $0x60  }
0xaf: {  	[dreg:$0x2] =	wrdreg s24  }
0xb0: {  	[dreg:$0x3] =	wrdreg s2  }
0xb1: {  	[dreg:$0x4] =	wrdreg s18  }
0xb2: {  	[dreg:$0x5] =	wrdreg $0x90800  }
0xb3: {  	[dreg:$0x6] =	wrdreg $0x9  }
0xb4: {  	_ =	task.clear_ibuf [dreg:s8], $0x7FFFF;
	_ =	strace $0x90000046  }
0xb5: {  	s29 =	simm.s32 $0x9;
	_ =	strace $0x80000048  }
0xb6: {  	_ =	swait.ge [sflag:s29], $0x1  }
0xb7: {  	[sflag:s29] =	ssyncadd.s32 $0xFFFFFFFF  }
0xb8: {  	_ =	strace $0x90000048  }
0xb9: {  	_ =	sfence  }
0xba: {  	s30 =	sld [smem:$0x0];
	_ =	sdelay $0x2  }
0xbb: {  	s31 =	sshll.u32 s1, $0xD;
	s1 =	sshrl.u32 s1, $0x2  }
0xbc: {  	s3 =	sand.u32 $0x4000, s31;
	s1 =	sadd.s32 s1, s30  }
0xbd: {  	s0 =	sor.u32 s3, s0;
	s1 =	sshll.u32 s1, $0x11  }
0xbe: {  	s0 =	sor.u32 s1, s0  }
0xbf: {  	s0 =	sadd.s32 $0x8F2B, s0  }
0xc0: {  	[sflag:s0] =	ssyncadd.remote.s32 $0x1  }
0xc1: {  	_ =	sfence.sel $0xFFFF  }
0xc2: {  	[dreg:$0x0] =	wrdreg $0xFFFFFFFF;
	(pc) =	sbr.abs _section_cstart, $3  }
0xc3: {  	[dreg:$0x1] =	wrdreg $0xFFFFFFFF  }
0xc4: {  	_ =	task.clear_ibuf [dreg:s8], $0x2FFFF;
	_ =	strace $0x9FFFFFFF  }
0xc5: {  	(tm) =	ssettm $0x7FFFFFFF  }
tec
execute0_lowered:
.L_overlay_start_1:
0x0: {  	(tag) =	ssettag $0x1  }
0x1: {  	s0 =	rddreg [dreg:$0x0]  }
0x2: {  	s9 =	rddreg [dreg:$0x1]  }
0x3: {  	s2 =	rddreg [dreg:$0x2]  }
0x4: {  	s11 =	rddreg [dreg:$0x3];
	s1 =	simm.s32 $0x0;
	s10 =	stileid.u32  }
0x5: {  	s19 =	srdreg.scid;
	s28 =	simm.s32 $0x80;
	s30 =	simm.s32 $0x1  }
0x6: {  	[smem:$0x7FF] =	sst s1;
	s3 =	sshrl.u32 s10, $0x1;
	s4 =	sshll.u32 s10, $0x4  }
0x7: {  	s1 =	sand.u32 $0x1, s19;
	s8 =	sshll.u32 s10, $0x9;
	s26 =	smul.u32 $0x600000, s10  }
0x8: {  	s13 =	sadd.s32 $0x10, s2;
	s14 =	sadd.s32 $0x20, s2;
	s15 =	sadd.s32 $0x30, s2  }
0x9: {  	s16 =	sadd.s32 $0x40, s2;
	s17 =	sadd.s32 $0x50, s2;
	s5 =	smul.u32 $0x60000, s3  }
0xa: {  	s31 =	sshll.u32 s10, $0x6;
	_ =	strace $0x80000047;
	s6 =	smul.u32 $0x30000, s1  }
0xb: {  	s0 =	sadd.s32 s4, s0;
	s20 =	ssub.s32 $0x2, s1;
	s3 =	smul.u32 $0x18000, s3  }
0xc: {  	s21 =	sand.u32 $0x200, s8;
	s1 =	sshll.u32 s1, $0x3;
	[dreg:$0xd] =	wrdreg s31  }
0xd: {  	s7 =	sshrl.u32 s20, $0x1;
	s0 =	sadd.s32 $0x400, s0;
	[dreg:$0x8] =	wrdreg s1  }
0xe: {  	[dreg:$0xa] =	wrdreg s26;
	s1 =	sor.u32 $0x60000, s26;
	s4 =	ssub.s32 s20, s7  }
0xf: {  	s22 =	sadd.s32 s6, s5;
	s3 =	sshrl.u32 s3, $0x2;
	[dreg:$0x5] =	wrdreg s0  }
0x10: {  	s25 =	sor.u32 s21, s5;
	[dreg:$0xb] =	wrdreg s1;
	s1 =	sor.u32 $0x1C06, s31  }
0x11: {  	s8 =	sor.u32 s21, s22;
	s23 =	sadd.s32 s3, s11;
	[dreg:$0x9] =	wrdreg s25  }
.Ltmp0:
0x12: {  	s29 =	smax.u32 s4, $0x1;
	[dreg:$0xe] =	wrdreg s1;
	(pc) =	sbr.rel .LBB2_1-.Ltmp0, $4  }
0x13: {  	s24 =	sshrl.u32 s8, $0x3;
	s0 =	sadd.s32 s21, s23;
	[dreg:$0xc] =	wrdreg s29  }
0x14: {  	s18 =	sadd.s32 $0x60, s2;
	s3 =	sadd.s32 s9, s24;
	[dreg:$0x6] =	wrdreg s0  }
0x15: {  	s19 =	sadd.s32 $0x70, s2;
	s0 =	sshrl.u32 s0, $0x3;
	[dreg:$0x7] =	wrdreg s3  }
0x16: {  	s6 =	sshll.u32 s10, $0x7;
	s1 =	simm.s32 $0x0;
	[dreg:$0xf] =	wrdreg s0  }
.LBB2_7:
0x17: {  	s1 =	rddreg [dreg:$0x10]  }
0x18: {  	s0 =	rddreg [dreg:$0xc];
	s1 =	sadd.s32 $0x1, s1  }
0x19: {  	p0 =	sne.s32 s1, s0  }
.Ltmp1:
0x1a: {  	_ = 	snop;
	(pc) =	sbr.rel @!p0 .LBB2_8-.Ltmp1, $1  }
0x1b: {  	_ =	sdelay $0x3  }
.LBB2_1:
0x1c: {  	[dreg:$0x10] =	wrdreg s1  }
0x1d: {  	s0 =	simm.s32 $0x0;
	s24 =	rddreg [dreg:$0x5];
	s25 =	simm.s32 $0x7  }
0x1e: {  	[tilespmem:s0], [sflag:$0x7] =	stream.linear.gather [hbm4b:s24+s0], $0x80, $0x38;
	[tilespmem:$0xF080] =	vst v63  }
0x1f: {  	_ =	swait.ge [sflag:s25], $0x80  }
0x20: {  	s26 =	rddreg [dreg:$0x7]  }
0x21: {  	s4 =	simm.s32 $0x4;
	[sflag:s25] =	ssyncset.done $0x0;
	s29 =	rddreg [dreg:$0xe]  }
0x22: {  	s31 =	simm.s32 $0x6;
	s3 =	rddreg [dreg:$0xf];
	[sflag:s25] =	ssyncadd.s32 $0xFFFFFF80  }
0x23: {  	[spmem:s3@s28], [sflag:s29] =	dma.strided [hbm:s26@s28], $0x600, s4, $0x10   }
.Ltmp2:
0x24: {  	_ =	swait.ge [sflag:s31], $0x600;
	(pc) =	sbr.rel .LBB2_2-.Ltmp2, $4  }
0x25: {  	[sflag:s31] =	ssyncset.done $0x0  }
0x26: {  	[sflag:s31] =	ssyncadd.s32 $0xFFFFFA00  }
0x27: {  	[bflag:$0x0] =	sbarrier.arrive $0xFFFF  }
0x28: {  	s0 =	simm.s32 $0x0  }
.LBB2_6:
0x29: {  	_ =	swait.ge [sflag:s30], $0xF0  }
0x2a: {  	[sflag:s30] =	ssyncset.done $0x0  }
0x2b: {  	[sflag:s30] =	ssyncadd.s32 $0xFFFFFF10  }
0x2c: {  	_ =	swait.ge [sflag:s30], $0xF0  }
0x2d: {  	[sflag:s30] =	ssyncset.done $0x0  }
0x2e: {  	[sflag:s30] =	ssyncadd.s32 $0xFFFFFF10  }
0x2f: {  	_ =	swait.ge [sflag:s30], $0xF0  }
0x30: {  	[sflag:s30] =	ssyncset.done $0x0  }
0x31: {  	[sflag:s30] =	ssyncadd.s32 $0xFFFFFF10  }
0x32: {  	_ =	swait.ge [sflag:s30], $0xF0  }
0x33: {  	[sflag:s30] =	ssyncset.done $0x0  }
0x34: {  	[sflag:s30] =	ssyncadd.s32 $0xFFFFFF10  }
0x35: {  	_ =	swait.ge [sflag:s30], $0xF0  }
0x36: {  	[sflag:s30] =	ssyncset.done $0x0  }
0x37: {  	[sflag:s30] =	ssyncadd.s32 $0xFFFFFF10  }
0x38: {  	_ =	swait.ge [sflag:s30], $0xF0  }
0x39: {  	[sflag:s30] =	ssyncset.done $0x0  }
0x3a: {  	[sflag:s30] =	ssyncadd.s32 $0xFFFFFF10  }
0x3b: {  	_ =	swait.ge [sflag:s30], $0xF0  }
0x3c: {  	[sflag:s30] =	ssyncset.done $0x0  }
0x3d: {  	[sflag:s30] =	ssyncadd.s32 $0xFFFFFF10  }
0x3e: {  	_ =	swait.ge [sflag:s30], $0xF0  }
0x3f: {  	[sflag:s30] =	ssyncset.done $0x0  }
0x40: {  	[sflag:s30] =	ssyncadd.s32 $0xFFFFFF10  }
0x41: {  	_ =	swait.ge [sflag:s30], $0xF0  }
0x42: {  	[sflag:s30] =	ssyncset.done $0x0  }
0x43: {  	[sflag:s30] =	ssyncadd.s32 $0xFFFFFF10  }
0x44: {  	_ =	swait.ge [sflag:s30], $0xF0  }
0x45: {  	[sflag:s30] =	ssyncset.done $0x0  }
0x46: {  	[sflag:s30] =	ssyncadd.s32 $0xFFFFFF10  }
0x47: {  	_ =	swait.ge [sflag:s30], $0xF0  }
0x48: {  	[sflag:s30] =	ssyncset.done $0x0  }
0x49: {  	[sflag:s30] =	ssyncadd.s32 $0xFFFFFF10  }
0x4a: {  	_ =	swait.ge [sflag:s30], $0xF0  }
0x4b: {  	[sflag:s30] =	ssyncset.done $0x0  }
0x4c: {  	[sflag:s30] =	ssyncadd.s32 $0xFFFFFF10  }
0x4d: {  	_ =	swait.ge [sflag:s30], $0xF0  }
0x4e: {  	[sflag:s30] =	ssyncset.done $0x0  }
0x4f: {  	[sflag:s30] =	ssyncadd.s32 $0xFFFFFF10  }
0x50: {  	_ =	swait.ge [sflag:s30], $0xF0  }
0x51: {  	[sflag:s30] =	ssyncset.done $0x0  }
0x52: {  	[sflag:s30] =	ssyncadd.s32 $0xFFFFFF10  }
0x53: {  	_ =	swait.ge [sflag:s30], $0xF0  }
0x54: {  	[sflag:s30] =	ssyncset.done $0x0  }
0x55: {  	[sflag:s30] =	ssyncadd.s32 $0xFFFFFF10  }
0x56: {  	_ =	swait.ge [sflag:s30], $0xF0  }
0x57: {  	[sflag:s30] =	ssyncset.done $0x0  }
0x58: {  	s0 =	simm.s32 $0x5;
	[sflag:s30] =	ssyncadd.s32 $0xFFFFFF10  }
0x59: {  	_ =	swait.ge [sflag:s0], $0x4800  }
0x5a: {  	[sflag:s0] =	ssyncset.done $0x0  }
0x5b: {  	s31 =	simm.s32 $0x6;
	[sflag:s0] =	ssyncadd.s32 $0xFFFFB800  }
0x5c: {  	_ =	swait.ge [sflag:s31], $0x600  }
0x5d: {  	s0 =	rddreg [dreg:$0x11]  }
0x5e: {  	p0 =	sne.s32 s0, $0x8  }
.Ltmp3:
0x5f: {  	_ = 	snop;
	(pc) =	sbr.rel @!p0 .LBB2_7-.Ltmp3, $3  }
0x60: {  	[sflag:s31] =	ssyncset.done $0x0  }
0x61: {  	[sflag:s31] =	ssyncadd.s32 $0xFFFFFA00  }
0x62: {  	[bflag:$0x0] =	sbarrier.arrive $0xFFFF;
	_ =	sdelay $0x1  }
.LBB2_2:
0x63: {  	s1 =	sadd.s32 $0x1, s0;
	s7 =	rddreg [dreg:$0x8];
	s3 =	sand.u32 $0x1, s0  }
0x64: {  	[dreg:$0x11] =	wrdreg s1;
	s1 =	smin.u32 s1, $0x7;
	s4 =	sxor.u32 $0x1, s3  }
0x65: {  	s1 =	sor.u32 s7, s1;
	s4 =	smul.u32 $0xC0000, s4  }
0x66: {  	s5 =	rddreg [dreg:$0x9];
	s1 =	smul.u32 $0x6000, s1  }
0x67: {  	s26 =	rddreg [dreg:$0x6]  }
0x68: {  	s29 =	rddreg [dreg:$0x1];
	s4 =	sshrl.u32 s4, $0x2;
	s1 =	sadd.s32 s5, s1  }
0x69: {  	s31 =	rddreg [dreg:$0xe];
	s4 =	sadd.s32 s4, s26;
	s1 =	sshrl.u32 s1, $0x3  }
0x6a: {  	s8 =	simm.s32 $0x4;
	s4 =	sshrl.u32 s4, $0x3;
	s1 =	sadd.s32 s29, s1  }
0x6b: {  	[spmem:s4@s28], [sflag:s31] =	dma.strided [hbm:s1@s28], $0x600, s8, $0x10   }
0x6c: {  	v0 =	vld [tilespmem:$0x0];
	_ =	sdelay $0x4  }
0x6d: {  	(v2sf) =	vpush v0, $0x0;
	_ =	sdelay $0xe  }
0x6e: {  	s1 =	spop (v2sf)  }
0x6f: {  	s3 =	smul.u32 $0xC0000, s3;
	s11 =	rddreg [dreg:$0x3];
	s9 =	sshrl.u32 s1, $0x3  }
0x70: {  	s10 =	sor.u32 s7, s0;
	s12 =	rddreg [dreg:$0xa];
	s4 =	smul.u32 $0x18000, s9  }
0x71: {  	s3 =	sshrl.u32 s3, $0x2;
	s22 =	rddreg [dreg:$0xd];
	s9 =	smul.u32 $0x6000, s10  }
0x72: {  	s3 =	sadd.s32 s3, s11;
	s1 =	sshll.u32 s1, $0x7;
	s4 =	sshra.s32 s4, $0x2  }
0x73: {  	s1 =	sand.u32 $0x380, s1;
	s20 =	sor.u32 s12, s9;
	s4 =	sadd.s32 s4, s3  }
0x74: {  	s5 =	sor.u32 $0x1C01, s22;
	s7 =	sshrl.u32 s20, $0x3;
	s26 =	sadd.s32 s1, s4  }
0x75: {  	[dreg:$0x12] =	wrdreg s9;
	s21 =	sadd.s32 s2, s7;
	s4 =	sshrl.u32 s26, $0x3  }
0x76: {  	[hbm:s21@s28], [sflag:s5] =	dma.strided [spmem:s4@s28], $0xF0, s30, $0x10   }
0x77: {  	(v2sf) =	vpush v0, $0x1;
	_ =	sdelay $0xe  }
0x78: {  	s1 =	spop (v2sf)  }
0x79: {  	s23 =	sshrl.u32 s1, $0x3  }
0x7a: {  	s4 =	smul.u32 $0x18000, s23;
	_ =	sdelay $0x1  }
0x7b: {  	s1 =	sshll.u32 s1, $0x7;
	s4 =	sshra.s32 s4, $0x2  }
0x7c: {  	s1 =	sand.u32 $0x380, s1;
	s4 =	sadd.s32 s4, s3  }
0x7d: {  	s31 =	sadd.s32 s1, s4  }
0x7e: {  	s24 =	sadd.s32 s7, s13;
	s4 =	sshrl.u32 s31, $0x3  }
0x7f: {  	[hbm:s24@s28], [sflag:s5] =	dma.strided [spmem:s4@s28], $0xF0, s30, $0x10   }
0x80: {  	(v2sf) =	vpush v0, $0x2;
	_ =	sdelay $0xe  }
0x81: {  	s1 =	spop (v2sf)  }
0x82: {  	s25 =	sshrl.u32 s1, $0x3  }
0x83: {  	s4 =	smul.u32 $0x18000, s25;
	_ =	sdelay $0x1  }
0x84: {  	s1 =	sshll.u32 s1, $0x7;
	s4 =	sshra.s32 s4, $0x2  }
0x85: {  	s1 =	sand.u32 $0x380, s1;
	s4 =	sadd.s32 s4, s3  }
0x86: {  	s10 =	sadd.s32 s1, s4  }
0x87: {  	s29 =	sadd.s32 s7, s14;
	s4 =	sshrl.u32 s10, $0x3  }
0x88: {  	[hbm:s29@s28], [sflag:s5] =	dma.strided [spmem:s4@s28], $0xF0, s30, $0x10   }
0x89: {  	(v2sf) =	vpush v0, $0x3;
	_ =	sdelay $0xe  }
0x8a: {  	s1 =	spop (v2sf)  }
0x8b: {  	s0 =	sshrl.u32 s1, $0x3  }
0x8c: {  	s4 =	smul.u32 $0x18000, s0;
	_ =	sdelay $0x1  }
0x8d: {  	s1 =	sshll.u32 s1, $0x7;
	s4 =	sshra.s32 s4, $0x2  }
0x8e: {  	s1 =	sand.u32 $0x380, s1;
	s4 =	sadd.s32 s4, s3  }
0x8f: {  	s4 =	sadd.s32 s1, s4  }
0x90: {  	s8 =	sadd.s32 s7, s15;
	s11 =	sshrl.u32 s4, $0x3  }
0x91: {  	[hbm:s8@s28], [sflag:s5] =	dma.strided [spmem:s11@s28], $0xF0, s30, $0x10   }
0x92: {  	(v2sf) =	vpush v0, $0x4;
	_ =	sdelay $0xe  }
0x93: {  	s1 =	spop (v2sf)  }
0x94: {  	s12 =	sshrl.u32 s1, $0x3  }
0x95: {  	s8 =	smul.u32 $0x18000, s12;
	_ =	sdelay $0x1  }
0x96: {  	s1 =	sshll.u32 s1, $0x7;
	s8 =	sshra.s32 s8, $0x2  }
0x97: {  	s1 =	sand.u32 $0x380, s1;
	s8 =	sadd.s32 s8, s3  }
0x98: {  	s29 =	sadd.s32 s1, s8  }
0x99: {  	s20 =	sadd.s32 s7, s16;
	s8 =	sshrl.u32 s29, $0x3  }
0x9a: {  	[hbm:s20@s28], [sflag:s5] =	dma.strided [spmem:s8@s28], $0xF0, s30, $0x10   }
0x9b: {  	(v2sf) =	vpush v0, $0x5;
	_ =	sdelay $0xe  }
0x9c: {  	s1 =	spop (v2sf)  }
0x9d: {  	s21 =	sshrl.u32 s1, $0x3  }
0x9e: {  	s8 =	smul.u32 $0x18000, s21;
	_ =	sdelay $0x1  }
0x9f: {  	s1 =	sshll.u32 s1, $0x7;
	s8 =	sshra.s32 s8, $0x2  }
0xa0: {  	s1 =	sand.u32 $0x380, s1;
	s8 =	sadd.s32 s8, s3  }
0xa1: {  	s24 =	sadd.s32 s1, s8  }
0xa2: {  	s22 =	sadd.s32 s7, s17;
	s8 =	sshrl.u32 s24, $0x3  }
0xa3: {  	[hbm:s22@s28], [sflag:s5] =	dma.strided [spmem:s8@s28], $0xF0, s30, $0x10   }
0xa4: {  	(v2sf) =	vpush v0, $0x6;
	_ =	sdelay $0xe  }
0xa5: {  	s1 =	spop (v2sf)  }
0xa6: {  	s23 =	sshrl.u32 s1, $0x3  }
0xa7: {  	s8 =	smul.u32 $0x18000, s23;
	_ =	sdelay $0x1  }
0xa8: {  	s1 =	sshll.u32 s1, $0x7;
	s8 =	sshra.s32 s8, $0x2  }
0xa9: {  	s1 =	sand.u32 $0x380, s1;
	s8 =	sadd.s32 s8, s3  }
0xaa: {  	s22 =	sadd.s32 s1, s8  }
0xab: {  	s25 =	sadd.s32 s7, s18;
	s8 =	sshrl.u32 s22, $0x3  }
0xac: {  	[hbm:s25@s28], [sflag:s5] =	dma.strided [spmem:s8@s28], $0xF0, s30, $0x10   }
0xad: {  	(v2sf) =	vpush v0, $0x7;
	_ =	sdelay $0xe  }
0xae: {  	s1 =	spop (v2sf)  }
0xaf: {  	s0 =	sshrl.u32 s1, $0x3  }
0xb0: {  	s8 =	smul.u32 $0x18000, s0;
	_ =	sdelay $0x1  }
0xb1: {  	s1 =	sshll.u32 s1, $0x7;
	s8 =	sshra.s32 s8, $0x2  }
0xb2: {  	s1 =	sand.u32 $0x380, s1;
	s8 =	sadd.s32 s8, s3  }
0xb3: {  	s20 =	sadd.s32 s1, s8  }
0xb4: {  	s7 =	sadd.s32 s7, s19;
	s8 =	sshrl.u32 s20, $0x3  }
0xb5: {  	[hbm:s7@s28], [sflag:s5] =	dma.strided [spmem:s8@s28], $0xF0, s30, $0x10   }
0xb6: {  	(v2sf) =	vpush v0, $0x8;
	_ =	sdelay $0xe  }
0xb7: {  	s1 =	spop (v2sf)  }
0xb8: {  	s11 =	sshrl.u32 s1, $0x3  }
0xb9: {  	s7 =	smul.u32 $0x18000, s11;
	_ =	sdelay $0x1  }
0xba: {  	s12 =	rddreg [dreg:$0xb];
	s1 =	sshll.u32 s1, $0x7;
	s7 =	sshra.s32 s7, $0x2  }
0xbb: {  	s21 =	sadd.s32 s9, s12;
	s1 =	sand.u32 $0x380, s1;
	s7 =	sadd.s32 s7, s3  }
0xbc: {  	s12 =	sadd.s32 s1, s7;
	s1 =	sshrl.u32 s21, $0x3  }
0xbd: {  	s23 =	sadd.s32 s2, s1;
	s25 =	sshrl.u32 s12, $0x3  }
0xbe: {  	[hbm:s23@s28], [sflag:s5] =	dma.strided [spmem:s25@s28], $0xF0, s30, $0x10   }
0xbf: {  	(v2sf) =	vpush v0, $0x9;
	_ =	sdelay $0xe  }
0xc0: {  	s7 =	spop (v2sf)  }
0xc1: {  	s0 =	sshrl.u32 s7, $0x3  }
0xc2: {  	s8 =	smul.u32 $0x18000, s0;
	_ =	sdelay $0x1  }
0xc3: {  	s7 =	sshll.u32 s7, $0x7;
	s8 =	sshra.s32 s8, $0x2  }
0xc4: {  	s7 =	sand.u32 $0x380, s7;
	s8 =	sadd.s32 s8, s3  }
0xc5: {  	s25 =	sadd.s32 s7, s8  }
0xc6: {  	s9 =	sadd.s32 s1, s13;
	s8 =	sshrl.u32 s25, $0x3  }
0xc7: {  	[hbm:s9@s28], [sflag:s5] =	dma.strided [spmem:s8@s28], $0xF0, s30, $0x10   }
0xc8: {  	(v2sf) =	vpush v0, $0xA;
	_ =	sdelay $0xe  }
0xc9: {  	s7 =	spop (v2sf)  }
0xca: {  	s11 =	sshrl.u32 s7, $0x3  }
0xcb: {  	s8 =	smul.u32 $0x18000, s11;
	_ =	sdelay $0x1  }
0xcc: {  	s7 =	sshll.u32 s7, $0x7;
	s8 =	sshra.s32 s8, $0x2  }
0xcd: {  	s7 =	sand.u32 $0x380, s7;
	s8 =	sadd.s32 s8, s3  }
0xce: {  	s23 =	sadd.s32 s7, s8  }
0xcf: {  	s21 =	sadd.s32 s1, s14;
	s8 =	sshrl.u32 s23, $0x3  }
0xd0: {  	[hbm:s21@s28], [sflag:s5] =	dma.strided [spmem:s8@s28], $0xF0, s30, $0x10   }
0xd1: {  	(v2sf) =	vpush v0, $0xB;
	_ =	sdelay $0xe  }
0xd2: {  	s7 =	spop (v2sf)  }
0xd3: {  	s0 =	sshrl.u32 s7, $0x3  }
0xd4: {  	s8 =	smul.u32 $0x18000, s0;
	_ =	sdelay $0x1  }
0xd5: {  	s7 =	sshll.u32 s7, $0x7;
	s8 =	sshra.s32 s8, $0x2  }
0xd6: {  	s7 =	sand.u32 $0x380, s7;
	s8 =	sadd.s32 s8, s3  }
0xd7: {  	s21 =	sadd.s32 s7, s8  }
0xd8: {  	s9 =	sadd.s32 s1, s15;
	s8 =	sshrl.u32 s21, $0x3  }
0xd9: {  	[hbm:s9@s28], [sflag:s5] =	dma.strided [spmem:s8@s28], $0xF0, s30, $0x10   }
0xda: {  	(v2sf) =	vpush v0, $0xC;
	_ =	sdelay $0xe  }
0xdb: {  	s7 =	spop (v2sf)  }
0xdc: {  	s11 =	sshrl.u32 s7, $0x3  }
0xdd: {  	s8 =	smul.u32 $0x18000, s11;
	_ =	sdelay $0x1  }
0xde: {  	s7 =	sshll.u32 s7, $0x7;
	s8 =	sshra.s32 s8, $0x2  }
0xdf: {  	s7 =	sand.u32 $0x380, s7;
	s8 =	sadd.s32 s8, s3  }
0xe0: {  	s11 =	sadd.s32 s7, s8  }
0xe1: {  	s0 =	sadd.s32 s1, s16;
	s8 =	sshrl.u32 s11, $0x3  }
0xe2: {  	[hbm:s0@s28], [sflag:s5] =	dma.strided [spmem:s8@s28], $0xF0, s30, $0x10   }
0xe3: {  	(v2sf) =	vpush v0, $0xD;
	_ =	sdelay $0xe  }
0xe4: {  	s7 =	spop (v2sf)  }
0xe5: {  	s9 =	sshrl.u32 s7, $0x3  }
0xe6: {  	s8 =	smul.u32 $0x18000, s9;
	_ =	sdelay $0x1  }
0xe7: {  	s7 =	sshll.u32 s7, $0x7;
	s8 =	sshra.s32 s8, $0x2  }
0xe8: {  	s7 =	sand.u32 $0x380, s7;
	s8 =	sadd.s32 s8, s3  }
0xe9: {  	s9 =	sadd.s32 s7, s8  }
0xea: {  	s0 =	sadd.s32 s1, s17;
	s8 =	sshrl.u32 s9, $0x3  }
0xeb: {  	[hbm:s0@s28], [sflag:s5] =	dma.strided [spmem:s8@s28], $0xF0, s30, $0x10   }
0xec: {  	(v2sf) =	vpush v0, $0xE;
	_ =	sdelay $0xe  }
0xed: {  	s7 =	spop (v2sf)  }
0xee: {  	s0 =	sshrl.u32 s7, $0x3  }
0xef: {  	s8 =	smul.u32 $0x18000, s0;
	_ =	sdelay $0x1  }
0xf0: {  	s7 =	sshll.u32 s7, $0x7;
	s8 =	sshra.s32 s8, $0x2  }
0xf1: {  	s7 =	sand.u32 $0x380, s7;
	s8 =	sadd.s32 s8, s3  }
0xf2: {  	s8 =	sadd.s32 s7, s8  }
0xf3: {  	s7 =	sadd.s32 s1, s18;
	s0 =	sshrl.u32 s8, $0x3  }
0xf4: {  	[hbm:s7@s28], [sflag:s5] =	dma.strided [spmem:s0@s28], $0xF0, s30, $0x10   }
0xf5: {  	(v2sf) =	vpush v0, $0xF;
	_ =	sdelay $0xe  }
0xf6: {  	s0 =	spop (v2sf)  }
0xf7: {  	s7 =	sshrl.u32 s0, $0x3  }
0xf8: {  	s7 =	smul.u32 $0x18000, s7;
	_ =	sdelay $0x1  }
0xf9: {  	s0 =	sshll.u32 s0, $0x7;
	s7 =	sshra.s32 s7, $0x2  }
0xfa: {  	s0 =	sand.u32 $0x380, s0;
	s7 =	sadd.s32 s7, s3  }
0xfb: {  	s7 =	sadd.s32 s0, s7  }
0xfc: {  	s0 =	sadd.s32 s1, s19;
	s1 =	sshrl.u32 s7, $0x3  }
0xfd: {  	[hbm:s0@s28], [sflag:s5] =	dma.strided [spmem:s1@s28], $0xF0, s30, $0x10   }
0xfe: {  	s1 =	sadd.s32 $0x3C00, s26  }
0xff: {  	[tilespmem:s28], [sflag:$0x2] =	stream.linear.gather [spmem:s1], $0x80, $0x38;
	[tilespmem:$0xF080] =	vst v63  }
0x100: {  	s0 =	sadd.s32 $0x4000, s26;
	s1 =	simm.s32 $0x480  }
0x101: {  	[tilespmem:s1], [sflag:$0x2] =	stream.linear.gather [spmem:s0], $0x80, $0x38;
	[tilespmem:$0xF080] =	vst v63  }
0x102: {  	s0 =	sadd.s32 $0x4400, s26;
	s1 =	simm.s32 $0x880  }
0x103: {  	[tilespmem:s1], [sflag:$0x2] =	stream.linear.gather [spmem:s0], $0x80, $0x38;
	[tilespmem:$0xF080] =	vst v63  }
0x104: {  	s0 =	sadd.s32 $0x4800, s26;
	s1 =	simm.s32 $0xC80  }
0x105: {  	[tilespmem:s1], [sflag:$0x2] =	stream.linear.gather [spmem:s0], $0x80, $0x38;
	[tilespmem:$0xF080] =	vst v63  }
0x106: {  	s0 =	sadd.s32 $0x4C00, s26;
	s1 =	simm.s32 $0x1080  }
0x107: {  	[tilespmem:s1], [sflag:$0x2] =	stream.linear.gather [spmem:s0], $0x80, $0x38;
	[tilespmem:$0xF080] =	vst v63  }
0x108: {  	s0 =	sadd.s32 $0x5000, s26;
	s1 =	simm.s32 $0x1480  }
0x109: {  	[tilespmem:s1], [sflag:$0x2] =	stream.linear.gather [spmem:s0], $0x80, $0x38;
	[tilespmem:$0xF080] =	vst v63  }
0x10a: {  	s0 =	sadd.s32 $0x5400, s26;
	s1 =	simm.s32 $0x1880  }
0x10b: {  	[tilespmem:s1], [sflag:$0x2] =	stream.linear.gather [spmem:s0], $0x80, $0x38;
	[tilespmem:$0xF080] =	vst v63  }
0x10c: {  	s0 =	sadd.s32 $0x5800, s26;
	s1 =	simm.s32 $0x1C80  }
0x10d: {  	[tilespmem:s1], [sflag:$0x2] =	stream.linear.gather [spmem:s0], $0x80, $0x38;
	[tilespmem:$0xF080] =	vst v63  }
0x10e: {  	s1 =	sadd.s32 $0x5C00, s26;
	s26 =	simm.s32 $0x2080  }
0x10f: {  	[tilespmem:s26], [sflag:$0x2] =	stream.linear.gather [spmem:s1], $0x80, $0x38;
	[tilespmem:$0xF080] =	vst v63  }
0x110: {  	s1 =	sadd.s32 $0x3C00, s31;
	s26 =	simm.s32 $0x100  }
0x111: {  	[tilespmem:s26], [sflag:$0x2] =	stream.linear.gather [spmem:s1], $0x80, $0x38;
	[tilespmem:$0xF080] =	vst v63  }
0x112: {  	s1 =	sadd.s32 $0x4000, s31;
	s26 =	simm.s32 $0x500  }
0x113: {  	[tilespmem:s26], [sflag:$0x2] =	stream.linear.gather [spmem:s1], $0x80, $0x38;
	[tilespmem:$0xF080] =	vst v63  }
0x114: {  	s1 =	sadd.s32 $0x4400, s31;
	s26 =	simm.s32 $0x900  }
0x115: {  	[tilespmem:s26], [sflag:$0x2] =	stream.linear.gather [spmem:s1], $0x80, $0x38;
	[tilespmem:$0xF080] =	vst v63  }
0x116: {  	s1 =	sadd.s32 $0x4800, s31;
	s26 =	simm.s32 $0xD00  }
0x117: {  	[tilespmem:s26], [sflag:$0x2] =	stream.linear.gather [spmem:s1], $0x80, $0x38;
	[tilespmem:$0xF080] =	vst v63  }
0x118: {  	s1 =	sadd.s32 $0x4C00, s31;
	s26 =	simm.s32 $0x1100  }
0x119: {  	[tilespmem:s26], [sflag:$0x2] =	stream.linear.gather [spmem:s1], $0x80, $0x38;
	[tilespmem:$0xF080] =	vst v63  }
0x11a: {  	s1 =	sadd.s32 $0x5000, s31;
	s26 =	simm.s32 $0x1500  }
0x11b: {  	[tilespmem:s26], [sflag:$0x2] =	stream.linear.gather [spmem:s1], $0x80, $0x38;
	[tilespmem:$0xF080] =	vst v63  }
0x11c: {  	s1 =	sadd.s32 $0x5400, s31;
	s26 =	simm.s32 $0x1900  }
0x11d: {  	[tilespmem:s26], [sflag:$0x2] =	stream.linear.gather [spmem:s1], $0x80, $0x38;
	[tilespmem:$0xF080] =	vst v63  }
0x11e: {  	s1 =	sadd.s32 $0x5800, s31;
	s26 =	simm.s32 $0x1D00  }
0x11f: {  	[tilespmem:s26], [sflag:$0x2] =	stream.linear.gather [spmem:s1], $0x80, $0x38;
	[tilespmem:$0xF080] =	vst v63  }
0x120: {  	s26 =	sadd.s32 $0x5C00, s31;
	s31 =	simm.s32 $0x2100  }
0x121: {  	[tilespmem:s31], [sflag:$0x2] =	stream.linear.gather [spmem:s26], $0x80, $0x38;
	[tilespmem:$0xF080] =	vst v63  }
0x122: {  	s26 =	sadd.s32 $0x3C00, s10;
	s31 =	simm.s32 $0x180  }
0x123: {  	[tilespmem:s31], [sflag:$0x2] =	stream.linear.gather [spmem:s26], $0x80, $0x38;
	[tilespmem:$0xF080] =	vst v63  }
0x124: {  	s26 =	sadd.s32 $0x4000, s10;
	s31 =	simm.s32 $0x580  }
0x125: {  	[tilespmem:s31], [sflag:$0x2] =	stream.linear.gather [spmem:s26], $0x80, $0x38;
	[tilespmem:$0xF080] =	vst v63  }
0x126: {  	s26 =	sadd.s32 $0x4400, s10;
	s31 =	simm.s32 $0x980  }
0x127: {  	[tilespmem:s31], [sflag:$0x2] =	stream.linear.gather [spmem:s26], $0x80, $0x38;
	[tilespmem:$0xF080] =	vst v63  }
0x128: {  	s26 =	sadd.s32 $0x4800, s10;
	s31 =	simm.s32 $0xD80  }
0x129: {  	[tilespmem:s31], [sflag:$0x2] =	stream.linear.gather [spmem:s26], $0x80, $0x38;
	[tilespmem:$0xF080] =	vst v63  }
0x12a: {  	s26 =	sadd.s32 $0x4C00, s10;
	s31 =	simm.s32 $0x1180  }
0x12b: {  	[tilespmem:s31], [sflag:$0x2] =	stream.linear.gather [spmem:s26], $0x80, $0x38;
	[tilespmem:$0xF080] =	vst v63  }
0x12c: {  	s26 =	sadd.s32 $0x5000, s10;
	s31 =	simm.s32 $0x1580  }
0x12d: {  	[tilespmem:s31], [sflag:$0x2] =	stream.linear.gather [spmem:s26], $0x80, $0x38;
	[tilespmem:$0xF080] =	vst v63  }
0x12e: {  	s26 =	sadd.s32 $0x5400, s10;
	s31 =	simm.s32 $0x1980  }
0x12f: {  	[tilespmem:s31], [sflag:$0x2] =	stream.linear.gather [spmem:s26], $0x80, $0x38;
	[tilespmem:$0xF080] =	vst v63  }
0x130: {  	s26 =	sadd.s32 $0x5800, s10;
	s31 =	simm.s32 $0x1D80  }
0x131: {  	[tilespmem:s31], [sflag:$0x2] =	stream.linear.gather [spmem:s26], $0x80, $0x38;
	[tilespmem:$0xF080] =	vst v63  }
0x132: {  	s1 =	sadd.s32 $0x5C00, s10;
	s10 =	simm.s32 $0x2180  }
0x133: {  	[tilespmem:s10], [sflag:$0x2] =	stream.linear.gather [spmem:s1], $0x80, $0x38;
	[tilespmem:$0xF080] =	vst v63  }
0x134: {  	s26 =	sadd.s32 $0x3C00, s4;
	s31 =	simm.s32 $0x200  }
0x135: {  	[tilespmem:s31], [sflag:$0x2] =	stream.linear.gather [spmem:s26], $0x80, $0x38;
	[tilespmem:$0xF080] =	vst v63  }
0x136: {  	s1 =	sadd.s32 $0x4000, s4;
	s10 =	simm.s32 $0x600  }
0x137: {  	[tilespmem:s10], [sflag:$0x2] =	stream.linear.gather [spmem:s1], $0x80, $0x38;
	[tilespmem:$0xF080] =	vst v63  }
0x138: {  	s26 =	sadd.s32 $0x4400, s4;
	s31 =	simm.s32 $0xA00  }
0x139: {  	[tilespmem:s31], [sflag:$0x2] =	stream.linear.gather [spmem:s26], $0x80, $0x38;
	[tilespmem:$0xF080] =	vst v63  }
0x13a: {  	s1 =	sadd.s32 $0x4800, s4;
	s10 =	simm.s32 $0xE00  }
0x13b: {  	[tilespmem:s10], [sflag:$0x2] =	stream.linear.gather [spmem:s1], $0x80, $0x38;
	[tilespmem:$0xF080] =	vst v63  }
0x13c: {  	s26 =	sadd.s32 $0x4C00, s4;
	s31 =	simm.s32 $0x1200  }
0x13d: {  	[tilespmem:s31], [sflag:$0x2] =	stream.linear.gather [spmem:s26], $0x80, $0x38;
	[tilespmem:$0xF080] =	vst v63  }
0x13e: {  	s1 =	sadd.s32 $0x5000, s4;
	s10 =	simm.s32 $0x1600  }
0x13f: {  	[tilespmem:s10], [sflag:$0x2] =	stream.linear.gather [spmem:s1], $0x80, $0x38;
	[tilespmem:$0xF080] =	vst v63  }
0x140: {  	s26 =	sadd.s32 $0x5400, s4;
	s31 =	simm.s32 $0x1A00  }
0x141: {  	[tilespmem:s31], [sflag:$0x2] =	stream.linear.gather [spmem:s26], $0x80, $0x38;
	[tilespmem:$0xF080] =	vst v63  }
0x142: {  	s1 =	sadd.s32 $0x5800, s4;
	s10 =	simm.s32 $0x1E00  }
0x143: {  	[tilespmem:s10], [sflag:$0x2] =	stream.linear.gather [spmem:s1], $0x80, $0x38;
	[tilespmem:$0xF080] =	vst v63  }
0x144: {  	s26 =	sadd.s32 $0x5C00, s4;
	s31 =	simm.s32 $0x2200  }
0x145: {  	[tilespmem:s31], [sflag:$0x2] =	stream.linear.gather [spmem:s26], $0x80, $0x38;
	[tilespmem:$0xF080] =	vst v63  }
0x146: {  	s4 =	sadd.s32 $0x3C00, s29;
	s10 =	simm.s32 $0x280  }
0x147: {  	[tilespmem:s10], [sflag:$0x2] =	stream.linear.gather [spmem:s4], $0x80, $0x38;
	[tilespmem:$0xF080] =	vst v63  }
0x148: {  	s26 =	sadd.s32 $0x4000, s29;
	s31 =	simm.s32 $0x680  }
0x149: {  	[tilespmem:s31], [sflag:$0x2] =	stream.linear.gather [spmem:s26], $0x80, $0x38;
	[tilespmem:$0xF080] =	vst v63  }
0x14a: {  	s4 =	sadd.s32 $0x4400, s29;
	s10 =	simm.s32 $0xA80  }
0x14b: {  	[tilespmem:s10], [sflag:$0x2] =	stream.linear.gather [spmem:s4], $0x80, $0x38;
	[tilespmem:$0xF080] =	vst v63  }
0x14c: {  	s26 =	sadd.s32 $0x4800, s29;
	s31 =	simm.s32 $0xE80  }
0x14d: {  	[tilespmem:s31], [sflag:$0x2] =	stream.linear.gather [spmem:s26], $0x80, $0x38;
	[tilespmem:$0xF080] =	vst v63  }
0x14e: {  	s4 =	sadd.s32 $0x4C00, s29;
	s10 =	simm.s32 $0x1280  }
0x14f: {  	[tilespmem:s10], [sflag:$0x2] =	stream.linear.gather [spmem:s4], $0x80, $0x38;
	[tilespmem:$0xF080] =	vst v63  }
0x150: {  	s26 =	sadd.s32 $0x5000, s29;
	s31 =	simm.s32 $0x1680  }
0x151: {  	[tilespmem:s31], [sflag:$0x2] =	stream.linear.gather [spmem:s26], $0x80, $0x38;
	[tilespmem:$0xF080] =	vst v63  }
0x152: {  	s4 =	sadd.s32 $0x5400, s29;
	s10 =	simm.s32 $0x1A80  }
0x153: {  	[tilespmem:s10], [sflag:$0x2] =	stream.linear.gather [spmem:s4], $0x80, $0x38;
	[tilespmem:$0xF080] =	vst v63  }
0x154: {  	s26 =	sadd.s32 $0x5800, s29;
	s31 =	simm.s32 $0x1E80  }
0x155: {  	[tilespmem:s31], [sflag:$0x2] =	stream.linear.gather [spmem:s26], $0x80, $0x38;
	[tilespmem:$0xF080] =	vst v63  }
0x156: {  	s1 =	sadd.s32 $0x5C00, s29;
	s4 =	simm.s32 $0x2280  }
0x157: {  	[tilespmem:s4], [sflag:$0x2] =	stream.linear.gather [spmem:s1], $0x80, $0x38;
	[tilespmem:$0xF080] =	vst v63  }
0x158: {  	s10 =	sadd.s32 $0x3C00, s24;
	s26 =	simm.s32 $0x300  }
0x159: {  	[tilespmem:s26], [sflag:$0x2] =	stream.linear.gather [spmem:s10], $0x80, $0x38;
	[tilespmem:$0xF080] =	vst v63  }
0x15a: {  	s29 =	sadd.s32 $0x4000, s24;
	s31 =	simm.s32 $0x700  }
0x15b: {  	[tilespmem:s31], [sflag:$0x2] =	stream.linear.gather [spmem:s29], $0x80, $0x38;
	[tilespmem:$0xF080] =	vst v63  }
0x15c: {  	s1 =	sadd.s32 $0x4400, s24;
	s4 =	simm.s32 $0xB00  }
0x15d: {  	[tilespmem:s4], [sflag:$0x2] =	stream.linear.gather [spmem:s1], $0x80, $0x38;
	[tilespmem:$0xF080] =	vst v63  }
0x15e: {  	s10 =	sadd.s32 $0x4800, s24;
	s26 =	simm.s32 $0xF00  }
0x15f: {  	[tilespmem:s26], [sflag:$0x2] =	stream.linear.gather [spmem:s10], $0x80, $0x38;
	[tilespmem:$0xF080] =	vst v63  }
0x160: {  	s29 =	sadd.s32 $0x4C00, s24;
	s31 =	simm.s32 $0x1300  }
0x161: {  	[tilespmem:s31], [sflag:$0x2] =	stream.linear.gather [spmem:s29], $0x80, $0x38;
	[tilespmem:$0xF080] =	vst v63  }
0x162: {  	s1 =	sadd.s32 $0x5000, s24;
	s4 =	simm.s32 $0x1700  }
0x163: {  	[tilespmem:s4], [sflag:$0x2] =	stream.linear.gather [spmem:s1], $0x80, $0x38;
	[tilespmem:$0xF080] =	vst v63  }
0x164: {  	s10 =	sadd.s32 $0x5400, s24;
	s26 =	simm.s32 $0x1B00  }
0x165: {  	[tilespmem:s26], [sflag:$0x2] =	stream.linear.gather [spmem:s10], $0x80, $0x38;
	[tilespmem:$0xF080] =	vst v63  }
0x166: {  	s29 =	sadd.s32 $0x5800, s24;
	s31 =	simm.s32 $0x1F00  }
0x167: {  	[tilespmem:s31], [sflag:$0x2] =	stream.linear.gather [spmem:s29], $0x80, $0x38;
	[tilespmem:$0xF080] =	vst v63  }
0x168: {  	s4 =	sadd.s32 $0x5C00, s24;
	s10 =	simm.s32 $0x2300  }
0x169: {  	[tilespmem:s10], [sflag:$0x2] =	stream.linear.gather [spmem:s4], $0x80, $0x38;
	[tilespmem:$0xF080] =	vst v63  }
0x16a: {  	s24 =	sadd.s32 $0x3C00, s22;
	s26 =	simm.s32 $0x380  }
0x16b: {  	[tilespmem:s26], [sflag:$0x2] =	stream.linear.gather [spmem:s24], $0x80, $0x38;
	[tilespmem:$0xF080] =	vst v63  }
0x16c: {  	s29 =	sadd.s32 $0x4000, s22;
	s31 =	simm.s32 $0x780  }
0x16d: {  	[tilespmem:s31], [sflag:$0x2] =	stream.linear.gather [spmem:s29], $0x80, $0x38;
	[tilespmem:$0xF080] =	vst v63  }
0x16e: {  	s4 =	sadd.s32 $0x4400, s22;
	s10 =	simm.s32 $0xB80  }
0x16f: {  	[tilespmem:s10], [sflag:$0x2] =	stream.linear.gather [spmem:s4], $0x80, $0x38;
	[tilespmem:$0xF080] =	vst v63  }
0x170: {  	s24 =	sadd.s32 $0x4800, s22;
	s26 =	simm.s32 $0xF80  }
0x171: {  	[tilespmem:s26], [sflag:$0x2] =	stream.linear.gather [spmem:s24], $0x80, $0x38;
	[tilespmem:$0xF080] =	vst v63  }
0x172: {  	s29 =	sadd.s32 $0x4C00, s22;
	s31 =	simm.s32 $0x1380  }
0x173: {  	[tilespmem:s31], [sflag:$0x2] =	stream.linear.gather [spmem:s29], $0x80, $0x38;
	[tilespmem:$0xF080] =	vst v63  }
0x174: {  	s4 =	sadd.s32 $0x5000, s22;
	s10 =	simm.s32 $0x1780  }
0x175: {  	[tilespmem:s10], [sflag:$0x2] =	stream.linear.gather [spmem:s4], $0x80, $0x38;
	[tilespmem:$0xF080] =	vst v63  }
0x176: {  	s24 =	sadd.s32 $0x5400, s22;
	s26 =	simm.s32 $0x1B80  }
0x177: {  	[tilespmem:s26], [sflag:$0x2] =	stream.linear.gather [spmem:s24], $0x80, $0x38;
	[tilespmem:$0xF080] =	vst v63  }
0x178: {  	s29 =	sadd.s32 $0x5800, s22;
	s31 =	simm.s32 $0x1F80  }
0x179: {  	[tilespmem:s31], [sflag:$0x2] =	stream.linear.gather [spmem:s29], $0x80, $0x38;
	[tilespmem:$0xF080] =	vst v63  }
0x17a: {  	s4 =	sadd.s32 $0x5C00, s22;
	s10 =	simm.s32 $0x2380  }
0x17b: {  	[tilespmem:s10], [sflag:$0x2] =	stream.linear.gather [spmem:s4], $0x80, $0x38;
	[tilespmem:$0xF080] =	vst v63  }
0x17c: {  	s24 =	sadd.s32 $0x3C00, s20;
	s26 =	simm.s32 $0x400  }
0x17d: {  	[tilespmem:s26], [sflag:$0x2] =	stream.linear.gather [spmem:s24], $0x80, $0x38;
	[tilespmem:$0xF080] =	vst v63  }
0x17e: {  	s29 =	sadd.s32 $0x4000, s20;
	s31 =	simm.s32 $0x800  }
0x17f: {  	[tilespmem:s31], [sflag:$0x2] =	stream.linear.gather [spmem:s29], $0x80, $0x38;
	[tilespmem:$0xF080] =	vst v63  }
0x180: {  	s4 =	sadd.s32 $0x4400, s20;
	s10 =	simm.s32 $0xC00  }
0x181: {  	[tilespmem:s10], [sflag:$0x2] =	stream.linear.gather [spmem:s4], $0x80, $0x38;
	[tilespmem:$0xF080] =	vst v63  }
0x182: {  	s24 =	sadd.s32 $0x4800, s20;
	s26 =	simm.s32 $0x1000  }
0x183: {  	[tilespmem:s26], [sflag:$0x2] =	stream.linear.gather [spmem:s24], $0x80, $0x38;
	[tilespmem:$0xF080] =	vst v63  }
0x184: {  	s29 =	sadd.s32 $0x4C00, s20;
	s31 =	simm.s32 $0x1400  }
0x185: {  	[tilespmem:s31], [sflag:$0x2] =	stream.linear.gather [spmem:s29], $0x80, $0x38;
	[tilespmem:$0xF080] =	vst v63  }
0x186: {  	s4 =	sadd.s32 $0x5000, s20;
	s10 =	simm.s32 $0x1800  }
0x187: {  	[tilespmem:s10], [sflag:$0x2] =	stream.linear.gather [spmem:s4], $0x80, $0x38;
	[tilespmem:$0xF080] =	vst v63  }
0x188: {  	s24 =	sadd.s32 $0x5400, s20;
	s26 =	simm.s32 $0x1C00  }
0x189: {  	[tilespmem:s26], [sflag:$0x2] =	stream.linear.gather [spmem:s24], $0x80, $0x38;
	[tilespmem:$0xF080] =	vst v63  }
0x18a: {  	s29 =	sadd.s32 $0x5800, s20;
	s31 =	simm.s32 $0x2000  }
0x18b: {  	[tilespmem:s31], [sflag:$0x2] =	stream.linear.gather [spmem:s29], $0x80, $0x38;
	[tilespmem:$0xF080] =	vst v63  }
0x18c: {  	s1 =	sadd.s32 $0x5C00, s20;
	s20 =	simm.s32 $0x2400  }
0x18d: {  	[tilespmem:s20], [sflag:$0x2] =	stream.linear.gather [spmem:s1], $0x80, $0x38;
	[tilespmem:$0xF080] =	vst v63  }
0x18e: {  	s4 =	sadd.s32 $0x3C00, s12;
	s10 =	simm.s32 $0x2480  }
0x18f: {  	[tilespmem:s10], [sflag:$0x2] =	stream.linear.gather [spmem:s4], $0x80, $0x38;
	[tilespmem:$0xF080] =	vst v63  }
0x190: {  	s24 =	sadd.s32 $0x4000, s12;
	s26 =	simm.s32 $0x2880  }
0x191: {  	[tilespmem:s26], [sflag:$0x2] =	stream.linear.gather [spmem:s24], $0x80, $0x38;
	[tilespmem:$0xF080] =	vst v63  }
0x192: {  	s29 =	sadd.s32 $0x4400, s12;
	s31 =	simm.s32 $0x2C80  }
0x193: {  	[tilespmem:s31], [sflag:$0x2] =	stream.linear.gather [spmem:s29], $0x80, $0x38;
	[tilespmem:$0xF080] =	vst v63  }
0x194: {  	s4 =	sadd.s32 $0x4800, s12;
	s10 =	simm.s32 $0x3080  }
0x195: {  	[tilespmem:s10], [sflag:$0x2] =	stream.linear.gather [spmem:s4], $0x80, $0x38;
	[tilespmem:$0xF080] =	vst v63  }
0x196: {  	s24 =	sadd.s32 $0x4C00, s12;
	s26 =	simm.s32 $0x3480  }
0x197: {  	[tilespmem:s26], [sflag:$0x2] =	stream.linear.gather [spmem:s24], $0x80, $0x38;
	[tilespmem:$0xF080] =	vst v63  }
0x198: {  	s29 =	sadd.s32 $0x5000, s12;
	s31 =	simm.s32 $0x3880  }
0x199: {  	[tilespmem:s31], [sflag:$0x2] =	stream.linear.gather [spmem:s29], $0x80, $0x38;
	[tilespmem:$0xF080] =	vst v63  }
0x19a: {  	s4 =	sadd.s32 $0x5400, s12;
	s10 =	simm.s32 $0x3C80  }
0x19b: {  	[tilespmem:s10], [sflag:$0x2] =	stream.linear.gather [spmem:s4], $0x80, $0x38;
	[tilespmem:$0xF080] =	vst v63  }
0x19c: {  	s24 =	sadd.s32 $0x5800, s12;
	s26 =	simm.s32 $0x4080  }
0x19d: {  	[tilespmem:s26], [sflag:$0x2] =	stream.linear.gather [spmem:s24], $0x80, $0x38;
	[tilespmem:$0xF080] =	vst v63  }
0x19e: {  	s29 =	sadd.s32 $0x5C00, s12;
	s31 =	simm.s32 $0x4480  }
0x19f: {  	[tilespmem:s31], [sflag:$0x2] =	stream.linear.gather [spmem:s29], $0x80, $0x38;
	[tilespmem:$0xF080] =	vst v63  }
0x1a0: {  	s4 =	sadd.s32 $0x3C00, s25;
	s10 =	simm.s32 $0x2500  }
0x1a1: {  	[tilespmem:s10], [sflag:$0x2] =	stream.linear.gather [spmem:s4], $0x80, $0x38;
	[tilespmem:$0xF080] =	vst v63  }
0x1a2: {  	s24 =	sadd.s32 $0x4000, s25;
	s26 =	simm.s32 $0x2900  }
0x1a3: {  	[tilespmem:s26], [sflag:$0x2] =	stream.linear.gather [spmem:s24], $0x80, $0x38;
	[tilespmem:$0xF080] =	vst v63  }
0x1a4: {  	s29 =	sadd.s32 $0x4400, s25;
	s31 =	simm.s32 $0x2D00  }
0x1a5: {  	[tilespmem:s31], [sflag:$0x2] =	stream.linear.gather [spmem:s29], $0x80, $0x38;
	[tilespmem:$0xF080] =	vst v63  }
0x1a6: {  	s4 =	sadd.s32 $0x4800, s25;
	s10 =	simm.s32 $0x3100  }
0x1a7: {  	[tilespmem:s10], [sflag:$0x2] =	stream.linear.gather [spmem:s4], $0x80, $0x38;
	[tilespmem:$0xF080] =	vst v63  }
0x1a8: {  	s24 =	sadd.s32 $0x4C00, s25;
	s26 =	simm.s32 $0x3500  }
0x1a9: {  	[tilespmem:s26], [sflag:$0x2] =	stream.linear.gather [spmem:s24], $0x80, $0x38;
	[tilespmem:$0xF080] =	vst v63  }
0x1aa: {  	s29 =	sadd.s32 $0x5000, s25;
	s31 =	simm.s32 $0x3900  }
0x1ab: {  	[tilespmem:s31], [sflag:$0x2] =	stream.linear.gather [spmem:s29], $0x80, $0x38;
	[tilespmem:$0xF080] =	vst v63  }
0x1ac: {  	s4 =	sadd.s32 $0x5400, s25;
	s10 =	simm.s32 $0x3D00  }
0x1ad: {  	[tilespmem:s10], [sflag:$0x2] =	stream.linear.gather [spmem:s4], $0x80, $0x38;
	[tilespmem:$0xF080] =	vst v63  }
0x1ae: {  	s24 =	sadd.s32 $0x5800, s25;
	s26 =	simm.s32 $0x4100  }
0x1af: {  	[tilespmem:s26], [sflag:$0x2] =	stream.linear.gather [spmem:s24], $0x80, $0x38;
	[tilespmem:$0xF080] =	vst v63  }
0x1b0: {  	s29 =	sadd.s32 $0x5C00, s25;
	s31 =	simm.s32 $0x4500  }
0x1b1: {  	[tilespmem:s31], [sflag:$0x2] =	stream.linear.gather [spmem:s29], $0x80, $0x38;
	[tilespmem:$0xF080] =	vst v63  }
0x1b2: {  	s1 =	sadd.s32 $0x3C00, s23;
	s4 =	simm.s32 $0x2580  }
0x1b3: {  	[tilespmem:s4], [sflag:$0x2] =	stream.linear.gather [spmem:s1], $0x80, $0x38;
	[tilespmem:$0xF080] =	vst v63  }
0x1b4: {  	s10 =	sadd.s32 $0x4000, s23;
	s24 =	simm.s32 $0x2980  }
0x1b5: {  	[tilespmem:s24], [sflag:$0x2] =	stream.linear.gather [spmem:s10], $0x80, $0x38;
	[tilespmem:$0xF080] =	vst v63  }
0x1b6: {  	s25 =	sadd.s32 $0x4400, s23;
	s26 =	simm.s32 $0x2D80  }
0x1b7: {  	[tilespmem:s26], [sflag:$0x2] =	stream.linear.gather [spmem:s25], $0x80, $0x38;
	[tilespmem:$0xF080] =	vst v63  }
0x1b8: {  	s29 =	sadd.s32 $0x4800, s23;
	s31 =	simm.s32 $0x3180  }
0x1b9: {  	[tilespmem:s31], [sflag:$0x2] =	stream.linear.gather [spmem:s29], $0x80, $0x38;
	[tilespmem:$0xF080] =	vst v63  }
0x1ba: {  	s1 =	sadd.s32 $0x4C00, s23;
	s4 =	simm.s32 $0x3580  }
0x1bb: {  	[tilespmem:s4], [sflag:$0x2] =	stream.linear.gather [spmem:s1], $0x80, $0x38;
	[tilespmem:$0xF080] =	vst v63  }
0x1bc: {  	s10 =	sadd.s32 $0x5000, s23;
	s24 =	simm.s32 $0x3980  }
0x1bd: {  	[tilespmem:s24], [sflag:$0x2] =	stream.linear.gather [spmem:s10], $0x80, $0x38;
	[tilespmem:$0xF080] =	vst v63  }
0x1be: {  	s25 =	sadd.s32 $0x5400, s23;
	s26 =	simm.s32 $0x3D80  }
0x1bf: {  	[tilespmem:s26], [sflag:$0x2] =	stream.linear.gather [spmem:s25], $0x80, $0x38;
	[tilespmem:$0xF080] =	vst v63  }
0x1c0: {  	s29 =	sadd.s32 $0x5800, s23;
	s31 =	simm.s32 $0x4180  }
0x1c1: {  	[tilespmem:s31], [sflag:$0x2] =	stream.linear.gather [spmem:s29], $0x80, $0x38;
	[tilespmem:$0xF080] =	vst v63  }
0x1c2: {  	s4 =	sadd.s32 $0x5C00, s23;
	s10 =	simm.s32 $0x4580  }
0x1c3: {  	[tilespmem:s10], [sflag:$0x2] =	stream.linear.gather [spmem:s4], $0x80, $0x38;
	[tilespmem:$0xF080] =	vst v63  }
0x1c4: {  	s23 =	sadd.s32 $0x3C00, s21;
	s24 =	simm.s32 $0x2600  }
0x1c5: {  	[tilespmem:s24], [sflag:$0x2] =	stream.linear.gather [spmem:s23], $0x80, $0x38;
	[tilespmem:$0xF080] =	vst v63  }
0x1c6: {  	s25 =	sadd.s32 $0x4000, s21;
	s26 =	simm.s32 $0x2A00  }
0x1c7: {  	[tilespmem:s26], [sflag:$0x2] =	stream.linear.gather [spmem:s25], $0x80, $0x38;
	[tilespmem:$0xF080] =	vst v63  }
0x1c8: {  	s29 =	sadd.s32 $0x4400, s21;
	s31 =	simm.s32 $0x2E00  }
0x1c9: {  	[tilespmem:s31], [sflag:$0x2] =	stream.linear.gather [spmem:s29], $0x80, $0x38;
	[tilespmem:$0xF080] =	vst v63  }
0x1ca: {  	s4 =	sadd.s32 $0x4800, s21;
	s10 =	simm.s32 $0x3200  }
0x1cb: {  	[tilespmem:s10], [sflag:$0x2] =	stream.linear.gather [spmem:s4], $0x80, $0x38;
	[tilespmem:$0xF080] =	vst v63  }
0x1cc: {  	s23 =	sadd.s32 $0x4C00, s21;
	s24 =	simm.s32 $0x3600  }
0x1cd: {  	[tilespmem:s24], [sflag:$0x2] =	stream.linear.gather [spmem:s23], $0x80, $0x38;
	[tilespmem:$0xF080] =	vst v63  }
0x1ce: {  	s25 =	sadd.s32 $0x5000, s21;
	s26 =	simm.s32 $0x3A00  }
0x1cf: {  	[tilespmem:s26], [sflag:$0x2] =	stream.linear.gather [spmem:s25], $0x80, $0x38;
	[tilespmem:$0xF080] =	vst v63  }
0x1d0: {  	s29 =	sadd.s32 $0x5400, s21;
	s31 =	simm.s32 $0x3E00  }
0x1d1: {  	[tilespmem:s31], [sflag:$0x2] =	stream.linear.gather [spmem:s29], $0x80, $0x38;
	[tilespmem:$0xF080] =	vst v63  }
0x1d2: {  	s1 =	sadd.s32 $0x5800, s21;
	s4 =	simm.s32 $0x4200  }
0x1d3: {  	[tilespmem:s4], [sflag:$0x2] =	stream.linear.gather [spmem:s1], $0x80, $0x38;
	[tilespmem:$0xF080] =	vst v63  }
0x1d4: {  	s10 =	sadd.s32 $0x5C00, s21;
	s21 =	simm.s32 $0x4600  }
0x1d5: {  	[tilespmem:s21], [sflag:$0x2] =	stream.linear.gather [spmem:s10], $0x80, $0x38;
	[tilespmem:$0xF080] =	vst v63  }
0x1d6: {  	s23 =	sadd.s32 $0x3C00, s11;
	s24 =	simm.s32 $0x2680  }
0x1d7: {  	[tilespmem:s24], [sflag:$0x2] =	stream.linear.gather [spmem:s23], $0x80, $0x38;
	[tilespmem:$0xF080] =	vst v63  }
0x1d8: {  	s25 =	sadd.s32 $0x4000, s11;
	s26 =	simm.s32 $0x2A80  }
0x1d9: {  	[tilespmem:s26], [sflag:$0x2] =	stream.linear.gather [spmem:s25], $0x80, $0x38;
	[tilespmem:$0xF080] =	vst v63  }
0x1da: {  	s29 =	sadd.s32 $0x4400, s11;
	s31 =	simm.s32 $0x2E80  }
0x1db: {  	[tilespmem:s31], [sflag:$0x2] =	stream.linear.gather [spmem:s29], $0x80, $0x38;
	[tilespmem:$0xF080] =	vst v63  }
0x1dc: {  	s1 =	sadd.s32 $0x4800, s11;
	s4 =	simm.s32 $0x3280  }
0x1dd: {  	[tilespmem:s4], [sflag:$0x2] =	stream.linear.gather [spmem:s1], $0x80, $0x38;
	[tilespmem:$0xF080] =	vst v63  }
0x1de: {  	s10 =	sadd.s32 $0x4C00, s11;
	s21 =	simm.s32 $0x3680  }
0x1df: {  	[tilespmem:s21], [sflag:$0x2] =	stream.linear.gather [spmem:s10], $0x80, $0x38;
	[tilespmem:$0xF080] =	vst v63  }
0x1e0: {  	s23 =	sadd.s32 $0x5000, s11;
	s24 =	simm.s32 $0x3A80  }
0x1e1: {  	[tilespmem:s24], [sflag:$0x2] =	stream.linear.gather [spmem:s23], $0x80, $0x38;
	[tilespmem:$0xF080] =	vst v63  }
0x1e2: {  	s25 =	sadd.s32 $0x5400, s11;
	s26 =	simm.s32 $0x3E80  }
0x1e3: {  	[tilespmem:s26], [sflag:$0x2] =	stream.linear.gather [spmem:s25], $0x80, $0x38;
	[tilespmem:$0xF080] =	vst v63  }
0x1e4: {  	s29 =	sadd.s32 $0x5800, s11;
	s31 =	simm.s32 $0x4280  }
0x1e5: {  	[tilespmem:s31], [sflag:$0x2] =	stream.linear.gather [spmem:s29], $0x80, $0x38;
	[tilespmem:$0xF080] =	vst v63  }
0x1e6: {  	s4 =	sadd.s32 $0x5C00, s11;
	s10 =	simm.s32 $0x4680  }
0x1e7: {  	[tilespmem:s10], [sflag:$0x2] =	stream.linear.gather [spmem:s4], $0x80, $0x38;
	[tilespmem:$0xF080] =	vst v63  }
0x1e8: {  	s11 =	sadd.s32 $0x3C00, s9;
	s21 =	simm.s32 $0x2700  }
0x1e9: {  	[tilespmem:s21], [sflag:$0x2] =	stream.linear.gather [spmem:s11], $0x80, $0x38;
	[tilespmem:$0xF080] =	vst v63  }
0x1ea: {  	s23 =	sadd.s32 $0x4000, s9;
	s24 =	simm.s32 $0x2B00  }
0x1eb: {  	[tilespmem:s24], [sflag:$0x2] =	stream.linear.gather [spmem:s23], $0x80, $0x38;
	[tilespmem:$0xF080] =	vst v63  }
0x1ec: {  	s25 =	sadd.s32 $0x4400, s9;
	s26 =	simm.s32 $0x2F00  }
0x1ed: {  	[tilespmem:s26], [sflag:$0x2] =	stream.linear.gather [spmem:s25], $0x80, $0x38;
	[tilespmem:$0xF080] =	vst v63  }
0x1ee: {  	s29 =	sadd.s32 $0x4800, s9;
	s31 =	simm.s32 $0x3300  }
0x1ef: {  	[tilespmem:s31], [sflag:$0x2] =	stream.linear.gather [spmem:s29], $0x80, $0x38;
	[tilespmem:$0xF080] =	vst v63  }
0x1f0: {  	s4 =	sadd.s32 $0x4C00, s9;
	s10 =	simm.s32 $0x3700  }
0x1f1: {  	[tilespmem:s10], [sflag:$0x2] =	stream.linear.gather [spmem:s4], $0x80, $0x38;
	[tilespmem:$0xF080] =	vst v63  }
0x1f2: {  	s11 =	sadd.s32 $0x5000, s9;
	s21 =	simm.s32 $0x3B00  }
0x1f3: {  	[tilespmem:s21], [sflag:$0x2] =	stream.linear.gather [spmem:s11], $0x80, $0x38;
	[tilespmem:$0xF080] =	vst v63  }
0x1f4: {  	s23 =	sadd.s32 $0x5400, s9;
	s24 =	simm.s32 $0x3F00  }
0x1f5: {  	[tilespmem:s24], [sflag:$0x2] =	stream.linear.gather [spmem:s23], $0x80, $0x38;
	[tilespmem:$0xF080] =	vst v63  }
0x1f6: {  	s25 =	sadd.s32 $0x5800, s9;
	s26 =	simm.s32 $0x4300  }
0x1f7: {  	[tilespmem:s26], [sflag:$0x2] =	stream.linear.gather [spmem:s25], $0x80, $0x38;
	[tilespmem:$0xF080] =	vst v63  }
0x1f8: {  	s29 =	sadd.s32 $0x5C00, s9;
	s31 =	simm.s32 $0x4700  }
0x1f9: {  	[tilespmem:s31], [sflag:$0x2] =	stream.linear.gather [spmem:s29], $0x80, $0x38;
	[tilespmem:$0xF080] =	vst v63  }
0x1fa: {  	s1 =	sadd.s32 $0x3C00, s8;
	s4 =	simm.s32 $0x2780  }
0x1fb: {  	[tilespmem:s4], [sflag:$0x2] =	stream.linear.gather [spmem:s1], $0x80, $0x38;
	[tilespmem:$0xF080] =	vst v63  }
0x1fc: {  	s9 =	sadd.s32 $0x4000, s8;
	s10 =	simm.s32 $0x2B80  }
0x1fd: {  	[tilespmem:s10], [sflag:$0x2] =	stream.linear.gather [spmem:s9], $0x80, $0x38;
	[tilespmem:$0xF080] =	vst v63  }
0x1fe: {  	s11 =	sadd.s32 $0x4400, s8;
	s21 =	simm.s32 $0x2F80  }
0x1ff: {  	[tilespmem:s21], [sflag:$0x2] =	stream.linear.gather [spmem:s11], $0x80, $0x38;
	[tilespmem:$0xF080] =	vst v63  }
0x200: {  	s23 =	sadd.s32 $0x4800, s8;
	s24 =	simm.s32 $0x3380  }
0x201: {  	[tilespmem:s24], [sflag:$0x2] =	stream.linear.gather [spmem:s23], $0x80, $0x38;
	[tilespmem:$0xF080] =	vst v63  }
0x202: {  	s25 =	sadd.s32 $0x4C00, s8;
	s26 =	simm.s32 $0x3780  }
0x203: {  	[tilespmem:s26], [sflag:$0x2] =	stream.linear.gather [spmem:s25], $0x80, $0x38;
	[tilespmem:$0xF080] =	vst v63  }
0x204: {  	s29 =	sadd.s32 $0x5000, s8;
	s31 =	simm.s32 $0x3B80  }
0x205: {  	[tilespmem:s31], [sflag:$0x2] =	stream.linear.gather [spmem:s29], $0x80, $0x38;
	[tilespmem:$0xF080] =	vst v63  }
0x206: {  	s1 =	sadd.s32 $0x5400, s8;
	s4 =	simm.s32 $0x3F80  }
0x207: {  	[tilespmem:s4], [sflag:$0x2] =	stream.linear.gather [spmem:s1], $0x80, $0x38;
	[tilespmem:$0xF080] =	vst v63  }
0x208: {  	s9 =	sadd.s32 $0x5800, s8;
	s10 =	simm.s32 $0x4380  }
0x209: {  	[tilespmem:s10], [sflag:$0x2] =	stream.linear.gather [spmem:s9], $0x80, $0x38;
	[tilespmem:$0xF080] =	vst v63  }
0x20a: {  	s11 =	sadd.s32 $0x5C00, s8;
	s21 =	simm.s32 $0x4780  }
0x20b: {  	[tilespmem:s21], [sflag:$0x2] =	stream.linear.gather [spmem:s11], $0x80, $0x38;
	[tilespmem:$0xF080] =	vst v63  }
0x20c: {  	s23 =	sadd.s32 $0x3C00, s7;
	s24 =	simm.s32 $0x2800  }
0x20d: {  	[tilespmem:s24], [sflag:$0x2] =	stream.linear.gather [spmem:s23], $0x80, $0x38;
	[tilespmem:$0xF080] =	vst v63  }
0x20e: {  	s25 =	sadd.s32 $0x4000, s7;
	s26 =	simm.s32 $0x2C00  }
0x20f: {  	[tilespmem:s26], [sflag:$0x2] =	stream.linear.gather [spmem:s25], $0x80, $0x38;
	[tilespmem:$0xF080] =	vst v63  }
0x210: {  	s29 =	sadd.s32 $0x4400, s7;
	s31 =	simm.s32 $0x3000  }
0x211: {  	[tilespmem:s31], [sflag:$0x2] =	stream.linear.gather [spmem:s29], $0x80, $0x38;
	[tilespmem:$0xF080] =	vst v63  }
0x212: {  	s8 =	simm.s32 $0x3400;
	s4 =	sadd.s32 $0x4800, s7  }
0x213: {  	[tilespmem:s8], [sflag:$0x2] =	stream.linear.gather [spmem:s4], $0x80, $0x38;
	[tilespmem:$0xF080] =	vst v63  }
0x214: {  	s9 =	sadd.s32 $0x4C00, s7;
	s10 =	simm.s32 $0x3800  }
0x215: {  	[tilespmem:s10], [sflag:$0x2] =	stream.linear.gather [spmem:s9], $0x80, $0x38;
	[tilespmem:$0xF080] =	vst v63  }
0x216: {  	s11 =	sadd.s32 $0x5000, s7;
	s21 =	simm.s32 $0x3C00  }
0x217: {  	[tilespmem:s21], [sflag:$0x2] =	stream.linear.gather [spmem:s11], $0x80, $0x38;
	[tilespmem:$0xF080] =	vst v63  }
0x218: {  	s22 =	rddreg [dreg:$0x12];
	s23 =	sadd.s32 $0x5400, s7;
	s24 =	simm.s32 $0x4000  }
0x219: {  	[tilespmem:s24], [sflag:$0x2] =	stream.linear.gather [spmem:s23], $0x80, $0x38;
	[tilespmem:$0xF080] =	vst v63  }
.Ltmp4:
0x21a: {  	s12 =	simm.s32 $0x60000;
	s25 =	sadd.s32 $0x5800, s7;
	(pc) =	sbr.rel .LBB2_3-.Ltmp4, $4  }
0x21b: {  	s26 =	simm.s32 $0x4400;
	s29 =	sadd.s32 $0x5C00, s7;
	s31 =	simm.s32 $0x4800  }
0x21c: {  	[tilespmem:s26], [sflag:$0x2] =	stream.linear.gather [spmem:s25], $0x80, $0x38;
	[tilespmem:$0xF080] =	vst v63  }
0x21d: {  	s7 =	sadd.s32 $0x60000, s22;
	s9 =	sadd.s32 $0x3C00, s22;
	s21 =	simm.s32 $0x0  }
0x21e: {  	[tilespmem:s31], [sflag:$0x2] =	stream.linear.gather [spmem:s29], $0x80, $0x38;
	[tilespmem:$0xF080] =	vst v63  }
.LBB2_5:
0x21f: {  	s0 =	smin.u32 s23, $0x7  }
0x220: {  	s0 =	sshll.u32 s0, $0x4  }
0x221: {  	v0 =	vld [tilespmem:s0+$0x0];
	_ =	sdelay $0x4  }
0x222: {  	(v2sf) =	vpush v0, $0x0;
	_ =	sdelay $0xe  }
0x223: {  	s1 =	spop (v2sf)  }
0x224: {  	s0 =	sor.u32 s6, s0;
	s4 =	sshrl.u32 s1, $0x3  }
0x225: {  	s0 =	sshrl.u32 s0, $0x3;
	s8 =	smul.u32 $0x18000, s4  }
0x226: {  	s4 =	smul.u32 $0x60000, s0  }
0x227: {  	s1 =	sshll.u32 s1, $0x7;
	s29 =	sshra.s32 s8, $0x2  }
0x228: {  	s1 =	sand.u32 $0x380, s1;
	s31 =	sadd.s32 s22, s4;
	s0 =	sadd.s32 s29, s3  }
0x229: {  	s0 =	sadd.s32 s1, s0;
	s1 =	sshrl.u32 s31, $0x3  }
0x22a: {  	s8 =	sadd.s32 s2, s1;
	s0 =	sshrl.u32 s0, $0x3  }
0x22b: {  	[hbm:s8@s28], [sflag:s5] =	dma.strided [spmem:s0@s28], $0xF0, s30, $0x10   }
0x22c: {  	(v2sf) =	vpush v0, $0x1;
	_ =	sdelay $0xe  }
0x22d: {  	s0 =	spop (v2sf)  }
0x22e: {  	s10 =	sshrl.u32 s0, $0x3  }
0x22f: {  	s8 =	smul.u32 $0x18000, s10;
	_ =	sdelay $0x1  }
0x230: {  	s0 =	sshll.u32 s0, $0x7;
	s8 =	sshra.s32 s8, $0x2  }
0x231: {  	s0 =	sand.u32 $0x380, s0;
	s8 =	sadd.s32 s8, s3  }
0x232: {  	s0 =	sadd.s32 s0, s8  }
0x233: {  	s11 =	sadd.s32 s1, s13;
	s0 =	sshrl.u32 s0, $0x3  }
0x234: {  	[hbm:s11@s28], [sflag:s5] =	dma.strided [spmem:s0@s28], $0xF0, s30, $0x10   }
0x235: {  	(v2sf) =	vpush v0, $0x2;
	_ =	sdelay $0xe  }
0x236: {  	s0 =	spop (v2sf)  }
0x237: {  	s24 =	sshrl.u32 s0, $0x3  }
0x238: {  	s8 =	smul.u32 $0x18000, s24;
	_ =	sdelay $0x1  }
0x239: {  	s0 =	sshll.u32 s0, $0x7;
	s8 =	sshra.s32 s8, $0x2  }
0x23a: {  	s0 =	sand.u32 $0x380, s0;
	s8 =	sadd.s32 s8, s3  }
0x23b: {  	s0 =	sadd.s32 s0, s8  }
0x23c: {  	s26 =	sadd.s32 s1, s14;
	s0 =	sshrl.u32 s0, $0x3  }
0x23d: {  	[hbm:s26@s28], [sflag:s5] =	dma.strided [spmem:s0@s28], $0xF0, s30, $0x10   }
0x23e: {  	(v2sf) =	vpush v0, $0x3;
	_ =	sdelay $0xe  }
0x23f: {  	s0 =	spop (v2sf)  }
0x240: {  	s29 =	sshrl.u32 s0, $0x3  }
0x241: {  	s8 =	smul.u32 $0x18000, s29;
	_ =	sdelay $0x1  }
0x242: {  	s0 =	sshll.u32 s0, $0x7;
	s8 =	sshra.s32 s8, $0x2  }
0x243: {  	s0 =	sand.u32 $0x380, s0;
	s8 =	sadd.s32 s8, s3  }
0x244: {  	s0 =	sadd.s32 s0, s8  }
0x245: {  	s31 =	sadd.s32 s1, s15;
	s0 =	sshrl.u32 s0, $0x3  }
0x246: {  	[hbm:s31@s28], [sflag:s5] =	dma.strided [spmem:s0@s28], $0xF0, s30, $0x10   }
0x247: {  	(v2sf) =	vpush v0, $0x4;
	_ =	sdelay $0xe  }
0x248: {  	s0 =	spop (v2sf)  }
0x249: {  	s10 =	sshrl.u32 s0, $0x3  }
0x24a: {  	s8 =	smul.u32 $0x18000, s10;
	_ =	sdelay $0x1  }
0x24b: {  	s0 =	sshll.u32 s0, $0x7;
	s8 =	sshra.s32 s8, $0x2  }
0x24c: {  	s0 =	sand.u32 $0x380, s0;
	s8 =	sadd.s32 s8, s3  }
0x24d: {  	s0 =	sadd.s32 s0, s8  }
0x24e: {  	s11 =	sadd.s32 s1, s16;
	s0 =	sshrl.u32 s0, $0x3  }
0x24f: {  	[hbm:s11@s28], [sflag:s5] =	dma.strided [spmem:s0@s28], $0xF0, s30, $0x10   }
0x250: {  	(v2sf) =	vpush v0, $0x5;
	_ =	sdelay $0xe  }
0x251: {  	s0 =	spop (v2sf)  }
0x252: {  	s24 =	sshrl.u32 s0, $0x3  }
0x253: {  	s8 =	smul.u32 $0x18000, s24;
	_ =	sdelay $0x1  }
0x254: {  	s0 =	sshll.u32 s0, $0x7;
	s8 =	sshra.s32 s8, $0x2  }
0x255: {  	s0 =	sand.u32 $0x380, s0;
	s8 =	sadd.s32 s8, s3  }
0x256: {  	s0 =	sadd.s32 s0, s8  }
0x257: {  	s26 =	sadd.s32 s1, s17;
	s0 =	sshrl.u32 s0, $0x3  }
0x258: {  	[hbm:s26@s28], [sflag:s5] =	dma.strided [spmem:s0@s28], $0xF0, s30, $0x10   }
0x259: {  	(v2sf) =	vpush v0, $0x6;
	_ =	sdelay $0xe  }
0x25a: {  	s0 =	spop (v2sf)  }
0x25b: {  	s29 =	sshrl.u32 s0, $0x3  }
0x25c: {  	s8 =	smul.u32 $0x18000, s29;
	_ =	sdelay $0x1  }
0x25d: {  	s0 =	sshll.u32 s0, $0x7;
	s8 =	sshra.s32 s8, $0x2  }
0x25e: {  	s0 =	sand.u32 $0x380, s0;
	s8 =	sadd.s32 s8, s3  }
0x25f: {  	s0 =	sadd.s32 s0, s8  }
0x260: {  	s31 =	sadd.s32 s1, s18;
	s0 =	sshrl.u32 s0, $0x3  }
0x261: {  	[hbm:s31@s28], [sflag:s5] =	dma.strided [spmem:s0@s28], $0xF0, s30, $0x10   }
0x262: {  	(v2sf) =	vpush v0, $0x7;
	_ =	sdelay $0xe  }
0x263: {  	s0 =	spop (v2sf)  }
0x264: {  	s10 =	sshrl.u32 s0, $0x3  }
0x265: {  	s8 =	smul.u32 $0x18000, s10;
	_ =	sdelay $0x1  }
0x266: {  	s0 =	sshll.u32 s0, $0x7;
	s8 =	sshra.s32 s8, $0x2  }
0x267: {  	s0 =	sand.u32 $0x380, s0;
	s8 =	sadd.s32 s8, s3  }
0x268: {  	s0 =	sadd.s32 s0, s8  }
0x269: {  	s1 =	sadd.s32 s1, s19;
	s0 =	sshrl.u32 s0, $0x3  }
0x26a: {  	[hbm:s1@s28], [sflag:s5] =	dma.strided [spmem:s0@s28], $0xF0, s30, $0x10   }
0x26b: {  	(v2sf) =	vpush v0, $0x8;
	_ =	sdelay $0xe  }
0x26c: {  	s0 =	spop (v2sf)  }
0x26d: {  	s11 =	sshrl.u32 s0, $0x3  }
0x26e: {  	s1 =	smul.u32 $0x18000, s11;
	_ =	sdelay $0x1  }
0x26f: {  	s0 =	sshll.u32 s0, $0x7;
	s1 =	sshra.s32 s1, $0x2  }
0x270: {  	s4 =	sadd.s32 s4, s7;
	s0 =	sand.u32 $0x380, s0;
	s1 =	sadd.s32 s1, s3  }
0x271: {  	s0 =	sadd.s32 s0, s1;
	s1 =	sshrl.u32 s4, $0x3  }
0x272: {  	s4 =	sadd.s32 s2, s1;
	s0 =	sshrl.u32 s0, $0x3  }
0x273: {  	[hbm:s4@s28], [sflag:s5] =	dma.strided [spmem:s0@s28], $0xF0, s30, $0x10   }
0x274: {  	(v2sf) =	vpush v0, $0x9;
	_ =	sdelay $0xe  }
0x275: {  	s0 =	spop (v2sf)  }
0x276: {  	s24 =	sshrl.u32 s0, $0x3  }
0x277: {  	s4 =	smul.u32 $0x18000, s24;
	_ =	sdelay $0x1  }
0x278: {  	s0 =	sshll.u32 s0, $0x7;
	s4 =	sshra.s32 s4, $0x2  }
0x279: {  	s0 =	sand.u32 $0x380, s0;
	s4 =	sadd.s32 s4, s3  }
0x27a: {  	s0 =	sadd.s32 s0, s4  }
0x27b: {  	s26 =	sadd.s32 s1, s13;
	s0 =	sshrl.u32 s0, $0x3  }
0x27c: {  	[hbm:s26@s28], [sflag:s5] =	dma.strided [spmem:s0@s28], $0xF0, s30, $0x10   }
0x27d: {  	(v2sf) =	vpush v0, $0xA;
	_ =	sdelay $0xe  }
0x27e: {  	s0 =	spop (v2sf)  }
0x27f: {  	s29 =	sshrl.u32 s0, $0x3  }
0x280: {  	s4 =	smul.u32 $0x18000, s29;
	_ =	sdelay $0x1  }
0x281: {  	s0 =	sshll.u32 s0, $0x7;
	s4 =	sshra.s32 s4, $0x2  }
0x282: {  	s0 =	sand.u32 $0x380, s0;
	s4 =	sadd.s32 s4, s3  }
0x283: {  	s0 =	sadd.s32 s0, s4  }
0x284: {  	s31 =	sadd.s32 s1, s14;
	s0 =	sshrl.u32 s0, $0x3  }
0x285: {  	[hbm:s31@s28], [sflag:s5] =	dma.strided [spmem:s0@s28], $0xF0, s30, $0x10   }
0x286: {  	(v2sf) =	vpush v0, $0xB;
	_ =	sdelay $0xe  }
0x287: {  	s0 =	spop (v2sf)  }
0x288: {  	s8 =	sshrl.u32 s0, $0x3  }
0x289: {  	s4 =	smul.u32 $0x18000, s8;
	_ =	sdelay $0x1  }
0x28a: {  	s0 =	sshll.u32 s0, $0x7;
	s4 =	sshra.s32 s4, $0x2  }
0x28b: {  	s0 =	sand.u32 $0x380, s0;
	s4 =	sadd.s32 s4, s3  }
0x28c: {  	s0 =	sadd.s32 s0, s4  }
0x28d: {  	s10 =	sadd.s32 s1, s15;
	s0 =	sshrl.u32 s0, $0x3  }
0x28e: {  	[hbm:s10@s28], [sflag:s5] =	dma.strided [spmem:s0@s28], $0xF0, s30, $0x10   }
0x28f: {  	(v2sf) =	vpush v0, $0xC;
	_ =	sdelay $0xe  }
0x290: {  	s0 =	spop (v2sf)  }
0x291: {  	s11 =	sshrl.u32 s0, $0x3  }
0x292: {  	s4 =	smul.u32 $0x18000, s11;
	_ =	sdelay $0x1  }
0x293: {  	s0 =	sshll.u32 s0, $0x7;
	s4 =	sshra.s32 s4, $0x2  }
0x294: {  	s0 =	sand.u32 $0x380, s0;
	s4 =	sadd.s32 s4, s3  }
0x295: {  	s0 =	sadd.s32 s0, s4  }
0x296: {  	s24 =	sadd.s32 s1, s16;
	s0 =	sshrl.u32 s0, $0x3  }
0x297: {  	[hbm:s24@s28], [sflag:s5] =	dma.strided [spmem:s0@s28], $0xF0, s30, $0x10   }
0x298: {  	(v2sf) =	vpush v0, $0xD;
	_ =	sdelay $0xe  }
0x299: {  	s0 =	spop (v2sf)  }
0x29a: {  	s26 =	sshrl.u32 s0, $0x3  }
0x29b: {  	s4 =	smul.u32 $0x18000, s26;
	_ =	sdelay $0x1  }
0x29c: {  	s0 =	sshll.u32 s0, $0x7;
	s4 =	sshra.s32 s4, $0x2  }
0x29d: {  	s0 =	sand.u32 $0x380, s0;
	s4 =	sadd.s32 s4, s3  }
0x29e: {  	s0 =	sadd.s32 s0, s4  }
0x29f: {  	s29 =	sadd.s32 s1, s17;
	s0 =	sshrl.u32 s0, $0x3  }
0x2a0: {  	[hbm:s29@s28], [sflag:s5] =	dma.strided [spmem:s0@s28], $0xF0, s30, $0x10   }
0x2a1: {  	(v2sf) =	vpush v0, $0xE;
	_ =	sdelay $0xe  }
0x2a2: {  	s0 =	spop (v2sf)  }
0x2a3: {  	s31 =	sshrl.u32 s0, $0x3  }
0x2a4: {  	s4 =	smul.u32 $0x18000, s31;
	_ =	sdelay $0x1  }
0x2a5: {  	s0 =	sshll.u32 s0, $0x7;
	s4 =	sshra.s32 s4, $0x2  }
0x2a6: {  	s0 =	sand.u32 $0x380, s0;
	s4 =	sadd.s32 s4, s3  }
0x2a7: {  	s0 =	sadd.s32 s0, s4  }
0x2a8: {  	s8 =	sadd.s32 s1, s18;
	s0 =	sshrl.u32 s0, $0x3  }
0x2a9: {  	[hbm:s8@s28], [sflag:s5] =	dma.strided [spmem:s0@s28], $0xF0, s30, $0x10   }
0x2aa: {  	(v2sf) =	vpush v0, $0xF;
	_ =	sdelay $0xe  }
0x2ab: {  	s0 =	spop (v2sf)  }
0x2ac: {  	s10 =	sshrl.u32 s0, $0x3  }
0x2ad: {  	s4 =	smul.u32 $0x18000, s10;
	_ =	sdelay $0x1  }
0x2ae: {  	s0 =	sshll.u32 s0, $0x7;
	s4 =	sshra.s32 s4, $0x2  }
0x2af: {  	s0 =	sand.u32 $0x380, s0;
	s4 =	sadd.s32 s4, s3  }
0x2b0: {  	s0 =	sadd.s32 s0, s4  }
0x2b1: {  	s1 =	sadd.s32 s1, s19;
	s11 =	sor.u32 $0x2, s25;
	s0 =	sshrl.u32 s0, $0x3  }
0x2b2: {  	[hbm:s1@s28], [sflag:s5] =	dma.strided [spmem:s0@s28], $0xF0, s30, $0x10   }
0x2b3: {  	_ =	swait.ge [sflag:s11], $0x480  }
0x2b4: {  	[sflag:s11] =	ssyncset.done $0x0  }
0x2b5: {  	[sflag:s11] =	ssyncadd.s32 $0xFFFFFB80  }
0x2b6: {  	_ =	swait.ge [sflag:s11], $0x480  }
0x2b7: {  	[sflag:s11] =	ssyncset.done $0x0  }
0x2b8: {  	[sflag:s11] =	ssyncadd.s32 $0xFFFFFB80  }
0x2b9: {  	_ =	swait.ge [sflag:s11], $0x480  }
0x2ba: {  	[sflag:s11] =	ssyncset.done $0x0  }
0x2bb: {  	[sflag:s11] =	ssyncadd.s32 $0xFFFFFB80  }
0x2bc: {  	_ =	swait.ge [sflag:s11], $0x480  }
0x2bd: {  	[sflag:s11] =	ssyncset.done $0x0  }
0x2be: {  	[sflag:s11] =	ssyncadd.s32 $0xFFFFFB80  }
0x2bf: {  	_ =	swait.ge [sflag:s11], $0x480  }
0x2c0: {  	[sflag:s11] =	ssyncset.done $0x0  }
0x2c1: {  	[sflag:s11] =	ssyncadd.s32 $0xFFFFFB80  }
0x2c2: {  	_ =	swait.ge [sflag:s11], $0x480  }
0x2c3: {  	[sflag:s11] =	ssyncset.done $0x0  }
0x2c4: {  	[sflag:s11] =	ssyncadd.s32 $0xFFFFFB80  }
0x2c5: {  	_ =	swait.ge [sflag:s11], $0x480  }
0x2c6: {  	[sflag:s11] =	ssyncset.done $0x0  }
0x2c7: {  	[sflag:s11] =	ssyncadd.s32 $0xFFFFFB80  }
0x2c8: {  	_ =	swait.ge [sflag:s11], $0x480  }
0x2c9: {  	[sflag:s11] =	ssyncset.done $0x0  }
0x2ca: {  	[sflag:s11] =	ssyncadd.s32 $0xFFFFFB80  }
0x2cb: {  	_ =	swait.ge [sflag:s11], $0x480  }
0x2cc: {  	[sflag:s11] =	ssyncset.done $0x0  }
0x2cd: {  	[sflag:s11] =	ssyncadd.s32 $0xFFFFFB80  }
0x2ce: {  	_ =	swait.ge [sflag:s11], $0x480  }
0x2cf: {  	[sflag:s11] =	ssyncset.done $0x0  }
0x2d0: {  	[sflag:s11] =	ssyncadd.s32 $0xFFFFFB80  }
0x2d1: {  	_ =	swait.ge [sflag:s11], $0x480  }
0x2d2: {  	[sflag:s11] =	ssyncset.done $0x0  }
0x2d3: {  	[sflag:s11] =	ssyncadd.s32 $0xFFFFFB80  }
0x2d4: {  	_ =	swait.ge [sflag:s11], $0x480  }
0x2d5: {  	[sflag:s11] =	ssyncset.done $0x0  }
0x2d6: {  	[sflag:s11] =	ssyncadd.s32 $0xFFFFFB80  }
0x2d7: {  	_ =	swait.ge [sflag:s11], $0x480  }
0x2d8: {  	[sflag:s11] =	ssyncset.done $0x0  }
0x2d9: {  	[sflag:s11] =	ssyncadd.s32 $0xFFFFFB80  }
0x2da: {  	_ =	swait.ge [sflag:s11], $0x480  }
0x2db: {  	s24 =	sshll.u32 s21, $0x4;
	[sflag:s11] =	ssyncset.done $0x0  }
0x2dc: {  	s1 =	sor.u32 s6, s24;
	[sflag:s11] =	ssyncadd.s32 $0xFFFFFB80  }
0x2dd: {  	s26 =	smul.u32 $0x12000, s25;
	s1 =	sshrl.u32 s1, $0x3;
	_ =	swait.ge [sflag:s11], $0x480  }
0x2de: {  	s1 =	smul.u32 $0x60000, s1;
	[sflag:s11] =	ssyncset.done $0x0  }
0x2df: {  	[sflag:s11] =	ssyncadd.s32 $0xFFFFFB80  }
0x2e0: {  	s29 =	sshrl.u32 s26, $0x2;
	s1 =	sadd.s32 s1, s9;
	_ =	swait.ge [sflag:s11], $0x480  }
0x2e1: {  	s31 =	sor.u32 $0x4, s25;
	s1 =	sshrl.u32 s1, $0x3;
	[sflag:s11] =	ssyncset.done $0x0  }
0x2e2: {  	s0 =	sor.u32 $0x80, s29;
	s1 =	sadd.s32 s2, s1;
	[sflag:s11] =	ssyncadd.s32 $0xFFFFFB80  }
0x2e3: {  	[hbm4b:s1+s20] =	stream.strided.scatter [tilespmem:s0], [sflag:s31], $0x4800, s12, s20, $0x38;
	[tilespmem:$0xF080] =	vst v63  }
0x2e4: {  	_ =	swait.ge [sflag:s30], $0xF0  }
0x2e5: {  	[sflag:s30] =	ssyncset.done $0x0  }
0x2e6: {  	[sflag:s30] =	ssyncadd.s32 $0xFFFFFF10  }
0x2e7: {  	_ =	swait.ge [sflag:s30], $0xF0  }
0x2e8: {  	[sflag:s30] =	ssyncset.done $0x0  }
0x2e9: {  	[sflag:s30] =	ssyncadd.s32 $0xFFFFFF10  }
0x2ea: {  	_ =	swait.ge [sflag:s30], $0xF0  }
0x2eb: {  	[sflag:s30] =	ssyncset.done $0x0  }
0x2ec: {  	[sflag:s30] =	ssyncadd.s32 $0xFFFFFF10  }
0x2ed: {  	_ =	swait.ge [sflag:s30], $0xF0  }
0x2ee: {  	[sflag:s30] =	ssyncset.done $0x0  }
0x2ef: {  	[sflag:s30] =	ssyncadd.s32 $0xFFFFFF10  }
0x2f0: {  	_ =	swait.ge [sflag:s30], $0xF0  }
0x2f1: {  	[sflag:s30] =	ssyncset.done $0x0  }
0x2f2: {  	[sflag:s30] =	ssyncadd.s32 $0xFFFFFF10  }
0x2f3: {  	_ =	swait.ge [sflag:s30], $0xF0  }
0x2f4: {  	[sflag:s30] =	ssyncset.done $0x0  }
0x2f5: {  	[sflag:s30] =	ssyncadd.s32 $0xFFFFFF10  }
0x2f6: {  	_ =	swait.ge [sflag:s30], $0xF0  }
0x2f7: {  	[sflag:s30] =	ssyncset.done $0x0  }
0x2f8: {  	[sflag:s30] =	ssyncadd.s32 $0xFFFFFF10  }
0x2f9: {  	_ =	swait.ge [sflag:s30], $0xF0  }
0x2fa: {  	[sflag:s30] =	ssyncset.done $0x0  }
0x2fb: {  	[sflag:s30] =	ssyncadd.s32 $0xFFFFFF10  }
0x2fc: {  	_ =	swait.ge [sflag:s30], $0xF0  }
0x2fd: {  	[sflag:s30] =	ssyncset.done $0x0  }
0x2fe: {  	[sflag:s30] =	ssyncadd.s32 $0xFFFFFF10  }
0x2ff: {  	_ =	swait.ge [sflag:s30], $0xF0  }
0x300: {  	[sflag:s30] =	ssyncset.done $0x0  }
0x301: {  	[sflag:s30] =	ssyncadd.s32 $0xFFFFFF10  }
0x302: {  	_ =	swait.ge [sflag:s30], $0xF0  }
0x303: {  	[sflag:s30] =	ssyncset.done $0x0  }
0x304: {  	[sflag:s30] =	ssyncadd.s32 $0xFFFFFF10  }
0x305: {  	_ =	swait.ge [sflag:s30], $0xF0  }
0x306: {  	[sflag:s30] =	ssyncset.done $0x0  }
0x307: {  	[sflag:s30] =	ssyncadd.s32 $0xFFFFFF10  }
0x308: {  	_ =	swait.ge [sflag:s30], $0xF0  }
0x309: {  	[sflag:s30] =	ssyncset.done $0x0  }
0x30a: {  	[sflag:s30] =	ssyncadd.s32 $0xFFFFFF10  }
0x30b: {  	_ =	swait.ge [sflag:s30], $0xF0  }
0x30c: {  	[sflag:s30] =	ssyncset.done $0x0  }
0x30d: {  	[sflag:s30] =	ssyncadd.s32 $0xFFFFFF10  }
0x30e: {  	p0 =	slt.u32 s23, $0x8;
	_ =	swait.ge [sflag:s30], $0xF0  }
.Ltmp5:
0x30f: {  	[sflag:s30] =	ssyncset.done $0x0;
	(pc) =	sbr.rel @!p0 .LBB2_6-.Ltmp5, $4  }
0x310: {  	[sflag:s30] =	ssyncadd.s32 $0xFFFFFF10  }
0x311: {  	_ =	swait.ge [sflag:s30], $0xF0  }
0x312: {  	[sflag:s30] =	ssyncset.done $0x0  }
0x313: {  	s21 =	smov.u32 s23;
	[sflag:s30] =	ssyncadd.s32 $0xFFFFFF10  }
.LBB2_3:
0x314: {  	p0 =	seq.s32 s21, $0x0  }
0x315: {  	p1 =	seq.s32 @!p0 s21, $0x7  }
0x316: {  	s25 =	sand.u32 $0x1, s21;
	p1 =	por p0, !p1  }
.Ltmp6:
0x317: {  	s1 =	sxor.u32 @!p0 $0x1, s25;
	(pc) =	sbr.rel @!p1 .LBB2_5-.Ltmp6, $4  }
0x318: {  	s0 =	sor.u32 @!p0 $0x4, s1  }
0x319: {  	_ =	swait.ge @!p0 [sflag:s0], $0x4800  }
0x31a: {  	[sflag:s0] =	ssyncset.done @!p0 $0x0  }
0x31b: {  	s23 =	simm.s32 @!p0 $0x8;
	[sflag:s0] =	ssyncadd.s32 @!p0 $0xFFFFB800  }
0x31c: {  	s23 =	sadd.s32 @!p0 $0x1, s21  }
0x31d: {  	s23 =	simm.s32 @p0 $0x1  }
0x31e: {  	s0 =	sshll.u32 s23, $0x4  }
0x31f: {  	s0 =	sand.u32 $0x3FFFFFF0, s0  }
0x320: {  	v0 =	vld [tilespmem:s0+$0x0];
	_ =	sdelay $0x4  }
0x321: {  	(v2sf) =	vpush v0, $0x0;
	_ =	sdelay $0xe  }
0x322: {  	s29 =	spop (v2sf)  }
0x323: {  	s4 =	sshrl.u32 s29, $0x3  }
0x324: {  	s4 =	smul.u32 $0x18000, s4  }
0x325: {  	s1 =	simm.s32 @p0 $0x1  }
0x326: {  	s8 =	smul.u32 $0x12000, s1;
	(v2sf) =	vpush v0, $0x1;
	s0 =	sshll.u32 s29, $0x7;
	s4 =	sshra.s32 s4, $0x2  }
0x327: {  	s0 =	sand.u32 $0x380, s0;
	s4 =	sadd.s32 s4, s3  }
0x328: {  	s8 =	sshrl.u32 s8, $0x2;
	s0 =	sadd.s32 s0, s4  }
0x329: {  	s11 =	sor.u32 $0x2, s1;
	s31 =	sor.u32 $0x80, s8;
	s4 =	sadd.s32 $0x3C00, s0  }
0x32a: {  	[tilespmem:s31], [sflag:s11] =	stream.linear.gather [spmem:s4], $0x80, $0x38;
	[tilespmem:$0xF080] =	vst v63  }
0x32b: {  	s10 =	sor.u32 $0x480, s8;
	s4 =	sadd.s32 $0x4000, s0  }
0x32c: {  	[tilespmem:s10], [sflag:s11] =	stream.linear.gather [spmem:s4], $0x80, $0x38;
	[tilespmem:$0xF080] =	vst v63  }
0x32d: {  	s26 =	sadd.s32 $0x880, s8;
	s24 =	sadd.s32 $0x4400, s0  }
0x32e: {  	[tilespmem:s26], [sflag:s11] =	stream.linear.gather [spmem:s24], $0x80, $0x38;
	[tilespmem:$0xF080] =	vst v63  }
0x32f: {  	s29 =	sadd.s32 $0x4800, s0;
	s31 =	sadd.s32 $0xC80, s8  }
0x330: {  	[tilespmem:s31], [sflag:s11] =	stream.linear.gather [spmem:s29], $0x80, $0x38;
	[tilespmem:$0xF080] =	vst v63  }
0x331: {  	s4 =	sadd.s32 $0x4C00, s0;
	s10 =	sadd.s32 $0x1080, s8  }
0x332: {  	[tilespmem:s10], [sflag:s11] =	stream.linear.gather [spmem:s4], $0x80, $0x38;
	[tilespmem:$0xF080] =	vst v63  }
0x333: {  	s24 =	sadd.s32 $0x5000, s0;
	s26 =	sadd.s32 $0x1480, s8  }
0x334: {  	[tilespmem:s26], [sflag:s11] =	stream.linear.gather [spmem:s24], $0x80, $0x38;
	[tilespmem:$0xF080] =	vst v63  }
0x335: {  	s29 =	sadd.s32 $0x5400, s0;
	s31 =	sadd.s32 $0x1880, s8;
	s24 =	spop (v2sf)  }
0x336: {  	[tilespmem:s31], [sflag:s11] =	stream.linear.gather [spmem:s29], $0x80, $0x38;
	[tilespmem:$0xF080] =	vst v63  }
0x337: {  	s4 =	sadd.s32 $0x5800, s0;
	s10 =	sadd.s32 $0x1C80, s8;
	s26 =	sshrl.u32 s24, $0x3  }
0x338: {  	[tilespmem:s10], [sflag:s11] =	stream.linear.gather [spmem:s4], $0x80, $0x38;
	[tilespmem:$0xF080] =	vst v63  }
0x339: {  	s0 =	sadd.s32 $0x5C00, s0;
	s10 =	sadd.s32 $0x2080, s8;
	s4 =	smul.u32 $0x18000, s26  }
0x33a: {  	[tilespmem:s10], [sflag:s11] =	stream.linear.gather [spmem:s0], $0x80, $0x38;
	[tilespmem:$0xF080] =	vst v63  }
0x33b: {  	(v2sf) =	vpush v0, $0x2;
	s29 =	sshll.u32 s24, $0x7;
	s31 =	sshra.s32 s4, $0x2  }
0x33c: {  	s0 =	sand.u32 $0x380, s29;
	s1 =	sadd.s32 s31, s3  }
0x33d: {  	s0 =	sadd.s32 s0, s1  }
0x33e: {  	s4 =	sor.u32 $0x100, s8;
	s10 =	sadd.s32 $0x3C00, s0  }
0x33f: {  	[tilespmem:s4], [sflag:s11] =	stream.linear.gather [spmem:s10], $0x80, $0x38;
	[tilespmem:$0xF080] =	vst v63  }
0x340: {  	s26 =	sor.u32 $0x500, s8;
	s24 =	sadd.s32 $0x4000, s0  }
0x341: {  	[tilespmem:s26], [sflag:s11] =	stream.linear.gather [spmem:s24], $0x80, $0x38;
	[tilespmem:$0xF080] =	vst v63  }
0x342: {  	s31 =	sadd.s32 $0x900, s8;
	s29 =	sadd.s32 $0x4400, s0  }
0x343: {  	[tilespmem:s31], [sflag:s11] =	stream.linear.gather [spmem:s29], $0x80, $0x38;
	[tilespmem:$0xF080] =	vst v63  }
0x344: {  	s4 =	sadd.s32 $0x4800, s0;
	s10 =	sadd.s32 $0xD00, s8  }
0x345: {  	[tilespmem:s10], [sflag:s11] =	stream.linear.gather [spmem:s4], $0x80, $0x38;
	[tilespmem:$0xF080] =	vst v63  }
0x346: {  	s24 =	sadd.s32 $0x4C00, s0;
	s26 =	sadd.s32 $0x1100, s8  }
0x347: {  	[tilespmem:s26], [sflag:s11] =	stream.linear.gather [spmem:s24], $0x80, $0x38;
	[tilespmem:$0xF080] =	vst v63  }
0x348: {  	s29 =	sadd.s32 $0x5000, s0;
	s31 =	sadd.s32 $0x1500, s8  }
0x349: {  	[tilespmem:s31], [sflag:s11] =	stream.linear.gather [spmem:s29], $0x80, $0x38;
	[tilespmem:$0xF080] =	vst v63  }
0x34a: {  	s10 =	sadd.s32 $0x5400, s0;
	s24 =	sadd.s32 $0x1900, s8;
	s31 =	spop (v2sf)  }
0x34b: {  	[tilespmem:s24], [sflag:s11] =	stream.linear.gather [spmem:s10], $0x80, $0x38;
	[tilespmem:$0xF080] =	vst v63  }
0x34c: {  	s26 =	sadd.s32 $0x5800, s0;
	s24 =	sshrl.u32 s31, $0x3  }
0x34d: {  	s0 =	sadd.s32 $0x5C00, s0;
	s29 =	sadd.s32 $0x1D00, s8;
	s4 =	smul.u32 $0x18000, s24  }
0x34e: {  	[tilespmem:s29], [sflag:s11] =	stream.linear.gather [spmem:s26], $0x80, $0x38;
	[tilespmem:$0xF080] =	vst v63  }
0x34f: {  	s26 =	sadd.s32 $0x2100, s8;
	s29 =	sshll.u32 s31, $0x7;
	s31 =	sshra.s32 s4, $0x2  }
0x350: {  	(v2sf) =	vpush v0, $0x3;
	[tilespmem:s26], [sflag:s11] =	stream.linear.gather [spmem:s0], $0x80, $0x38;
	[tilespmem:$0xF080] =	vst v63  }
0x351: {  	s0 =	sand.u32 $0x380, s29;
	s1 =	sadd.s32 s31, s3  }
0x352: {  	s0 =	sadd.s32 s0, s1  }
0x353: {  	s4 =	sor.u32 $0x180, s8;
	s10 =	sadd.s32 $0x3C00, s0  }
0x354: {  	[tilespmem:s4], [sflag:s11] =	stream.linear.gather [spmem:s10], $0x80, $0x38;
	[tilespmem:$0xF080] =	vst v63  }
0x355: {  	s26 =	sor.u32 $0x580, s8;
	s24 =	sadd.s32 $0x4000, s0  }
0x356: {  	[tilespmem:s26], [sflag:s11] =	stream.linear.gather [spmem:s24], $0x80, $0x38;
	[tilespmem:$0xF080] =	vst v63  }
0x357: {  	s31 =	sadd.s32 $0x980, s8;
	s29 =	sadd.s32 $0x4400, s0  }
0x358: {  	[tilespmem:s31], [sflag:s11] =	stream.linear.gather [spmem:s29], $0x80, $0x38;
	[tilespmem:$0xF080] =	vst v63  }
0x359: {  	s4 =	sadd.s32 $0x4800, s0;
	s10 =	sadd.s32 $0xD80, s8  }
0x35a: {  	[tilespmem:s10], [sflag:s11] =	stream.linear.gather [spmem:s4], $0x80, $0x38;
	[tilespmem:$0xF080] =	vst v63  }
0x35b: {  	s24 =	sadd.s32 $0x4C00, s0;
	s26 =	sadd.s32 $0x1180, s8  }
0x35c: {  	[tilespmem:s26], [sflag:s11] =	stream.linear.gather [spmem:s24], $0x80, $0x38;
	[tilespmem:$0xF080] =	vst v63  }
0x35d: {  	s29 =	sadd.s32 $0x5000, s0;
	s31 =	sadd.s32 $0x1580, s8  }
0x35e: {  	[tilespmem:s31], [sflag:s11] =	stream.linear.gather [spmem:s29], $0x80, $0x38;
	[tilespmem:$0xF080] =	vst v63  }
0x35f: {  	s10 =	sadd.s32 $0x5400, s0;
	s24 =	sadd.s32 $0x1980, s8;
	s31 =	spop (v2sf)  }
0x360: {  	[tilespmem:s24], [sflag:s11] =	stream.linear.gather [spmem:s10], $0x80, $0x38;
	[tilespmem:$0xF080] =	vst v63  }
0x361: {  	s26 =	sadd.s32 $0x5800, s0;
	s24 =	sshrl.u32 s31, $0x3  }
0x362: {  	s0 =	sadd.s32 $0x5C00, s0;
	s29 =	sadd.s32 $0x1D80, s8;
	s4 =	smul.u32 $0x18000, s24  }
0x363: {  	[tilespmem:s29], [sflag:s11] =	stream.linear.gather [spmem:s26], $0x80, $0x38;
	[tilespmem:$0xF080] =	vst v63  }
0x364: {  	s26 =	sadd.s32 $0x2180, s8;
	s29 =	sshll.u32 s31, $0x7;
	s31 =	sshra.s32 s4, $0x2  }
0x365: {  	(v2sf) =	vpush v0, $0x4;
	[tilespmem:s26], [sflag:s11] =	stream.linear.gather [spmem:s0], $0x80, $0x38;
	[tilespmem:$0xF080] =	vst v63  }
0x366: {  	s0 =	sand.u32 $0x380, s29;
	s1 =	sadd.s32 s31, s3  }
0x367: {  	s0 =	sadd.s32 s0, s1  }
0x368: {  	s4 =	sor.u32 $0x200, s8;
	s10 =	sadd.s32 $0x3C00, s0  }
0x369: {  	[tilespmem:s4], [sflag:s11] =	stream.linear.gather [spmem:s10], $0x80, $0x38;
	[tilespmem:$0xF080] =	vst v63  }
0x36a: {  	s26 =	sor.u32 $0x600, s8;
	s24 =	sadd.s32 $0x4000, s0  }
0x36b: {  	[tilespmem:s26], [sflag:s11] =	stream.linear.gather [spmem:s24], $0x80, $0x38;
	[tilespmem:$0xF080] =	vst v63  }
0x36c: {  	s31 =	sadd.s32 $0xA00, s8;
	s29 =	sadd.s32 $0x4400, s0  }
0x36d: {  	[tilespmem:s31], [sflag:s11] =	stream.linear.gather [spmem:s29], $0x80, $0x38;
	[tilespmem:$0xF080] =	vst v63  }
0x36e: {  	s4 =	sadd.s32 $0x4800, s0;
	s10 =	sadd.s32 $0xE00, s8  }
0x36f: {  	[tilespmem:s10], [sflag:s11] =	stream.linear.gather [spmem:s4], $0x80, $0x38;
	[tilespmem:$0xF080] =	vst v63  }
0x370: {  	s24 =	sadd.s32 $0x4C00, s0;
	s26 =	sadd.s32 $0x1200, s8  }
0x371: {  	[tilespmem:s26], [sflag:s11] =	stream.linear.gather [spmem:s24], $0x80, $0x38;
	[tilespmem:$0xF080] =	vst v63  }
0x372: {  	s29 =	sadd.s32 $0x5000, s0;
	s31 =	sadd.s32 $0x1600, s8  }
0x373: {  	[tilespmem:s31], [sflag:s11] =	stream.linear.gather [spmem:s29], $0x80, $0x38;
	[tilespmem:$0xF080] =	vst v63  }
0x374: {  	s10 =	sadd.s32 $0x5400, s0;
	s24 =	sadd.s32 $0x1A00, s8;
	s31 =	spop (v2sf)  }
0x375: {  	[tilespmem:s24], [sflag:s11] =	stream.linear.gather [spmem:s10], $0x80, $0x38;
	[tilespmem:$0xF080] =	vst v63  }
0x376: {  	s26 =	sadd.s32 $0x5800, s0;
	s24 =	sshrl.u32 s31, $0x3  }
0x377: {  	s0 =	sadd.s32 $0x5C00, s0;
	s29 =	sadd.s32 $0x1E00, s8;
	s4 =	smul.u32 $0x18000, s24  }
0x378: {  	[tilespmem:s29], [sflag:s11] =	stream.linear.gather [spmem:s26], $0x80, $0x38;
	[tilespmem:$0xF080] =	vst v63  }
0x379: {  	s26 =	sadd.s32 $0x2200, s8;
	s29 =	sshll.u32 s31, $0x7;
	s31 =	sshra.s32 s4, $0x2  }
0x37a: {  	(v2sf) =	vpush v0, $0x5;
	[tilespmem:s26], [sflag:s11] =	stream.linear.gather [spmem:s0], $0x80, $0x38;
	[tilespmem:$0xF080] =	vst v63  }
0x37b: {  	s0 =	sand.u32 $0x380, s29;
	s1 =	sadd.s32 s31, s3  }
0x37c: {  	s0 =	sadd.s32 s0, s1  }
0x37d: {  	s4 =	sor.u32 $0x280, s8;
	s10 =	sadd.s32 $0x3C00, s0  }
0x37e: {  	[tilespmem:s4], [sflag:s11] =	stream.linear.gather [spmem:s10], $0x80, $0x38;
	[tilespmem:$0xF080] =	vst v63  }
0x37f: {  	s26 =	sor.u32 $0x680, s8;
	s24 =	sadd.s32 $0x4000, s0  }
0x380: {  	[tilespmem:s26], [sflag:s11] =	stream.linear.gather [spmem:s24], $0x80, $0x38;
	[tilespmem:$0xF080] =	vst v63  }
0x381: {  	s31 =	sadd.s32 $0xA80, s8;
	s29 =	sadd.s32 $0x4400, s0  }
0x382: {  	[tilespmem:s31], [sflag:s11] =	stream.linear.gather [spmem:s29], $0x80, $0x38;
	[tilespmem:$0xF080] =	vst v63  }
0x383: {  	s4 =	sadd.s32 $0x4800, s0;
	s10 =	sadd.s32 $0xE80, s8  }
0x384: {  	[tilespmem:s10], [sflag:s11] =	stream.linear.gather [spmem:s4], $0x80, $0x38;
	[tilespmem:$0xF080] =	vst v63  }
0x385: {  	s24 =	sadd.s32 $0x4C00, s0;
	s26 =	sadd.s32 $0x1280, s8  }
0x386: {  	[tilespmem:s26], [sflag:s11] =	stream.linear.gather [spmem:s24], $0x80, $0x38;
	[tilespmem:$0xF080] =	vst v63  }
0x387: {  	s29 =	sadd.s32 $0x5000, s0;
	s31 =	sadd.s32 $0x1680, s8  }
0x388: {  	[tilespmem:s31], [sflag:s11] =	stream.linear.gather [spmem:s29], $0x80, $0x38;
	[tilespmem:$0xF080] =	vst v63  }
0x389: {  	s10 =	sadd.s32 $0x5400, s0;
	s24 =	sadd.s32 $0x1A80, s8;
	s31 =	spop (v2sf)  }
0x38a: {  	[tilespmem:s24], [sflag:s11] =	stream.linear.gather [spmem:s10], $0x80, $0x38;
	[tilespmem:$0xF080] =	vst v63  }
0x38b: {  	s26 =	sadd.s32 $0x5800, s0;
	s24 =	sshrl.u32 s31, $0x3  }
0x38c: {  	s0 =	sadd.s32 $0x5C00, s0;
	s29 =	sadd.s32 $0x1E80, s8;
	s4 =	smul.u32 $0x18000, s24  }
0x38d: {  	[tilespmem:s29], [sflag:s11] =	stream.linear.gather [spmem:s26], $0x80, $0x38;
	[tilespmem:$0xF080] =	vst v63  }
0x38e: {  	s26 =	sadd.s32 $0x2280, s8;
	s29 =	sshll.u32 s31, $0x7;
	s31 =	sshra.s32 s4, $0x2  }
0x38f: {  	(v2sf) =	vpush v0, $0x6;
	[tilespmem:s26], [sflag:s11] =	stream.linear.gather [spmem:s0], $0x80, $0x38;
	[tilespmem:$0xF080] =	vst v63  }
0x390: {  	s0 =	sand.u32 $0x380, s29;
	s1 =	sadd.s32 s31, s3  }
0x391: {  	s0 =	sadd.s32 s0, s1  }
0x392: {  	s4 =	sor.u32 $0x300, s8;
	s10 =	sadd.s32 $0x3C00, s0  }
0x393: {  	[tilespmem:s4], [sflag:s11] =	stream.linear.gather [spmem:s10], $0x80, $0x38;
	[tilespmem:$0xF080] =	vst v63  }
0x394: {  	s26 =	sor.u32 $0x700, s8;
	s24 =	sadd.s32 $0x4000, s0  }
0x395: {  	[tilespmem:s26], [sflag:s11] =	stream.linear.gather [spmem:s24], $0x80, $0x38;
	[tilespmem:$0xF080] =	vst v63  }
0x396: {  	s31 =	sadd.s32 $0xB00, s8;
	s29 =	sadd.s32 $0x4400, s0  }
0x397: {  	[tilespmem:s31], [sflag:s11] =	stream.linear.gather [spmem:s29], $0x80, $0x38;
	[tilespmem:$0xF080] =	vst v63  }
0x398: {  	s4 =	sadd.s32 $0x4800, s0;
	s10 =	sadd.s32 $0xF00, s8  }
0x399: {  	[tilespmem:s10], [sflag:s11] =	stream.linear.gather [spmem:s4], $0x80, $0x38;
	[tilespmem:$0xF080] =	vst v63  }
0x39a: {  	s24 =	sadd.s32 $0x4C00, s0;
	s26 =	sadd.s32 $0x1300, s8  }
0x39b: {  	[tilespmem:s26], [sflag:s11] =	stream.linear.gather [spmem:s24], $0x80, $0x38;
	[tilespmem:$0xF080] =	vst v63  }
0x39c: {  	s29 =	sadd.s32 $0x5000, s0;
	s31 =	sadd.s32 $0x1700, s8  }
0x39d: {  	[tilespmem:s31], [sflag:s11] =	stream.linear.gather [spmem:s29], $0x80, $0x38;
	[tilespmem:$0xF080] =	vst v63  }
0x39e: {  	s10 =	sadd.s32 $0x5400, s0;
	s24 =	sadd.s32 $0x1B00, s8;
	s31 =	spop (v2sf)  }
0x39f: {  	[tilespmem:s24], [sflag:s11] =	stream.linear.gather [spmem:s10], $0x80, $0x38;
	[tilespmem:$0xF080] =	vst v63  }
0x3a0: {  	s26 =	sadd.s32 $0x5800, s0;
	s24 =	sshrl.u32 s31, $0x3  }
0x3a1: {  	s0 =	sadd.s32 $0x5C00, s0;
	s29 =	sadd.s32 $0x1F00, s8;
	s4 =	smul.u32 $0x18000, s24  }
0x3a2: {  	[tilespmem:s29], [sflag:s11] =	stream.linear.gather [spmem:s26], $0x80, $0x38;
	[tilespmem:$0xF080] =	vst v63  }
0x3a3: {  	s26 =	sadd.s32 $0x2300, s8;
	s29 =	sshll.u32 s31, $0x7;
	s31 =	sshra.s32 s4, $0x2  }
0x3a4: {  	(v2sf) =	vpush v0, $0x7;
	[tilespmem:s26], [sflag:s11] =	stream.linear.gather [spmem:s0], $0x80, $0x38;
	[tilespmem:$0xF080] =	vst v63  }
0x3a5: {  	s0 =	sand.u32 $0x380, s29;
	s1 =	sadd.s32 s31, s3  }
0x3a6: {  	s0 =	sadd.s32 s0, s1  }
0x3a7: {  	s4 =	sor.u32 $0x380, s8;
	s10 =	sadd.s32 $0x3C00, s0  }
0x3a8: {  	[tilespmem:s4], [sflag:s11] =	stream.linear.gather [spmem:s10], $0x80, $0x38;
	[tilespmem:$0xF080] =	vst v63  }
0x3a9: {  	s26 =	sor.u32 $0x780, s8;
	s24 =	sadd.s32 $0x4000, s0  }
0x3aa: {  	[tilespmem:s26], [sflag:s11] =	stream.linear.gather [spmem:s24], $0x80, $0x38;
	[tilespmem:$0xF080] =	vst v63  }
0x3ab: {  	s31 =	sadd.s32 $0xB80, s8;
	s29 =	sadd.s32 $0x4400, s0  }
0x3ac: {  	[tilespmem:s31], [sflag:s11] =	stream.linear.gather [spmem:s29], $0x80, $0x38;
	[tilespmem:$0xF080] =	vst v63  }
0x3ad: {  	s4 =	sadd.s32 $0x4800, s0;
	s10 =	sadd.s32 $0xF80, s8  }
0x3ae: {  	[tilespmem:s10], [sflag:s11] =	stream.linear.gather [spmem:s4], $0x80, $0x38;
	[tilespmem:$0xF080] =	vst v63  }
0x3af: {  	s24 =	sadd.s32 $0x4C00, s0;
	s26 =	sadd.s32 $0x1380, s8  }
0x3b0: {  	[tilespmem:s26], [sflag:s11] =	stream.linear.gather [spmem:s24], $0x80, $0x38;
	[tilespmem:$0xF080] =	vst v63  }
0x3b1: {  	s29 =	sadd.s32 $0x5000, s0;
	s31 =	sadd.s32 $0x1780, s8  }
0x3b2: {  	[tilespmem:s31], [sflag:s11] =	stream.linear.gather [spmem:s29], $0x80, $0x38;
	[tilespmem:$0xF080] =	vst v63  }
0x3b3: {  	s10 =	sadd.s32 $0x5400, s0;
	s24 =	sadd.s32 $0x1B80, s8;
	s31 =	spop (v2sf)  }
0x3b4: {  	[tilespmem:s24], [sflag:s11] =	stream.linear.gather [spmem:s10], $0x80, $0x38;
	[tilespmem:$0xF080] =	vst v63  }
0x3b5: {  	s26 =	sadd.s32 $0x5800, s0;
	s24 =	sshrl.u32 s31, $0x3  }
0x3b6: {  	s0 =	sadd.s32 $0x5C00, s0;
	s29 =	sadd.s32 $0x1F80, s8;
	s4 =	smul.u32 $0x18000, s24  }
0x3b7: {  	[tilespmem:s29], [sflag:s11] =	stream.linear.gather [spmem:s26], $0x80, $0x38;
	[tilespmem:$0xF080] =	vst v63  }
0x3b8: {  	s26 =	sadd.s32 $0x2380, s8;
	s29 =	sshll.u32 s31, $0x7;
	s31 =	sshra.s32 s4, $0x2  }
0x3b9: {  	(v2sf) =	vpush v0, $0x8;
	[tilespmem:s26], [sflag:s11] =	stream.linear.gather [spmem:s0], $0x80, $0x38;
	[tilespmem:$0xF080] =	vst v63  }
0x3ba: {  	s0 =	sand.u32 $0x380, s29;
	s1 =	sadd.s32 s31, s3  }
0x3bb: {  	s0 =	sadd.s32 s0, s1  }
0x3bc: {  	s4 =	sor.u32 $0x400, s8;
	s10 =	sadd.s32 $0x3C00, s0  }
0x3bd: {  	[tilespmem:s4], [sflag:s11] =	stream.linear.gather [spmem:s10], $0x80, $0x38;
	[tilespmem:$0xF080] =	vst v63  }
0x3be: {  	s26 =	sadd.s32 $0x800, s8;
	s24 =	sadd.s32 $0x4000, s0  }
0x3bf: {  	[tilespmem:s26], [sflag:s11] =	stream.linear.gather [spmem:s24], $0x80, $0x38;
	[tilespmem:$0xF080] =	vst v63  }
0x3c0: {  	s31 =	sadd.s32 $0xC00, s8;
	s29 =	sadd.s32 $0x4400, s0  }
0x3c1: {  	[tilespmem:s31], [sflag:s11] =	stream.linear.gather [spmem:s29], $0x80, $0x38;
	[tilespmem:$0xF080] =	vst v63  }
0x3c2: {  	s4 =	sadd.s32 $0x4800, s0;
	s10 =	sadd.s32 $0x1000, s8  }
0x3c3: {  	[tilespmem:s10], [sflag:s11] =	stream.linear.gather [spmem:s4], $0x80, $0x38;
	[tilespmem:$0xF080] =	vst v63  }
0x3c4: {  	s24 =	sadd.s32 $0x4C00, s0;
	s26 =	sadd.s32 $0x1400, s8  }
0x3c5: {  	[tilespmem:s26], [sflag:s11] =	stream.linear.gather [spmem:s24], $0x80, $0x38;
	[tilespmem:$0xF080] =	vst v63  }
0x3c6: {  	s29 =	sadd.s32 $0x5000, s0;
	s31 =	sadd.s32 $0x1800, s8  }
0x3c7: {  	[tilespmem:s31], [sflag:s11] =	stream.linear.gather [spmem:s29], $0x80, $0x38;
	[tilespmem:$0xF080] =	vst v63  }
0x3c8: {  	s10 =	sadd.s32 $0x5400, s0;
	s24 =	sadd.s32 $0x1C00, s8;
	s31 =	spop (v2sf)  }
0x3c9: {  	[tilespmem:s24], [sflag:s11] =	stream.linear.gather [spmem:s10], $0x80, $0x38;
	[tilespmem:$0xF080] =	vst v63  }
0x3ca: {  	s26 =	sadd.s32 $0x5800, s0;
	s24 =	sshrl.u32 s31, $0x3  }
0x3cb: {  	s0 =	sadd.s32 $0x5C00, s0;
	s29 =	sadd.s32 $0x2000, s8;
	s4 =	smul.u32 $0x18000, s24  }
0x3cc: {  	[tilespmem:s29], [sflag:s11] =	stream.linear.gather [spmem:s26], $0x80, $0x38;
	[tilespmem:$0xF080] =	vst v63  }
0x3cd: {  	s26 =	sadd.s32 $0x2400, s8;
	s29 =	sshll.u32 s31, $0x7;
	s31 =	sshra.s32 s4, $0x2  }
0x3ce: {  	(v2sf) =	vpush v0, $0x9;
	[tilespmem:s26], [sflag:s11] =	stream.linear.gather [spmem:s0], $0x80, $0x38;
	[tilespmem:$0xF080] =	vst v63  }
0x3cf: {  	s0 =	sand.u32 $0x380, s29;
	s1 =	sadd.s32 s31, s3  }
0x3d0: {  	s0 =	sadd.s32 s0, s1  }
0x3d1: {  	s4 =	sadd.s32 $0x2480, s8;
	s10 =	sadd.s32 $0x3C00, s0  }
0x3d2: {  	[tilespmem:s4], [sflag:s11] =	stream.linear.gather [spmem:s10], $0x80, $0x38;
	[tilespmem:$0xF080] =	vst v63  }
0x3d3: {  	s26 =	sadd.s32 $0x2880, s8;
	s24 =	sadd.s32 $0x4000, s0  }
0x3d4: {  	[tilespmem:s26], [sflag:s11] =	stream.linear.gather [spmem:s24], $0x80, $0x38;
	[tilespmem:$0xF080] =	vst v63  }
0x3d5: {  	s31 =	sadd.s32 $0x2C80, s8;
	s29 =	sadd.s32 $0x4400, s0  }
0x3d6: {  	[tilespmem:s31], [sflag:s11] =	stream.linear.gather [spmem:s29], $0x80, $0x38;
	[tilespmem:$0xF080] =	vst v63  }
0x3d7: {  	s4 =	sadd.s32 $0x4800, s0;
	s10 =	sadd.s32 $0x3080, s8  }
0x3d8: {  	[tilespmem:s10], [sflag:s11] =	stream.linear.gather [spmem:s4], $0x80, $0x38;
	[tilespmem:$0xF080] =	vst v63  }
0x3d9: {  	s24 =	sadd.s32 $0x4C00, s0;
	s26 =	sadd.s32 $0x3480, s8  }
0x3da: {  	[tilespmem:s26], [sflag:s11] =	stream.linear.gather [spmem:s24], $0x80, $0x38;
	[tilespmem:$0xF080] =	vst v63  }
0x3db: {  	s29 =	sadd.s32 $0x5000, s0;
	s31 =	sadd.s32 $0x3880, s8  }
0x3dc: {  	[tilespmem:s31], [sflag:s11] =	stream.linear.gather [spmem:s29], $0x80, $0x38;
	[tilespmem:$0xF080] =	vst v63  }
0x3dd: {  	s10 =	sadd.s32 $0x5400, s0;
	s24 =	sadd.s32 $0x3C80, s8;
	s31 =	spop (v2sf)  }
0x3de: {  	[tilespmem:s24], [sflag:s11] =	stream.linear.gather [spmem:s10], $0x80, $0x38;
	[tilespmem:$0xF080] =	vst v63  }
0x3df: {  	s26 =	sadd.s32 $0x5800, s0;
	s24 =	sshrl.u32 s31, $0x3  }
0x3e0: {  	s0 =	sadd.s32 $0x5C00, s0;
	s29 =	sadd.s32 $0x4080, s8;
	s4 =	smul.u32 $0x18000, s24  }
0x3e1: {  	[tilespmem:s29], [sflag:s11] =	stream.linear.gather [spmem:s26], $0x80, $0x38;
	[tilespmem:$0xF080] =	vst v63  }
0x3e2: {  	s26 =	sadd.s32 $0x4480, s8;
	s29 =	sshll.u32 s31, $0x7;
	s31 =	sshra.s32 s4, $0x2  }
0x3e3: {  	(v2sf) =	vpush v0, $0xA;
	[tilespmem:s26], [sflag:s11] =	stream.linear.gather [spmem:s0], $0x80, $0x38;
	[tilespmem:$0xF080] =	vst v63  }
0x3e4: {  	s0 =	sand.u32 $0x380, s29;
	s1 =	sadd.s32 s31, s3  }
0x3e5: {  	s0 =	sadd.s32 s0, s1  }
0x3e6: {  	s4 =	sadd.s32 $0x2500, s8;
	s10 =	sadd.s32 $0x3C00, s0  }
0x3e7: {  	[tilespmem:s4], [sflag:s11] =	stream.linear.gather [spmem:s10], $0x80, $0x38;
	[tilespmem:$0xF080] =	vst v63  }
0x3e8: {  	s26 =	sadd.s32 $0x2900, s8;
	s24 =	sadd.s32 $0x4000, s0  }
0x3e9: {  	[tilespmem:s26], [sflag:s11] =	stream.linear.gather [spmem:s24], $0x80, $0x38;
	[tilespmem:$0xF080] =	vst v63  }
0x3ea: {  	s31 =	sadd.s32 $0x2D00, s8;
	s29 =	sadd.s32 $0x4400, s0  }
0x3eb: {  	[tilespmem:s31], [sflag:s11] =	stream.linear.gather [spmem:s29], $0x80, $0x38;
	[tilespmem:$0xF080] =	vst v63  }
0x3ec: {  	s4 =	sadd.s32 $0x4800, s0;
	s10 =	sadd.s32 $0x3100, s8  }
0x3ed: {  	[tilespmem:s10], [sflag:s11] =	stream.linear.gather [spmem:s4], $0x80, $0x38;
	[tilespmem:$0xF080] =	vst v63  }
0x3ee: {  	s24 =	sadd.s32 $0x4C00, s0;
	s26 =	sadd.s32 $0x3500, s8  }
0x3ef: {  	[tilespmem:s26], [sflag:s11] =	stream.linear.gather [spmem:s24], $0x80, $0x38;
	[tilespmem:$0xF080] =	vst v63  }
0x3f0: {  	s29 =	sadd.s32 $0x5000, s0;
	s31 =	sadd.s32 $0x3900, s8  }
0x3f1: {  	[tilespmem:s31], [sflag:s11] =	stream.linear.gather [spmem:s29], $0x80, $0x38;
	[tilespmem:$0xF080] =	vst v63  }
0x3f2: {  	s10 =	sadd.s32 $0x5400, s0;
	s24 =	sadd.s32 $0x3D00, s8;
	s31 =	spop (v2sf)  }
0x3f3: {  	[tilespmem:s24], [sflag:s11] =	stream.linear.gather [spmem:s10], $0x80, $0x38;
	[tilespmem:$0xF080] =	vst v63  }
0x3f4: {  	s26 =	sadd.s32 $0x5800, s0;
	s24 =	sshrl.u32 s31, $0x3  }
0x3f5: {  	s0 =	sadd.s32 $0x5C00, s0;
	s29 =	sadd.s32 $0x4100, s8;
	s4 =	smul.u32 $0x18000, s24  }
0x3f6: {  	[tilespmem:s29], [sflag:s11] =	stream.linear.gather [spmem:s26], $0x80, $0x38;
	[tilespmem:$0xF080] =	vst v63  }
0x3f7: {  	s26 =	sadd.s32 $0x4500, s8;
	s29 =	sshll.u32 s31, $0x7;
	s31 =	sshra.s32 s4, $0x2  }
0x3f8: {  	(v2sf) =	vpush v0, $0xB;
	[tilespmem:s26], [sflag:s11] =	stream.linear.gather [spmem:s0], $0x80, $0x38;
	[tilespmem:$0xF080] =	vst v63  }
0x3f9: {  	s0 =	sand.u32 $0x380, s29;
	s1 =	sadd.s32 s31, s3  }
0x3fa: {  	s0 =	sadd.s32 s0, s1  }
0x3fb: {  	s4 =	sadd.s32 $0x2580, s8;
	s10 =	sadd.s32 $0x3C00, s0  }
0x3fc: {  	[tilespmem:s4], [sflag:s11] =	stream.linear.gather [spmem:s10], $0x80, $0x38;
	[tilespmem:$0xF080] =	vst v63  }
0x3fd: {  	s26 =	sadd.s32 $0x2980, s8;
	s24 =	sadd.s32 $0x4000, s0  }
0x3fe: {  	[tilespmem:s26], [sflag:s11] =	stream.linear.gather [spmem:s24], $0x80, $0x38;
	[tilespmem:$0xF080] =	vst v63  }
0x3ff: {  	s31 =	sadd.s32 $0x2D80, s8;
	s29 =	sadd.s32 $0x4400, s0  }
0x400: {  	[tilespmem:s31], [sflag:s11] =	stream.linear.gather [spmem:s29], $0x80, $0x38;
	[tilespmem:$0xF080] =	vst v63  }
0x401: {  	s4 =	sadd.s32 $0x4800, s0;
	s10 =	sadd.s32 $0x3180, s8  }
0x402: {  	[tilespmem:s10], [sflag:s11] =	stream.linear.gather [spmem:s4], $0x80, $0x38;
	[tilespmem:$0xF080] =	vst v63  }
0x403: {  	s24 =	sadd.s32 $0x4C00, s0;
	s26 =	sadd.s32 $0x3580, s8  }
0x404: {  	[tilespmem:s26], [sflag:s11] =	stream.linear.gather [spmem:s24], $0x80, $0x38;
	[tilespmem:$0xF080] =	vst v63  }
0x405: {  	s29 =	sadd.s32 $0x5000, s0;
	s31 =	sadd.s32 $0x3980, s8  }
0x406: {  	[tilespmem:s31], [sflag:s11] =	stream.linear.gather [spmem:s29], $0x80, $0x38;
	[tilespmem:$0xF080] =	vst v63  }
0x407: {  	s10 =	sadd.s32 $0x5400, s0;
	s24 =	sadd.s32 $0x3D80, s8;
	s31 =	spop (v2sf)  }
0x408: {  	[tilespmem:s24], [sflag:s11] =	stream.linear.gather [spmem:s10], $0x80, $0x38;
	[tilespmem:$0xF080] =	vst v63  }
0x409: {  	s26 =	sadd.s32 $0x5800, s0;
	s24 =	sshrl.u32 s31, $0x3  }
0x40a: {  	s0 =	sadd.s32 $0x5C00, s0;
	s29 =	sadd.s32 $0x4180, s8;
	s4 =	smul.u32 $0x18000, s24  }
0x40b: {  	[tilespmem:s29], [sflag:s11] =	stream.linear.gather [spmem:s26], $0x80, $0x38;
	[tilespmem:$0xF080] =	vst v63  }
0x40c: {  	s26 =	sadd.s32 $0x4580, s8;
	s29 =	sshll.u32 s31, $0x7;
	s31 =	sshra.s32 s4, $0x2  }
0x40d: {  	(v2sf) =	vpush v0, $0xC;
	[tilespmem:s26], [sflag:s11] =	stream.linear.gather [spmem:s0], $0x80, $0x38;
	[tilespmem:$0xF080] =	vst v63  }
0x40e: {  	s0 =	sand.u32 $0x380, s29;
	s1 =	sadd.s32 s31, s3  }
0x40f: {  	s0 =	sadd.s32 s0, s1  }
0x410: {  	s4 =	sadd.s32 $0x2600, s8;
	s10 =	sadd.s32 $0x3C00, s0  }
0x411: {  	[tilespmem:s4], [sflag:s11] =	stream.linear.gather [spmem:s10], $0x80, $0x38;
	[tilespmem:$0xF080] =	vst v63  }
0x412: {  	s26 =	sadd.s32 $0x2A00, s8;
	s24 =	sadd.s32 $0x4000, s0  }
0x413: {  	[tilespmem:s26], [sflag:s11] =	stream.linear.gather [spmem:s24], $0x80, $0x38;
	[tilespmem:$0xF080] =	vst v63  }
0x414: {  	s31 =	sadd.s32 $0x2E00, s8;
	s29 =	sadd.s32 $0x4400, s0  }
0x415: {  	[tilespmem:s31], [sflag:s11] =	stream.linear.gather [spmem:s29], $0x80, $0x38;
	[tilespmem:$0xF080] =	vst v63  }
0x416: {  	s4 =	sadd.s32 $0x4800, s0;
	s10 =	sadd.s32 $0x3200, s8  }
0x417: {  	[tilespmem:s10], [sflag:s11] =	stream.linear.gather [spmem:s4], $0x80, $0x38;
	[tilespmem:$0xF080] =	vst v63  }
0x418: {  	s24 =	sadd.s32 $0x4C00, s0;
	s26 =	sadd.s32 $0x3600, s8  }
0x419: {  	[tilespmem:s26], [sflag:s11] =	stream.linear.gather [spmem:s24], $0x80, $0x38;
	[tilespmem:$0xF080] =	vst v63  }
0x41a: {  	s29 =	sadd.s32 $0x5000, s0;
	s31 =	sadd.s32 $0x3A00, s8  }
0x41b: {  	[tilespmem:s31], [sflag:s11] =	stream.linear.gather [spmem:s29], $0x80, $0x38;
	[tilespmem:$0xF080] =	vst v63  }
0x41c: {  	s10 =	sadd.s32 $0x5400, s0;
	s24 =	sadd.s32 $0x3E00, s8;
	s31 =	spop (v2sf)  }
0x41d: {  	[tilespmem:s24], [sflag:s11] =	stream.linear.gather [spmem:s10], $0x80, $0x38;
	[tilespmem:$0xF080] =	vst v63  }
0x41e: {  	s26 =	sadd.s32 $0x5800, s0;
	s24 =	sshrl.u32 s31, $0x3  }
0x41f: {  	s0 =	sadd.s32 $0x5C00, s0;
	s29 =	sadd.s32 $0x4200, s8;
	s4 =	smul.u32 $0x18000, s24  }
0x420: {  	[tilespmem:s29], [sflag:s11] =	stream.linear.gather [spmem:s26], $0x80, $0x38;
	[tilespmem:$0xF080] =	vst v63  }
0x421: {  	s26 =	sadd.s32 $0x4600, s8;
	s29 =	sshll.u32 s31, $0x7;
	s31 =	sshra.s32 s4, $0x2  }
0x422: {  	(v2sf) =	vpush v0, $0xD;
	[tilespmem:s26], [sflag:s11] =	stream.linear.gather [spmem:s0], $0x80, $0x38;
	[tilespmem:$0xF080] =	vst v63  }
0x423: {  	s0 =	sand.u32 $0x380, s29;
	s1 =	sadd.s32 s31, s3  }
0x424: {  	s0 =	sadd.s32 s0, s1  }
0x425: {  	s4 =	sadd.s32 $0x2680, s8;
	s10 =	sadd.s32 $0x3C00, s0  }
0x426: {  	[tilespmem:s4], [sflag:s11] =	stream.linear.gather [spmem:s10], $0x80, $0x38;
	[tilespmem:$0xF080] =	vst v63  }
0x427: {  	s26 =	sadd.s32 $0x2A80, s8;
	s24 =	sadd.s32 $0x4000, s0  }
0x428: {  	[tilespmem:s26], [sflag:s11] =	stream.linear.gather [spmem:s24], $0x80, $0x38;
	[tilespmem:$0xF080] =	vst v63  }
0x429: {  	s31 =	sadd.s32 $0x2E80, s8;
	s29 =	sadd.s32 $0x4400, s0  }
0x42a: {  	[tilespmem:s31], [sflag:s11] =	stream.linear.gather [spmem:s29], $0x80, $0x38;
	[tilespmem:$0xF080] =	vst v63  }
0x42b: {  	s4 =	sadd.s32 $0x4800, s0;
	s10 =	sadd.s32 $0x3280, s8  }
0x42c: {  	[tilespmem:s10], [sflag:s11] =	stream.linear.gather [spmem:s4], $0x80, $0x38;
	[tilespmem:$0xF080] =	vst v63  }
0x42d: {  	s24 =	sadd.s32 $0x4C00, s0;
	s26 =	sadd.s32 $0x3680, s8  }
0x42e: {  	[tilespmem:s26], [sflag:s11] =	stream.linear.gather [spmem:s24], $0x80, $0x38;
	[tilespmem:$0xF080] =	vst v63  }
0x42f: {  	s29 =	sadd.s32 $0x5000, s0;
	s31 =	sadd.s32 $0x3A80, s8  }
0x430: {  	[tilespmem:s31], [sflag:s11] =	stream.linear.gather [spmem:s29], $0x80, $0x38;
	[tilespmem:$0xF080] =	vst v63  }
0x431: {  	s10 =	sadd.s32 $0x5400, s0;
	s24 =	sadd.s32 $0x3E80, s8;
	s31 =	spop (v2sf)  }
0x432: {  	[tilespmem:s24], [sflag:s11] =	stream.linear.gather [spmem:s10], $0x80, $0x38;
	[tilespmem:$0xF080] =	vst v63  }
0x433: {  	s26 =	sadd.s32 $0x5800, s0;
	s24 =	sshrl.u32 s31, $0x3  }
0x434: {  	s0 =	sadd.s32 $0x5C00, s0;
	s29 =	sadd.s32 $0x4280, s8;
	s4 =	smul.u32 $0x18000, s24  }
0x435: {  	[tilespmem:s29], [sflag:s11] =	stream.linear.gather [spmem:s26], $0x80, $0x38;
	[tilespmem:$0xF080] =	vst v63  }
0x436: {  	s26 =	sadd.s32 $0x4680, s8;
	s29 =	sshll.u32 s31, $0x7;
	s31 =	sshra.s32 s4, $0x2  }
0x437: {  	(v2sf) =	vpush v0, $0xE;
	[tilespmem:s26], [sflag:s11] =	stream.linear.gather [spmem:s0], $0x80, $0x38;
	[tilespmem:$0xF080] =	vst v63  }
0x438: {  	s0 =	sand.u32 $0x380, s29;
	s1 =	sadd.s32 s31, s3  }
0x439: {  	s0 =	sadd.s32 s0, s1  }
0x43a: {  	s4 =	sadd.s32 $0x2700, s8;
	s10 =	sadd.s32 $0x3C00, s0  }
0x43b: {  	[tilespmem:s4], [sflag:s11] =	stream.linear.gather [spmem:s10], $0x80, $0x38;
	[tilespmem:$0xF080] =	vst v63  }
0x43c: {  	s26 =	sadd.s32 $0x2B00, s8;
	s24 =	sadd.s32 $0x4000, s0  }
0x43d: {  	[tilespmem:s26], [sflag:s11] =	stream.linear.gather [spmem:s24], $0x80, $0x38;
	[tilespmem:$0xF080] =	vst v63  }
0x43e: {  	s31 =	sadd.s32 $0x2F00, s8;
	s29 =	sadd.s32 $0x4400, s0  }
0x43f: {  	[tilespmem:s31], [sflag:s11] =	stream.linear.gather [spmem:s29], $0x80, $0x38;
	[tilespmem:$0xF080] =	vst v63  }
0x440: {  	s4 =	sadd.s32 $0x4800, s0;
	s10 =	sadd.s32 $0x3300, s8  }
0x441: {  	[tilespmem:s10], [sflag:s11] =	stream.linear.gather [spmem:s4], $0x80, $0x38;
	[tilespmem:$0xF080] =	vst v63  }
0x442: {  	s24 =	sadd.s32 $0x4C00, s0;
	s26 =	sadd.s32 $0x3700, s8  }
0x443: {  	[tilespmem:s26], [sflag:s11] =	stream.linear.gather [spmem:s24], $0x80, $0x38;
	[tilespmem:$0xF080] =	vst v63  }
0x444: {  	s29 =	sadd.s32 $0x5000, s0;
	s31 =	sadd.s32 $0x3B00, s8  }
0x445: {  	[tilespmem:s31], [sflag:s11] =	stream.linear.gather [spmem:s29], $0x80, $0x38;
	[tilespmem:$0xF080] =	vst v63  }
0x446: {  	s10 =	sadd.s32 $0x5400, s0;
	s24 =	sadd.s32 $0x3F00, s8;
	s31 =	spop (v2sf)  }
0x447: {  	[tilespmem:s24], [sflag:s11] =	stream.linear.gather [spmem:s10], $0x80, $0x38;
	[tilespmem:$0xF080] =	vst v63  }
0x448: {  	s26 =	sadd.s32 $0x5800, s0;
	s24 =	sshrl.u32 s31, $0x3  }
0x449: {  	s0 =	sadd.s32 $0x5C00, s0;
	s29 =	sadd.s32 $0x4300, s8;
	s4 =	smul.u32 $0x18000, s24  }
0x44a: {  	[tilespmem:s29], [sflag:s11] =	stream.linear.gather [spmem:s26], $0x80, $0x38;
	[tilespmem:$0xF080] =	vst v63  }
0x44b: {  	s26 =	sadd.s32 $0x4700, s8;
	s29 =	sshll.u32 s31, $0x7;
	s31 =	sshra.s32 s4, $0x2  }
0x44c: {  	(v2sf) =	vpush v0, $0xF;
	[tilespmem:s26], [sflag:s11] =	stream.linear.gather [spmem:s0], $0x80, $0x38;
	[tilespmem:$0xF080] =	vst v63  }
0x44d: {  	s0 =	sand.u32 $0x380, s29;
	s1 =	sadd.s32 s31, s3  }
0x44e: {  	s0 =	sadd.s32 s0, s1  }
0x44f: {  	s4 =	sadd.s32 $0x2780, s8;
	s10 =	sadd.s32 $0x3C00, s0  }
0x450: {  	[tilespmem:s4], [sflag:s11] =	stream.linear.gather [spmem:s10], $0x80, $0x38;
	[tilespmem:$0xF080] =	vst v63  }
0x451: {  	s26 =	sadd.s32 $0x2B80, s8;
	s24 =	sadd.s32 $0x4000, s0  }
0x452: {  	[tilespmem:s26], [sflag:s11] =	stream.linear.gather [spmem:s24], $0x80, $0x38;
	[tilespmem:$0xF080] =	vst v63  }
0x453: {  	s31 =	sadd.s32 $0x2F80, s8;
	s29 =	sadd.s32 $0x4400, s0  }
0x454: {  	[tilespmem:s31], [sflag:s11] =	stream.linear.gather [spmem:s29], $0x80, $0x38;
	[tilespmem:$0xF080] =	vst v63  }
0x455: {  	s4 =	sadd.s32 $0x4800, s0;
	s10 =	sadd.s32 $0x3380, s8  }
0x456: {  	[tilespmem:s10], [sflag:s11] =	stream.linear.gather [spmem:s4], $0x80, $0x38;
	[tilespmem:$0xF080] =	vst v63  }
0x457: {  	s24 =	sadd.s32 $0x4C00, s0;
	s26 =	sadd.s32 $0x3780, s8  }
0x458: {  	[tilespmem:s26], [sflag:s11] =	stream.linear.gather [spmem:s24], $0x80, $0x38;
	[tilespmem:$0xF080] =	vst v63  }
0x459: {  	s29 =	sadd.s32 $0x5000, s0;
	s31 =	sadd.s32 $0x3B80, s8  }
0x45a: {  	[tilespmem:s31], [sflag:s11] =	stream.linear.gather [spmem:s29], $0x80, $0x38;
	[tilespmem:$0xF080] =	vst v63  }
0x45b: {  	s10 =	sadd.s32 $0x5400, s0;
	s24 =	sadd.s32 $0x3F80, s8;
	s31 =	spop (v2sf)  }
0x45c: {  	[tilespmem:s24], [sflag:s11] =	stream.linear.gather [spmem:s10], $0x80, $0x38;
	[tilespmem:$0xF080] =	vst v63  }
0x45d: {  	s26 =	sadd.s32 $0x5800, s0;
	s24 =	sshrl.u32 s31, $0x3  }
0x45e: {  	s0 =	sadd.s32 $0x5C00, s0;
	s29 =	sadd.s32 $0x4380, s8;
	s4 =	smul.u32 $0x18000, s24  }
0x45f: {  	[tilespmem:s29], [sflag:s11] =	stream.linear.gather [spmem:s26], $0x80, $0x38;
	[tilespmem:$0xF080] =	vst v63  }
0x460: {  	s26 =	sadd.s32 $0x4780, s8;
	s29 =	sshll.u32 s31, $0x7;
	s31 =	sshra.s32 s4, $0x2  }
0x461: {  	[tilespmem:s26], [sflag:s11] =	stream.linear.gather [spmem:s0], $0x80, $0x38;
	[tilespmem:$0xF080] =	vst v63  }
0x462: {  	s0 =	sand.u32 $0x380, s29;
	s1 =	sadd.s32 s31, s3  }
0x463: {  	s0 =	sadd.s32 s0, s1  }
0x464: {  	s4 =	sadd.s32 $0x2800, s8;
	s10 =	sadd.s32 $0x3C00, s0  }
0x465: {  	[tilespmem:s4], [sflag:s11] =	stream.linear.gather [spmem:s10], $0x80, $0x38;
	[tilespmem:$0xF080] =	vst v63  }
0x466: {  	s26 =	sadd.s32 $0x2C00, s8;
	s24 =	sadd.s32 $0x4000, s0  }
0x467: {  	[tilespmem:s26], [sflag:s11] =	stream.linear.gather [spmem:s24], $0x80, $0x38;
	[tilespmem:$0xF080] =	vst v63  }
0x468: {  	s31 =	sadd.s32 $0x3000, s8;
	s29 =	sadd.s32 $0x4400, s0  }
0x469: {  	[tilespmem:s31], [sflag:s11] =	stream.linear.gather [spmem:s29], $0x80, $0x38;
	[tilespmem:$0xF080] =	vst v63  }
0x46a: {  	s4 =	sadd.s32 $0x4800, s0;
	s10 =	sadd.s32 $0x3400, s8  }
0x46b: {  	[tilespmem:s10], [sflag:s11] =	stream.linear.gather [spmem:s4], $0x80, $0x38;
	[tilespmem:$0xF080] =	vst v63  }
0x46c: {  	s24 =	sadd.s32 $0x4C00, s0;
	s26 =	sadd.s32 $0x3800, s8  }
0x46d: {  	[tilespmem:s26], [sflag:s11] =	stream.linear.gather [spmem:s24], $0x80, $0x38;
	[tilespmem:$0xF080] =	vst v63  }
0x46e: {  	s29 =	sadd.s32 $0x5000, s0;
	s31 =	sadd.s32 $0x3C00, s8  }
0x46f: {  	[tilespmem:s31], [sflag:s11] =	stream.linear.gather [spmem:s29], $0x80, $0x38;
	[tilespmem:$0xF080] =	vst v63  }
0x470: {  	s10 =	sadd.s32 $0x5400, s0;
	s24 =	sadd.s32 $0x4000, s8  }
0x471: {  	[tilespmem:s24], [sflag:s11] =	stream.linear.gather [spmem:s10], $0x80, $0x38;
	[tilespmem:$0xF080] =	vst v63  }
.Ltmp7:
0x472: {  	_ = 	snop;
	(pc) =	sbr.rel .LBB2_5-.Ltmp7, $4  }
0x473: {  	s26 =	sadd.s32 $0x5800, s0;
	s29 =	sadd.s32 $0x4400, s8  }
0x474: {  	[tilespmem:s29], [sflag:s11] =	stream.linear.gather [spmem:s26], $0x80, $0x38;
	[tilespmem:$0xF080] =	vst v63  }
0x475: {  	s0 =	sadd.s32 $0x5C00, s0;
	s31 =	sadd.s32 $0x4800, s8  }
0x476: {  	[tilespmem:s31], [sflag:s11] =	stream.linear.gather [spmem:s0], $0x80, $0x38;
	[tilespmem:$0xF080] =	vst v63  }
.LBB2_8:
0x477: {  	_ =	sfence.sel $0x180000  }
0x478: {  	[bflag:$0x0] =	sbarrier.arrive $0xFFFF  }
0x479: {  	_ =	strace $0x90000047  }
0x47a: {  	s0 =	stileid.u32;
	[bflag:$0x2] =	sbarrier.arrive $0xFFFF  }
0x47b: {  	p0 =	sne.s32 s0, $0x0;
	s0 =	rddreg [dreg:$0x4]  }
0x47c: {  	s0 =	sadd.s32 @!p0 $0x100000, s0  }
0x47d: {  	[sflag:s0] =	ssyncadd.tile.s32 @!p0 $0x1;
	_ =	shalt  }
.Lfunc_end2:
_tile_overlayer_lowered:
.L_overlay_start_2:
0x47e: {  	(tag) =	ssettag $0x2  }
0x47f: {  	s0 =	rddreg [dreg:$0x0];
	s2 =	stileid.u32  }
0x480: {  	s1 =	rddreg [dreg:$0x1];
	p0 =	sne.s32 s2, $0x0  }
0x481: {  	s3 =	rddreg [dreg:$0x2];
	[bflag:$0x3] =	sbarrier.arrive $0xFFFF;
	s2 =	simm.s32 @!p0 $0x1C07  }
0x482: {  	[timem:s3], [sflag:s2] =	dma.local @!p0 [hbm:s0], s1  }
0x483: {  	s0 =	simm.s32 @!p0 $0x7  }
0x484: {  	_ =	swait.ge @!p0 [sflag:s0], s1  }
0x485: {  	s1 =	ssub.s32 @!p0 $0x0, s1;
	[sflag:s0] =	ssyncset.done @!p0 $0x0  }
0x486: {  	[sflag:s0] =	ssyncadd.s32 @!p0 s1  }
0x487: {  	[bflag:$0x3] =	sbarrier.arrive $0xFFFF  }
0x488: {  	_ =	shalt  }

</sc_bundles>
